<compile_context>
chip_gen: v7x
topology: tpu7x:2x2x1
jax: 0.10.2.dev20260603
libtpu: 0.0.44.dev20260713+nightly
codegen_flags: <defaults>
</compile_context>

<pallas_src>
import dataclasses
import functools

import jax
import jax.numpy as jnp
from jax import lax
from jax.experimental import pallas as pl
from jax.experimental.pallas import tpu as pltpu
from jax.experimental.pallas import tpu_sc as plsc

D = 128
L = 16
NCU = 1
NS = 16
NW = NCU * NS
K = 128

_HIGH = lax.Precision.HIGHEST


def _dot(a, b):
    return jnp.dot(a, b, preferred_element_type=jnp.float32, precision=_HIGH)



def _make_sc_bin(n_nodes, ch, bounds):
    n_pass = len(bounds)
    ept = ch * K
    dummy = max(b_hi - b_lo
                for b_lo, b_hi in zip(bounds, bounds[1:] + [n_nodes]))

    mesh = plsc.VectorSubcoreMesh(core_axis_name="c", subcore_axis_name="s",
                                  num_cores=NCU)

    cp = pltpu.CompilerParams()
    if "needs_layout_passes" in pltpu.CompilerParams.__dataclass_fields__:
        cp = dataclasses.replace(cp, needs_layout_passes=False)

    @functools.partial(
        pl.kernel, mesh=mesh,
        out_type=[jax.ShapeDtypeStruct((NW, n_pass, ch, K), jnp.int32),
                  jax.ShapeDtypeStruct((NW, n_pass, ch, K), jnp.int32),
                  jax.ShapeDtypeStruct((NW, L), jnp.int32)],
        compiler_params=cp,
        scratch_types=[
            pltpu.VMEM((ept,), jnp.int32),
            pltpu.VMEM((ept,), jnp.int32),
            pltpu.VMEM((ch, K), jnp.int32),
            pltpu.VMEM((ch, K), jnp.int32),
            pltpu.VMEM((L,), jnp.int32),
        ])
    def bink(src_h, dst_h, sbin_o, dbin_o, cntb_o,
             sv, dv, sstg, dstg, cbuf):
        sid = lax.axis_index("s")

        pltpu.sync_copy(src_h.at[sid], sv)
        pltpu.sync_copy(dst_h.at[sid], dv)

        lanes = jnp.arange(L, dtype=jnp.int32)
        cnts = jnp.zeros((L,), jnp.int32)

        for p in range(n_pass):
            lo = bounds[p]
            hi = bounds[p + 1] if p + 1 < n_pass else n_nodes

            def body(g, cnt):
                d = dv[pl.ds(g * L, L)]
                s = sv[pl.ds(g * L, L)]
                m = (d >= lo) & (d < hi)
                sel = jnp.where(m, jnp.int32(1), jnp.int32(0))
                pos = plsc.cumsum(sel)
                addr = pos - 1 + cnt
                plsc.store_scatter(dstg, [addr >> 7, addr & 127], d - lo,
                                   mask=m)
                plsc.store_scatter(sstg, [addr >> 7, addr & 127], s, mask=m)
                return cnt + jnp.sum(sel)

            cnt = lax.fori_loop(0, ept // L, body, jnp.int32(0))

            rnd = (cnt + 2 * K - 1) // (2 * K) * (2 * K)
            for g in range(2 * K // L):
                idx = cnt + g * L + lanes
                mp = idx < rnd
                plsc.store_scatter(dstg, [idx >> 7, idx & 127],
                                   jnp.full((L,), dummy, jnp.int32),
                                   mask=mp)
                plsc.store_scatter(sstg, [idx >> 7, idx & 127],
                                   jnp.zeros((L,), jnp.int32), mask=mp)

            cnts = jnp.where(lanes == p, rnd, cnts)

            pltpu.sync_copy(sstg, sbin_o.at[sid, p])
            pltpu.sync_copy(dstg, dbin_o.at[sid, p])

        cbuf[...] = cnts
        pltpu.sync_copy(cbuf, cntb_o.at[sid])

    return bink

def _make_sc_agg(n_nodes, na_pad, ch, bounds):
    rows_per_tile = na_pad // NS
    nz = rows_per_tile // K
    n_pass = len(bounds)
    dummy = max(b_hi - b_lo for b_lo, b_hi in zip(bounds, bounds[1:] + [n_nodes]))

    mesh = plsc.VectorSubcoreMesh(core_axis_name="c", subcore_axis_name="s",
                                  num_cores=NCU)

    @functools.partial(
        pl.kernel, mesh=mesh,
        out_type=jax.ShapeDtypeStruct((n_pass * na_pad, D), jnp.float32),
        scratch_types=[
            pltpu.VMEM((ch, K), jnp.int32),
            pltpu.VMEM((ch, K), jnp.int32),
            pltpu.VMEM((L,), jnp.int32),
            pltpu.VMEM((K, D), jnp.float32),
            pltpu.VMEM((K, D), jnp.float32),
            pltpu.VMEM_SHARED((na_pad, D), jnp.float32),
            pltpu.SemaphoreType.DMA,
            pltpu.SemaphoreType.DMA,
        ])
    def agg(table_h, sbin_h, dbin_h, cntb_h, acc_o,
            src_v, dst_v, cnt_v, rows_a, rows_b, acc_sh,
            sem_a, sem_b):
        sid = lax.axis_index("s")
        base = sid * rows_per_tile

        pltpu.sync_copy(cntb_h.at[sid], cnt_v)

        for p in range(n_pass):
            pltpu.sync_copy(sbin_h.at[sid, p], src_v)
            pltpu.sync_copy(dbin_h.at[sid, p], dst_v)

            nch = cnt_v[...][p] // K

            @pl.loop(0, K)
            def _(i):
                @pl.loop(0, D, step=L)
                def _(j):
                    rows_a[i, pl.ds(j, L)] = jnp.zeros((L,), jnp.float32)

            @pl.loop(0, nz)
            def _(kk):
                pltpu.sync_copy(rows_a, acc_sh.at[pl.ds(base + kk * K, K)])

            plsc.subcore_barrier()

            @pl.when(nch > 0)
            def _():
                pltpu.async_copy(table_h.at[src_v.at[0]], rows_a, sem_a)

            @pl.loop(0, nch, step=2)
            def _(j):
                pltpu.async_copy(table_h.at[src_v.at[j + 1]], rows_b, sem_b)
                pltpu.make_async_copy(table_h.at[src_v.at[j]], rows_a,
                                      sem_a).wait()
                pltpu.sync_copy(rows_a, acc_sh.at[dst_v.at[j]], add=True)

                @pl.when(j + 2 < nch)
                def _():
                    pltpu.async_copy(table_h.at[src_v.at[j + 2]], rows_a,
                                     sem_a)

                pltpu.make_async_copy(table_h.at[src_v.at[j + 1]], rows_b,
                                      sem_b).wait()
                pltpu.sync_copy(rows_b, acc_sh.at[dst_v.at[j + 1]], add=True)

            plsc.subcore_barrier()

            pltpu.sync_copy(acc_sh.at[pl.ds(base, rows_per_tile)],
                            acc_o.at[pl.ds(p * na_pad + base, rows_per_tile)])

            plsc.subcore_barrier()

    return agg


def _make_sc_count(n_pad, ch):
    mesh = plsc.VectorSubcoreMesh(core_axis_name="c", subcore_axis_name="s",
                                  num_cores=NCU)

    cp = pltpu.CompilerParams()
    if "needs_layout_passes" in pltpu.CompilerParams.__dataclass_fields__:
        cp = dataclasses.replace(cp, needs_layout_passes=False)

    @functools.partial(
        pl.kernel, mesh=mesh,
        out_type=jax.ShapeDtypeStruct((NS, n_pad), jnp.float32),
        compiler_params=cp,
        scratch_types=[
            pltpu.VMEM((ch * K,), jnp.int32),
            pltpu.VMEM((n_pad,), jnp.float32),
        ])
    def count(dst_h, cnt_o, dst_v, hist_v):
        sid = lax.axis_index("s")

        pltpu.sync_copy(dst_h.at[sid], dst_v)

        @pl.loop(0, n_pad, step=L)
        def _(i):
            hist_v[pl.ds(i, L)] = jnp.zeros((L,), jnp.float32)

        @pl.loop(0, ch * K, step=L)
        def _(i):
            d = dst_v[pl.ds(i, L)]
            plsc.addupdate_scatter(hist_v, [d], jnp.ones((L,), jnp.float32))

        pltpu.sync_copy(hist_v, cnt_o.at[sid])

    return count



_BN = 2000


def _wspec():
    return pl.BlockSpec((D, D), lambda i: (0, 0))


def _bspec():
    return pl.BlockSpec((1, D), lambda i: (0, 0))


def _nspec(width=D):
    return pl.BlockSpec((_BN, width), lambda i: (i, 0))


def _tc_embed(x, W_embed, b_embed, W1):
    n = x.shape[0]

    def body(x_ref, we_ref, be_ref, w1_ref, h0_ref, hw1_ref):
        h0 = _dot(x_ref[...], we_ref[...]) + be_ref[...]
        h0_ref[...] = h0
        hw1_ref[...] = _dot(h0, w1_ref[...])

    return pl.pallas_call(
        body,
        grid=(n // _BN,),
        in_specs=[_nspec(), _wspec(), _bspec(), _wspec()],
        out_specs=[_nspec(), _nspec()],
        out_shape=[jax.ShapeDtypeStruct((n, D), jnp.float32)] * 2,
    )(x, W_embed, b_embed, W1)


def _tc_combine(acc, cnt, h_prev, root, b, W_next, b_next, final):
    n = h_prev.shape[0]

    def body(a_ref, c_ref, hp_ref, root_ref, b_ref, wn_ref, bn_ref,
             *out_refs):
        cnt = jnp.sum(c_ref[...], axis=1, keepdims=True)
        inv = 1.0 / jnp.maximum(cnt, 1.0)
        agg = a_ref[...] * inv
        h = jnp.maximum(agg + _dot(hp_ref[...], root_ref[...]) + b_ref[...],
                        0.0)
        if final:
            out_refs[0][...] = _dot(h, wn_ref[...]) + bn_ref[...]
        else:
            out_refs[0][...] = h
            out_refs[1][...] = _dot(h, wn_ref[...])

    n_out = 1 if final else 2
    res = pl.pallas_call(
        body,
        grid=(n // _BN,),
        in_specs=[_nspec(), _nspec(NS), _nspec(),
                  _wspec(), _bspec(), _wspec(), _bspec()],
        out_specs=[_nspec()] * n_out,
        out_shape=[jax.ShapeDtypeStruct((n, D), jnp.float32)] * n_out,
    )(acc, cnt, h_prev, root, b, W_next, b_next)
    return res[0] if final else res



def kernel(x, edge_index, W_embed, b_embed, W1, root1, b1, W2, root2, b2,
           Wf, bf):
    n, _ = x.shape
    e = edge_index.shape[1]

    ept = -(-e // (NW * 2 * K)) * 2 * K
    ch = ept // K
    e_pad = ept * NW
    n_pad = -(-n // (NS * K)) * (NS * K)
    na = (n // 2) // K * K
    na_pad = -(-(max(na, n - na) + 1) // (NS * K)) * (NS * K)

    src = edge_index[0]
    dst = edge_index[1]
    pad = e_pad - e
    if pad:
        src = jnp.concatenate([src, jnp.zeros((pad,), src.dtype)])
        dst = jnp.concatenate([dst, jnp.full((pad,), n, dst.dtype)])
    src_f = src.reshape(NW, ch * K)
    dst_f = dst.reshape(NW, ch * K)

    b_embed = b_embed.reshape(1, D)
    b1r = b1.reshape(1, D)
    b2r = b2.reshape(1, D)
    bfr = bf.reshape(1, D)

    bink = _make_sc_bin(n, ch, bounds=[0, na])
    agg = _make_sc_agg(n, na_pad, ch, bounds=[0, na])
    count = _make_sc_count(n_pad, ch)

    def assemble(acc):
        return jnp.concatenate([acc[:na], acc[na_pad:na_pad + (n - na)]])

    h0, hw1 = _tc_embed(x, W_embed, b_embed, W1)

    sbin, dbin, cntb = bink(src_f, dst_f)
    cnt_t = jnp.transpose(count(dst_f))[:n]
    acc1 = assemble(agg(hw1, sbin, dbin, cntb))

    h1, hw2 = _tc_combine(acc1, cnt_t, h0, root1, b1r, W2, b1r,
                          final=False)

    acc2 = assemble(agg(hw2, sbin, dbin, cntb))

    out = _tc_combine(acc2, cnt_t, h1, root2, b2r, Wf, bfr,
                      final=True)
    return out

# --- scband reference (transcript-rebuilt; emitter-appended) ---
"""Pipeline reference for scband-graph-net-5841155522636 (READ-ONLY COPY).

The authoritative reference and input builder live on the scoring server;
editing this copy changes nothing except your own understanding.
"""

import jax, jax.numpy as jnp
import numpy as np

N = 10000
E = 320000
D_IN = 128
D = 128
OUT = 128

def setup_inputs(seed: int = 0) -> dict:
    key = jax.random.key(seed)
    ks = jax.random.split(key, 12)
    x = jax.random.normal(ks[0], (N, D_IN), dtype=jnp.float32)
    edge_index = jax.random.randint(ks[1], (2, E), 0, N, dtype=jnp.int32)
    W_embed = jax.random.normal(ks[2], (D_IN, D), dtype=jnp.float32) * 0.05
    b_embed = jnp.zeros((D,), dtype=jnp.float32)
    W1 = jax.random.normal(ks[3], (D, D), dtype=jnp.float32) * 0.05
    root1 = jax.random.normal(ks[4], (D, D), dtype=jnp.float32) * 0.05
    b1 = jnp.zeros((D,), dtype=jnp.float32)
    W2 = jax.random.normal(ks[5], (D, D), dtype=jnp.float32) * 0.05
    root2 = jax.random.normal(ks[6], (D, D), dtype=jnp.float32) * 0.05
    b2 = jnp.zeros((D,), dtype=jnp.float32)
    Wf = jax.random.normal(ks[7], (D, OUT), dtype=jnp.float32) * 0.05
    bf = jnp.zeros((OUT,), dtype=jnp.float32)
    return {"x": x, "edge_index": edge_index, "W_embed": W_embed, "b_embed": b_embed,
            "W1": W1, "root1": root1, "b1": b1, "W2": W2, "root2": root2, "b2": b2,
            "Wf": Wf, "bf": bf}

def reference(x, edge_index, W_embed, b_embed, W1, root1, b1, W2, root2, b2, Wf, bf):
    # node_embeder['gen']: Linear(d_in -> embed_dim)
    h = x.astype(jnp.float32) @ W_embed + b_embed
    src = edge_index[0]
    dst = edge_index[1]

    def fast_rgcn(h, W, root, b):
        # FastRGCNConv with num_relations=1, aggr='mean':
        # message = x_j @ W[edge_type] (edge_type all zeros -> single W)
        msg = h[src] @ W
        s = jax.ops.segment_sum(msg, dst, num_segments=N)
        cnt = jax.ops.segment_sum(jnp.ones((E,), dtype=jnp.float32), dst, num_segments=N)
        mean = s / jnp.clip(cnt, 1.0, None)[:, None]
        return mean + h @ root + b

    h = jax.nn.relu(fast_rgcn(h, W1, root1, b1))
    h = jax.nn.relu(fast_rgcn(h, W2, root2, b2))
    return h @ Wf + bf

if __name__ == "__main__":
    import jax
    _d = setup_inputs()
    print(jax.jit(kernel)(*tuple(_d.values())))

</pallas_src>

<mosaic_0001>
#map = affine_map<(d0, d1) -> (0, 0)>
#map1 = affine_map<(d0, d1) -> (0, 0, 0, 0)>
module attributes {stable_mosaic.version = 14 : i64} {
  func.func @agg(%arg0: i32, %arg1: i32, %arg2: memref<10000x128xf32, #tpu.memory_space<hbm>>, %arg3: memref<16x2x158x128xi32, #tpu.memory_space<hbm>>, %arg4: memref<16x2x158x128xi32, #tpu.memory_space<hbm>>, %arg5: memref<16x16xi32, #tpu.memory_space<hbm>>, %arg6: memref<12288x128xf32, #tpu.memory_space<hbm>>, %arg7: memref<158x128xi32, #tpu.memory_space<vmem>>, %arg8: memref<158x128xi32, #tpu.memory_space<vmem>>, %arg9: memref<16xi32, #tpu.memory_space<vmem>>, %arg10: memref<128x128xf32, #tpu.memory_space<vmem>>, %arg11: memref<128x128xf32, #tpu.memory_space<vmem>>, %arg12: memref<6144x128xf32, #tpu.memory_space<vmem_shared>>, %arg13: memref<!tpu.dma_semaphore, #tpu.memory_space<semaphore_mem>>, %arg14: memref<!tpu.dma_semaphore, #tpu.memory_space<semaphore_mem>>) attributes {dimension_semantics = [#tpu.dimension_semantics<core_parallel>, #tpu.dimension_semantics<subcore_parallel>], iteration_bounds = array<i64: 1, 16>, scalar_prefetch = 0 : i64, scratch_operands = 8 : i64, tpu.core_type = #tpu.core_type<sc_vector_subcore>, window_params = [{transform_indices = #map}, {transform_indices = #map1}, {transform_indices = #map1}, {transform_indices = #map}, {transform_indices = #map}]} {
    %mul3A = arith.constant 384 : i32
    %mul3A_0 = arith.muli %arg1, %mul3A : i32
    "tpu.region"() ({
      %run_scoped3A_122 = tpu.sem_alloc : memref<!tpu.dma_semaphore, #tpu.memory_space<semaphore_mem>>
      %dma_start3A = arith.constant 0 : i32
      %dma_start3A_123 = tpu.memref_slice %arg5[%arg1, %dma_start3A] : memref<16x16xi32, #tpu.memory_space<hbm>> -> memref<1x16xi32, #tpu.memory_space<hbm>>
      %dma_start3A_124 = tpu.memref_squeeze %dma_start3A_123 : memref<1x16xi32, #tpu.memory_space<hbm>> -> memref<16xi32, #tpu.memory_space<hbm>>
      %dma_start3A_125 = arith.constant 0 : i32
      %dma_start3A_126 = tpu.memref_slice %arg5[%arg1, %dma_start3A_125] : memref<16x16xi32, #tpu.memory_space<hbm>> -> memref<1x16xi32, #tpu.memory_space<hbm>>
      %dma_start3A_127 = tpu.memref_squeeze %dma_start3A_126 : memref<1x16xi32, #tpu.memory_space<hbm>> -> memref<16xi32, #tpu.memory_space<hbm>>
      tpu.enqueue_dma source(%dma_start3A_127 : memref<16xi32, #tpu.memory_space<hbm>>) target(%arg9 : memref<16xi32, #tpu.memory_space<vmem>>) target_semaphore(%run_scoped3A_122 : memref<!tpu.dma_semaphore, #tpu.memory_space<semaphore_mem>>)
      %dma_wait3A = arith.constant 0 : i32
      %dma_wait3A_128 = tpu.memref_slice %arg5[%arg1, %dma_wait3A] : memref<16x16xi32, #tpu.memory_space<hbm>> -> memref<1x16xi32, #tpu.memory_space<hbm>>
      %dma_wait3A_129 = tpu.memref_squeeze %dma_wait3A_128 : memref<1x16xi32, #tpu.memory_space<hbm>> -> memref<16xi32, #tpu.memory_space<hbm>>
      %dma_wait3A_130 = arith.constant 0 : i32
      %dma_wait3A_131 = tpu.memref_slice %arg5[%arg1, %dma_wait3A_130] : memref<16x16xi32, #tpu.memory_space<hbm>> -> memref<1x16xi32, #tpu.memory_space<hbm>>
      %dma_wait3A_132 = tpu.memref_squeeze %dma_wait3A_131 : memref<1x16xi32, #tpu.memory_space<hbm>> -> memref<16xi32, #tpu.memory_space<hbm>>
      tpu.wait_dma2 semaphore(%run_scoped3A_122 : memref<!tpu.dma_semaphore, #tpu.memory_space<semaphore_mem>>) src(%dma_wait3A_132 : memref<16xi32, #tpu.memory_space<hbm>>) dst(%arg9 : memref<16xi32, #tpu.memory_space<vmem>>)
      tpu.yield
    }) : () -> ()
    %run_scoped3A = arith.constant 0 : i32
    "tpu.region"() ({
      %run_scoped3A_122 = tpu.sem_alloc : memref<!tpu.dma_semaphore, #tpu.memory_space<semaphore_mem>>
      %dma_start3A = arith.constant 0 : i32
      %dma_start3A_123 = arith.constant 0 : i32
      %dma_start3A_124 = tpu.memref_slice %arg3[%arg1, %run_scoped3A, %dma_start3A, %dma_start3A_123] : memref<16x2x158x128xi32, #tpu.memory_space<hbm>> -> memref<1x1x158x128xi32, #tpu.memory_space<hbm>>
      %dma_start3A_125 = tpu.memref_squeeze %dma_start3A_124 : memref<1x1x158x128xi32, #tpu.memory_space<hbm>> -> memref<158x128xi32, #tpu.memory_space<hbm>>
      %dma_start3A_126 = arith.constant 0 : i32
      %dma_start3A_127 = arith.constant 0 : i32
      %dma_start3A_128 = tpu.memref_slice %arg3[%arg1, %run_scoped3A, %dma_start3A_126, %dma_start3A_127] : memref<16x2x158x128xi32, #tpu.memory_space<hbm>> -> memref<1x1x158x128xi32, #tpu.memory_space<hbm>>
      %dma_start3A_129 = tpu.memref_squeeze %dma_start3A_128 : memref<1x1x158x128xi32, #tpu.memory_space<hbm>> -> memref<158x128xi32, #tpu.memory_space<hbm>>
      tpu.enqueue_dma source(%dma_start3A_129 : memref<158x128xi32, #tpu.memory_space<hbm>>) target(%arg7 : memref<158x128xi32, #tpu.memory_space<vmem>>) target_semaphore(%run_scoped3A_122 : memref<!tpu.dma_semaphore, #tpu.memory_space<semaphore_mem>>)
      %dma_wait3A = arith.constant 0 : i32
      %dma_wait3A_130 = arith.constant 0 : i32
      %dma_wait3A_131 = tpu.memref_slice %arg3[%arg1, %run_scoped3A, %dma_wait3A, %dma_wait3A_130] : memref<16x2x158x128xi32, #tpu.memory_space<hbm>> -> memref<1x1x158x128xi32, #tpu.memory_space<hbm>>
      %dma_wait3A_132 = tpu.memref_squeeze %dma_wait3A_131 : memref<1x1x158x128xi32, #tpu.memory_space<hbm>> -> memref<158x128xi32, #tpu.memory_space<hbm>>
      %dma_wait3A_133 = arith.constant 0 : i32
      %dma_wait3A_134 = arith.constant 0 : i32
      %dma_wait3A_135 = tpu.memref_slice %arg3[%arg1, %run_scoped3A, %dma_wait3A_133, %dma_wait3A_134] : memref<16x2x158x128xi32, #tpu.memory_space<hbm>> -> memref<1x1x158x128xi32, #tpu.memory_space<hbm>>
      %dma_wait3A_136 = tpu.memref_squeeze %dma_wait3A_135 : memref<1x1x158x128xi32, #tpu.memory_space<hbm>> -> memref<158x128xi32, #tpu.memory_space<hbm>>
      tpu.wait_dma2 semaphore(%run_scoped3A_122 : memref<!tpu.dma_semaphore, #tpu.memory_space<semaphore_mem>>) src(%dma_wait3A_136 : memref<158x128xi32, #tpu.memory_space<hbm>>) dst(%arg7 : memref<158x128xi32, #tpu.memory_space<vmem>>)
      tpu.yield
    }) : () -> ()
    %run_scoped3A_1 = arith.constant 0 : i32
    "tpu.region"() ({
      %run_scoped3A_122 = tpu.sem_alloc : memref<!tpu.dma_semaphore, #tpu.memory_space<semaphore_mem>>
      %dma_start3A = arith.constant 0 : i32
      %dma_start3A_123 = arith.constant 0 : i32
      %dma_start3A_124 = tpu.memref_slice %arg4[%arg1, %run_scoped3A_1, %dma_start3A, %dma_start3A_123] : memref<16x2x158x128xi32, #tpu.memory_space<hbm>> -> memref<1x1x158x128xi32, #tpu.memory_space<hbm>>
      %dma_start3A_125 = tpu.memref_squeeze %dma_start3A_124 : memref<1x1x158x128xi32, #tpu.memory_space<hbm>> -> memref<158x128xi32, #tpu.memory_space<hbm>>
      %dma_start3A_126 = arith.constant 0 : i32
      %dma_start3A_127 = arith.constant 0 : i32
      %dma_start3A_128 = tpu.memref_slice %arg4[%arg1, %run_scoped3A_1, %dma_start3A_126, %dma_start3A_127] : memref<16x2x158x128xi32, #tpu.memory_space<hbm>> -> memref<1x1x158x128xi32, #tpu.memory_space<hbm>>
      %dma_start3A_129 = tpu.memref_squeeze %dma_start3A_128 : memref<1x1x158x128xi32, #tpu.memory_space<hbm>> -> memref<158x128xi32, #tpu.memory_space<hbm>>
      tpu.enqueue_dma source(%dma_start3A_129 : memref<158x128xi32, #tpu.memory_space<hbm>>) target(%arg8 : memref<158x128xi32, #tpu.memory_space<vmem>>) target_semaphore(%run_scoped3A_122 : memref<!tpu.dma_semaphore, #tpu.memory_space<semaphore_mem>>)
      %dma_wait3A = arith.constant 0 : i32
      %dma_wait3A_130 = arith.constant 0 : i32
      %dma_wait3A_131 = tpu.memref_slice %arg4[%arg1, %run_scoped3A_1, %dma_wait3A, %dma_wait3A_130] : memref<16x2x158x128xi32, #tpu.memory_space<hbm>> -> memref<1x1x158x128xi32, #tpu.memory_space<hbm>>
      %dma_wait3A_132 = tpu.memref_squeeze %dma_wait3A_131 : memref<1x1x158x128xi32, #tpu.memory_space<hbm>> -> memref<158x128xi32, #tpu.memory_space<hbm>>
      %dma_wait3A_133 = arith.constant 0 : i32
      %dma_wait3A_134 = arith.constant 0 : i32
      %dma_wait3A_135 = tpu.memref_slice %arg4[%arg1, %run_scoped3A_1, %dma_wait3A_133, %dma_wait3A_134] : memref<16x2x158x128xi32, #tpu.memory_space<hbm>> -> memref<1x1x158x128xi32, #tpu.memory_space<hbm>>
      %dma_wait3A_136 = tpu.memref_squeeze %dma_wait3A_135 : memref<1x1x158x128xi32, #tpu.memory_space<hbm>> -> memref<158x128xi32, #tpu.memory_space<hbm>>
      tpu.wait_dma2 semaphore(%run_scoped3A_122 : memref<!tpu.dma_semaphore, #tpu.memory_space<semaphore_mem>>) src(%dma_wait3A_136 : memref<158x128xi32, #tpu.memory_space<hbm>>) dst(%arg8 : memref<158x128xi32, #tpu.memory_space<vmem>>)
      tpu.yield
    }) : () -> ()
    %get3A = arith.constant 0 : index
    %get3A_2 = tpu.vector_load %arg9[%get3A] {strides = array<i32>} : memref<16xi32, #tpu.memory_space<vmem>>, vector<16xi32>,
    %get3A_3 = vector.shape_cast %get3A_2 : vector<16xi32> to vector<16xi32>
    %slice3A = vector.extract_strided_slice %get3A_3 {offsets = [0], sizes = [1], strides = [1]} : vector<16xi32> to vector<1xi32>
    %squeeze3A = vector.extract %slice3A[0] : i32 from vector<1xi32>
    %jit3A = arith.constant 128 : i32
    %div3A = arith.divsi %squeeze3A, %jit3A : i32
    %sign3A = arith.constant 0 : i32
    %sign3A_4 = arith.cmpi sgt, %squeeze3A, %sign3A : i32
    %sign3A_5 = arith.extui %sign3A_4 : i1 to i32
    %sign3A_6 = arith.constant 0 : i32
    %sign3A_7 = arith.cmpi slt, %squeeze3A, %sign3A_6 : i32
    %sign3A_8 = arith.extui %sign3A_7 : i1 to i32
    %sign3A_9 = arith.subi %sign3A_5, %sign3A_8 : i32
    %sign3A_10 = arith.constant 0 : i32
    %sign3A_11 = arith.cmpi sgt, %jit3A, %sign3A_10 : i32
    %sign3A_12 = arith.extui %sign3A_11 : i1 to i32
    %sign3A_13 = arith.constant 0 : i32
    %sign3A_14 = arith.cmpi slt, %jit3A, %sign3A_13 : i32
    %sign3A_15 = arith.extui %sign3A_14 : i1 to i32
    %sign3A_16 = arith.subi %sign3A_12, %sign3A_15 : i32
    %ne3A = arith.cmpi ne, %sign3A_9, %sign3A_16 : i32
    %rem3A = arith.remsi %squeeze3A, %jit3A : i32
    %ne3A_17 = arith.constant 0 : i32
    %ne3A_18 = arith.cmpi ne, %rem3A, %ne3A_17 : i32
    %and3A = arith.andi %ne3A, %ne3A_18 : i1
    %sub3A = arith.constant 1 : i32
    %sub3A_19 = arith.subi %div3A, %sub3A : i32
    %select_n3A = arith.select %and3A, %sub3A_19, %div3A : i32
    %scan3A = arith.constant 0 : i32
    %scan3A_20 = arith.constant 128 : i32
    %scan3A_21 = arith.addi %scan3A, %scan3A_20 : i32
    %scan3A_22 = arith.constant 1 : i32
    scf.for %scan3A_122 = %scan3A to %scan3A_21 step %scan3A_22  : i32 {
      %mul3A_123 = arith.constant 1 : i32
      %mul3A_124 = arith.muli %scan3A_122, %mul3A_123 : i32
      %add3A_125 = arith.constant 0 : i32
      %add3A_126 = arith.addi %add3A_125, %mul3A_124 : i32
      %scan3A_127 = arith.constant 0 : i32
      %scan3A_128 = arith.constant 8 : i32
      %scan3A_129 = arith.addi %scan3A_127, %scan3A_128 : i32
      %scan3A_130 = arith.constant 1 : i32
      scf.for %scan3A_132 = %scan3A_127 to %scan3A_129 step %scan3A_130  : i32 {
        %mul3A_133 = arith.constant 16 : i32
        %mul3A_134 = arith.muli %scan3A_132, %mul3A_133 : i32
        %add3A_135 = arith.constant 0 : i32
        %add3A_136 = arith.addi %add3A_135, %mul3A_134 : i32
        %broadcast_in_dim3A = arith.constant 0.000000e+00 : f32
        %broadcast_in_dim3A_137 = vector.broadcast %broadcast_in_dim3A : f32 to vector<16xf32>
        %swap3A = arith.index_cast %add3A_126 : i32 to index
        %swap3A_138 = arith.index_cast %add3A_136 : i32 to index
        %swap3A_139 = tpu.vector_load %arg10[%swap3A, %swap3A_138] {strides = array<i32>} : memref<128x128xf32, #tpu.memory_space<vmem>>, vector<1x16xf32>,
        %swap3A_140 = vector.shape_cast %swap3A_139 : vector<1x16xf32> to vector<16xf32>
        %swap3A_141 = vector.shape_cast %broadcast_in_dim3A_137 : vector<16xf32> to vector<1x16xf32>
        tpu.vector_store %arg10[%swap3A, %swap3A_138], %swap3A_141 {strides = array<i32>} : memref<128x128xf32, #tpu.memory_space<vmem>>, vector<1x16xf32>,
      }
      %scan3A_131 = arith.constant 8 : i32
    }
    %scan3A_23 = arith.constant 128 : i32
    %scan3A_24 = arith.constant 0 : i32
    %scan3A_25 = arith.constant 3 : i32
    %scan3A_26 = arith.addi %scan3A_24, %scan3A_25 : i32
    %scan3A_27 = arith.constant 1 : i32
    scf.for %scan3A_122 = %scan3A_24 to %scan3A_26 step %scan3A_27  : i32 {
      %mul3A_123 = arith.constant 1 : i32
      %mul3A_124 = arith.muli %scan3A_122, %mul3A_123 : i32
      %add3A_125 = arith.constant 0 : i32
      %add3A_126 = arith.addi %add3A_125, %mul3A_124 : i32
      %mul3A_127 = arith.constant 128 : i32
      %mul3A_128 = arith.muli %add3A_126, %mul3A_127 : i32
      %add3A_129 = arith.addi %mul3A_0, %mul3A_128 : i32
      "tpu.region"() ({
        %run_scoped3A_130 = tpu.sem_alloc : memref<!tpu.dma_semaphore, #tpu.memory_space<semaphore_mem>>
        %dma_start3A = arith.constant 0 : i32
        %dma_start3A_131 = tpu.memref_slice %arg12[%add3A_129, %dma_start3A] : memref<6144x128xf32, #tpu.memory_space<vmem_shared>> -> memref<128x128xf32, #tpu.memory_space<vmem_shared>>
        %dma_start3A_132 = arith.constant 0 : i32
        %dma_start3A_133 = tpu.memref_slice %arg12[%add3A_129, %dma_start3A_132] : memref<6144x128xf32, #tpu.memory_space<vmem_shared>> -> memref<128x128xf32, #tpu.memory_space<vmem_shared>>
        tpu.enqueue_dma source(%arg10 : memref<128x128xf32, #tpu.memory_space<vmem>>) target(%dma_start3A_133 : memref<128x128xf32, #tpu.memory_space<vmem_shared>>) target_semaphore(%run_scoped3A_130 : memref<!tpu.dma_semaphore, #tpu.memory_space<semaphore_mem>>)
        %dma_wait3A = arith.constant 0 : i32
        %dma_wait3A_134 = tpu.memref_slice %arg12[%add3A_129, %dma_wait3A] : memref<6144x128xf32, #tpu.memory_space<vmem_shared>> -> memref<128x128xf32, #tpu.memory_space<vmem_shared>>
        %dma_wait3A_135 = arith.constant 0 : i32
        %dma_wait3A_136 = tpu.memref_slice %arg12[%add3A_129, %dma_wait3A_135] : memref<6144x128xf32, #tpu.memory_space<vmem_shared>> -> memref<128x128xf32, #tpu.memory_space<vmem_shared>>
        tpu.wait_dma2 semaphore(%run_scoped3A_130 : memref<!tpu.dma_semaphore, #tpu.memory_space<semaphore_mem>>) src(%arg10 : memref<128x128xf32, #tpu.memory_space<vmem>>) dst(%dma_wait3A_136 : memref<128x128xf32, #tpu.memory_space<vmem_shared>>)
        tpu.yield
      }) : () -> ()
    }
    %scan3A_28 = arith.constant 3 : i32
    %barrier3A = arith.constant 0 : index
    tpu.barrier barrier_id(%barrier3A)
    %gt3A = arith.constant 0 : i32
    %gt3A_29 = arith.cmpi sgt, %select_n3A, %gt3A : i32
    %convert_element_type3A = arith.extui %gt3A_29 : i1 to i32
    %cond3A = arith.constant 0 : i32
    %cond3A_30 = arith.cmpi ne, %convert_element_type3A, %cond3A : i32
    scf.if %cond3A_30 {
      %dma_start3A = arith.constant 0 : i32
      %dma_start3A_122 = arith.constant 0 : i32
      %dma_start3A_123 = tpu.memref_slice %arg7[%dma_start3A, %dma_start3A_122] : memref<158x128xi32, #tpu.memory_space<vmem>> -> memref<1x128xi32, #tpu.memory_space<vmem>>
      %dma_start3A_124 = tpu.memref_squeeze %dma_start3A_123 : memref<1x128xi32, #tpu.memory_space<vmem>> -> memref<128xi32, #tpu.memory_space<vmem>>
      %dma_start3A_125 = arith.constant 0 : i32
      %dma_start3A_126 = arith.constant 0 : i32
      %dma_start3A_127 = tpu.memref_slice %arg2[%dma_start3A_125, %dma_start3A_126] : memref<10000x128xf32, #tpu.memory_space<hbm>> -> memref<10000x128xf32, #tpu.memory_space<hbm>>
      tpu.enqueue_indirect_dma source(%dma_start3A_127 : memref<10000x128xf32, #tpu.memory_space<hbm>>) target(%arg10 : memref<128x128xf32, #tpu.memory_space<vmem>>) offsets(%dma_start3A_124 : memref<128xi32, #tpu.memory_space<vmem>>) semaphore(%arg13 : memref<!tpu.dma_semaphore, #tpu.memory_space<semaphore_mem>>)
    } else {
    }
    %sub3A_31 = arith.constant 0 : i32
    %sub3A_32 = arith.subi %select_n3A, %sub3A_31 : i32
    %sub3A_33 = arith.constant 2 : i32
    %sub3A_34 = arith.constant 1 : i32
    %sub3A_35 = arith.subi %sub3A_33, %sub3A_34 : i32
    %add3A = arith.addi %sub3A_32, %sub3A_35 : i32
    %div3A_36 = arith.constant 2 : i32
    %div3A_37 = arith.divsi %add3A, %div3A_36 : i32
    %while3A = arith.constant 2 : i32
    %while3A_38 = arith.constant 0 : i32
    %while3A_39 = arith.constant 0 : i32
    %while3A_40 = arith.subi %div3A_37, %while3A_39 : i32
    %while3A_41 = arith.addi %while3A_39, %while3A_40 : i32
    %while3A_42 = arith.constant 1 : i32
    %while3A_43 = arith.divsi %while3A_40, %while3A_42 : i32
    %while3A_44 = arith.muli %while3A_43, %while3A_42 : i32
    %while3A_45 = arith.addi %while3A_39, %while3A_44 : i32
    %while3A_46 = arith.constant 1 : i32
    scf.for %while3A_122 = %while3A_39 to %while3A_45 step %while3A_46  : i32 {
      %mul3A_123 = arith.muli %while3A_122, %while3A : i32
      %add3A_124 = arith.addi %while3A_38, %mul3A_123 : i32
      %add3A_125 = arith.constant 1 : i32
      %add3A_126 = arith.addi %add3A_124, %add3A_125 : i32
      %dma_start3A = arith.constant 0 : i32
      %dma_start3A_127 = tpu.memref_slice %arg7[%add3A_126, %dma_start3A] : memref<158x128xi32, #tpu.memory_space<vmem>> -> memref<1x128xi32, #tpu.memory_space<vmem>>
      %dma_start3A_128 = tpu.memref_squeeze %dma_start3A_127 : memref<1x128xi32, #tpu.memory_space<vmem>> -> memref<128xi32, #tpu.memory_space<vmem>>
      %dma_start3A_129 = arith.constant 0 : i32
      %dma_start3A_130 = arith.constant 0 : i32
      %dma_start3A_131 = tpu.memref_slice %arg2[%dma_start3A_129, %dma_start3A_130] : memref<10000x128xf32, #tpu.memory_space<hbm>> -> memref<10000x128xf32, #tpu.memory_space<hbm>>
      tpu.enqueue_indirect_dma source(%dma_start3A_131 : memref<10000x128xf32, #tpu.memory_space<hbm>>) target(%arg11 : memref<128x128xf32, #tpu.memory_space<vmem>>) offsets(%dma_start3A_128 : memref<128xi32, #tpu.memory_space<vmem>>) semaphore(%arg14 : memref<!tpu.dma_semaphore, #tpu.memory_space<semaphore_mem>>)
      %dma_wait3A = arith.constant 0 : i32
      %dma_wait3A_132 = tpu.memref_slice %arg7[%add3A_124, %dma_wait3A] : memref<158x128xi32, #tpu.memory_space<vmem>> -> memref<1x128xi32, #tpu.memory_space<vmem>>
      %dma_wait3A_133 = tpu.memref_squeeze %dma_wait3A_132 : memref<1x128xi32, #tpu.memory_space<vmem>> -> memref<128xi32, #tpu.memory_space<vmem>>
      %dma_wait3A_134 = arith.constant 0 : i32
      %dma_wait3A_135 = arith.constant 0 : i32
      %dma_wait3A_136 = tpu.memref_slice %arg2[%dma_wait3A_134, %dma_wait3A_135] : memref<10000x128xf32, #tpu.memory_space<hbm>> -> memref<10000x128xf32, #tpu.memory_space<hbm>>
      tpu.wait_indirect_dma semaphore(%arg13 : memref<!tpu.dma_semaphore, #tpu.memory_space<semaphore_mem>>) src(%dma_wait3A_136 : memref<10000x128xf32, #tpu.memory_space<hbm>>) dst(%arg10 : memref<128x128xf32, #tpu.memory_space<vmem>>)
      "tpu.region"() ({
        %run_scoped3A_152 = tpu.sem_alloc : memref<!tpu.dma_semaphore, #tpu.memory_space<semaphore_mem>>
        %dma_start3A_153 = arith.constant 0 : i32
        %dma_start3A_154 = tpu.memref_slice %arg8[%add3A_124, %dma_start3A_153] : memref<158x128xi32, #tpu.memory_space<vmem>> -> memref<1x128xi32, #tpu.memory_space<vmem>>
        %dma_start3A_155 = tpu.memref_squeeze %dma_start3A_154 : memref<1x128xi32, #tpu.memory_space<vmem>> -> memref<128xi32, #tpu.memory_space<vmem>>
        %dma_start3A_156 = arith.constant 0 : i32
        %dma_start3A_157 = arith.constant 0 : i32
        %dma_start3A_158 = tpu.memref_slice %arg12[%dma_start3A_156, %dma_start3A_157] : memref<6144x128xf32, #tpu.memory_space<vmem_shared>> -> memref<6144x128xf32, #tpu.memory_space<vmem_shared>>
        tpu.enqueue_indirect_dma source(%arg10 : memref<128x128xf32, #tpu.memory_space<vmem>>) target(%dma_start3A_158 : memref<6144x128xf32, #tpu.memory_space<vmem_shared>>) offsets(%dma_start3A_155 : memref<128xi32, #tpu.memory_space<vmem>>) semaphore(%run_scoped3A_152 : memref<!tpu.dma_semaphore, #tpu.memory_space<semaphore_mem>>) {add = true}
        %dma_wait3A_159 = arith.constant 0 : i32
        %dma_wait3A_160 = tpu.memref_slice %arg8[%add3A_124, %dma_wait3A_159] : memref<158x128xi32, #tpu.memory_space<vmem>> -> memref<1x128xi32, #tpu.memory_space<vmem>>
        %dma_wait3A_161 = tpu.memref_squeeze %dma_wait3A_160 : memref<1x128xi32, #tpu.memory_space<vmem>> -> memref<128xi32, #tpu.memory_space<vmem>>
        %dma_wait3A_162 = arith.constant 0 : i32
        %dma_wait3A_163 = arith.constant 0 : i32
        %dma_wait3A_164 = tpu.memref_slice %arg12[%dma_wait3A_162, %dma_wait3A_163] : memref<6144x128xf32, #tpu.memory_space<vmem_shared>> -> memref<6144x128xf32, #tpu.memory_space<vmem_shared>>
        tpu.wait_indirect_dma semaphore(%run_scoped3A_152 : memref<!tpu.dma_semaphore, #tpu.memory_space<semaphore_mem>>) src(%arg10 : memref<128x128xf32, #tpu.memory_space<vmem>>) dst(%dma_wait3A_164 : memref<6144x128xf32, #tpu.memory_space<vmem_shared>>)
        tpu.yield
      }) : () -> ()
      %add3A_137 = arith.constant 2 : i32
      %add3A_138 = arith.addi %add3A_124, %add3A_137 : i32
      %lt3A = arith.cmpi slt, %add3A_138, %select_n3A : i32
      %convert_element_type3A_139 = arith.extui %lt3A : i1 to i32
      %cond3A_140 = arith.constant 0 : i32
      %cond3A_141 = arith.cmpi ne, %convert_element_type3A_139, %cond3A_140 : i32
      scf.if %cond3A_141 {
        %add3A_152 = arith.constant 2 : i32
        %add3A_153 = arith.addi %add3A_124, %add3A_152 : i32
        %dma_start3A_154 = arith.constant 0 : i32
        %dma_start3A_155 = tpu.memref_slice %arg7[%add3A_153, %dma_start3A_154] : memref<158x128xi32, #tpu.memory_space<vmem>> -> memref<1x128xi32, #tpu.memory_space<vmem>>
        %dma_start3A_156 = tpu.memref_squeeze %dma_start3A_155 : memref<1x128xi32, #tpu.memory_space<vmem>> -> memref<128xi32, #tpu.memory_space<vmem>>
        %dma_start3A_157 = arith.constant 0 : i32
        %dma_start3A_158 = arith.constant 0 : i32
        %dma_start3A_159 = tpu.memref_slice %arg2[%dma_start3A_157, %dma_start3A_158] : memref<10000x128xf32, #tpu.memory_space<hbm>> -> memref<10000x128xf32, #tpu.memory_space<hbm>>
        tpu.enqueue_indirect_dma source(%dma_start3A_159 : memref<10000x128xf32, #tpu.memory_space<hbm>>) target(%arg10 : memref<128x128xf32, #tpu.memory_space<vmem>>) offsets(%dma_start3A_156 : memref<128xi32, #tpu.memory_space<vmem>>) semaphore(%arg13 : memref<!tpu.dma_semaphore, #tpu.memory_space<semaphore_mem>>)
      } else {
      }
      %add3A_142 = arith.constant 1 : i32
      %add3A_143 = arith.addi %add3A_124, %add3A_142 : i32
      %dma_wait3A_144 = arith.constant 0 : i32
      %dma_wait3A_145 = tpu.memref_slice %arg7[%add3A_143, %dma_wait3A_144] : memref<158x128xi32, #tpu.memory_space<vmem>> -> memref<1x128xi32, #tpu.memory_space<vmem>>
      %dma_wait3A_146 = tpu.memref_squeeze %dma_wait3A_145 : memref<1x128xi32, #tpu.memory_space<vmem>> -> memref<128xi32, #tpu.memory_space<vmem>>
      %dma_wait3A_147 = arith.constant 0 : i32
      %dma_wait3A_148 = arith.constant 0 : i32
      %dma_wait3A_149 = tpu.memref_slice %arg2[%dma_wait3A_147, %dma_wait3A_148] : memref<10000x128xf32, #tpu.memory_space<hbm>> -> memref<10000x128xf32, #tpu.memory_space<hbm>>
      tpu.wait_indirect_dma semaphore(%arg14 : memref<!tpu.dma_semaphore, #tpu.memory_space<semaphore_mem>>) src(%dma_wait3A_149 : memref<10000x128xf32, #tpu.memory_space<hbm>>) dst(%arg11 : memref<128x128xf32, #tpu.memory_space<vmem>>)
      %add3A_150 = arith.constant 1 : i32
      %add3A_151 = arith.addi %add3A_124, %add3A_150 : i32
      "tpu.region"() ({
        %run_scoped3A_152 = tpu.sem_alloc : memref<!tpu.dma_semaphore, #tpu.memory_space<semaphore_mem>>
        %dma_start3A_153 = arith.constant 0 : i32
        %dma_start3A_154 = tpu.memref_slice %arg8[%add3A_151, %dma_start3A_153] : memref<158x128xi32, #tpu.memory_space<vmem>> -> memref<1x128xi32, #tpu.memory_space<vmem>>
        %dma_start3A_155 = tpu.memref_squeeze %dma_start3A_154 : memref<1x128xi32, #tpu.memory_space<vmem>> -> memref<128xi32, #tpu.memory_space<vmem>>
        %dma_start3A_156 = arith.constant 0 : i32
        %dma_start3A_157 = arith.constant 0 : i32
        %dma_start3A_158 = tpu.memref_slice %arg12[%dma_start3A_156, %dma_start3A_157] : memref<6144x128xf32, #tpu.memory_space<vmem_shared>> -> memref<6144x128xf32, #tpu.memory_space<vmem_shared>>
        tpu.enqueue_indirect_dma source(%arg11 : memref<128x128xf32, #tpu.memory_space<vmem>>) target(%dma_start3A_158 : memref<6144x128xf32, #tpu.memory_space<vmem_shared>>) offsets(%dma_start3A_155 : memref<128xi32, #tpu.memory_space<vmem>>) semaphore(%run_scoped3A_152 : memref<!tpu.dma_semaphore, #tpu.memory_space<semaphore_mem>>) {add = true}
        %dma_wait3A_159 = arith.constant 0 : i32
        %dma_wait3A_160 = tpu.memref_slice %arg8[%add3A_151, %dma_wait3A_159] : memref<158x128xi32, #tpu.memory_space<vmem>> -> memref<1x128xi32, #tpu.memory_space<vmem>>
        %dma_wait3A_161 = tpu.memref_squeeze %dma_wait3A_160 : memref<1x128xi32, #tpu.memory_space<vmem>> -> memref<128xi32, #tpu.memory_space<vmem>>
        %dma_wait3A_162 = arith.constant 0 : i32
        %dma_wait3A_163 = arith.constant 0 : i32
        %dma_wait3A_164 = tpu.memref_slice %arg12[%dma_wait3A_162, %dma_wait3A_163] : memref<6144x128xf32, #tpu.memory_space<vmem_shared>> -> memref<6144x128xf32, #tpu.memory_space<vmem_shared>>
        tpu.wait_indirect_dma semaphore(%run_scoped3A_152 : memref<!tpu.dma_semaphore, #tpu.memory_space<semaphore_mem>>) src(%arg11 : memref<128x128xf32, #tpu.memory_space<vmem>>) dst(%dma_wait3A_164 : memref<6144x128xf32, #tpu.memory_space<vmem_shared>>)
        tpu.yield
      }) : () -> ()
    }
    %while3A_47 = arith.constant 1 : i32
    scf.for %while3A_122 = %while3A_45 to %while3A_41 step %while3A_47  : i32 {
      %mul3A_123 = arith.muli %while3A_122, %while3A : i32
      %add3A_124 = arith.addi %while3A_38, %mul3A_123 : i32
      %add3A_125 = arith.constant 1 : i32
      %add3A_126 = arith.addi %add3A_124, %add3A_125 : i32
      %dma_start3A = arith.constant 0 : i32
      %dma_start3A_127 = tpu.memref_slice %arg7[%add3A_126, %dma_start3A] : memref<158x128xi32, #tpu.memory_space<vmem>> -> memref<1x128xi32, #tpu.memory_space<vmem>>
      %dma_start3A_128 = tpu.memref_squeeze %dma_start3A_127 : memref<1x128xi32, #tpu.memory_space<vmem>> -> memref<128xi32, #tpu.memory_space<vmem>>
      %dma_start3A_129 = arith.constant 0 : i32
      %dma_start3A_130 = arith.constant 0 : i32
      %dma_start3A_131 = tpu.memref_slice %arg2[%dma_start3A_129, %dma_start3A_130] : memref<10000x128xf32, #tpu.memory_space<hbm>> -> memref<10000x128xf32, #tpu.memory_space<hbm>>
      tpu.enqueue_indirect_dma source(%dma_start3A_131 : memref<10000x128xf32, #tpu.memory_space<hbm>>) target(%arg11 : memref<128x128xf32, #tpu.memory_space<vmem>>) offsets(%dma_start3A_128 : memref<128xi32, #tpu.memory_space<vmem>>) semaphore(%arg14 : memref<!tpu.dma_semaphore, #tpu.memory_space<semaphore_mem>>)
      %dma_wait3A = arith.constant 0 : i32
      %dma_wait3A_132 = tpu.memref_slice %arg7[%add3A_124, %dma_wait3A] : memref<158x128xi32, #tpu.memory_space<vmem>> -> memref<1x128xi32, #tpu.memory_space<vmem>>
      %dma_wait3A_133 = tpu.memref_squeeze %dma_wait3A_132 : memref<1x128xi32, #tpu.memory_space<vmem>> -> memref<128xi32, #tpu.memory_space<vmem>>
      %dma_wait3A_134 = arith.constant 0 : i32
      %dma_wait3A_135 = arith.constant 0 : i32
      %dma_wait3A_136 = tpu.memref_slice %arg2[%dma_wait3A_134, %dma_wait3A_135] : memref<10000x128xf32, #tpu.memory_space<hbm>> -> memref<10000x128xf32, #tpu.memory_space<hbm>>
      tpu.wait_indirect_dma semaphore(%arg13 : memref<!tpu.dma_semaphore, #tpu.memory_space<semaphore_mem>>) src(%dma_wait3A_136 : memref<10000x128xf32, #tpu.memory_space<hbm>>) dst(%arg10 : memref<128x128xf32, #tpu.memory_space<vmem>>)
      "tpu.region"() ({
        %run_scoped3A_152 = tpu.sem_alloc : memref<!tpu.dma_semaphore, #tpu.memory_space<semaphore_mem>>
        %dma_start3A_153 = arith.constant 0 : i32
        %dma_start3A_154 = tpu.memref_slice %arg8[%add3A_124, %dma_start3A_153] : memref<158x128xi32, #tpu.memory_space<vmem>> -> memref<1x128xi32, #tpu.memory_space<vmem>>
        %dma_start3A_155 = tpu.memref_squeeze %dma_start3A_154 : memref<1x128xi32, #tpu.memory_space<vmem>> -> memref<128xi32, #tpu.memory_space<vmem>>
        %dma_start3A_156 = arith.constant 0 : i32
        %dma_start3A_157 = arith.constant 0 : i32
        %dma_start3A_158 = tpu.memref_slice %arg12[%dma_start3A_156, %dma_start3A_157] : memref<6144x128xf32, #tpu.memory_space<vmem_shared>> -> memref<6144x128xf32, #tpu.memory_space<vmem_shared>>
        tpu.enqueue_indirect_dma source(%arg10 : memref<128x128xf32, #tpu.memory_space<vmem>>) target(%dma_start3A_158 : memref<6144x128xf32, #tpu.memory_space<vmem_shared>>) offsets(%dma_start3A_155 : memref<128xi32, #tpu.memory_space<vmem>>) semaphore(%run_scoped3A_152 : memref<!tpu.dma_semaphore, #tpu.memory_space<semaphore_mem>>) {add = true}
        %dma_wait3A_159 = arith.constant 0 : i32
        %dma_wait3A_160 = tpu.memref_slice %arg8[%add3A_124, %dma_wait3A_159] : memref<158x128xi32, #tpu.memory_space<vmem>> -> memref<1x128xi32, #tpu.memory_space<vmem>>
        %dma_wait3A_161 = tpu.memref_squeeze %dma_wait3A_160 : memref<1x128xi32, #tpu.memory_space<vmem>> -> memref<128xi32, #tpu.memory_space<vmem>>
        %dma_wait3A_162 = arith.constant 0 : i32
        %dma_wait3A_163 = arith.constant 0 : i32
        %dma_wait3A_164 = tpu.memref_slice %arg12[%dma_wait3A_162, %dma_wait3A_163] : memref<6144x128xf32, #tpu.memory_space<vmem_shared>> -> memref<6144x128xf32, #tpu.memory_space<vmem_shared>>
        tpu.wait_indirect_dma semaphore(%run_scoped3A_152 : memref<!tpu.dma_semaphore, #tpu.memory_space<semaphore_mem>>) src(%arg10 : memref<128x128xf32, #tpu.memory_space<vmem>>) dst(%dma_wait3A_164 : memref<6144x128xf32, #tpu.memory_space<vmem_shared>>)
        tpu.yield
      }) : () -> ()
      %add3A_137 = arith.constant 2 : i32
      %add3A_138 = arith.addi %add3A_124, %add3A_137 : i32
      %lt3A = arith.cmpi slt, %add3A_138, %select_n3A : i32
      %convert_element_type3A_139 = arith.extui %lt3A : i1 to i32
      %cond3A_140 = arith.constant 0 : i32
      %cond3A_141 = arith.cmpi ne, %convert_element_type3A_139, %cond3A_140 : i32
      scf.if %cond3A_141 {
        %add3A_152 = arith.constant 2 : i32
        %add3A_153 = arith.addi %add3A_124, %add3A_152 : i32
        %dma_start3A_154 = arith.constant 0 : i32
        %dma_start3A_155 = tpu.memref_slice %arg7[%add3A_153, %dma_start3A_154] : memref<158x128xi32, #tpu.memory_space<vmem>> -> memref<1x128xi32, #tpu.memory_space<vmem>>
        %dma_start3A_156 = tpu.memref_squeeze %dma_start3A_155 : memref<1x128xi32, #tpu.memory_space<vmem>> -> memref<128xi32, #tpu.memory_space<vmem>>
        %dma_start3A_157 = arith.constant 0 : i32
        %dma_start3A_158 = arith.constant 0 : i32
        %dma_start3A_159 = tpu.memref_slice %arg2[%dma_start3A_157, %dma_start3A_158] : memref<10000x128xf32, #tpu.memory_space<hbm>> -> memref<10000x128xf32, #tpu.memory_space<hbm>>
        tpu.enqueue_indirect_dma source(%dma_start3A_159 : memref<10000x128xf32, #tpu.memory_space<hbm>>) target(%arg10 : memref<128x128xf32, #tpu.memory_space<vmem>>) offsets(%dma_start3A_156 : memref<128xi32, #tpu.memory_space<vmem>>) semaphore(%arg13 : memref<!tpu.dma_semaphore, #tpu.memory_space<semaphore_mem>>)
      } else {
      }
      %add3A_142 = arith.constant 1 : i32
      %add3A_143 = arith.addi %add3A_124, %add3A_142 : i32
      %dma_wait3A_144 = arith.constant 0 : i32
      %dma_wait3A_145 = tpu.memref_slice %arg7[%add3A_143, %dma_wait3A_144] : memref<158x128xi32, #tpu.memory_space<vmem>> -> memref<1x128xi32, #tpu.memory_space<vmem>>
      %dma_wait3A_146 = tpu.memref_squeeze %dma_wait3A_145 : memref<1x128xi32, #tpu.memory_space<vmem>> -> memref<128xi32, #tpu.memory_space<vmem>>
      %dma_wait3A_147 = arith.constant 0 : i32
      %dma_wait3A_148 = arith.constant 0 : i32
      %dma_wait3A_149 = tpu.memref_slice %arg2[%dma_wait3A_147, %dma_wait3A_148] : memref<10000x128xf32, #tpu.memory_space<hbm>> -> memref<10000x128xf32, #tpu.memory_space<hbm>>
      tpu.wait_indirect_dma semaphore(%arg14 : memref<!tpu.dma_semaphore, #tpu.memory_space<semaphore_mem>>) src(%dma_wait3A_149 : memref<10000x128xf32, #tpu.memory_space<hbm>>) dst(%arg11 : memref<128x128xf32, #tpu.memory_space<vmem>>)
      %add3A_150 = arith.constant 1 : i32
      %add3A_151 = arith.addi %add3A_124, %add3A_150 : i32
      "tpu.region"() ({
        %run_scoped3A_152 = tpu.sem_alloc : memref<!tpu.dma_semaphore, #tpu.memory_space<semaphore_mem>>
        %dma_start3A_153 = arith.constant 0 : i32
        %dma_start3A_154 = tpu.memref_slice %arg8[%add3A_151, %dma_start3A_153] : memref<158x128xi32, #tpu.memory_space<vmem>> -> memref<1x128xi32, #tpu.memory_space<vmem>>
        %dma_start3A_155 = tpu.memref_squeeze %dma_start3A_154 : memref<1x128xi32, #tpu.memory_space<vmem>> -> memref<128xi32, #tpu.memory_space<vmem>>
        %dma_start3A_156 = arith.constant 0 : i32
        %dma_start3A_157 = arith.constant 0 : i32
        %dma_start3A_158 = tpu.memref_slice %arg12[%dma_start3A_156, %dma_start3A_157] : memref<6144x128xf32, #tpu.memory_space<vmem_shared>> -> memref<6144x128xf32, #tpu.memory_space<vmem_shared>>
        tpu.enqueue_indirect_dma source(%arg11 : memref<128x128xf32, #tpu.memory_space<vmem>>) target(%dma_start3A_158 : memref<6144x128xf32, #tpu.memory_space<vmem_shared>>) offsets(%dma_start3A_155 : memref<128xi32, #tpu.memory_space<vmem>>) semaphore(%run_scoped3A_152 : memref<!tpu.dma_semaphore, #tpu.memory_space<semaphore_mem>>) {add = true}
        %dma_wait3A_159 = arith.constant 0 : i32
        %dma_wait3A_160 = tpu.memref_slice %arg8[%add3A_151, %dma_wait3A_159] : memref<158x128xi32, #tpu.memory_space<vmem>> -> memref<1x128xi32, #tpu.memory_space<vmem>>
        %dma_wait3A_161 = tpu.memref_squeeze %dma_wait3A_160 : memref<1x128xi32, #tpu.memory_space<vmem>> -> memref<128xi32, #tpu.memory_space<vmem>>
        %dma_wait3A_162 = arith.constant 0 : i32
        %dma_wait3A_163 = arith.constant 0 : i32
        %dma_wait3A_164 = tpu.memref_slice %arg12[%dma_wait3A_162, %dma_wait3A_163] : memref<6144x128xf32, #tpu.memory_space<vmem_shared>> -> memref<6144x128xf32, #tpu.memory_space<vmem_shared>>
        tpu.wait_indirect_dma semaphore(%run_scoped3A_152 : memref<!tpu.dma_semaphore, #tpu.memory_space<semaphore_mem>>) src(%arg11 : memref<128x128xf32, #tpu.memory_space<vmem>>) dst(%dma_wait3A_164 : memref<6144x128xf32, #tpu.memory_space<vmem_shared>>)
        tpu.yield
      }) : () -> ()
    }
    %barrier3A_48 = arith.constant 0 : index
    tpu.barrier barrier_id(%barrier3A_48)
    %add3A_49 = arith.constant 0 : i32
    %add3A_50 = arith.addi %add3A_49, %mul3A_0 : i32
    "tpu.region"() ({
      %run_scoped3A_122 = tpu.sem_alloc : memref<!tpu.dma_semaphore, #tpu.memory_space<semaphore_mem>>
      %dma_start3A = arith.constant 0 : i32
      %dma_start3A_123 = tpu.memref_slice %arg6[%add3A_50, %dma_start3A] : memref<12288x128xf32, #tpu.memory_space<hbm>> -> memref<384x128xf32, #tpu.memory_space<hbm>>
      %dma_start3A_124 = arith.constant 0 : i32
      %dma_start3A_125 = tpu.memref_slice %arg12[%mul3A_0, %dma_start3A_124] : memref<6144x128xf32, #tpu.memory_space<vmem_shared>> -> memref<384x128xf32, #tpu.memory_space<vmem_shared>>
      tpu.enqueue_dma source(%dma_start3A_125 : memref<384x128xf32, #tpu.memory_space<vmem_shared>>) target(%dma_start3A_123 : memref<384x128xf32, #tpu.memory_space<hbm>>) target_semaphore(%run_scoped3A_122 : memref<!tpu.dma_semaphore, #tpu.memory_space<semaphore_mem>>)
      %dma_wait3A = arith.constant 0 : i32
      %dma_wait3A_126 = tpu.memref_slice %arg6[%add3A_50, %dma_wait3A] : memref<12288x128xf32, #tpu.memory_space<hbm>> -> memref<384x128xf32, #tpu.memory_space<hbm>>
      %dma_wait3A_127 = arith.constant 0 : i32
      %dma_wait3A_128 = tpu.memref_slice %arg12[%mul3A_0, %dma_wait3A_127] : memref<6144x128xf32, #tpu.memory_space<vmem_shared>> -> memref<384x128xf32, #tpu.memory_space<vmem_shared>>
      tpu.wait_dma2 semaphore(%run_scoped3A_122 : memref<!tpu.dma_semaphore, #tpu.memory_space<semaphore_mem>>) src(%dma_wait3A_128 : memref<384x128xf32, #tpu.memory_space<vmem_shared>>) dst(%dma_wait3A_126 : memref<384x128xf32, #tpu.memory_space<hbm>>)
      tpu.yield
    }) : () -> ()
    %barrier3A_51 = arith.constant 0 : index
    tpu.barrier barrier_id(%barrier3A_51)
    %run_scoped3A_52 = arith.constant 1 : i32
    "tpu.region"() ({
      %run_scoped3A_122 = tpu.sem_alloc : memref<!tpu.dma_semaphore, #tpu.memory_space<semaphore_mem>>
      %dma_start3A = arith.constant 0 : i32
      %dma_start3A_123 = arith.constant 0 : i32
      %dma_start3A_124 = tpu.memref_slice %arg3[%arg1, %run_scoped3A_52, %dma_start3A, %dma_start3A_123] : memref<16x2x158x128xi32, #tpu.memory_space<hbm>> -> memref<1x1x158x128xi32, #tpu.memory_space<hbm>>
      %dma_start3A_125 = tpu.memref_squeeze %dma_start3A_124 : memref<1x1x158x128xi32, #tpu.memory_space<hbm>> -> memref<158x128xi32, #tpu.memory_space<hbm>>
      %dma_start3A_126 = arith.constant 0 : i32
      %dma_start3A_127 = arith.constant 0 : i32
      %dma_start3A_128 = tpu.memref_slice %arg3[%arg1, %run_scoped3A_52, %dma_start3A_126, %dma_start3A_127] : memref<16x2x158x128xi32, #tpu.memory_space<hbm>> -> memref<1x1x158x128xi32, #tpu.memory_space<hbm>>
      %dma_start3A_129 = tpu.memref_squeeze %dma_start3A_128 : memref<1x1x158x128xi32, #tpu.memory_space<hbm>> -> memref<158x128xi32, #tpu.memory_space<hbm>>
      tpu.enqueue_dma source(%dma_start3A_129 : memref<158x128xi32, #tpu.memory_space<hbm>>) target(%arg7 : memref<158x128xi32, #tpu.memory_space<vmem>>) target_semaphore(%run_scoped3A_122 : memref<!tpu.dma_semaphore, #tpu.memory_space<semaphore_mem>>)
      %dma_wait3A = arith.constant 0 : i32
      %dma_wait3A_130 = arith.constant 0 : i32
      %dma_wait3A_131 = tpu.memref_slice %arg3[%arg1, %run_scoped3A_52, %dma_wait3A, %dma_wait3A_130] : memref<16x2x158x128xi32, #tpu.memory_space<hbm>> -> memref<1x1x158x128xi32, #tpu.memory_space<hbm>>
      %dma_wait3A_132 = tpu.memref_squeeze %dma_wait3A_131 : memref<1x1x158x128xi32, #tpu.memory_space<hbm>> -> memref<158x128xi32, #tpu.memory_space<hbm>>
      %dma_wait3A_133 = arith.constant 0 : i32
      %dma_wait3A_134 = arith.constant 0 : i32
      %dma_wait3A_135 = tpu.memref_slice %arg3[%arg1, %run_scoped3A_52, %dma_wait3A_133, %dma_wait3A_134] : memref<16x2x158x128xi32, #tpu.memory_space<hbm>> -> memref<1x1x158x128xi32, #tpu.memory_space<hbm>>
      %dma_wait3A_136 = tpu.memref_squeeze %dma_wait3A_135 : memref<1x1x158x128xi32, #tpu.memory_space<hbm>> -> memref<158x128xi32, #tpu.memory_space<hbm>>
      tpu.wait_dma2 semaphore(%run_scoped3A_122 : memref<!tpu.dma_semaphore, #tpu.memory_space<semaphore_mem>>) src(%dma_wait3A_136 : memref<158x128xi32, #tpu.memory_space<hbm>>) dst(%arg7 : memref<158x128xi32, #tpu.memory_space<vmem>>)
      tpu.yield
    }) : () -> ()
    %run_scoped3A_53 = arith.constant 1 : i32
    "tpu.region"() ({
      %run_scoped3A_122 = tpu.sem_alloc : memref<!tpu.dma_semaphore, #tpu.memory_space<semaphore_mem>>
      %dma_start3A = arith.constant 0 : i32
      %dma_start3A_123 = arith.constant 0 : i32
      %dma_start3A_124 = tpu.memref_slice %arg4[%arg1, %run_scoped3A_53, %dma_start3A, %dma_start3A_123] : memref<16x2x158x128xi32, #tpu.memory_space<hbm>> -> memref<1x1x158x128xi32, #tpu.memory_space<hbm>>
      %dma_start3A_125 = tpu.memref_squeeze %dma_start3A_124 : memref<1x1x158x128xi32, #tpu.memory_space<hbm>> -> memref<158x128xi32, #tpu.memory_space<hbm>>
      %dma_start3A_126 = arith.constant 0 : i32
      %dma_start3A_127 = arith.constant 0 : i32
      %dma_start3A_128 = tpu.memref_slice %arg4[%arg1, %run_scoped3A_53, %dma_start3A_126, %dma_start3A_127] : memref<16x2x158x128xi32, #tpu.memory_space<hbm>> -> memref<1x1x158x128xi32, #tpu.memory_space<hbm>>
      %dma_start3A_129 = tpu.memref_squeeze %dma_start3A_128 : memref<1x1x158x128xi32, #tpu.memory_space<hbm>> -> memref<158x128xi32, #tpu.memory_space<hbm>>
      tpu.enqueue_dma source(%dma_start3A_129 : memref<158x128xi32, #tpu.memory_space<hbm>>) target(%arg8 : memref<158x128xi32, #tpu.memory_space<vmem>>) target_semaphore(%run_scoped3A_122 : memref<!tpu.dma_semaphore, #tpu.memory_space<semaphore_mem>>)
      %dma_wait3A = arith.constant 0 : i32
      %dma_wait3A_130 = arith.constant 0 : i32
      %dma_wait3A_131 = tpu.memref_slice %arg4[%arg1, %run_scoped3A_53, %dma_wait3A, %dma_wait3A_130] : memref<16x2x158x128xi32, #tpu.memory_space<hbm>> -> memref<1x1x158x128xi32, #tpu.memory_space<hbm>>
      %dma_wait3A_132 = tpu.memref_squeeze %dma_wait3A_131 : memref<1x1x158x128xi32, #tpu.memory_space<hbm>> -> memref<158x128xi32, #tpu.memory_space<hbm>>
      %dma_wait3A_133 = arith.constant 0 : i32
      %dma_wait3A_134 = arith.constant 0 : i32
      %dma_wait3A_135 = tpu.memref_slice %arg4[%arg1, %run_scoped3A_53, %dma_wait3A_133, %dma_wait3A_134] : memref<16x2x158x128xi32, #tpu.memory_space<hbm>> -> memref<1x1x158x128xi32, #tpu.memory_space<hbm>>
      %dma_wait3A_136 = tpu.memref_squeeze %dma_wait3A_135 : memref<1x1x158x128xi32, #tpu.memory_space<hbm>> -> memref<158x128xi32, #tpu.memory_space<hbm>>
      tpu.wait_dma2 semaphore(%run_scoped3A_122 : memref<!tpu.dma_semaphore, #tpu.memory_space<semaphore_mem>>) src(%dma_wait3A_136 : memref<158x128xi32, #tpu.memory_space<hbm>>) dst(%arg8 : memref<158x128xi32, #tpu.memory_space<vmem>>)
      tpu.yield
    }) : () -> ()
    %get3A_54 = arith.constant 0 : index
    %get3A_55 = tpu.vector_load %arg9[%get3A_54] {strides = array<i32>} : memref<16xi32, #tpu.memory_space<vmem>>, vector<16xi32>,
    %get3A_56 = vector.shape_cast %get3A_55 : vector<16xi32> to vector<16xi32>
    %slice3A_57 = vector.extract_strided_slice %get3A_56 {offsets = [1], sizes = [1], strides = [1]} : vector<16xi32> to vector<1xi32>
    %squeeze3A_58 = vector.extract %slice3A_57[0] : i32 from vector<1xi32>
    %jit3A_59 = arith.constant 128 : i32
    %div3A_60 = arith.divsi %squeeze3A_58, %jit3A_59 : i32
    %sign3A_61 = arith.constant 0 : i32
    %sign3A_62 = arith.cmpi sgt, %squeeze3A_58, %sign3A_61 : i32
    %sign3A_63 = arith.extui %sign3A_62 : i1 to i32
    %sign3A_64 = arith.constant 0 : i32
    %sign3A_65 = arith.cmpi slt, %squeeze3A_58, %sign3A_64 : i32
    %sign3A_66 = arith.extui %sign3A_65 : i1 to i32
    %sign3A_67 = arith.subi %sign3A_63, %sign3A_66 : i32
    %sign3A_68 = arith.constant 0 : i32
    %sign3A_69 = arith.cmpi sgt, %jit3A_59, %sign3A_68 : i32
    %sign3A_70 = arith.extui %sign3A_69 : i1 to i32
    %sign3A_71 = arith.constant 0 : i32
    %sign3A_72 = arith.cmpi slt, %jit3A_59, %sign3A_71 : i32
    %sign3A_73 = arith.extui %sign3A_72 : i1 to i32
    %sign3A_74 = arith.subi %sign3A_70, %sign3A_73 : i32
    %ne3A_75 = arith.cmpi ne, %sign3A_67, %sign3A_74 : i32
    %rem3A_76 = arith.remsi %squeeze3A_58, %jit3A_59 : i32
    %ne3A_77 = arith.constant 0 : i32
    %ne3A_78 = arith.cmpi ne, %rem3A_76, %ne3A_77 : i32
    %and3A_79 = arith.andi %ne3A_75, %ne3A_78 : i1
    %sub3A_80 = arith.constant 1 : i32
    %sub3A_81 = arith.subi %div3A_60, %sub3A_80 : i32
    %select_n3A_82 = arith.select %and3A_79, %sub3A_81, %div3A_60 : i32
    %scan3A_83 = arith.constant 0 : i32
    %scan3A_84 = arith.constant 128 : i32
    %scan3A_85 = arith.addi %scan3A_83, %scan3A_84 : i32
    %scan3A_86 = arith.constant 1 : i32
    scf.for %scan3A_122 = %scan3A_83 to %scan3A_85 step %scan3A_86  : i32 {
      %mul3A_123 = arith.constant 1 : i32
      %mul3A_124 = arith.muli %scan3A_122, %mul3A_123 : i32
      %add3A_125 = arith.constant 0 : i32
      %add3A_126 = arith.addi %add3A_125, %mul3A_124 : i32
      %scan3A_127 = arith.constant 0 : i32
      %scan3A_128 = arith.constant 8 : i32
      %scan3A_129 = arith.addi %scan3A_127, %scan3A_128 : i32
      %scan3A_130 = arith.constant 1 : i32
      scf.for %scan3A_132 = %scan3A_127 to %scan3A_129 step %scan3A_130  : i32 {
        %mul3A_133 = arith.constant 16 : i32
        %mul3A_134 = arith.muli %scan3A_132, %mul3A_133 : i32
        %add3A_135 = arith.constant 0 : i32
        %add3A_136 = arith.addi %add3A_135, %mul3A_134 : i32
        %broadcast_in_dim3A = arith.constant 0.000000e+00 : f32
        %broadcast_in_dim3A_137 = vector.broadcast %broadcast_in_dim3A : f32 to vector<16xf32>
        %swap3A = arith.index_cast %add3A_126 : i32 to index
        %swap3A_138 = arith.index_cast %add3A_136 : i32 to index
        %swap3A_139 = tpu.vector_load %arg10[%swap3A, %swap3A_138] {strides = array<i32>} : memref<128x128xf32, #tpu.memory_space<vmem>>, vector<1x16xf32>,
        %swap3A_140 = vector.shape_cast %swap3A_139 : vector<1x16xf32> to vector<16xf32>
        %swap3A_141 = vector.shape_cast %broadcast_in_dim3A_137 : vector<16xf32> to vector<1x16xf32>
        tpu.vector_store %arg10[%swap3A, %swap3A_138], %swap3A_141 {strides = array<i32>} : memref<128x128xf32, #tpu.memory_space<vmem>>, vector<1x16xf32>,
      }
      %scan3A_131 = arith.constant 8 : i32
    }
    %scan3A_87 = arith.constant 128 : i32
    %scan3A_88 = arith.constant 0 : i32
    %scan3A_89 = arith.constant 3 : i32
    %scan3A_90 = arith.addi %scan3A_88, %scan3A_89 : i32
    %scan3A_91 = arith.constant 1 : i32
    scf.for %scan3A_122 = %scan3A_88 to %scan3A_90 step %scan3A_91  : i32 {
      %mul3A_123 = arith.constant 1 : i32
      %mul3A_124 = arith.muli %scan3A_122, %mul3A_123 : i32
      %add3A_125 = arith.constant 0 : i32
      %add3A_126 = arith.addi %add3A_125, %mul3A_124 : i32
      %mul3A_127 = arith.constant 128 : i32
      %mul3A_128 = arith.muli %add3A_126, %mul3A_127 : i32
      %add3A_129 = arith.addi %mul3A_0, %mul3A_128 : i32
      "tpu.region"() ({
        %run_scoped3A_130 = tpu.sem_alloc : memref<!tpu.dma_semaphore, #tpu.memory_space<semaphore_mem>>
        %dma_start3A = arith.constant 0 : i32
        %dma_start3A_131 = tpu.memref_slice %arg12[%add3A_129, %dma_start3A] : memref<6144x128xf32, #tpu.memory_space<vmem_shared>> -> memref<128x128xf32, #tpu.memory_space<vmem_shared>>
        %dma_start3A_132 = arith.constant 0 : i32
        %dma_start3A_133 = tpu.memref_slice %arg12[%add3A_129, %dma_start3A_132] : memref<6144x128xf32, #tpu.memory_space<vmem_shared>> -> memref<128x128xf32, #tpu.memory_space<vmem_shared>>
        tpu.enqueue_dma source(%arg10 : memref<128x128xf32, #tpu.memory_space<vmem>>) target(%dma_start3A_133 : memref<128x128xf32, #tpu.memory_space<vmem_shared>>) target_semaphore(%run_scoped3A_130 : memref<!tpu.dma_semaphore, #tpu.memory_space<semaphore_mem>>)
        %dma_wait3A = arith.constant 0 : i32
        %dma_wait3A_134 = tpu.memref_slice %arg12[%add3A_129, %dma_wait3A] : memref<6144x128xf32, #tpu.memory_space<vmem_shared>> -> memref<128x128xf32, #tpu.memory_space<vmem_shared>>
        %dma_wait3A_135 = arith.constant 0 : i32
        %dma_wait3A_136 = tpu.memref_slice %arg12[%add3A_129, %dma_wait3A_135] : memref<6144x128xf32, #tpu.memory_space<vmem_shared>> -> memref<128x128xf32, #tpu.memory_space<vmem_shared>>
        tpu.wait_dma2 semaphore(%run_scoped3A_130 : memref<!tpu.dma_semaphore, #tpu.memory_space<semaphore_mem>>) src(%arg10 : memref<128x128xf32, #tpu.memory_space<vmem>>) dst(%dma_wait3A_136 : memref<128x128xf32, #tpu.memory_space<vmem_shared>>)
        tpu.yield
      }) : () -> ()
    }
    %scan3A_92 = arith.constant 3 : i32
    %barrier3A_93 = arith.constant 0 : index
    tpu.barrier barrier_id(%barrier3A_93)
    %gt3A_94 = arith.constant 0 : i32
    %gt3A_95 = arith.cmpi sgt, %select_n3A_82, %gt3A_94 : i32
    %convert_element_type3A_96 = arith.extui %gt3A_95 : i1 to i32
    %cond3A_97 = arith.constant 0 : i32
    %cond3A_98 = arith.cmpi ne, %convert_element_type3A_96, %cond3A_97 : i32
    scf.if %cond3A_98 {
      %dma_start3A = arith.constant 0 : i32
      %dma_start3A_122 = arith.constant 0 : i32
      %dma_start3A_123 = tpu.memref_slice %arg7[%dma_start3A, %dma_start3A_122] : memref<158x128xi32, #tpu.memory_space<vmem>> -> memref<1x128xi32, #tpu.memory_space<vmem>>
      %dma_start3A_124 = tpu.memref_squeeze %dma_start3A_123 : memref<1x128xi32, #tpu.memory_space<vmem>> -> memref<128xi32, #tpu.memory_space<vmem>>
      %dma_start3A_125 = arith.constant 0 : i32
      %dma_start3A_126 = arith.constant 0 : i32
      %dma_start3A_127 = tpu.memref_slice %arg2[%dma_start3A_125, %dma_start3A_126] : memref<10000x128xf32, #tpu.memory_space<hbm>> -> memref<10000x128xf32, #tpu.memory_space<hbm>>
      tpu.enqueue_indirect_dma source(%dma_start3A_127 : memref<10000x128xf32, #tpu.memory_space<hbm>>) target(%arg10 : memref<128x128xf32, #tpu.memory_space<vmem>>) offsets(%dma_start3A_124 : memref<128xi32, #tpu.memory_space<vmem>>) semaphore(%arg13 : memref<!tpu.dma_semaphore, #tpu.memory_space<semaphore_mem>>)
    } else {
    }
    %sub3A_99 = arith.constant 0 : i32
    %sub3A_100 = arith.subi %select_n3A_82, %sub3A_99 : i32
    %sub3A_101 = arith.constant 2 : i32
    %sub3A_102 = arith.constant 1 : i32
    %sub3A_103 = arith.subi %sub3A_101, %sub3A_102 : i32
    %add3A_104 = arith.addi %sub3A_100, %sub3A_103 : i32
    %div3A_105 = arith.constant 2 : i32
    %div3A_106 = arith.divsi %add3A_104, %div3A_105 : i32
    %while3A_107 = arith.constant 2 : i32
    %while3A_108 = arith.constant 0 : i32
    %while3A_109 = arith.constant 0 : i32
    %while3A_110 = arith.subi %div3A_106, %while3A_109 : i32
    %while3A_111 = arith.addi %while3A_109, %while3A_110 : i32
    %while3A_112 = arith.constant 1 : i32
    %while3A_113 = arith.divsi %while3A_110, %while3A_112 : i32
    %while3A_114 = arith.muli %while3A_113, %while3A_112 : i32
    %while3A_115 = arith.addi %while3A_109, %while3A_114 : i32
    %while3A_116 = arith.constant 1 : i32
    scf.for %while3A_122 = %while3A_109 to %while3A_115 step %while3A_116  : i32 {
      %mul3A_123 = arith.muli %while3A_122, %while3A_107 : i32
      %add3A_124 = arith.addi %while3A_108, %mul3A_123 : i32
      %add3A_125 = arith.constant 1 : i32
      %add3A_126 = arith.addi %add3A_124, %add3A_125 : i32
      %dma_start3A = arith.constant 0 : i32
      %dma_start3A_127 = tpu.memref_slice %arg7[%add3A_126, %dma_start3A] : memref<158x128xi32, #tpu.memory_space<vmem>> -> memref<1x128xi32, #tpu.memory_space<vmem>>
      %dma_start3A_128 = tpu.memref_squeeze %dma_start3A_127 : memref<1x128xi32, #tpu.memory_space<vmem>> -> memref<128xi32, #tpu.memory_space<vmem>>
      %dma_start3A_129 = arith.constant 0 : i32
      %dma_start3A_130 = arith.constant 0 : i32
      %dma_start3A_131 = tpu.memref_slice %arg2[%dma_start3A_129, %dma_start3A_130] : memref<10000x128xf32, #tpu.memory_space<hbm>> -> memref<10000x128xf32, #tpu.memory_space<hbm>>
      tpu.enqueue_indirect_dma source(%dma_start3A_131 : memref<10000x128xf32, #tpu.memory_space<hbm>>) target(%arg11 : memref<128x128xf32, #tpu.memory_space<vmem>>) offsets(%dma_start3A_128 : memref<128xi32, #tpu.memory_space<vmem>>) semaphore(%arg14 : memref<!tpu.dma_semaphore, #tpu.memory_space<semaphore_mem>>)
      %dma_wait3A = arith.constant 0 : i32
      %dma_wait3A_132 = tpu.memref_slice %arg7[%add3A_124, %dma_wait3A] : memref<158x128xi32, #tpu.memory_space<vmem>> -> memref<1x128xi32, #tpu.memory_space<vmem>>
      %dma_wait3A_133 = tpu.memref_squeeze %dma_wait3A_132 : memref<1x128xi32, #tpu.memory_space<vmem>> -> memref<128xi32, #tpu.memory_space<vmem>>
      %dma_wait3A_134 = arith.constant 0 : i32
      %dma_wait3A_135 = arith.constant 0 : i32
      %dma_wait3A_136 = tpu.memref_slice %arg2[%dma_wait3A_134, %dma_wait3A_135] : memref<10000x128xf32, #tpu.memory_space<hbm>> -> memref<10000x128xf32, #tpu.memory_space<hbm>>
      tpu.wait_indirect_dma semaphore(%arg13 : memref<!tpu.dma_semaphore, #tpu.memory_space<semaphore_mem>>) src(%dma_wait3A_136 : memref<10000x128xf32, #tpu.memory_space<hbm>>) dst(%arg10 : memref<128x128xf32, #tpu.memory_space<vmem>>)
      "tpu.region"() ({
        %run_scoped3A_152 = tpu.sem_alloc : memref<!tpu.dma_semaphore, #tpu.memory_space<semaphore_mem>>
        %dma_start3A_153 = arith.constant 0 : i32
        %dma_start3A_154 = tpu.memref_slice %arg8[%add3A_124, %dma_start3A_153] : memref<158x128xi32, #tpu.memory_space<vmem>> -> memref<1x128xi32, #tpu.memory_space<vmem>>
        %dma_start3A_155 = tpu.memref_squeeze %dma_start3A_154 : memref<1x128xi32, #tpu.memory_space<vmem>> -> memref<128xi32, #tpu.memory_space<vmem>>
        %dma_start3A_156 = arith.constant 0 : i32
        %dma_start3A_157 = arith.constant 0 : i32
        %dma_start3A_158 = tpu.memref_slice %arg12[%dma_start3A_156, %dma_start3A_157] : memref<6144x128xf32, #tpu.memory_space<vmem_shared>> -> memref<6144x128xf32, #tpu.memory_space<vmem_shared>>
        tpu.enqueue_indirect_dma source(%arg10 : memref<128x128xf32, #tpu.memory_space<vmem>>) target(%dma_start3A_158 : memref<6144x128xf32, #tpu.memory_space<vmem_shared>>) offsets(%dma_start3A_155 : memref<128xi32, #tpu.memory_space<vmem>>) semaphore(%run_scoped3A_152 : memref<!tpu.dma_semaphore, #tpu.memory_space<semaphore_mem>>) {add = true}
        %dma_wait3A_159 = arith.constant 0 : i32
        %dma_wait3A_160 = tpu.memref_slice %arg8[%add3A_124, %dma_wait3A_159] : memref<158x128xi32, #tpu.memory_space<vmem>> -> memref<1x128xi32, #tpu.memory_space<vmem>>
        %dma_wait3A_161 = tpu.memref_squeeze %dma_wait3A_160 : memref<1x128xi32, #tpu.memory_space<vmem>> -> memref<128xi32, #tpu.memory_space<vmem>>
        %dma_wait3A_162 = arith.constant 0 : i32
        %dma_wait3A_163 = arith.constant 0 : i32
        %dma_wait3A_164 = tpu.memref_slice %arg12[%dma_wait3A_162, %dma_wait3A_163] : memref<6144x128xf32, #tpu.memory_space<vmem_shared>> -> memref<6144x128xf32, #tpu.memory_space<vmem_shared>>
        tpu.wait_indirect_dma semaphore(%run_scoped3A_152 : memref<!tpu.dma_semaphore, #tpu.memory_space<semaphore_mem>>) src(%arg10 : memref<128x128xf32, #tpu.memory_space<vmem>>) dst(%dma_wait3A_164 : memref<6144x128xf32, #tpu.memory_space<vmem_shared>>)
        tpu.yield
      }) : () -> ()
      %add3A_137 = arith.constant 2 : i32
      %add3A_138 = arith.addi %add3A_124, %add3A_137 : i32
      %lt3A = arith.cmpi slt, %add3A_138, %select_n3A_82 : i32
      %convert_element_type3A_139 = arith.extui %lt3A : i1 to i32
      %cond3A_140 = arith.constant 0 : i32
      %cond3A_141 = arith.cmpi ne, %convert_element_type3A_139, %cond3A_140 : i32
      scf.if %cond3A_141 {
        %add3A_152 = arith.constant 2 : i32
        %add3A_153 = arith.addi %add3A_124, %add3A_152 : i32
        %dma_start3A_154 = arith.constant 0 : i32
        %dma_start3A_155 = tpu.memref_slice %arg7[%add3A_153, %dma_start3A_154] : memref<158x128xi32, #tpu.memory_space<vmem>> -> memref<1x128xi32, #tpu.memory_space<vmem>>
        %dma_start3A_156 = tpu.memref_squeeze %dma_start3A_155 : memref<1x128xi32, #tpu.memory_space<vmem>> -> memref<128xi32, #tpu.memory_space<vmem>>
        %dma_start3A_157 = arith.constant 0 : i32
        %dma_start3A_158 = arith.constant 0 : i32
        %dma_start3A_159 = tpu.memref_slice %arg2[%dma_start3A_157, %dma_start3A_158] : memref<10000x128xf32, #tpu.memory_space<hbm>> -> memref<10000x128xf32, #tpu.memory_space<hbm>>
        tpu.enqueue_indirect_dma source(%dma_start3A_159 : memref<10000x128xf32, #tpu.memory_space<hbm>>) target(%arg10 : memref<128x128xf32, #tpu.memory_space<vmem>>) offsets(%dma_start3A_156 : memref<128xi32, #tpu.memory_space<vmem>>) semaphore(%arg13 : memref<!tpu.dma_semaphore, #tpu.memory_space<semaphore_mem>>)
      } else {
      }
      %add3A_142 = arith.constant 1 : i32
      %add3A_143 = arith.addi %add3A_124, %add3A_142 : i32
      %dma_wait3A_144 = arith.constant 0 : i32
      %dma_wait3A_145 = tpu.memref_slice %arg7[%add3A_143, %dma_wait3A_144] : memref<158x128xi32, #tpu.memory_space<vmem>> -> memref<1x128xi32, #tpu.memory_space<vmem>>
      %dma_wait3A_146 = tpu.memref_squeeze %dma_wait3A_145 : memref<1x128xi32, #tpu.memory_space<vmem>> -> memref<128xi32, #tpu.memory_space<vmem>>
      %dma_wait3A_147 = arith.constant 0 : i32
      %dma_wait3A_148 = arith.constant 0 : i32
      %dma_wait3A_149 = tpu.memref_slice %arg2[%dma_wait3A_147, %dma_wait3A_148] : memref<10000x128xf32, #tpu.memory_space<hbm>> -> memref<10000x128xf32, #tpu.memory_space<hbm>>
      tpu.wait_indirect_dma semaphore(%arg14 : memref<!tpu.dma_semaphore, #tpu.memory_space<semaphore_mem>>) src(%dma_wait3A_149 : memref<10000x128xf32, #tpu.memory_space<hbm>>) dst(%arg11 : memref<128x128xf32, #tpu.memory_space<vmem>>)
      %add3A_150 = arith.constant 1 : i32
      %add3A_151 = arith.addi %add3A_124, %add3A_150 : i32
      "tpu.region"() ({
        %run_scoped3A_152 = tpu.sem_alloc : memref<!tpu.dma_semaphore, #tpu.memory_space<semaphore_mem>>
        %dma_start3A_153 = arith.constant 0 : i32
        %dma_start3A_154 = tpu.memref_slice %arg8[%add3A_151, %dma_start3A_153] : memref<158x128xi32, #tpu.memory_space<vmem>> -> memref<1x128xi32, #tpu.memory_space<vmem>>
        %dma_start3A_155 = tpu.memref_squeeze %dma_start3A_154 : memref<1x128xi32, #tpu.memory_space<vmem>> -> memref<128xi32, #tpu.memory_space<vmem>>
        %dma_start3A_156 = arith.constant 0 : i32
        %dma_start3A_157 = arith.constant 0 : i32
        %dma_start3A_158 = tpu.memref_slice %arg12[%dma_start3A_156, %dma_start3A_157] : memref<6144x128xf32, #tpu.memory_space<vmem_shared>> -> memref<6144x128xf32, #tpu.memory_space<vmem_shared>>
        tpu.enqueue_indirect_dma source(%arg11 : memref<128x128xf32, #tpu.memory_space<vmem>>) target(%dma_start3A_158 : memref<6144x128xf32, #tpu.memory_space<vmem_shared>>) offsets(%dma_start3A_155 : memref<128xi32, #tpu.memory_space<vmem>>) semaphore(%run_scoped3A_152 : memref<!tpu.dma_semaphore, #tpu.memory_space<semaphore_mem>>) {add = true}
        %dma_wait3A_159 = arith.constant 0 : i32
        %dma_wait3A_160 = tpu.memref_slice %arg8[%add3A_151, %dma_wait3A_159] : memref<158x128xi32, #tpu.memory_space<vmem>> -> memref<1x128xi32, #tpu.memory_space<vmem>>
        %dma_wait3A_161 = tpu.memref_squeeze %dma_wait3A_160 : memref<1x128xi32, #tpu.memory_space<vmem>> -> memref<128xi32, #tpu.memory_space<vmem>>
        %dma_wait3A_162 = arith.constant 0 : i32
        %dma_wait3A_163 = arith.constant 0 : i32
        %dma_wait3A_164 = tpu.memref_slice %arg12[%dma_wait3A_162, %dma_wait3A_163] : memref<6144x128xf32, #tpu.memory_space<vmem_shared>> -> memref<6144x128xf32, #tpu.memory_space<vmem_shared>>
        tpu.wait_indirect_dma semaphore(%run_scoped3A_152 : memref<!tpu.dma_semaphore, #tpu.memory_space<semaphore_mem>>) src(%arg11 : memref<128x128xf32, #tpu.memory_space<vmem>>) dst(%dma_wait3A_164 : memref<6144x128xf32, #tpu.memory_space<vmem_shared>>)
        tpu.yield
      }) : () -> ()
    }
    %while3A_117 = arith.constant 1 : i32
    scf.for %while3A_122 = %while3A_115 to %while3A_111 step %while3A_117  : i32 {
      %mul3A_123 = arith.muli %while3A_122, %while3A_107 : i32
      %add3A_124 = arith.addi %while3A_108, %mul3A_123 : i32
      %add3A_125 = arith.constant 1 : i32
      %add3A_126 = arith.addi %add3A_124, %add3A_125 : i32
      %dma_start3A = arith.constant 0 : i32
      %dma_start3A_127 = tpu.memref_slice %arg7[%add3A_126, %dma_start3A] : memref<158x128xi32, #tpu.memory_space<vmem>> -> memref<1x128xi32, #tpu.memory_space<vmem>>
      %dma_start3A_128 = tpu.memref_squeeze %dma_start3A_127 : memref<1x128xi32, #tpu.memory_space<vmem>> -> memref<128xi32, #tpu.memory_space<vmem>>
      %dma_start3A_129 = arith.constant 0 : i32
      %dma_start3A_130 = arith.constant 0 : i32
      %dma_start3A_131 = tpu.memref_slice %arg2[%dma_start3A_129, %dma_start3A_130] : memref<10000x128xf32, #tpu.memory_space<hbm>> -> memref<10000x128xf32, #tpu.memory_space<hbm>>
      tpu.enqueue_indirect_dma source(%dma_start3A_131 : memref<10000x128xf32, #tpu.memory_space<hbm>>) target(%arg11 : memref<128x128xf32, #tpu.memory_space<vmem>>) offsets(%dma_start3A_128 : memref<128xi32, #tpu.memory_space<vmem>>) semaphore(%arg14 : memref<!tpu.dma_semaphore, #tpu.memory_space<semaphore_mem>>)
      %dma_wait3A = arith.constant 0 : i32
      %dma_wait3A_132 = tpu.memref_slice %arg7[%add3A_124, %dma_wait3A] : memref<158x128xi32, #tpu.memory_space<vmem>> -> memref<1x128xi32, #tpu.memory_space<vmem>>
      %dma_wait3A_133 = tpu.memref_squeeze %dma_wait3A_132 : memref<1x128xi32, #tpu.memory_space<vmem>> -> memref<128xi32, #tpu.memory_space<vmem>>
      %dma_wait3A_134 = arith.constant 0 : i32
      %dma_wait3A_135 = arith.constant 0 : i32
      %dma_wait3A_136 = tpu.memref_slice %arg2[%dma_wait3A_134, %dma_wait3A_135] : memref<10000x128xf32, #tpu.memory_space<hbm>> -> memref<10000x128xf32, #tpu.memory_space<hbm>>
      tpu.wait_indirect_dma semaphore(%arg13 : memref<!tpu.dma_semaphore, #tpu.memory_space<semaphore_mem>>) src(%dma_wait3A_136 : memref<10000x128xf32, #tpu.memory_space<hbm>>) dst(%arg10 : memref<128x128xf32, #tpu.memory_space<vmem>>)
      "tpu.region"() ({
        %run_scoped3A_152 = tpu.sem_alloc : memref<!tpu.dma_semaphore, #tpu.memory_space<semaphore_mem>>
        %dma_start3A_153 = arith.constant 0 : i32
        %dma_start3A_154 = tpu.memref_slice %arg8[%add3A_124, %dma_start3A_153] : memref<158x128xi32, #tpu.memory_space<vmem>> -> memref<1x128xi32, #tpu.memory_space<vmem>>
        %dma_start3A_155 = tpu.memref_squeeze %dma_start3A_154 : memref<1x128xi32, #tpu.memory_space<vmem>> -> memref<128xi32, #tpu.memory_space<vmem>>
        %dma_start3A_156 = arith.constant 0 : i32
        %dma_start3A_157 = arith.constant 0 : i32
        %dma_start3A_158 = tpu.memref_slice %arg12[%dma_start3A_156, %dma_start3A_157] : memref<6144x128xf32, #tpu.memory_space<vmem_shared>> -> memref<6144x128xf32, #tpu.memory_space<vmem_shared>>
        tpu.enqueue_indirect_dma source(%arg10 : memref<128x128xf32, #tpu.memory_space<vmem>>) target(%dma_start3A_158 : memref<6144x128xf32, #tpu.memory_space<vmem_shared>>) offsets(%dma_start3A_155 : memref<128xi32, #tpu.memory_space<vmem>>) semaphore(%run_scoped3A_152 : memref<!tpu.dma_semaphore, #tpu.memory_space<semaphore_mem>>) {add = true}
        %dma_wait3A_159 = arith.constant 0 : i32
        %dma_wait3A_160 = tpu.memref_slice %arg8[%add3A_124, %dma_wait3A_159] : memref<158x128xi32, #tpu.memory_space<vmem>> -> memref<1x128xi32, #tpu.memory_space<vmem>>
        %dma_wait3A_161 = tpu.memref_squeeze %dma_wait3A_160 : memref<1x128xi32, #tpu.memory_space<vmem>> -> memref<128xi32, #tpu.memory_space<vmem>>
        %dma_wait3A_162 = arith.constant 0 : i32
        %dma_wait3A_163 = arith.constant 0 : i32
        %dma_wait3A_164 = tpu.memref_slice %arg12[%dma_wait3A_162, %dma_wait3A_163] : memref<6144x128xf32, #tpu.memory_space<vmem_shared>> -> memref<6144x128xf32, #tpu.memory_space<vmem_shared>>
        tpu.wait_indirect_dma semaphore(%run_scoped3A_152 : memref<!tpu.dma_semaphore, #tpu.memory_space<semaphore_mem>>) src(%arg10 : memref<128x128xf32, #tpu.memory_space<vmem>>) dst(%dma_wait3A_164 : memref<6144x128xf32, #tpu.memory_space<vmem_shared>>)
        tpu.yield
      }) : () -> ()
      %add3A_137 = arith.constant 2 : i32
      %add3A_138 = arith.addi %add3A_124, %add3A_137 : i32
      %lt3A = arith.cmpi slt, %add3A_138, %select_n3A_82 : i32
      %convert_element_type3A_139 = arith.extui %lt3A : i1 to i32
      %cond3A_140 = arith.constant 0 : i32
      %cond3A_141 = arith.cmpi ne, %convert_element_type3A_139, %cond3A_140 : i32
      scf.if %cond3A_141 {
        %add3A_152 = arith.constant 2 : i32
        %add3A_153 = arith.addi %add3A_124, %add3A_152 : i32
        %dma_start3A_154 = arith.constant 0 : i32
        %dma_start3A_155 = tpu.memref_slice %arg7[%add3A_153, %dma_start3A_154] : memref<158x128xi32, #tpu.memory_space<vmem>> -> memref<1x128xi32, #tpu.memory_space<vmem>>
        %dma_start3A_156 = tpu.memref_squeeze %dma_start3A_155 : memref<1x128xi32, #tpu.memory_space<vmem>> -> memref<128xi32, #tpu.memory_space<vmem>>
        %dma_start3A_157 = arith.constant 0 : i32
        %dma_start3A_158 = arith.constant 0 : i32
        %dma_start3A_159 = tpu.memref_slice %arg2[%dma_start3A_157, %dma_start3A_158] : memref<10000x128xf32, #tpu.memory_space<hbm>> -> memref<10000x128xf32, #tpu.memory_space<hbm>>
        tpu.enqueue_indirect_dma source(%dma_start3A_159 : memref<10000x128xf32, #tpu.memory_space<hbm>>) target(%arg10 : memref<128x128xf32, #tpu.memory_space<vmem>>) offsets(%dma_start3A_156 : memref<128xi32, #tpu.memory_space<vmem>>) semaphore(%arg13 : memref<!tpu.dma_semaphore, #tpu.memory_space<semaphore_mem>>)
      } else {
      }
      %add3A_142 = arith.constant 1 : i32
      %add3A_143 = arith.addi %add3A_124, %add3A_142 : i32
      %dma_wait3A_144 = arith.constant 0 : i32
      %dma_wait3A_145 = tpu.memref_slice %arg7[%add3A_143, %dma_wait3A_144] : memref<158x128xi32, #tpu.memory_space<vmem>> -> memref<1x128xi32, #tpu.memory_space<vmem>>
      %dma_wait3A_146 = tpu.memref_squeeze %dma_wait3A_145 : memref<1x128xi32, #tpu.memory_space<vmem>> -> memref<128xi32, #tpu.memory_space<vmem>>
      %dma_wait3A_147 = arith.constant 0 : i32
      %dma_wait3A_148 = arith.constant 0 : i32
      %dma_wait3A_149 = tpu.memref_slice %arg2[%dma_wait3A_147, %dma_wait3A_148] : memref<10000x128xf32, #tpu.memory_space<hbm>> -> memref<10000x128xf32, #tpu.memory_space<hbm>>
      tpu.wait_indirect_dma semaphore(%arg14 : memref<!tpu.dma_semaphore, #tpu.memory_space<semaphore_mem>>) src(%dma_wait3A_149 : memref<10000x128xf32, #tpu.memory_space<hbm>>) dst(%arg11 : memref<128x128xf32, #tpu.memory_space<vmem>>)
      %add3A_150 = arith.constant 1 : i32
      %add3A_151 = arith.addi %add3A_124, %add3A_150 : i32
      "tpu.region"() ({
        %run_scoped3A_152 = tpu.sem_alloc : memref<!tpu.dma_semaphore, #tpu.memory_space<semaphore_mem>>
        %dma_start3A_153 = arith.constant 0 : i32
        %dma_start3A_154 = tpu.memref_slice %arg8[%add3A_151, %dma_start3A_153] : memref<158x128xi32, #tpu.memory_space<vmem>> -> memref<1x128xi32, #tpu.memory_space<vmem>>
        %dma_start3A_155 = tpu.memref_squeeze %dma_start3A_154 : memref<1x128xi32, #tpu.memory_space<vmem>> -> memref<128xi32, #tpu.memory_space<vmem>>
        %dma_start3A_156 = arith.constant 0 : i32
        %dma_start3A_157 = arith.constant 0 : i32
        %dma_start3A_158 = tpu.memref_slice %arg12[%dma_start3A_156, %dma_start3A_157] : memref<6144x128xf32, #tpu.memory_space<vmem_shared>> -> memref<6144x128xf32, #tpu.memory_space<vmem_shared>>
        tpu.enqueue_indirect_dma source(%arg11 : memref<128x128xf32, #tpu.memory_space<vmem>>) target(%dma_start3A_158 : memref<6144x128xf32, #tpu.memory_space<vmem_shared>>) offsets(%dma_start3A_155 : memref<128xi32, #tpu.memory_space<vmem>>) semaphore(%run_scoped3A_152 : memref<!tpu.dma_semaphore, #tpu.memory_space<semaphore_mem>>) {add = true}
        %dma_wait3A_159 = arith.constant 0 : i32
        %dma_wait3A_160 = tpu.memref_slice %arg8[%add3A_151, %dma_wait3A_159] : memref<158x128xi32, #tpu.memory_space<vmem>> -> memref<1x128xi32, #tpu.memory_space<vmem>>
        %dma_wait3A_161 = tpu.memref_squeeze %dma_wait3A_160 : memref<1x128xi32, #tpu.memory_space<vmem>> -> memref<128xi32, #tpu.memory_space<vmem>>
        %dma_wait3A_162 = arith.constant 0 : i32
        %dma_wait3A_163 = arith.constant 0 : i32
        %dma_wait3A_164 = tpu.memref_slice %arg12[%dma_wait3A_162, %dma_wait3A_163] : memref<6144x128xf32, #tpu.memory_space<vmem_shared>> -> memref<6144x128xf32, #tpu.memory_space<vmem_shared>>
        tpu.wait_indirect_dma semaphore(%run_scoped3A_152 : memref<!tpu.dma_semaphore, #tpu.memory_space<semaphore_mem>>) src(%arg11 : memref<128x128xf32, #tpu.memory_space<vmem>>) dst(%dma_wait3A_164 : memref<6144x128xf32, #tpu.memory_space<vmem_shared>>)
        tpu.yield
      }) : () -> ()
    }
    %barrier3A_118 = arith.constant 0 : index
    tpu.barrier barrier_id(%barrier3A_118)
    %add3A_119 = arith.constant 6144 : i32
    %add3A_120 = arith.addi %add3A_119, %mul3A_0 : i32
    "tpu.region"() ({
      %run_scoped3A_122 = tpu.sem_alloc : memref<!tpu.dma_semaphore, #tpu.memory_space<semaphore_mem>>
      %dma_start3A = arith.constant 0 : i32
      %dma_start3A_123 = tpu.memref_slice %arg6[%add3A_120, %dma_start3A] : memref<12288x128xf32, #tpu.memory_space<hbm>> -> memref<384x128xf32, #tpu.memory_space<hbm>>
      %dma_start3A_124 = arith.constant 0 : i32
      %dma_start3A_125 = tpu.memref_slice %arg12[%mul3A_0, %dma_start3A_124] : memref<6144x128xf32, #tpu.memory_space<vmem_shared>> -> memref<384x128xf32, #tpu.memory_space<vmem_shared>>
      tpu.enqueue_dma source(%dma_start3A_125 : memref<384x128xf32, #tpu.memory_space<vmem_shared>>) target(%dma_start3A_123 : memref<384x128xf32, #tpu.memory_space<hbm>>) target_semaphore(%run_scoped3A_122 : memref<!tpu.dma_semaphore, #tpu.memory_space<semaphore_mem>>)
      %dma_wait3A = arith.constant 0 : i32
      %dma_wait3A_126 = tpu.memref_slice %arg6[%add3A_120, %dma_wait3A] : memref<12288x128xf32, #tpu.memory_space<hbm>> -> memref<384x128xf32, #tpu.memory_space<hbm>>
      %dma_wait3A_127 = arith.constant 0 : i32
      %dma_wait3A_128 = tpu.memref_slice %arg12[%mul3A_0, %dma_wait3A_127] : memref<6144x128xf32, #tpu.memory_space<vmem_shared>> -> memref<384x128xf32, #tpu.memory_space<vmem_shared>>
      tpu.wait_dma2 semaphore(%run_scoped3A_122 : memref<!tpu.dma_semaphore, #tpu.memory_space<semaphore_mem>>) src(%dma_wait3A_128 : memref<384x128xf32, #tpu.memory_space<vmem_shared>>) dst(%dma_wait3A_126 : memref<384x128xf32, #tpu.memory_space<hbm>>)
      tpu.yield
    }) : () -> ()
    %barrier3A_121 = arith.constant 0 : index
    tpu.barrier barrier_id(%barrier3A_121)
    return
  }
}

#map = affine_map<(d0, d1) -> (0, 0)>
#map1 = affine_map<(d0, d1) -> (0, 0, 0, 0)>
module attributes {stable_mosaic.version = 14 : i64} {
  func.func @bink(%arg0: i32, %arg1: i32, %arg2: memref<16x20224xi32, #tpu.memory_space<hbm>>, %arg3: memref<16x20224xi32, #tpu.memory_space<hbm>>, %arg4: memref<16x2x158x128xi32, #tpu.memory_space<hbm>>, %arg5: memref<16x2x158x128xi32, #tpu.memory_space<hbm>>, %arg6: memref<16x16xi32, #tpu.memory_space<hbm>>, %arg7: memref<20224xi32, #tpu.memory_space<vmem>>, %arg8: memref<20224xi32, #tpu.memory_space<vmem>>, %arg9: memref<158x128xi32, #tpu.memory_space<vmem>>, %arg10: memref<158x128xi32, #tpu.memory_space<vmem>>, %arg11: memref<16xi32, #tpu.memory_space<vmem>>) attributes {dimension_semantics = [#tpu.dimension_semantics<core_parallel>, #tpu.dimension_semantics<subcore_parallel>], iteration_bounds = array<i64: 1, 16>, scalar_prefetch = 0 : i64, scratch_operands = 5 : i64, tpu.core_type = #tpu.core_type<sc_vector_subcore>, window_params = [{transform_indices = #map}, {transform_indices = #map}, {transform_indices = #map1}, {transform_indices = #map1}, {transform_indices = #map}]} {
    "tpu.region"() ({
      %run_scoped3A_779 = tpu.sem_alloc : memref<!tpu.dma_semaphore, #tpu.memory_space<semaphore_mem>>
      %dma_start3A = arith.constant 0 : i32
      %dma_start3A_780 = tpu.memref_slice %arg2[%arg1, %dma_start3A] : memref<16x20224xi32, #tpu.memory_space<hbm>> -> memref<1x20224xi32, #tpu.memory_space<hbm>>
      %dma_start3A_781 = tpu.memref_squeeze %dma_start3A_780 : memref<1x20224xi32, #tpu.memory_space<hbm>> -> memref<20224xi32, #tpu.memory_space<hbm>>
      %dma_start3A_782 = arith.constant 0 : i32
      %dma_start3A_783 = tpu.memref_slice %arg2[%arg1, %dma_start3A_782] : memref<16x20224xi32, #tpu.memory_space<hbm>> -> memref<1x20224xi32, #tpu.memory_space<hbm>>
      %dma_start3A_784 = tpu.memref_squeeze %dma_start3A_783 : memref<1x20224xi32, #tpu.memory_space<hbm>> -> memref<20224xi32, #tpu.memory_space<hbm>>
      tpu.enqueue_dma source(%dma_start3A_784 : memref<20224xi32, #tpu.memory_space<hbm>>) target(%arg7 : memref<20224xi32, #tpu.memory_space<vmem>>) target_semaphore(%run_scoped3A_779 : memref<!tpu.dma_semaphore, #tpu.memory_space<semaphore_mem>>)
      %dma_wait3A = arith.constant 0 : i32
      %dma_wait3A_785 = tpu.memref_slice %arg2[%arg1, %dma_wait3A] : memref<16x20224xi32, #tpu.memory_space<hbm>> -> memref<1x20224xi32, #tpu.memory_space<hbm>>
      %dma_wait3A_786 = tpu.memref_squeeze %dma_wait3A_785 : memref<1x20224xi32, #tpu.memory_space<hbm>> -> memref<20224xi32, #tpu.memory_space<hbm>>
      %dma_wait3A_787 = arith.constant 0 : i32
      %dma_wait3A_788 = tpu.memref_slice %arg2[%arg1, %dma_wait3A_787] : memref<16x20224xi32, #tpu.memory_space<hbm>> -> memref<1x20224xi32, #tpu.memory_space<hbm>>
      %dma_wait3A_789 = tpu.memref_squeeze %dma_wait3A_788 : memref<1x20224xi32, #tpu.memory_space<hbm>> -> memref<20224xi32, #tpu.memory_space<hbm>>
      tpu.wait_dma2 semaphore(%run_scoped3A_779 : memref<!tpu.dma_semaphore, #tpu.memory_space<semaphore_mem>>) src(%dma_wait3A_789 : memref<20224xi32, #tpu.memory_space<hbm>>) dst(%arg7 : memref<20224xi32, #tpu.memory_space<vmem>>)
      tpu.yield
    }) : () -> ()
    "tpu.region"() ({
      %run_scoped3A_779 = tpu.sem_alloc : memref<!tpu.dma_semaphore, #tpu.memory_space<semaphore_mem>>
      %dma_start3A = arith.constant 0 : i32
      %dma_start3A_780 = tpu.memref_slice %arg3[%arg1, %dma_start3A] : memref<16x20224xi32, #tpu.memory_space<hbm>> -> memref<1x20224xi32, #tpu.memory_space<hbm>>
      %dma_start3A_781 = tpu.memref_squeeze %dma_start3A_780 : memref<1x20224xi32, #tpu.memory_space<hbm>> -> memref<20224xi32, #tpu.memory_space<hbm>>
      %dma_start3A_782 = arith.constant 0 : i32
      %dma_start3A_783 = tpu.memref_slice %arg3[%arg1, %dma_start3A_782] : memref<16x20224xi32, #tpu.memory_space<hbm>> -> memref<1x20224xi32, #tpu.memory_space<hbm>>
      %dma_start3A_784 = tpu.memref_squeeze %dma_start3A_783 : memref<1x20224xi32, #tpu.memory_space<hbm>> -> memref<20224xi32, #tpu.memory_space<hbm>>
      tpu.enqueue_dma source(%dma_start3A_784 : memref<20224xi32, #tpu.memory_space<hbm>>) target(%arg8 : memref<20224xi32, #tpu.memory_space<vmem>>) target_semaphore(%run_scoped3A_779 : memref<!tpu.dma_semaphore, #tpu.memory_space<semaphore_mem>>)
      %dma_wait3A = arith.constant 0 : i32
      %dma_wait3A_785 = tpu.memref_slice %arg3[%arg1, %dma_wait3A] : memref<16x20224xi32, #tpu.memory_space<hbm>> -> memref<1x20224xi32, #tpu.memory_space<hbm>>
      %dma_wait3A_786 = tpu.memref_squeeze %dma_wait3A_785 : memref<1x20224xi32, #tpu.memory_space<hbm>> -> memref<20224xi32, #tpu.memory_space<hbm>>
      %dma_wait3A_787 = arith.constant 0 : i32
      %dma_wait3A_788 = tpu.memref_slice %arg3[%arg1, %dma_wait3A_787] : memref<16x20224xi32, #tpu.memory_space<hbm>> -> memref<1x20224xi32, #tpu.memory_space<hbm>>
      %dma_wait3A_789 = tpu.memref_squeeze %dma_wait3A_788 : memref<1x20224xi32, #tpu.memory_space<hbm>> -> memref<20224xi32, #tpu.memory_space<hbm>>
      tpu.wait_dma2 semaphore(%run_scoped3A_779 : memref<!tpu.dma_semaphore, #tpu.memory_space<semaphore_mem>>) src(%dma_wait3A_789 : memref<20224xi32, #tpu.memory_space<hbm>>) dst(%arg8 : memref<20224xi32, #tpu.memory_space<vmem>>)
      tpu.yield
    }) : () -> ()
    %iota3A = tpu.iota {dimensions = array<i32: 0>} : vector<16xi32>
    %broadcast_in_dim3A = arith.constant 0 : i32
    %broadcast_in_dim3A_0 = vector.broadcast %broadcast_in_dim3A : i32 to vector<16xi32>
    %scan3A = arith.constant 0 : i32
    %scan3A_1 = arith.constant 0 : i32
    %scan3A_2 = arith.constant 1264 : i32
    %scan3A_3 = arith.addi %scan3A_1, %scan3A_2 : i32
    %scan3A_4 = arith.constant 1 : i32
    %scan3A_5 = scf.for %scan3A_779 = %scan3A_1 to %scan3A_3 step %scan3A_4 iter_args(%scan3A_780 = %scan3A) -> (i32)  : i32 {
      %mul3A_781 = arith.constant 16 : i32
      %mul3A_782 = arith.muli %scan3A_779, %mul3A_781 : i32
      %get3A = arith.index_cast %mul3A_782 : i32 to index
      %get3A_783 = tpu.vector_load %arg8[%get3A] {strides = array<i32>} : memref<20224xi32, #tpu.memory_space<vmem>>, vector<16xi32>,
      %mul3A_784 = arith.constant 16 : i32
      %mul3A_785 = arith.muli %scan3A_779, %mul3A_784 : i32
      %get3A_786 = arith.index_cast %mul3A_785 : i32 to index
      %get3A_787 = tpu.vector_load %arg7[%get3A_786] {strides = array<i32>} : memref<20224xi32, #tpu.memory_space<vmem>>, vector<16xi32>,
      %ge3A = arith.constant 0 : i32
      %ge3A_788 = vector.broadcast %ge3A : i32 to vector<16xi32>
      %ge3A_789 = arith.cmpi sge, %get3A_783, %ge3A_788 : vector<16xi32>
      %lt3A_790 = arith.constant 4992 : i32
      %lt3A_791 = vector.broadcast %lt3A_790 : i32 to vector<16xi32>
      %lt3A_792 = arith.cmpi slt, %get3A_783, %lt3A_791 : vector<16xi32>
      %and3A_793 = arith.andi %ge3A_789, %lt3A_792 : vector<16xi1>
      %jit3A_794 = arith.constant 1 : i32
      %jit3A_795 = arith.constant 0 : i32
      %broadcast_in_dim3A_796 = vector.broadcast %jit3A_794 : i32 to vector<16xi32>
      %broadcast_in_dim3A_797 = vector.broadcast %jit3A_795 : i32 to vector<16xi32>
      %select_n3A_798 = arith.select %and3A_793, %broadcast_in_dim3A_796, %broadcast_in_dim3A_797 : vector<16xi1>, vector<16xi32>
      %broadcast_in_dim3A_799 = arith.constant true
      %broadcast_in_dim3A_800 = vector.broadcast %broadcast_in_dim3A_799 : i1 to vector<16xi1>
      %masked_cumsum3A = tpu.scan <sum>, %select_n3A_798 masked %broadcast_in_dim3A_800 : vector<16xi32>, vector<16xi1> -> vector<16xi32>
      %sub3A_801 = arith.constant 1 : i32
      %sub3A_802 = vector.broadcast %sub3A_801 : i32 to vector<16xi32>
      %sub3A_803 = arith.subi %masked_cumsum3A, %sub3A_802 : vector<16xi32>
      %add3A_804 = vector.broadcast %scan3A_780 : i32 to vector<16xi32>
      %add3A_805 = arith.addi %sub3A_803, %add3A_804 : vector<16xi32>
      %shift_right_arithmetic3A_806 = arith.constant 7 : i32
      %shift_right_arithmetic3A_807 = vector.broadcast %shift_right_arithmetic3A_806 : i32 to vector<16xi32>
      %shift_right_arithmetic3A_808 = arith.shrsi %add3A_805, %shift_right_arithmetic3A_807 : vector<16xi32>
      %and3A_809 = arith.constant 127 : i32
      %and3A_810 = vector.broadcast %and3A_809 : i32 to vector<16xi32>
      %and3A_811 = arith.andi %add3A_805, %and3A_810 : vector<16xi32>
      %sub3A_812 = arith.constant 0 : i32
      %sub3A_813 = vector.broadcast %sub3A_812 : i32 to vector<16xi32>
      %sub3A_814 = arith.subi %get3A_783, %sub3A_813 : vector<16xi32>
      tpu.vector_store_idx %arg10[%shift_right_arithmetic3A_808, %and3A_811], %sub3A_814 masked %and3A_793 : memref<158x128xi32, #tpu.memory_space<vmem>>[vector<16xi32>, vector<16xi32>], vector<16xi32>, vector<16xi1>
      %shift_right_arithmetic3A_815 = arith.constant 7 : i32
      %shift_right_arithmetic3A_816 = vector.broadcast %shift_right_arithmetic3A_815 : i32 to vector<16xi32>
      %shift_right_arithmetic3A_817 = arith.shrsi %add3A_805, %shift_right_arithmetic3A_816 : vector<16xi32>
      %and3A_818 = arith.constant 127 : i32
      %and3A_819 = vector.broadcast %and3A_818 : i32 to vector<16xi32>
      %and3A_820 = arith.andi %add3A_805, %and3A_819 : vector<16xi32>
      tpu.vector_store_idx %arg9[%shift_right_arithmetic3A_817, %and3A_820], %get3A_787 masked %and3A_793 : memref<158x128xi32, #tpu.memory_space<vmem>>[vector<16xi32>, vector<16xi32>], vector<16xi32>, vector<16xi1>
      %reduce_sum3A = arith.constant true
      %reduce_sum3A_821 = vector.broadcast %reduce_sum3A : i1 to vector<16xi1>
      %reduce_sum3A_822 = tpu.scan <sum>, %select_n3A_798 masked %reduce_sum3A_821 : vector<16xi32>, vector<16xi1> -> vector<16xi32>
      %reduce_sum3A_823 = vector.extract %reduce_sum3A_822[15] : i32 from vector<16xi32>
      %add3A_824 = arith.addi %scan3A_780, %reduce_sum3A_823 : i32
      scf.yield %add3A_824 : i32
    }
    %scan3A_6 = arith.constant 1264 : i32
    %add3A = arith.constant 256 : i32
    %add3A_7 = arith.addi %scan3A_5, %add3A : i32
    %sub3A = arith.constant 1 : i32
    %sub3A_8 = arith.subi %add3A_7, %sub3A : i32
    %jit3A = arith.constant 256 : i32
    %div3A = arith.divsi %sub3A_8, %jit3A : i32
    %sign3A = arith.constant 0 : i32
    %sign3A_9 = arith.cmpi sgt, %sub3A_8, %sign3A : i32
    %sign3A_10 = arith.extui %sign3A_9 : i1 to i32
    %sign3A_11 = arith.constant 0 : i32
    %sign3A_12 = arith.cmpi slt, %sub3A_8, %sign3A_11 : i32
    %sign3A_13 = arith.extui %sign3A_12 : i1 to i32
    %sign3A_14 = arith.subi %sign3A_10, %sign3A_13 : i32
    %sign3A_15 = arith.constant 0 : i32
    %sign3A_16 = arith.cmpi sgt, %jit3A, %sign3A_15 : i32
    %sign3A_17 = arith.extui %sign3A_16 : i1 to i32
    %sign3A_18 = arith.constant 0 : i32
    %sign3A_19 = arith.cmpi slt, %jit3A, %sign3A_18 : i32
    %sign3A_20 = arith.extui %sign3A_19 : i1 to i32
    %sign3A_21 = arith.subi %sign3A_17, %sign3A_20 : i32
    %ne3A = arith.cmpi ne, %sign3A_14, %sign3A_21 : i32
    %rem3A = arith.remsi %sub3A_8, %jit3A : i32
    %ne3A_22 = arith.constant 0 : i32
    %ne3A_23 = arith.cmpi ne, %rem3A, %ne3A_22 : i32
    %and3A = arith.andi %ne3A, %ne3A_23 : i1
    %sub3A_24 = arith.constant 1 : i32
    %sub3A_25 = arith.subi %div3A, %sub3A_24 : i32
    %select_n3A = arith.select %and3A, %sub3A_25, %div3A : i32
    %mul3A = arith.constant 256 : i32
    %mul3A_26 = arith.muli %select_n3A, %mul3A : i32
    %add3A_27 = arith.constant 0 : i32
    %add3A_28 = arith.addi %scan3A_5, %add3A_27 : i32
    %add3A_29 = vector.broadcast %add3A_28 : i32 to vector<16xi32>
    %add3A_30 = arith.addi %add3A_29, %iota3A : vector<16xi32>
    %lt3A = vector.broadcast %mul3A_26 : i32 to vector<16xi32>
    %lt3A_31 = arith.cmpi slt, %add3A_30, %lt3A : vector<16xi32>
    %shift_right_arithmetic3A = arith.constant 7 : i32
    %shift_right_arithmetic3A_32 = vector.broadcast %shift_right_arithmetic3A : i32 to vector<16xi32>
    %shift_right_arithmetic3A_33 = arith.shrsi %add3A_30, %shift_right_arithmetic3A_32 : vector<16xi32>
    %and3A_34 = arith.constant 127 : i32
    %and3A_35 = vector.broadcast %and3A_34 : i32 to vector<16xi32>
    %and3A_36 = arith.andi %add3A_30, %and3A_35 : vector<16xi32>
    %broadcast_in_dim3A_37 = arith.constant 5008 : i32
    %broadcast_in_dim3A_38 = vector.broadcast %broadcast_in_dim3A_37 : i32 to vector<16xi32>
    tpu.vector_store_idx %arg10[%shift_right_arithmetic3A_33, %and3A_36], %broadcast_in_dim3A_38 masked %lt3A_31 : memref<158x128xi32, #tpu.memory_space<vmem>>[vector<16xi32>, vector<16xi32>], vector<16xi32>, vector<16xi1>
    %shift_right_arithmetic3A_39 = arith.constant 7 : i32
    %shift_right_arithmetic3A_40 = vector.broadcast %shift_right_arithmetic3A_39 : i32 to vector<16xi32>
    %shift_right_arithmetic3A_41 = arith.shrsi %add3A_30, %shift_right_arithmetic3A_40 : vector<16xi32>
    %and3A_42 = arith.constant 127 : i32
    %and3A_43 = vector.broadcast %and3A_42 : i32 to vector<16xi32>
    %and3A_44 = arith.andi %add3A_30, %and3A_43 : vector<16xi32>
    %broadcast_in_dim3A_45 = arith.constant 0 : i32
    %broadcast_in_dim3A_46 = vector.broadcast %broadcast_in_dim3A_45 : i32 to vector<16xi32>
    tpu.vector_store_idx %arg9[%shift_right_arithmetic3A_41, %and3A_44], %broadcast_in_dim3A_46 masked %lt3A_31 : memref<158x128xi32, #tpu.memory_space<vmem>>[vector<16xi32>, vector<16xi32>], vector<16xi32>, vector<16xi1>
    %add3A_47 = arith.constant 16 : i32
    %add3A_48 = arith.addi %scan3A_5, %add3A_47 : i32
    %add3A_49 = vector.broadcast %add3A_48 : i32 to vector<16xi32>
    %add3A_50 = arith.addi %add3A_49, %iota3A : vector<16xi32>
    %lt3A_51 = vector.broadcast %mul3A_26 : i32 to vector<16xi32>
    %lt3A_52 = arith.cmpi slt, %add3A_50, %lt3A_51 : vector<16xi32>
    %shift_right_arithmetic3A_53 = arith.constant 7 : i32
    %shift_right_arithmetic3A_54 = vector.broadcast %shift_right_arithmetic3A_53 : i32 to vector<16xi32>
    %shift_right_arithmetic3A_55 = arith.shrsi %add3A_50, %shift_right_arithmetic3A_54 : vector<16xi32>
    %and3A_56 = arith.constant 127 : i32
    %and3A_57 = vector.broadcast %and3A_56 : i32 to vector<16xi32>
    %and3A_58 = arith.andi %add3A_50, %and3A_57 : vector<16xi32>
    %broadcast_in_dim3A_59 = arith.constant 5008 : i32
    %broadcast_in_dim3A_60 = vector.broadcast %broadcast_in_dim3A_59 : i32 to vector<16xi32>
    tpu.vector_store_idx %arg10[%shift_right_arithmetic3A_55, %and3A_58], %broadcast_in_dim3A_60 masked %lt3A_52 : memref<158x128xi32, #tpu.memory_space<vmem>>[vector<16xi32>, vector<16xi32>], vector<16xi32>, vector<16xi1>
    %shift_right_arithmetic3A_61 = arith.constant 7 : i32
    %shift_right_arithmetic3A_62 = vector.broadcast %shift_right_arithmetic3A_61 : i32 to vector<16xi32>
    %shift_right_arithmetic3A_63 = arith.shrsi %add3A_50, %shift_right_arithmetic3A_62 : vector<16xi32>
    %and3A_64 = arith.constant 127 : i32
    %and3A_65 = vector.broadcast %and3A_64 : i32 to vector<16xi32>
    %and3A_66 = arith.andi %add3A_50, %and3A_65 : vector<16xi32>
    %broadcast_in_dim3A_67 = arith.constant 0 : i32
    %broadcast_in_dim3A_68 = vector.broadcast %broadcast_in_dim3A_67 : i32 to vector<16xi32>
    tpu.vector_store_idx %arg9[%shift_right_arithmetic3A_63, %and3A_66], %broadcast_in_dim3A_68 masked %lt3A_52 : memref<158x128xi32, #tpu.memory_space<vmem>>[vector<16xi32>, vector<16xi32>], vector<16xi32>, vector<16xi1>
    %add3A_69 = arith.constant 32 : i32
    %add3A_70 = arith.addi %scan3A_5, %add3A_69 : i32
    %add3A_71 = vector.broadcast %add3A_70 : i32 to vector<16xi32>
    %add3A_72 = arith.addi %add3A_71, %iota3A : vector<16xi32>
    %lt3A_73 = vector.broadcast %mul3A_26 : i32 to vector<16xi32>
    %lt3A_74 = arith.cmpi slt, %add3A_72, %lt3A_73 : vector<16xi32>
    %shift_right_arithmetic3A_75 = arith.constant 7 : i32
    %shift_right_arithmetic3A_76 = vector.broadcast %shift_right_arithmetic3A_75 : i32 to vector<16xi32>
    %shift_right_arithmetic3A_77 = arith.shrsi %add3A_72, %shift_right_arithmetic3A_76 : vector<16xi32>
    %and3A_78 = arith.constant 127 : i32
    %and3A_79 = vector.broadcast %and3A_78 : i32 to vector<16xi32>
    %and3A_80 = arith.andi %add3A_72, %and3A_79 : vector<16xi32>
    %broadcast_in_dim3A_81 = arith.constant 5008 : i32
    %broadcast_in_dim3A_82 = vector.broadcast %broadcast_in_dim3A_81 : i32 to vector<16xi32>
    tpu.vector_store_idx %arg10[%shift_right_arithmetic3A_77, %and3A_80], %broadcast_in_dim3A_82 masked %lt3A_74 : memref<158x128xi32, #tpu.memory_space<vmem>>[vector<16xi32>, vector<16xi32>], vector<16xi32>, vector<16xi1>
    %shift_right_arithmetic3A_83 = arith.constant 7 : i32
    %shift_right_arithmetic3A_84 = vector.broadcast %shift_right_arithmetic3A_83 : i32 to vector<16xi32>
    %shift_right_arithmetic3A_85 = arith.shrsi %add3A_72, %shift_right_arithmetic3A_84 : vector<16xi32>
    %and3A_86 = arith.constant 127 : i32
    %and3A_87 = vector.broadcast %and3A_86 : i32 to vector<16xi32>
    %and3A_88 = arith.andi %add3A_72, %and3A_87 : vector<16xi32>
    %broadcast_in_dim3A_89 = arith.constant 0 : i32
    %broadcast_in_dim3A_90 = vector.broadcast %broadcast_in_dim3A_89 : i32 to vector<16xi32>
    tpu.vector_store_idx %arg9[%shift_right_arithmetic3A_85, %and3A_88], %broadcast_in_dim3A_90 masked %lt3A_74 : memref<158x128xi32, #tpu.memory_space<vmem>>[vector<16xi32>, vector<16xi32>], vector<16xi32>, vector<16xi1>
    %add3A_91 = arith.constant 48 : i32
    %add3A_92 = arith.addi %scan3A_5, %add3A_91 : i32
    %add3A_93 = vector.broadcast %add3A_92 : i32 to vector<16xi32>
    %add3A_94 = arith.addi %add3A_93, %iota3A : vector<16xi32>
    %lt3A_95 = vector.broadcast %mul3A_26 : i32 to vector<16xi32>
    %lt3A_96 = arith.cmpi slt, %add3A_94, %lt3A_95 : vector<16xi32>
    %shift_right_arithmetic3A_97 = arith.constant 7 : i32
    %shift_right_arithmetic3A_98 = vector.broadcast %shift_right_arithmetic3A_97 : i32 to vector<16xi32>
    %shift_right_arithmetic3A_99 = arith.shrsi %add3A_94, %shift_right_arithmetic3A_98 : vector<16xi32>
    %and3A_100 = arith.constant 127 : i32
    %and3A_101 = vector.broadcast %and3A_100 : i32 to vector<16xi32>
    %and3A_102 = arith.andi %add3A_94, %and3A_101 : vector<16xi32>
    %broadcast_in_dim3A_103 = arith.constant 5008 : i32
    %broadcast_in_dim3A_104 = vector.broadcast %broadcast_in_dim3A_103 : i32 to vector<16xi32>
    tpu.vector_store_idx %arg10[%shift_right_arithmetic3A_99, %and3A_102], %broadcast_in_dim3A_104 masked %lt3A_96 : memref<158x128xi32, #tpu.memory_space<vmem>>[vector<16xi32>, vector<16xi32>], vector<16xi32>, vector<16xi1>
    %shift_right_arithmetic3A_105 = arith.constant 7 : i32
    %shift_right_arithmetic3A_106 = vector.broadcast %shift_right_arithmetic3A_105 : i32 to vector<16xi32>
    %shift_right_arithmetic3A_107 = arith.shrsi %add3A_94, %shift_right_arithmetic3A_106 : vector<16xi32>
    %and3A_108 = arith.constant 127 : i32
    %and3A_109 = vector.broadcast %and3A_108 : i32 to vector<16xi32>
    %and3A_110 = arith.andi %add3A_94, %and3A_109 : vector<16xi32>
    %broadcast_in_dim3A_111 = arith.constant 0 : i32
    %broadcast_in_dim3A_112 = vector.broadcast %broadcast_in_dim3A_111 : i32 to vector<16xi32>
    tpu.vector_store_idx %arg9[%shift_right_arithmetic3A_107, %and3A_110], %broadcast_in_dim3A_112 masked %lt3A_96 : memref<158x128xi32, #tpu.memory_space<vmem>>[vector<16xi32>, vector<16xi32>], vector<16xi32>, vector<16xi1>
    %add3A_113 = arith.constant 64 : i32
    %add3A_114 = arith.addi %scan3A_5, %add3A_113 : i32
    %add3A_115 = vector.broadcast %add3A_114 : i32 to vector<16xi32>
    %add3A_116 = arith.addi %add3A_115, %iota3A : vector<16xi32>
    %lt3A_117 = vector.broadcast %mul3A_26 : i32 to vector<16xi32>
    %lt3A_118 = arith.cmpi slt, %add3A_116, %lt3A_117 : vector<16xi32>
    %shift_right_arithmetic3A_119 = arith.constant 7 : i32
    %shift_right_arithmetic3A_120 = vector.broadcast %shift_right_arithmetic3A_119 : i32 to vector<16xi32>
    %shift_right_arithmetic3A_121 = arith.shrsi %add3A_116, %shift_right_arithmetic3A_120 : vector<16xi32>
    %and3A_122 = arith.constant 127 : i32
    %and3A_123 = vector.broadcast %and3A_122 : i32 to vector<16xi32>
    %and3A_124 = arith.andi %add3A_116, %and3A_123 : vector<16xi32>
    %broadcast_in_dim3A_125 = arith.constant 5008 : i32
    %broadcast_in_dim3A_126 = vector.broadcast %broadcast_in_dim3A_125 : i32 to vector<16xi32>
    tpu.vector_store_idx %arg10[%shift_right_arithmetic3A_121, %and3A_124], %broadcast_in_dim3A_126 masked %lt3A_118 : memref<158x128xi32, #tpu.memory_space<vmem>>[vector<16xi32>, vector<16xi32>], vector<16xi32>, vector<16xi1>
    %shift_right_arithmetic3A_127 = arith.constant 7 : i32
    %shift_right_arithmetic3A_128 = vector.broadcast %shift_right_arithmetic3A_127 : i32 to vector<16xi32>
    %shift_right_arithmetic3A_129 = arith.shrsi %add3A_116, %shift_right_arithmetic3A_128 : vector<16xi32>
    %and3A_130 = arith.constant 127 : i32
    %and3A_131 = vector.broadcast %and3A_130 : i32 to vector<16xi32>
    %and3A_132 = arith.andi %add3A_116, %and3A_131 : vector<16xi32>
    %broadcast_in_dim3A_133 = arith.constant 0 : i32
    %broadcast_in_dim3A_134 = vector.broadcast %broadcast_in_dim3A_133 : i32 to vector<16xi32>
    tpu.vector_store_idx %arg9[%shift_right_arithmetic3A_129, %and3A_132], %broadcast_in_dim3A_134 masked %lt3A_118 : memref<158x128xi32, #tpu.memory_space<vmem>>[vector<16xi32>, vector<16xi32>], vector<16xi32>, vector<16xi1>
    %add3A_135 = arith.constant 80 : i32
    %add3A_136 = arith.addi %scan3A_5, %add3A_135 : i32
    %add3A_137 = vector.broadcast %add3A_136 : i32 to vector<16xi32>
    %add3A_138 = arith.addi %add3A_137, %iota3A : vector<16xi32>
    %lt3A_139 = vector.broadcast %mul3A_26 : i32 to vector<16xi32>
    %lt3A_140 = arith.cmpi slt, %add3A_138, %lt3A_139 : vector<16xi32>
    %shift_right_arithmetic3A_141 = arith.constant 7 : i32
    %shift_right_arithmetic3A_142 = vector.broadcast %shift_right_arithmetic3A_141 : i32 to vector<16xi32>
    %shift_right_arithmetic3A_143 = arith.shrsi %add3A_138, %shift_right_arithmetic3A_142 : vector<16xi32>
    %and3A_144 = arith.constant 127 : i32
    %and3A_145 = vector.broadcast %and3A_144 : i32 to vector<16xi32>
    %and3A_146 = arith.andi %add3A_138, %and3A_145 : vector<16xi32>
    %broadcast_in_dim3A_147 = arith.constant 5008 : i32
    %broadcast_in_dim3A_148 = vector.broadcast %broadcast_in_dim3A_147 : i32 to vector<16xi32>
    tpu.vector_store_idx %arg10[%shift_right_arithmetic3A_143, %and3A_146], %broadcast_in_dim3A_148 masked %lt3A_140 : memref<158x128xi32, #tpu.memory_space<vmem>>[vector<16xi32>, vector<16xi32>], vector<16xi32>, vector<16xi1>
    %shift_right_arithmetic3A_149 = arith.constant 7 : i32
    %shift_right_arithmetic3A_150 = vector.broadcast %shift_right_arithmetic3A_149 : i32 to vector<16xi32>
    %shift_right_arithmetic3A_151 = arith.shrsi %add3A_138, %shift_right_arithmetic3A_150 : vector<16xi32>
    %and3A_152 = arith.constant 127 : i32
    %and3A_153 = vector.broadcast %and3A_152 : i32 to vector<16xi32>
    %and3A_154 = arith.andi %add3A_138, %and3A_153 : vector<16xi32>
    %broadcast_in_dim3A_155 = arith.constant 0 : i32
    %broadcast_in_dim3A_156 = vector.broadcast %broadcast_in_dim3A_155 : i32 to vector<16xi32>
    tpu.vector_store_idx %arg9[%shift_right_arithmetic3A_151, %and3A_154], %broadcast_in_dim3A_156 masked %lt3A_140 : memref<158x128xi32, #tpu.memory_space<vmem>>[vector<16xi32>, vector<16xi32>], vector<16xi32>, vector<16xi1>
    %add3A_157 = arith.constant 96 : i32
    %add3A_158 = arith.addi %scan3A_5, %add3A_157 : i32
    %add3A_159 = vector.broadcast %add3A_158 : i32 to vector<16xi32>
    %add3A_160 = arith.addi %add3A_159, %iota3A : vector<16xi32>
    %lt3A_161 = vector.broadcast %mul3A_26 : i32 to vector<16xi32>
    %lt3A_162 = arith.cmpi slt, %add3A_160, %lt3A_161 : vector<16xi32>
    %shift_right_arithmetic3A_163 = arith.constant 7 : i32
    %shift_right_arithmetic3A_164 = vector.broadcast %shift_right_arithmetic3A_163 : i32 to vector<16xi32>
    %shift_right_arithmetic3A_165 = arith.shrsi %add3A_160, %shift_right_arithmetic3A_164 : vector<16xi32>
    %and3A_166 = arith.constant 127 : i32
    %and3A_167 = vector.broadcast %and3A_166 : i32 to vector<16xi32>
    %and3A_168 = arith.andi %add3A_160, %and3A_167 : vector<16xi32>
    %broadcast_in_dim3A_169 = arith.constant 5008 : i32
    %broadcast_in_dim3A_170 = vector.broadcast %broadcast_in_dim3A_169 : i32 to vector<16xi32>
    tpu.vector_store_idx %arg10[%shift_right_arithmetic3A_165, %and3A_168], %broadcast_in_dim3A_170 masked %lt3A_162 : memref<158x128xi32, #tpu.memory_space<vmem>>[vector<16xi32>, vector<16xi32>], vector<16xi32>, vector<16xi1>
    %shift_right_arithmetic3A_171 = arith.constant 7 : i32
    %shift_right_arithmetic3A_172 = vector.broadcast %shift_right_arithmetic3A_171 : i32 to vector<16xi32>
    %shift_right_arithmetic3A_173 = arith.shrsi %add3A_160, %shift_right_arithmetic3A_172 : vector<16xi32>
    %and3A_174 = arith.constant 127 : i32
    %and3A_175 = vector.broadcast %and3A_174 : i32 to vector<16xi32>
    %and3A_176 = arith.andi %add3A_160, %and3A_175 : vector<16xi32>
    %broadcast_in_dim3A_177 = arith.constant 0 : i32
    %broadcast_in_dim3A_178 = vector.broadcast %broadcast_in_dim3A_177 : i32 to vector<16xi32>
    tpu.vector_store_idx %arg9[%shift_right_arithmetic3A_173, %and3A_176], %broadcast_in_dim3A_178 masked %lt3A_162 : memref<158x128xi32, #tpu.memory_space<vmem>>[vector<16xi32>, vector<16xi32>], vector<16xi32>, vector<16xi1>
    %add3A_179 = arith.constant 112 : i32
    %add3A_180 = arith.addi %scan3A_5, %add3A_179 : i32
    %add3A_181 = vector.broadcast %add3A_180 : i32 to vector<16xi32>
    %add3A_182 = arith.addi %add3A_181, %iota3A : vector<16xi32>
    %lt3A_183 = vector.broadcast %mul3A_26 : i32 to vector<16xi32>
    %lt3A_184 = arith.cmpi slt, %add3A_182, %lt3A_183 : vector<16xi32>
    %shift_right_arithmetic3A_185 = arith.constant 7 : i32
    %shift_right_arithmetic3A_186 = vector.broadcast %shift_right_arithmetic3A_185 : i32 to vector<16xi32>
    %shift_right_arithmetic3A_187 = arith.shrsi %add3A_182, %shift_right_arithmetic3A_186 : vector<16xi32>
    %and3A_188 = arith.constant 127 : i32
    %and3A_189 = vector.broadcast %and3A_188 : i32 to vector<16xi32>
    %and3A_190 = arith.andi %add3A_182, %and3A_189 : vector<16xi32>
    %broadcast_in_dim3A_191 = arith.constant 5008 : i32
    %broadcast_in_dim3A_192 = vector.broadcast %broadcast_in_dim3A_191 : i32 to vector<16xi32>
    tpu.vector_store_idx %arg10[%shift_right_arithmetic3A_187, %and3A_190], %broadcast_in_dim3A_192 masked %lt3A_184 : memref<158x128xi32, #tpu.memory_space<vmem>>[vector<16xi32>, vector<16xi32>], vector<16xi32>, vector<16xi1>
    %shift_right_arithmetic3A_193 = arith.constant 7 : i32
    %shift_right_arithmetic3A_194 = vector.broadcast %shift_right_arithmetic3A_193 : i32 to vector<16xi32>
    %shift_right_arithmetic3A_195 = arith.shrsi %add3A_182, %shift_right_arithmetic3A_194 : vector<16xi32>
    %and3A_196 = arith.constant 127 : i32
    %and3A_197 = vector.broadcast %and3A_196 : i32 to vector<16xi32>
    %and3A_198 = arith.andi %add3A_182, %and3A_197 : vector<16xi32>
    %broadcast_in_dim3A_199 = arith.constant 0 : i32
    %broadcast_in_dim3A_200 = vector.broadcast %broadcast_in_dim3A_199 : i32 to vector<16xi32>
    tpu.vector_store_idx %arg9[%shift_right_arithmetic3A_195, %and3A_198], %broadcast_in_dim3A_200 masked %lt3A_184 : memref<158x128xi32, #tpu.memory_space<vmem>>[vector<16xi32>, vector<16xi32>], vector<16xi32>, vector<16xi1>
    %add3A_201 = arith.constant 128 : i32
    %add3A_202 = arith.addi %scan3A_5, %add3A_201 : i32
    %add3A_203 = vector.broadcast %add3A_202 : i32 to vector<16xi32>
    %add3A_204 = arith.addi %add3A_203, %iota3A : vector<16xi32>
    %lt3A_205 = vector.broadcast %mul3A_26 : i32 to vector<16xi32>
    %lt3A_206 = arith.cmpi slt, %add3A_204, %lt3A_205 : vector<16xi32>
    %shift_right_arithmetic3A_207 = arith.constant 7 : i32
    %shift_right_arithmetic3A_208 = vector.broadcast %shift_right_arithmetic3A_207 : i32 to vector<16xi32>
    %shift_right_arithmetic3A_209 = arith.shrsi %add3A_204, %shift_right_arithmetic3A_208 : vector<16xi32>
    %and3A_210 = arith.constant 127 : i32
    %and3A_211 = vector.broadcast %and3A_210 : i32 to vector<16xi32>
    %and3A_212 = arith.andi %add3A_204, %and3A_211 : vector<16xi32>
    %broadcast_in_dim3A_213 = arith.constant 5008 : i32
    %broadcast_in_dim3A_214 = vector.broadcast %broadcast_in_dim3A_213 : i32 to vector<16xi32>
    tpu.vector_store_idx %arg10[%shift_right_arithmetic3A_209, %and3A_212], %broadcast_in_dim3A_214 masked %lt3A_206 : memref<158x128xi32, #tpu.memory_space<vmem>>[vector<16xi32>, vector<16xi32>], vector<16xi32>, vector<16xi1>
    %shift_right_arithmetic3A_215 = arith.constant 7 : i32
    %shift_right_arithmetic3A_216 = vector.broadcast %shift_right_arithmetic3A_215 : i32 to vector<16xi32>
    %shift_right_arithmetic3A_217 = arith.shrsi %add3A_204, %shift_right_arithmetic3A_216 : vector<16xi32>
    %and3A_218 = arith.constant 127 : i32
    %and3A_219 = vector.broadcast %and3A_218 : i32 to vector<16xi32>
    %and3A_220 = arith.andi %add3A_204, %and3A_219 : vector<16xi32>
    %broadcast_in_dim3A_221 = arith.constant 0 : i32
    %broadcast_in_dim3A_222 = vector.broadcast %broadcast_in_dim3A_221 : i32 to vector<16xi32>
    tpu.vector_store_idx %arg9[%shift_right_arithmetic3A_217, %and3A_220], %broadcast_in_dim3A_222 masked %lt3A_206 : memref<158x128xi32, #tpu.memory_space<vmem>>[vector<16xi32>, vector<16xi32>], vector<16xi32>, vector<16xi1>
    %add3A_223 = arith.constant 144 : i32
    %add3A_224 = arith.addi %scan3A_5, %add3A_223 : i32
    %add3A_225 = vector.broadcast %add3A_224 : i32 to vector<16xi32>
    %add3A_226 = arith.addi %add3A_225, %iota3A : vector<16xi32>
    %lt3A_227 = vector.broadcast %mul3A_26 : i32 to vector<16xi32>
    %lt3A_228 = arith.cmpi slt, %add3A_226, %lt3A_227 : vector<16xi32>
    %shift_right_arithmetic3A_229 = arith.constant 7 : i32
    %shift_right_arithmetic3A_230 = vector.broadcast %shift_right_arithmetic3A_229 : i32 to vector<16xi32>
    %shift_right_arithmetic3A_231 = arith.shrsi %add3A_226, %shift_right_arithmetic3A_230 : vector<16xi32>
    %and3A_232 = arith.constant 127 : i32
    %and3A_233 = vector.broadcast %and3A_232 : i32 to vector<16xi32>
    %and3A_234 = arith.andi %add3A_226, %and3A_233 : vector<16xi32>
    %broadcast_in_dim3A_235 = arith.constant 5008 : i32
    %broadcast_in_dim3A_236 = vector.broadcast %broadcast_in_dim3A_235 : i32 to vector<16xi32>
    tpu.vector_store_idx %arg10[%shift_right_arithmetic3A_231, %and3A_234], %broadcast_in_dim3A_236 masked %lt3A_228 : memref<158x128xi32, #tpu.memory_space<vmem>>[vector<16xi32>, vector<16xi32>], vector<16xi32>, vector<16xi1>
    %shift_right_arithmetic3A_237 = arith.constant 7 : i32
    %shift_right_arithmetic3A_238 = vector.broadcast %shift_right_arithmetic3A_237 : i32 to vector<16xi32>
    %shift_right_arithmetic3A_239 = arith.shrsi %add3A_226, %shift_right_arithmetic3A_238 : vector<16xi32>
    %and3A_240 = arith.constant 127 : i32
    %and3A_241 = vector.broadcast %and3A_240 : i32 to vector<16xi32>
    %and3A_242 = arith.andi %add3A_226, %and3A_241 : vector<16xi32>
    %broadcast_in_dim3A_243 = arith.constant 0 : i32
    %broadcast_in_dim3A_244 = vector.broadcast %broadcast_in_dim3A_243 : i32 to vector<16xi32>
    tpu.vector_store_idx %arg9[%shift_right_arithmetic3A_239, %and3A_242], %broadcast_in_dim3A_244 masked %lt3A_228 : memref<158x128xi32, #tpu.memory_space<vmem>>[vector<16xi32>, vector<16xi32>], vector<16xi32>, vector<16xi1>
    %add3A_245 = arith.constant 160 : i32
    %add3A_246 = arith.addi %scan3A_5, %add3A_245 : i32
    %add3A_247 = vector.broadcast %add3A_246 : i32 to vector<16xi32>
    %add3A_248 = arith.addi %add3A_247, %iota3A : vector<16xi32>
    %lt3A_249 = vector.broadcast %mul3A_26 : i32 to vector<16xi32>
    %lt3A_250 = arith.cmpi slt, %add3A_248, %lt3A_249 : vector<16xi32>
    %shift_right_arithmetic3A_251 = arith.constant 7 : i32
    %shift_right_arithmetic3A_252 = vector.broadcast %shift_right_arithmetic3A_251 : i32 to vector<16xi32>
    %shift_right_arithmetic3A_253 = arith.shrsi %add3A_248, %shift_right_arithmetic3A_252 : vector<16xi32>
    %and3A_254 = arith.constant 127 : i32
    %and3A_255 = vector.broadcast %and3A_254 : i32 to vector<16xi32>
    %and3A_256 = arith.andi %add3A_248, %and3A_255 : vector<16xi32>
    %broadcast_in_dim3A_257 = arith.constant 5008 : i32
    %broadcast_in_dim3A_258 = vector.broadcast %broadcast_in_dim3A_257 : i32 to vector<16xi32>
    tpu.vector_store_idx %arg10[%shift_right_arithmetic3A_253, %and3A_256], %broadcast_in_dim3A_258 masked %lt3A_250 : memref<158x128xi32, #tpu.memory_space<vmem>>[vector<16xi32>, vector<16xi32>], vector<16xi32>, vector<16xi1>
    %shift_right_arithmetic3A_259 = arith.constant 7 : i32
    %shift_right_arithmetic3A_260 = vector.broadcast %shift_right_arithmetic3A_259 : i32 to vector<16xi32>
    %shift_right_arithmetic3A_261 = arith.shrsi %add3A_248, %shift_right_arithmetic3A_260 : vector<16xi32>
    %and3A_262 = arith.constant 127 : i32
    %and3A_263 = vector.broadcast %and3A_262 : i32 to vector<16xi32>
    %and3A_264 = arith.andi %add3A_248, %and3A_263 : vector<16xi32>
    %broadcast_in_dim3A_265 = arith.constant 0 : i32
    %broadcast_in_dim3A_266 = vector.broadcast %broadcast_in_dim3A_265 : i32 to vector<16xi32>
    tpu.vector_store_idx %arg9[%shift_right_arithmetic3A_261, %and3A_264], %broadcast_in_dim3A_266 masked %lt3A_250 : memref<158x128xi32, #tpu.memory_space<vmem>>[vector<16xi32>, vector<16xi32>], vector<16xi32>, vector<16xi1>
    %add3A_267 = arith.constant 176 : i32
    %add3A_268 = arith.addi %scan3A_5, %add3A_267 : i32
    %add3A_269 = vector.broadcast %add3A_268 : i32 to vector<16xi32>
    %add3A_270 = arith.addi %add3A_269, %iota3A : vector<16xi32>
    %lt3A_271 = vector.broadcast %mul3A_26 : i32 to vector<16xi32>
    %lt3A_272 = arith.cmpi slt, %add3A_270, %lt3A_271 : vector<16xi32>
    %shift_right_arithmetic3A_273 = arith.constant 7 : i32
    %shift_right_arithmetic3A_274 = vector.broadcast %shift_right_arithmetic3A_273 : i32 to vector<16xi32>
    %shift_right_arithmetic3A_275 = arith.shrsi %add3A_270, %shift_right_arithmetic3A_274 : vector<16xi32>
    %and3A_276 = arith.constant 127 : i32
    %and3A_277 = vector.broadcast %and3A_276 : i32 to vector<16xi32>
    %and3A_278 = arith.andi %add3A_270, %and3A_277 : vector<16xi32>
    %broadcast_in_dim3A_279 = arith.constant 5008 : i32
    %broadcast_in_dim3A_280 = vector.broadcast %broadcast_in_dim3A_279 : i32 to vector<16xi32>
    tpu.vector_store_idx %arg10[%shift_right_arithmetic3A_275, %and3A_278], %broadcast_in_dim3A_280 masked %lt3A_272 : memref<158x128xi32, #tpu.memory_space<vmem>>[vector<16xi32>, vector<16xi32>], vector<16xi32>, vector<16xi1>
    %shift_right_arithmetic3A_281 = arith.constant 7 : i32
    %shift_right_arithmetic3A_282 = vector.broadcast %shift_right_arithmetic3A_281 : i32 to vector<16xi32>
    %shift_right_arithmetic3A_283 = arith.shrsi %add3A_270, %shift_right_arithmetic3A_282 : vector<16xi32>
    %and3A_284 = arith.constant 127 : i32
    %and3A_285 = vector.broadcast %and3A_284 : i32 to vector<16xi32>
    %and3A_286 = arith.andi %add3A_270, %and3A_285 : vector<16xi32>
    %broadcast_in_dim3A_287 = arith.constant 0 : i32
    %broadcast_in_dim3A_288 = vector.broadcast %broadcast_in_dim3A_287 : i32 to vector<16xi32>
    tpu.vector_store_idx %arg9[%shift_right_arithmetic3A_283, %and3A_286], %broadcast_in_dim3A_288 masked %lt3A_272 : memref<158x128xi32, #tpu.memory_space<vmem>>[vector<16xi32>, vector<16xi32>], vector<16xi32>, vector<16xi1>
    %add3A_289 = arith.constant 192 : i32
    %add3A_290 = arith.addi %scan3A_5, %add3A_289 : i32
    %add3A_291 = vector.broadcast %add3A_290 : i32 to vector<16xi32>
    %add3A_292 = arith.addi %add3A_291, %iota3A : vector<16xi32>
    %lt3A_293 = vector.broadcast %mul3A_26 : i32 to vector<16xi32>
    %lt3A_294 = arith.cmpi slt, %add3A_292, %lt3A_293 : vector<16xi32>
    %shift_right_arithmetic3A_295 = arith.constant 7 : i32
    %shift_right_arithmetic3A_296 = vector.broadcast %shift_right_arithmetic3A_295 : i32 to vector<16xi32>
    %shift_right_arithmetic3A_297 = arith.shrsi %add3A_292, %shift_right_arithmetic3A_296 : vector<16xi32>
    %and3A_298 = arith.constant 127 : i32
    %and3A_299 = vector.broadcast %and3A_298 : i32 to vector<16xi32>
    %and3A_300 = arith.andi %add3A_292, %and3A_299 : vector<16xi32>
    %broadcast_in_dim3A_301 = arith.constant 5008 : i32
    %broadcast_in_dim3A_302 = vector.broadcast %broadcast_in_dim3A_301 : i32 to vector<16xi32>
    tpu.vector_store_idx %arg10[%shift_right_arithmetic3A_297, %and3A_300], %broadcast_in_dim3A_302 masked %lt3A_294 : memref<158x128xi32, #tpu.memory_space<vmem>>[vector<16xi32>, vector<16xi32>], vector<16xi32>, vector<16xi1>
    %shift_right_arithmetic3A_303 = arith.constant 7 : i32
    %shift_right_arithmetic3A_304 = vector.broadcast %shift_right_arithmetic3A_303 : i32 to vector<16xi32>
    %shift_right_arithmetic3A_305 = arith.shrsi %add3A_292, %shift_right_arithmetic3A_304 : vector<16xi32>
    %and3A_306 = arith.constant 127 : i32
    %and3A_307 = vector.broadcast %and3A_306 : i32 to vector<16xi32>
    %and3A_308 = arith.andi %add3A_292, %and3A_307 : vector<16xi32>
    %broadcast_in_dim3A_309 = arith.constant 0 : i32
    %broadcast_in_dim3A_310 = vector.broadcast %broadcast_in_dim3A_309 : i32 to vector<16xi32>
    tpu.vector_store_idx %arg9[%shift_right_arithmetic3A_305, %and3A_308], %broadcast_in_dim3A_310 masked %lt3A_294 : memref<158x128xi32, #tpu.memory_space<vmem>>[vector<16xi32>, vector<16xi32>], vector<16xi32>, vector<16xi1>
    %add3A_311 = arith.constant 208 : i32
    %add3A_312 = arith.addi %scan3A_5, %add3A_311 : i32
    %add3A_313 = vector.broadcast %add3A_312 : i32 to vector<16xi32>
    %add3A_314 = arith.addi %add3A_313, %iota3A : vector<16xi32>
    %lt3A_315 = vector.broadcast %mul3A_26 : i32 to vector<16xi32>
    %lt3A_316 = arith.cmpi slt, %add3A_314, %lt3A_315 : vector<16xi32>
    %shift_right_arithmetic3A_317 = arith.constant 7 : i32
    %shift_right_arithmetic3A_318 = vector.broadcast %shift_right_arithmetic3A_317 : i32 to vector<16xi32>
    %shift_right_arithmetic3A_319 = arith.shrsi %add3A_314, %shift_right_arithmetic3A_318 : vector<16xi32>
    %and3A_320 = arith.constant 127 : i32
    %and3A_321 = vector.broadcast %and3A_320 : i32 to vector<16xi32>
    %and3A_322 = arith.andi %add3A_314, %and3A_321 : vector<16xi32>
    %broadcast_in_dim3A_323 = arith.constant 5008 : i32
    %broadcast_in_dim3A_324 = vector.broadcast %broadcast_in_dim3A_323 : i32 to vector<16xi32>
    tpu.vector_store_idx %arg10[%shift_right_arithmetic3A_319, %and3A_322], %broadcast_in_dim3A_324 masked %lt3A_316 : memref<158x128xi32, #tpu.memory_space<vmem>>[vector<16xi32>, vector<16xi32>], vector<16xi32>, vector<16xi1>
    %shift_right_arithmetic3A_325 = arith.constant 7 : i32
    %shift_right_arithmetic3A_326 = vector.broadcast %shift_right_arithmetic3A_325 : i32 to vector<16xi32>
    %shift_right_arithmetic3A_327 = arith.shrsi %add3A_314, %shift_right_arithmetic3A_326 : vector<16xi32>
    %and3A_328 = arith.constant 127 : i32
    %and3A_329 = vector.broadcast %and3A_328 : i32 to vector<16xi32>
    %and3A_330 = arith.andi %add3A_314, %and3A_329 : vector<16xi32>
    %broadcast_in_dim3A_331 = arith.constant 0 : i32
    %broadcast_in_dim3A_332 = vector.broadcast %broadcast_in_dim3A_331 : i32 to vector<16xi32>
    tpu.vector_store_idx %arg9[%shift_right_arithmetic3A_327, %and3A_330], %broadcast_in_dim3A_332 masked %lt3A_316 : memref<158x128xi32, #tpu.memory_space<vmem>>[vector<16xi32>, vector<16xi32>], vector<16xi32>, vector<16xi1>
    %add3A_333 = arith.constant 224 : i32
    %add3A_334 = arith.addi %scan3A_5, %add3A_333 : i32
    %add3A_335 = vector.broadcast %add3A_334 : i32 to vector<16xi32>
    %add3A_336 = arith.addi %add3A_335, %iota3A : vector<16xi32>
    %lt3A_337 = vector.broadcast %mul3A_26 : i32 to vector<16xi32>
    %lt3A_338 = arith.cmpi slt, %add3A_336, %lt3A_337 : vector<16xi32>
    %shift_right_arithmetic3A_339 = arith.constant 7 : i32
    %shift_right_arithmetic3A_340 = vector.broadcast %shift_right_arithmetic3A_339 : i32 to vector<16xi32>
    %shift_right_arithmetic3A_341 = arith.shrsi %add3A_336, %shift_right_arithmetic3A_340 : vector<16xi32>
    %and3A_342 = arith.constant 127 : i32
    %and3A_343 = vector.broadcast %and3A_342 : i32 to vector<16xi32>
    %and3A_344 = arith.andi %add3A_336, %and3A_343 : vector<16xi32>
    %broadcast_in_dim3A_345 = arith.constant 5008 : i32
    %broadcast_in_dim3A_346 = vector.broadcast %broadcast_in_dim3A_345 : i32 to vector<16xi32>
    tpu.vector_store_idx %arg10[%shift_right_arithmetic3A_341, %and3A_344], %broadcast_in_dim3A_346 masked %lt3A_338 : memref<158x128xi32, #tpu.memory_space<vmem>>[vector<16xi32>, vector<16xi32>], vector<16xi32>, vector<16xi1>
    %shift_right_arithmetic3A_347 = arith.constant 7 : i32
    %shift_right_arithmetic3A_348 = vector.broadcast %shift_right_arithmetic3A_347 : i32 to vector<16xi32>
    %shift_right_arithmetic3A_349 = arith.shrsi %add3A_336, %shift_right_arithmetic3A_348 : vector<16xi32>
    %and3A_350 = arith.constant 127 : i32
    %and3A_351 = vector.broadcast %and3A_350 : i32 to vector<16xi32>
    %and3A_352 = arith.andi %add3A_336, %and3A_351 : vector<16xi32>
    %broadcast_in_dim3A_353 = arith.constant 0 : i32
    %broadcast_in_dim3A_354 = vector.broadcast %broadcast_in_dim3A_353 : i32 to vector<16xi32>
    tpu.vector_store_idx %arg9[%shift_right_arithmetic3A_349, %and3A_352], %broadcast_in_dim3A_354 masked %lt3A_338 : memref<158x128xi32, #tpu.memory_space<vmem>>[vector<16xi32>, vector<16xi32>], vector<16xi32>, vector<16xi1>
    %add3A_355 = arith.constant 240 : i32
    %add3A_356 = arith.addi %scan3A_5, %add3A_355 : i32
    %add3A_357 = vector.broadcast %add3A_356 : i32 to vector<16xi32>
    %add3A_358 = arith.addi %add3A_357, %iota3A : vector<16xi32>
    %lt3A_359 = vector.broadcast %mul3A_26 : i32 to vector<16xi32>
    %lt3A_360 = arith.cmpi slt, %add3A_358, %lt3A_359 : vector<16xi32>
    %shift_right_arithmetic3A_361 = arith.constant 7 : i32
    %shift_right_arithmetic3A_362 = vector.broadcast %shift_right_arithmetic3A_361 : i32 to vector<16xi32>
    %shift_right_arithmetic3A_363 = arith.shrsi %add3A_358, %shift_right_arithmetic3A_362 : vector<16xi32>
    %and3A_364 = arith.constant 127 : i32
    %and3A_365 = vector.broadcast %and3A_364 : i32 to vector<16xi32>
    %and3A_366 = arith.andi %add3A_358, %and3A_365 : vector<16xi32>
    %broadcast_in_dim3A_367 = arith.constant 5008 : i32
    %broadcast_in_dim3A_368 = vector.broadcast %broadcast_in_dim3A_367 : i32 to vector<16xi32>
    tpu.vector_store_idx %arg10[%shift_right_arithmetic3A_363, %and3A_366], %broadcast_in_dim3A_368 masked %lt3A_360 : memref<158x128xi32, #tpu.memory_space<vmem>>[vector<16xi32>, vector<16xi32>], vector<16xi32>, vector<16xi1>
    %shift_right_arithmetic3A_369 = arith.constant 7 : i32
    %shift_right_arithmetic3A_370 = vector.broadcast %shift_right_arithmetic3A_369 : i32 to vector<16xi32>
    %shift_right_arithmetic3A_371 = arith.shrsi %add3A_358, %shift_right_arithmetic3A_370 : vector<16xi32>
    %and3A_372 = arith.constant 127 : i32
    %and3A_373 = vector.broadcast %and3A_372 : i32 to vector<16xi32>
    %and3A_374 = arith.andi %add3A_358, %and3A_373 : vector<16xi32>
    %broadcast_in_dim3A_375 = arith.constant 0 : i32
    %broadcast_in_dim3A_376 = vector.broadcast %broadcast_in_dim3A_375 : i32 to vector<16xi32>
    tpu.vector_store_idx %arg9[%shift_right_arithmetic3A_371, %and3A_374], %broadcast_in_dim3A_376 masked %lt3A_360 : memref<158x128xi32, #tpu.memory_space<vmem>>[vector<16xi32>, vector<16xi32>], vector<16xi32>, vector<16xi1>
    %eq3A = arith.constant 0 : i32
    %eq3A_377 = vector.broadcast %eq3A : i32 to vector<16xi32>
    %eq3A_378 = arith.cmpi eq, %iota3A, %eq3A_377 : vector<16xi32>
    %broadcast_in_dim3A_379 = vector.broadcast %mul3A_26 : i32 to vector<16xi32>
    %select_n3A_380 = arith.select %eq3A_378, %broadcast_in_dim3A_379, %broadcast_in_dim3A_0 : vector<16xi1>, vector<16xi32>
    %run_scoped3A = arith.constant 0 : i32
    "tpu.region"() ({
      %run_scoped3A_779 = tpu.sem_alloc : memref<!tpu.dma_semaphore, #tpu.memory_space<semaphore_mem>>
      %dma_start3A = arith.constant 0 : i32
      %dma_start3A_780 = arith.constant 0 : i32
      %dma_start3A_781 = tpu.memref_slice %arg4[%arg1, %run_scoped3A, %dma_start3A, %dma_start3A_780] : memref<16x2x158x128xi32, #tpu.memory_space<hbm>> -> memref<1x1x158x128xi32, #tpu.memory_space<hbm>>
      %dma_start3A_782 = tpu.memref_squeeze %dma_start3A_781 : memref<1x1x158x128xi32, #tpu.memory_space<hbm>> -> memref<158x128xi32, #tpu.memory_space<hbm>>
      %dma_start3A_783 = arith.constant 0 : i32
      %dma_start3A_784 = arith.constant 0 : i32
      %dma_start3A_785 = tpu.memref_slice %arg4[%arg1, %run_scoped3A, %dma_start3A_783, %dma_start3A_784] : memref<16x2x158x128xi32, #tpu.memory_space<hbm>> -> memref<1x1x158x128xi32, #tpu.memory_space<hbm>>
      %dma_start3A_786 = tpu.memref_squeeze %dma_start3A_785 : memref<1x1x158x128xi32, #tpu.memory_space<hbm>> -> memref<158x128xi32, #tpu.memory_space<hbm>>
      tpu.enqueue_dma source(%arg9 : memref<158x128xi32, #tpu.memory_space<vmem>>) target(%dma_start3A_786 : memref<158x128xi32, #tpu.memory_space<hbm>>) target_semaphore(%run_scoped3A_779 : memref<!tpu.dma_semaphore, #tpu.memory_space<semaphore_mem>>)
      %dma_wait3A = arith.constant 0 : i32
      %dma_wait3A_787 = arith.constant 0 : i32
      %dma_wait3A_788 = tpu.memref_slice %arg4[%arg1, %run_scoped3A, %dma_wait3A, %dma_wait3A_787] : memref<16x2x158x128xi32, #tpu.memory_space<hbm>> -> memref<1x1x158x128xi32, #tpu.memory_space<hbm>>
      %dma_wait3A_789 = tpu.memref_squeeze %dma_wait3A_788 : memref<1x1x158x128xi32, #tpu.memory_space<hbm>> -> memref<158x128xi32, #tpu.memory_space<hbm>>
      %dma_wait3A_790 = arith.constant 0 : i32
      %dma_wait3A_791 = arith.constant 0 : i32
      %dma_wait3A_792 = tpu.memref_slice %arg4[%arg1, %run_scoped3A, %dma_wait3A_790, %dma_wait3A_791] : memref<16x2x158x128xi32, #tpu.memory_space<hbm>> -> memref<1x1x158x128xi32, #tpu.memory_space<hbm>>
      %dma_wait3A_793 = tpu.memref_squeeze %dma_wait3A_792 : memref<1x1x158x128xi32, #tpu.memory_space<hbm>> -> memref<158x128xi32, #tpu.memory_space<hbm>>
      tpu.wait_dma2 semaphore(%run_scoped3A_779 : memref<!tpu.dma_semaphore, #tpu.memory_space<semaphore_mem>>) src(%arg9 : memref<158x128xi32, #tpu.memory_space<vmem>>) dst(%dma_wait3A_793 : memref<158x128xi32, #tpu.memory_space<hbm>>)
      tpu.yield
    }) : () -> ()
    %run_scoped3A_381 = arith.constant 0 : i32
    "tpu.region"() ({
      %run_scoped3A_779 = tpu.sem_alloc : memref<!tpu.dma_semaphore, #tpu.memory_space<semaphore_mem>>
      %dma_start3A = arith.constant 0 : i32
      %dma_start3A_780 = arith.constant 0 : i32
      %dma_start3A_781 = tpu.memref_slice %arg5[%arg1, %run_scoped3A_381, %dma_start3A, %dma_start3A_780] : memref<16x2x158x128xi32, #tpu.memory_space<hbm>> -> memref<1x1x158x128xi32, #tpu.memory_space<hbm>>
      %dma_start3A_782 = tpu.memref_squeeze %dma_start3A_781 : memref<1x1x158x128xi32, #tpu.memory_space<hbm>> -> memref<158x128xi32, #tpu.memory_space<hbm>>
      %dma_start3A_783 = arith.constant 0 : i32
      %dma_start3A_784 = arith.constant 0 : i32
      %dma_start3A_785 = tpu.memref_slice %arg5[%arg1, %run_scoped3A_381, %dma_start3A_783, %dma_start3A_784] : memref<16x2x158x128xi32, #tpu.memory_space<hbm>> -> memref<1x1x158x128xi32, #tpu.memory_space<hbm>>
      %dma_start3A_786 = tpu.memref_squeeze %dma_start3A_785 : memref<1x1x158x128xi32, #tpu.memory_space<hbm>> -> memref<158x128xi32, #tpu.memory_space<hbm>>
      tpu.enqueue_dma source(%arg10 : memref<158x128xi32, #tpu.memory_space<vmem>>) target(%dma_start3A_786 : memref<158x128xi32, #tpu.memory_space<hbm>>) target_semaphore(%run_scoped3A_779 : memref<!tpu.dma_semaphore, #tpu.memory_space<semaphore_mem>>)
      %dma_wait3A = arith.constant 0 : i32
      %dma_wait3A_787 = arith.constant 0 : i32
      %dma_wait3A_788 = tpu.memref_slice %arg5[%arg1, %run_scoped3A_381, %dma_wait3A, %dma_wait3A_787] : memref<16x2x158x128xi32, #tpu.memory_space<hbm>> -> memref<1x1x158x128xi32, #tpu.memory_space<hbm>>
      %dma_wait3A_789 = tpu.memref_squeeze %dma_wait3A_788 : memref<1x1x158x128xi32, #tpu.memory_space<hbm>> -> memref<158x128xi32, #tpu.memory_space<hbm>>
      %dma_wait3A_790 = arith.constant 0 : i32
      %dma_wait3A_791 = arith.constant 0 : i32
      %dma_wait3A_792 = tpu.memref_slice %arg5[%arg1, %run_scoped3A_381, %dma_wait3A_790, %dma_wait3A_791] : memref<16x2x158x128xi32, #tpu.memory_space<hbm>> -> memref<1x1x158x128xi32, #tpu.memory_space<hbm>>
      %dma_wait3A_793 = tpu.memref_squeeze %dma_wait3A_792 : memref<1x1x158x128xi32, #tpu.memory_space<hbm>> -> memref<158x128xi32, #tpu.memory_space<hbm>>
      tpu.wait_dma2 semaphore(%run_scoped3A_779 : memref<!tpu.dma_semaphore, #tpu.memory_space<semaphore_mem>>) src(%arg10 : memref<158x128xi32, #tpu.memory_space<vmem>>) dst(%dma_wait3A_793 : memref<158x128xi32, #tpu.memory_space<hbm>>)
      tpu.yield
    }) : () -> ()
    %scan3A_382 = arith.constant 0 : i32
    %scan3A_383 = arith.constant 0 : i32
    %scan3A_384 = arith.constant 1264 : i32
    %scan3A_385 = arith.addi %scan3A_383, %scan3A_384 : i32
    %scan3A_386 = arith.constant 1 : i32
    %scan3A_387 = scf.for %scan3A_779 = %scan3A_383 to %scan3A_385 step %scan3A_386 iter_args(%scan3A_780 = %scan3A_382) -> (i32)  : i32 {
      %mul3A_781 = arith.constant 16 : i32
      %mul3A_782 = arith.muli %scan3A_779, %mul3A_781 : i32
      %get3A = arith.index_cast %mul3A_782 : i32 to index
      %get3A_783 = tpu.vector_load %arg8[%get3A] {strides = array<i32>} : memref<20224xi32, #tpu.memory_space<vmem>>, vector<16xi32>,
      %mul3A_784 = arith.constant 16 : i32
      %mul3A_785 = arith.muli %scan3A_779, %mul3A_784 : i32
      %get3A_786 = arith.index_cast %mul3A_785 : i32 to index
      %get3A_787 = tpu.vector_load %arg7[%get3A_786] {strides = array<i32>} : memref<20224xi32, #tpu.memory_space<vmem>>, vector<16xi32>,
      %ge3A = arith.constant 4992 : i32
      %ge3A_788 = vector.broadcast %ge3A : i32 to vector<16xi32>
      %ge3A_789 = arith.cmpi sge, %get3A_783, %ge3A_788 : vector<16xi32>
      %lt3A_790 = arith.constant 10000 : i32
      %lt3A_791 = vector.broadcast %lt3A_790 : i32 to vector<16xi32>
      %lt3A_792 = arith.cmpi slt, %get3A_783, %lt3A_791 : vector<16xi32>
      %and3A_793 = arith.andi %ge3A_789, %lt3A_792 : vector<16xi1>
      %jit3A_794 = arith.constant 1 : i32
      %jit3A_795 = arith.constant 0 : i32
      %broadcast_in_dim3A_796 = vector.broadcast %jit3A_794 : i32 to vector<16xi32>
      %broadcast_in_dim3A_797 = vector.broadcast %jit3A_795 : i32 to vector<16xi32>
      %select_n3A_798 = arith.select %and3A_793, %broadcast_in_dim3A_796, %broadcast_in_dim3A_797 : vector<16xi1>, vector<16xi32>
      %broadcast_in_dim3A_799 = arith.constant true
      %broadcast_in_dim3A_800 = vector.broadcast %broadcast_in_dim3A_799 : i1 to vector<16xi1>
      %masked_cumsum3A = tpu.scan <sum>, %select_n3A_798 masked %broadcast_in_dim3A_800 : vector<16xi32>, vector<16xi1> -> vector<16xi32>
      %sub3A_801 = arith.constant 1 : i32
      %sub3A_802 = vector.broadcast %sub3A_801 : i32 to vector<16xi32>
      %sub3A_803 = arith.subi %masked_cumsum3A, %sub3A_802 : vector<16xi32>
      %add3A_804 = vector.broadcast %scan3A_780 : i32 to vector<16xi32>
      %add3A_805 = arith.addi %sub3A_803, %add3A_804 : vector<16xi32>
      %shift_right_arithmetic3A_806 = arith.constant 7 : i32
      %shift_right_arithmetic3A_807 = vector.broadcast %shift_right_arithmetic3A_806 : i32 to vector<16xi32>
      %shift_right_arithmetic3A_808 = arith.shrsi %add3A_805, %shift_right_arithmetic3A_807 : vector<16xi32>
      %and3A_809 = arith.constant 127 : i32
      %and3A_810 = vector.broadcast %and3A_809 : i32 to vector<16xi32>
      %and3A_811 = arith.andi %add3A_805, %and3A_810 : vector<16xi32>
      %sub3A_812 = arith.constant 4992 : i32
      %sub3A_813 = vector.broadcast %sub3A_812 : i32 to vector<16xi32>
      %sub3A_814 = arith.subi %get3A_783, %sub3A_813 : vector<16xi32>
      tpu.vector_store_idx %arg10[%shift_right_arithmetic3A_808, %and3A_811], %sub3A_814 masked %and3A_793 : memref<158x128xi32, #tpu.memory_space<vmem>>[vector<16xi32>, vector<16xi32>], vector<16xi32>, vector<16xi1>
      %shift_right_arithmetic3A_815 = arith.constant 7 : i32
      %shift_right_arithmetic3A_816 = vector.broadcast %shift_right_arithmetic3A_815 : i32 to vector<16xi32>
      %shift_right_arithmetic3A_817 = arith.shrsi %add3A_805, %shift_right_arithmetic3A_816 : vector<16xi32>
      %and3A_818 = arith.constant 127 : i32
      %and3A_819 = vector.broadcast %and3A_818 : i32 to vector<16xi32>
      %and3A_820 = arith.andi %add3A_805, %and3A_819 : vector<16xi32>
      tpu.vector_store_idx %arg9[%shift_right_arithmetic3A_817, %and3A_820], %get3A_787 masked %and3A_793 : memref<158x128xi32, #tpu.memory_space<vmem>>[vector<16xi32>, vector<16xi32>], vector<16xi32>, vector<16xi1>
      %reduce_sum3A = arith.constant true
      %reduce_sum3A_821 = vector.broadcast %reduce_sum3A : i1 to vector<16xi1>
      %reduce_sum3A_822 = tpu.scan <sum>, %select_n3A_798 masked %reduce_sum3A_821 : vector<16xi32>, vector<16xi1> -> vector<16xi32>
      %reduce_sum3A_823 = vector.extract %reduce_sum3A_822[15] : i32 from vector<16xi32>
      %add3A_824 = arith.addi %scan3A_780, %reduce_sum3A_823 : i32
      scf.yield %add3A_824 : i32
    }
    %scan3A_388 = arith.constant 1264 : i32
    %add3A_389 = arith.constant 256 : i32
    %add3A_390 = arith.addi %scan3A_387, %add3A_389 : i32
    %sub3A_391 = arith.constant 1 : i32
    %sub3A_392 = arith.subi %add3A_390, %sub3A_391 : i32
    %jit3A_393 = arith.constant 256 : i32
    %div3A_394 = arith.divsi %sub3A_392, %jit3A_393 : i32
    %sign3A_395 = arith.constant 0 : i32
    %sign3A_396 = arith.cmpi sgt, %sub3A_392, %sign3A_395 : i32
    %sign3A_397 = arith.extui %sign3A_396 : i1 to i32
    %sign3A_398 = arith.constant 0 : i32
    %sign3A_399 = arith.cmpi slt, %sub3A_392, %sign3A_398 : i32
    %sign3A_400 = arith.extui %sign3A_399 : i1 to i32
    %sign3A_401 = arith.subi %sign3A_397, %sign3A_400 : i32
    %sign3A_402 = arith.constant 0 : i32
    %sign3A_403 = arith.cmpi sgt, %jit3A_393, %sign3A_402 : i32
    %sign3A_404 = arith.extui %sign3A_403 : i1 to i32
    %sign3A_405 = arith.constant 0 : i32
    %sign3A_406 = arith.cmpi slt, %jit3A_393, %sign3A_405 : i32
    %sign3A_407 = arith.extui %sign3A_406 : i1 to i32
    %sign3A_408 = arith.subi %sign3A_404, %sign3A_407 : i32
    %ne3A_409 = arith.cmpi ne, %sign3A_401, %sign3A_408 : i32
    %rem3A_410 = arith.remsi %sub3A_392, %jit3A_393 : i32
    %ne3A_411 = arith.constant 0 : i32
    %ne3A_412 = arith.cmpi ne, %rem3A_410, %ne3A_411 : i32
    %and3A_413 = arith.andi %ne3A_409, %ne3A_412 : i1
    %sub3A_414 = arith.constant 1 : i32
    %sub3A_415 = arith.subi %div3A_394, %sub3A_414 : i32
    %select_n3A_416 = arith.select %and3A_413, %sub3A_415, %div3A_394 : i32
    %mul3A_417 = arith.constant 256 : i32
    %mul3A_418 = arith.muli %select_n3A_416, %mul3A_417 : i32
    %add3A_419 = arith.constant 0 : i32
    %add3A_420 = arith.addi %scan3A_387, %add3A_419 : i32
    %add3A_421 = vector.broadcast %add3A_420 : i32 to vector<16xi32>
    %add3A_422 = arith.addi %add3A_421, %iota3A : vector<16xi32>
    %lt3A_423 = vector.broadcast %mul3A_418 : i32 to vector<16xi32>
    %lt3A_424 = arith.cmpi slt, %add3A_422, %lt3A_423 : vector<16xi32>
    %shift_right_arithmetic3A_425 = arith.constant 7 : i32
    %shift_right_arithmetic3A_426 = vector.broadcast %shift_right_arithmetic3A_425 : i32 to vector<16xi32>
    %shift_right_arithmetic3A_427 = arith.shrsi %add3A_422, %shift_right_arithmetic3A_426 : vector<16xi32>
    %and3A_428 = arith.constant 127 : i32
    %and3A_429 = vector.broadcast %and3A_428 : i32 to vector<16xi32>
    %and3A_430 = arith.andi %add3A_422, %and3A_429 : vector<16xi32>
    %broadcast_in_dim3A_431 = arith.constant 5008 : i32
    %broadcast_in_dim3A_432 = vector.broadcast %broadcast_in_dim3A_431 : i32 to vector<16xi32>
    tpu.vector_store_idx %arg10[%shift_right_arithmetic3A_427, %and3A_430], %broadcast_in_dim3A_432 masked %lt3A_424 : memref<158x128xi32, #tpu.memory_space<vmem>>[vector<16xi32>, vector<16xi32>], vector<16xi32>, vector<16xi1>
    %shift_right_arithmetic3A_433 = arith.constant 7 : i32
    %shift_right_arithmetic3A_434 = vector.broadcast %shift_right_arithmetic3A_433 : i32 to vector<16xi32>
    %shift_right_arithmetic3A_435 = arith.shrsi %add3A_422, %shift_right_arithmetic3A_434 : vector<16xi32>
    %and3A_436 = arith.constant 127 : i32
    %and3A_437 = vector.broadcast %and3A_436 : i32 to vector<16xi32>
    %and3A_438 = arith.andi %add3A_422, %and3A_437 : vector<16xi32>
    %broadcast_in_dim3A_439 = arith.constant 0 : i32
    %broadcast_in_dim3A_440 = vector.broadcast %broadcast_in_dim3A_439 : i32 to vector<16xi32>
    tpu.vector_store_idx %arg9[%shift_right_arithmetic3A_435, %and3A_438], %broadcast_in_dim3A_440 masked %lt3A_424 : memref<158x128xi32, #tpu.memory_space<vmem>>[vector<16xi32>, vector<16xi32>], vector<16xi32>, vector<16xi1>
    %add3A_441 = arith.constant 16 : i32
    %add3A_442 = arith.addi %scan3A_387, %add3A_441 : i32
    %add3A_443 = vector.broadcast %add3A_442 : i32 to vector<16xi32>
    %add3A_444 = arith.addi %add3A_443, %iota3A : vector<16xi32>
    %lt3A_445 = vector.broadcast %mul3A_418 : i32 to vector<16xi32>
    %lt3A_446 = arith.cmpi slt, %add3A_444, %lt3A_445 : vector<16xi32>
    %shift_right_arithmetic3A_447 = arith.constant 7 : i32
    %shift_right_arithmetic3A_448 = vector.broadcast %shift_right_arithmetic3A_447 : i32 to vector<16xi32>
    %shift_right_arithmetic3A_449 = arith.shrsi %add3A_444, %shift_right_arithmetic3A_448 : vector<16xi32>
    %and3A_450 = arith.constant 127 : i32
    %and3A_451 = vector.broadcast %and3A_450 : i32 to vector<16xi32>
    %and3A_452 = arith.andi %add3A_444, %and3A_451 : vector<16xi32>
    %broadcast_in_dim3A_453 = arith.constant 5008 : i32
    %broadcast_in_dim3A_454 = vector.broadcast %broadcast_in_dim3A_453 : i32 to vector<16xi32>
    tpu.vector_store_idx %arg10[%shift_right_arithmetic3A_449, %and3A_452], %broadcast_in_dim3A_454 masked %lt3A_446 : memref<158x128xi32, #tpu.memory_space<vmem>>[vector<16xi32>, vector<16xi32>], vector<16xi32>, vector<16xi1>
    %shift_right_arithmetic3A_455 = arith.constant 7 : i32
    %shift_right_arithmetic3A_456 = vector.broadcast %shift_right_arithmetic3A_455 : i32 to vector<16xi32>
    %shift_right_arithmetic3A_457 = arith.shrsi %add3A_444, %shift_right_arithmetic3A_456 : vector<16xi32>
    %and3A_458 = arith.constant 127 : i32
    %and3A_459 = vector.broadcast %and3A_458 : i32 to vector<16xi32>
    %and3A_460 = arith.andi %add3A_444, %and3A_459 : vector<16xi32>
    %broadcast_in_dim3A_461 = arith.constant 0 : i32
    %broadcast_in_dim3A_462 = vector.broadcast %broadcast_in_dim3A_461 : i32 to vector<16xi32>
    tpu.vector_store_idx %arg9[%shift_right_arithmetic3A_457, %and3A_460], %broadcast_in_dim3A_462 masked %lt3A_446 : memref<158x128xi32, #tpu.memory_space<vmem>>[vector<16xi32>, vector<16xi32>], vector<16xi32>, vector<16xi1>
    %add3A_463 = arith.constant 32 : i32
    %add3A_464 = arith.addi %scan3A_387, %add3A_463 : i32
    %add3A_465 = vector.broadcast %add3A_464 : i32 to vector<16xi32>
    %add3A_466 = arith.addi %add3A_465, %iota3A : vector<16xi32>
    %lt3A_467 = vector.broadcast %mul3A_418 : i32 to vector<16xi32>
    %lt3A_468 = arith.cmpi slt, %add3A_466, %lt3A_467 : vector<16xi32>
    %shift_right_arithmetic3A_469 = arith.constant 7 : i32
    %shift_right_arithmetic3A_470 = vector.broadcast %shift_right_arithmetic3A_469 : i32 to vector<16xi32>
    %shift_right_arithmetic3A_471 = arith.shrsi %add3A_466, %shift_right_arithmetic3A_470 : vector<16xi32>
    %and3A_472 = arith.constant 127 : i32
    %and3A_473 = vector.broadcast %and3A_472 : i32 to vector<16xi32>
    %and3A_474 = arith.andi %add3A_466, %and3A_473 : vector<16xi32>
    %broadcast_in_dim3A_475 = arith.constant 5008 : i32
    %broadcast_in_dim3A_476 = vector.broadcast %broadcast_in_dim3A_475 : i32 to vector<16xi32>
    tpu.vector_store_idx %arg10[%shift_right_arithmetic3A_471, %and3A_474], %broadcast_in_dim3A_476 masked %lt3A_468 : memref<158x128xi32, #tpu.memory_space<vmem>>[vector<16xi32>, vector<16xi32>], vector<16xi32>, vector<16xi1>
    %shift_right_arithmetic3A_477 = arith.constant 7 : i32
    %shift_right_arithmetic3A_478 = vector.broadcast %shift_right_arithmetic3A_477 : i32 to vector<16xi32>
    %shift_right_arithmetic3A_479 = arith.shrsi %add3A_466, %shift_right_arithmetic3A_478 : vector<16xi32>
    %and3A_480 = arith.constant 127 : i32
    %and3A_481 = vector.broadcast %and3A_480 : i32 to vector<16xi32>
    %and3A_482 = arith.andi %add3A_466, %and3A_481 : vector<16xi32>
    %broadcast_in_dim3A_483 = arith.constant 0 : i32
    %broadcast_in_dim3A_484 = vector.broadcast %broadcast_in_dim3A_483 : i32 to vector<16xi32>
    tpu.vector_store_idx %arg9[%shift_right_arithmetic3A_479, %and3A_482], %broadcast_in_dim3A_484 masked %lt3A_468 : memref<158x128xi32, #tpu.memory_space<vmem>>[vector<16xi32>, vector<16xi32>], vector<16xi32>, vector<16xi1>
    %add3A_485 = arith.constant 48 : i32
    %add3A_486 = arith.addi %scan3A_387, %add3A_485 : i32
    %add3A_487 = vector.broadcast %add3A_486 : i32 to vector<16xi32>
    %add3A_488 = arith.addi %add3A_487, %iota3A : vector<16xi32>
    %lt3A_489 = vector.broadcast %mul3A_418 : i32 to vector<16xi32>
    %lt3A_490 = arith.cmpi slt, %add3A_488, %lt3A_489 : vector<16xi32>
    %shift_right_arithmetic3A_491 = arith.constant 7 : i32
    %shift_right_arithmetic3A_492 = vector.broadcast %shift_right_arithmetic3A_491 : i32 to vector<16xi32>
    %shift_right_arithmetic3A_493 = arith.shrsi %add3A_488, %shift_right_arithmetic3A_492 : vector<16xi32>
    %and3A_494 = arith.constant 127 : i32
    %and3A_495 = vector.broadcast %and3A_494 : i32 to vector<16xi32>
    %and3A_496 = arith.andi %add3A_488, %and3A_495 : vector<16xi32>
    %broadcast_in_dim3A_497 = arith.constant 5008 : i32
    %broadcast_in_dim3A_498 = vector.broadcast %broadcast_in_dim3A_497 : i32 to vector<16xi32>
    tpu.vector_store_idx %arg10[%shift_right_arithmetic3A_493, %and3A_496], %broadcast_in_dim3A_498 masked %lt3A_490 : memref<158x128xi32, #tpu.memory_space<vmem>>[vector<16xi32>, vector<16xi32>], vector<16xi32>, vector<16xi1>
    %shift_right_arithmetic3A_499 = arith.constant 7 : i32
    %shift_right_arithmetic3A_500 = vector.broadcast %shift_right_arithmetic3A_499 : i32 to vector<16xi32>
    %shift_right_arithmetic3A_501 = arith.shrsi %add3A_488, %shift_right_arithmetic3A_500 : vector<16xi32>
    %and3A_502 = arith.constant 127 : i32
    %and3A_503 = vector.broadcast %and3A_502 : i32 to vector<16xi32>
    %and3A_504 = arith.andi %add3A_488, %and3A_503 : vector<16xi32>
    %broadcast_in_dim3A_505 = arith.constant 0 : i32
    %broadcast_in_dim3A_506 = vector.broadcast %broadcast_in_dim3A_505 : i32 to vector<16xi32>
    tpu.vector_store_idx %arg9[%shift_right_arithmetic3A_501, %and3A_504], %broadcast_in_dim3A_506 masked %lt3A_490 : memref<158x128xi32, #tpu.memory_space<vmem>>[vector<16xi32>, vector<16xi32>], vector<16xi32>, vector<16xi1>
    %add3A_507 = arith.constant 64 : i32
    %add3A_508 = arith.addi %scan3A_387, %add3A_507 : i32
    %add3A_509 = vector.broadcast %add3A_508 : i32 to vector<16xi32>
    %add3A_510 = arith.addi %add3A_509, %iota3A : vector<16xi32>
    %lt3A_511 = vector.broadcast %mul3A_418 : i32 to vector<16xi32>
    %lt3A_512 = arith.cmpi slt, %add3A_510, %lt3A_511 : vector<16xi32>
    %shift_right_arithmetic3A_513 = arith.constant 7 : i32
    %shift_right_arithmetic3A_514 = vector.broadcast %shift_right_arithmetic3A_513 : i32 to vector<16xi32>
    %shift_right_arithmetic3A_515 = arith.shrsi %add3A_510, %shift_right_arithmetic3A_514 : vector<16xi32>
    %and3A_516 = arith.constant 127 : i32
    %and3A_517 = vector.broadcast %and3A_516 : i32 to vector<16xi32>
    %and3A_518 = arith.andi %add3A_510, %and3A_517 : vector<16xi32>
    %broadcast_in_dim3A_519 = arith.constant 5008 : i32
    %broadcast_in_dim3A_520 = vector.broadcast %broadcast_in_dim3A_519 : i32 to vector<16xi32>
    tpu.vector_store_idx %arg10[%shift_right_arithmetic3A_515, %and3A_518], %broadcast_in_dim3A_520 masked %lt3A_512 : memref<158x128xi32, #tpu.memory_space<vmem>>[vector<16xi32>, vector<16xi32>], vector<16xi32>, vector<16xi1>
    %shift_right_arithmetic3A_521 = arith.constant 7 : i32
    %shift_right_arithmetic3A_522 = vector.broadcast %shift_right_arithmetic3A_521 : i32 to vector<16xi32>
    %shift_right_arithmetic3A_523 = arith.shrsi %add3A_510, %shift_right_arithmetic3A_522 : vector<16xi32>
    %and3A_524 = arith.constant 127 : i32
    %and3A_525 = vector.broadcast %and3A_524 : i32 to vector<16xi32>
    %and3A_526 = arith.andi %add3A_510, %and3A_525 : vector<16xi32>
    %broadcast_in_dim3A_527 = arith.constant 0 : i32
    %broadcast_in_dim3A_528 = vector.broadcast %broadcast_in_dim3A_527 : i32 to vector<16xi32>
    tpu.vector_store_idx %arg9[%shift_right_arithmetic3A_523, %and3A_526], %broadcast_in_dim3A_528 masked %lt3A_512 : memref<158x128xi32, #tpu.memory_space<vmem>>[vector<16xi32>, vector<16xi32>], vector<16xi32>, vector<16xi1>
    %add3A_529 = arith.constant 80 : i32
    %add3A_530 = arith.addi %scan3A_387, %add3A_529 : i32
    %add3A_531 = vector.broadcast %add3A_530 : i32 to vector<16xi32>
    %add3A_532 = arith.addi %add3A_531, %iota3A : vector<16xi32>
    %lt3A_533 = vector.broadcast %mul3A_418 : i32 to vector<16xi32>
    %lt3A_534 = arith.cmpi slt, %add3A_532, %lt3A_533 : vector<16xi32>
    %shift_right_arithmetic3A_535 = arith.constant 7 : i32
    %shift_right_arithmetic3A_536 = vector.broadcast %shift_right_arithmetic3A_535 : i32 to vector<16xi32>
    %shift_right_arithmetic3A_537 = arith.shrsi %add3A_532, %shift_right_arithmetic3A_536 : vector<16xi32>
    %and3A_538 = arith.constant 127 : i32
    %and3A_539 = vector.broadcast %and3A_538 : i32 to vector<16xi32>
    %and3A_540 = arith.andi %add3A_532, %and3A_539 : vector<16xi32>
    %broadcast_in_dim3A_541 = arith.constant 5008 : i32
    %broadcast_in_dim3A_542 = vector.broadcast %broadcast_in_dim3A_541 : i32 to vector<16xi32>
    tpu.vector_store_idx %arg10[%shift_right_arithmetic3A_537, %and3A_540], %broadcast_in_dim3A_542 masked %lt3A_534 : memref<158x128xi32, #tpu.memory_space<vmem>>[vector<16xi32>, vector<16xi32>], vector<16xi32>, vector<16xi1>
    %shift_right_arithmetic3A_543 = arith.constant 7 : i32
    %shift_right_arithmetic3A_544 = vector.broadcast %shift_right_arithmetic3A_543 : i32 to vector<16xi32>
    %shift_right_arithmetic3A_545 = arith.shrsi %add3A_532, %shift_right_arithmetic3A_544 : vector<16xi32>
    %and3A_546 = arith.constant 127 : i32
    %and3A_547 = vector.broadcast %and3A_546 : i32 to vector<16xi32>
    %and3A_548 = arith.andi %add3A_532, %and3A_547 : vector<16xi32>
    %broadcast_in_dim3A_549 = arith.constant 0 : i32
    %broadcast_in_dim3A_550 = vector.broadcast %broadcast_in_dim3A_549 : i32 to vector<16xi32>
    tpu.vector_store_idx %arg9[%shift_right_arithmetic3A_545, %and3A_548], %broadcast_in_dim3A_550 masked %lt3A_534 : memref<158x128xi32, #tpu.memory_space<vmem>>[vector<16xi32>, vector<16xi32>], vector<16xi32>, vector<16xi1>
    %add3A_551 = arith.constant 96 : i32
    %add3A_552 = arith.addi %scan3A_387, %add3A_551 : i32
    %add3A_553 = vector.broadcast %add3A_552 : i32 to vector<16xi32>
    %add3A_554 = arith.addi %add3A_553, %iota3A : vector<16xi32>
    %lt3A_555 = vector.broadcast %mul3A_418 : i32 to vector<16xi32>
    %lt3A_556 = arith.cmpi slt, %add3A_554, %lt3A_555 : vector<16xi32>
    %shift_right_arithmetic3A_557 = arith.constant 7 : i32
    %shift_right_arithmetic3A_558 = vector.broadcast %shift_right_arithmetic3A_557 : i32 to vector<16xi32>
    %shift_right_arithmetic3A_559 = arith.shrsi %add3A_554, %shift_right_arithmetic3A_558 : vector<16xi32>
    %and3A_560 = arith.constant 127 : i32
    %and3A_561 = vector.broadcast %and3A_560 : i32 to vector<16xi32>
    %and3A_562 = arith.andi %add3A_554, %and3A_561 : vector<16xi32>
    %broadcast_in_dim3A_563 = arith.constant 5008 : i32
    %broadcast_in_dim3A_564 = vector.broadcast %broadcast_in_dim3A_563 : i32 to vector<16xi32>
    tpu.vector_store_idx %arg10[%shift_right_arithmetic3A_559, %and3A_562], %broadcast_in_dim3A_564 masked %lt3A_556 : memref<158x128xi32, #tpu.memory_space<vmem>>[vector<16xi32>, vector<16xi32>], vector<16xi32>, vector<16xi1>
    %shift_right_arithmetic3A_565 = arith.constant 7 : i32
    %shift_right_arithmetic3A_566 = vector.broadcast %shift_right_arithmetic3A_565 : i32 to vector<16xi32>
    %shift_right_arithmetic3A_567 = arith.shrsi %add3A_554, %shift_right_arithmetic3A_566 : vector<16xi32>
    %and3A_568 = arith.constant 127 : i32
    %and3A_569 = vector.broadcast %and3A_568 : i32 to vector<16xi32>
    %and3A_570 = arith.andi %add3A_554, %and3A_569 : vector<16xi32>
    %broadcast_in_dim3A_571 = arith.constant 0 : i32
    %broadcast_in_dim3A_572 = vector.broadcast %broadcast_in_dim3A_571 : i32 to vector<16xi32>
    tpu.vector_store_idx %arg9[%shift_right_arithmetic3A_567, %and3A_570], %broadcast_in_dim3A_572 masked %lt3A_556 : memref<158x128xi32, #tpu.memory_space<vmem>>[vector<16xi32>, vector<16xi32>], vector<16xi32>, vector<16xi1>
    %add3A_573 = arith.constant 112 : i32
    %add3A_574 = arith.addi %scan3A_387, %add3A_573 : i32
    %add3A_575 = vector.broadcast %add3A_574 : i32 to vector<16xi32>
    %add3A_576 = arith.addi %add3A_575, %iota3A : vector<16xi32>
    %lt3A_577 = vector.broadcast %mul3A_418 : i32 to vector<16xi32>
    %lt3A_578 = arith.cmpi slt, %add3A_576, %lt3A_577 : vector<16xi32>
    %shift_right_arithmetic3A_579 = arith.constant 7 : i32
    %shift_right_arithmetic3A_580 = vector.broadcast %shift_right_arithmetic3A_579 : i32 to vector<16xi32>
    %shift_right_arithmetic3A_581 = arith.shrsi %add3A_576, %shift_right_arithmetic3A_580 : vector<16xi32>
    %and3A_582 = arith.constant 127 : i32
    %and3A_583 = vector.broadcast %and3A_582 : i32 to vector<16xi32>
    %and3A_584 = arith.andi %add3A_576, %and3A_583 : vector<16xi32>
    %broadcast_in_dim3A_585 = arith.constant 5008 : i32
    %broadcast_in_dim3A_586 = vector.broadcast %broadcast_in_dim3A_585 : i32 to vector<16xi32>
    tpu.vector_store_idx %arg10[%shift_right_arithmetic3A_581, %and3A_584], %broadcast_in_dim3A_586 masked %lt3A_578 : memref<158x128xi32, #tpu.memory_space<vmem>>[vector<16xi32>, vector<16xi32>], vector<16xi32>, vector<16xi1>
    %shift_right_arithmetic3A_587 = arith.constant 7 : i32
    %shift_right_arithmetic3A_588 = vector.broadcast %shift_right_arithmetic3A_587 : i32 to vector<16xi32>
    %shift_right_arithmetic3A_589 = arith.shrsi %add3A_576, %shift_right_arithmetic3A_588 : vector<16xi32>
    %and3A_590 = arith.constant 127 : i32
    %and3A_591 = vector.broadcast %and3A_590 : i32 to vector<16xi32>
    %and3A_592 = arith.andi %add3A_576, %and3A_591 : vector<16xi32>
    %broadcast_in_dim3A_593 = arith.constant 0 : i32
    %broadcast_in_dim3A_594 = vector.broadcast %broadcast_in_dim3A_593 : i32 to vector<16xi32>
    tpu.vector_store_idx %arg9[%shift_right_arithmetic3A_589, %and3A_592], %broadcast_in_dim3A_594 masked %lt3A_578 : memref<158x128xi32, #tpu.memory_space<vmem>>[vector<16xi32>, vector<16xi32>], vector<16xi32>, vector<16xi1>
    %add3A_595 = arith.constant 128 : i32
    %add3A_596 = arith.addi %scan3A_387, %add3A_595 : i32
    %add3A_597 = vector.broadcast %add3A_596 : i32 to vector<16xi32>
    %add3A_598 = arith.addi %add3A_597, %iota3A : vector<16xi32>
    %lt3A_599 = vector.broadcast %mul3A_418 : i32 to vector<16xi32>
    %lt3A_600 = arith.cmpi slt, %add3A_598, %lt3A_599 : vector<16xi32>
    %shift_right_arithmetic3A_601 = arith.constant 7 : i32
    %shift_right_arithmetic3A_602 = vector.broadcast %shift_right_arithmetic3A_601 : i32 to vector<16xi32>
    %shift_right_arithmetic3A_603 = arith.shrsi %add3A_598, %shift_right_arithmetic3A_602 : vector<16xi32>
    %and3A_604 = arith.constant 127 : i32
    %and3A_605 = vector.broadcast %and3A_604 : i32 to vector<16xi32>
    %and3A_606 = arith.andi %add3A_598, %and3A_605 : vector<16xi32>
    %broadcast_in_dim3A_607 = arith.constant 5008 : i32
    %broadcast_in_dim3A_608 = vector.broadcast %broadcast_in_dim3A_607 : i32 to vector<16xi32>
    tpu.vector_store_idx %arg10[%shift_right_arithmetic3A_603, %and3A_606], %broadcast_in_dim3A_608 masked %lt3A_600 : memref<158x128xi32, #tpu.memory_space<vmem>>[vector<16xi32>, vector<16xi32>], vector<16xi32>, vector<16xi1>
    %shift_right_arithmetic3A_609 = arith.constant 7 : i32
    %shift_right_arithmetic3A_610 = vector.broadcast %shift_right_arithmetic3A_609 : i32 to vector<16xi32>
    %shift_right_arithmetic3A_611 = arith.shrsi %add3A_598, %shift_right_arithmetic3A_610 : vector<16xi32>
    %and3A_612 = arith.constant 127 : i32
    %and3A_613 = vector.broadcast %and3A_612 : i32 to vector<16xi32>
    %and3A_614 = arith.andi %add3A_598, %and3A_613 : vector<16xi32>
    %broadcast_in_dim3A_615 = arith.constant 0 : i32
    %broadcast_in_dim3A_616 = vector.broadcast %broadcast_in_dim3A_615 : i32 to vector<16xi32>
    tpu.vector_store_idx %arg9[%shift_right_arithmetic3A_611, %and3A_614], %broadcast_in_dim3A_616 masked %lt3A_600 : memref<158x128xi32, #tpu.memory_space<vmem>>[vector<16xi32>, vector<16xi32>], vector<16xi32>, vector<16xi1>
    %add3A_617 = arith.constant 144 : i32
    %add3A_618 = arith.addi %scan3A_387, %add3A_617 : i32
    %add3A_619 = vector.broadcast %add3A_618 : i32 to vector<16xi32>
    %add3A_620 = arith.addi %add3A_619, %iota3A : vector<16xi32>
    %lt3A_621 = vector.broadcast %mul3A_418 : i32 to vector<16xi32>
    %lt3A_622 = arith.cmpi slt, %add3A_620, %lt3A_621 : vector<16xi32>
    %shift_right_arithmetic3A_623 = arith.constant 7 : i32
    %shift_right_arithmetic3A_624 = vector.broadcast %shift_right_arithmetic3A_623 : i32 to vector<16xi32>
    %shift_right_arithmetic3A_625 = arith.shrsi %add3A_620, %shift_right_arithmetic3A_624 : vector<16xi32>
    %and3A_626 = arith.constant 127 : i32
    %and3A_627 = vector.broadcast %and3A_626 : i32 to vector<16xi32>
    %and3A_628 = arith.andi %add3A_620, %and3A_627 : vector<16xi32>
    %broadcast_in_dim3A_629 = arith.constant 5008 : i32
    %broadcast_in_dim3A_630 = vector.broadcast %broadcast_in_dim3A_629 : i32 to vector<16xi32>
    tpu.vector_store_idx %arg10[%shift_right_arithmetic3A_625, %and3A_628], %broadcast_in_dim3A_630 masked %lt3A_622 : memref<158x128xi32, #tpu.memory_space<vmem>>[vector<16xi32>, vector<16xi32>], vector<16xi32>, vector<16xi1>
    %shift_right_arithmetic3A_631 = arith.constant 7 : i32
    %shift_right_arithmetic3A_632 = vector.broadcast %shift_right_arithmetic3A_631 : i32 to vector<16xi32>
    %shift_right_arithmetic3A_633 = arith.shrsi %add3A_620, %shift_right_arithmetic3A_632 : vector<16xi32>
    %and3A_634 = arith.constant 127 : i32
    %and3A_635 = vector.broadcast %and3A_634 : i32 to vector<16xi32>
    %and3A_636 = arith.andi %add3A_620, %and3A_635 : vector<16xi32>
    %broadcast_in_dim3A_637 = arith.constant 0 : i32
    %broadcast_in_dim3A_638 = vector.broadcast %broadcast_in_dim3A_637 : i32 to vector<16xi32>
    tpu.vector_store_idx %arg9[%shift_right_arithmetic3A_633, %and3A_636], %broadcast_in_dim3A_638 masked %lt3A_622 : memref<158x128xi32, #tpu.memory_space<vmem>>[vector<16xi32>, vector<16xi32>], vector<16xi32>, vector<16xi1>
    %add3A_639 = arith.constant 160 : i32
    %add3A_640 = arith.addi %scan3A_387, %add3A_639 : i32
    %add3A_641 = vector.broadcast %add3A_640 : i32 to vector<16xi32>
    %add3A_642 = arith.addi %add3A_641, %iota3A : vector<16xi32>
    %lt3A_643 = vector.broadcast %mul3A_418 : i32 to vector<16xi32>
    %lt3A_644 = arith.cmpi slt, %add3A_642, %lt3A_643 : vector<16xi32>
    %shift_right_arithmetic3A_645 = arith.constant 7 : i32
    %shift_right_arithmetic3A_646 = vector.broadcast %shift_right_arithmetic3A_645 : i32 to vector<16xi32>
    %shift_right_arithmetic3A_647 = arith.shrsi %add3A_642, %shift_right_arithmetic3A_646 : vector<16xi32>
    %and3A_648 = arith.constant 127 : i32
    %and3A_649 = vector.broadcast %and3A_648 : i32 to vector<16xi32>
    %and3A_650 = arith.andi %add3A_642, %and3A_649 : vector<16xi32>
    %broadcast_in_dim3A_651 = arith.constant 5008 : i32
    %broadcast_in_dim3A_652 = vector.broadcast %broadcast_in_dim3A_651 : i32 to vector<16xi32>
    tpu.vector_store_idx %arg10[%shift_right_arithmetic3A_647, %and3A_650], %broadcast_in_dim3A_652 masked %lt3A_644 : memref<158x128xi32, #tpu.memory_space<vmem>>[vector<16xi32>, vector<16xi32>], vector<16xi32>, vector<16xi1>
    %shift_right_arithmetic3A_653 = arith.constant 7 : i32
    %shift_right_arithmetic3A_654 = vector.broadcast %shift_right_arithmetic3A_653 : i32 to vector<16xi32>
    %shift_right_arithmetic3A_655 = arith.shrsi %add3A_642, %shift_right_arithmetic3A_654 : vector<16xi32>
    %and3A_656 = arith.constant 127 : i32
    %and3A_657 = vector.broadcast %and3A_656 : i32 to vector<16xi32>
    %and3A_658 = arith.andi %add3A_642, %and3A_657 : vector<16xi32>
    %broadcast_in_dim3A_659 = arith.constant 0 : i32
    %broadcast_in_dim3A_660 = vector.broadcast %broadcast_in_dim3A_659 : i32 to vector<16xi32>
    tpu.vector_store_idx %arg9[%shift_right_arithmetic3A_655, %and3A_658], %broadcast_in_dim3A_660 masked %lt3A_644 : memref<158x128xi32, #tpu.memory_space<vmem>>[vector<16xi32>, vector<16xi32>], vector<16xi32>, vector<16xi1>
    %add3A_661 = arith.constant 176 : i32
    %add3A_662 = arith.addi %scan3A_387, %add3A_661 : i32
    %add3A_663 = vector.broadcast %add3A_662 : i32 to vector<16xi32>
    %add3A_664 = arith.addi %add3A_663, %iota3A : vector<16xi32>
    %lt3A_665 = vector.broadcast %mul3A_418 : i32 to vector<16xi32>
    %lt3A_666 = arith.cmpi slt, %add3A_664, %lt3A_665 : vector<16xi32>
    %shift_right_arithmetic3A_667 = arith.constant 7 : i32
    %shift_right_arithmetic3A_668 = vector.broadcast %shift_right_arithmetic3A_667 : i32 to vector<16xi32>
    %shift_right_arithmetic3A_669 = arith.shrsi %add3A_664, %shift_right_arithmetic3A_668 : vector<16xi32>
    %and3A_670 = arith.constant 127 : i32
    %and3A_671 = vector.broadcast %and3A_670 : i32 to vector<16xi32>
    %and3A_672 = arith.andi %add3A_664, %and3A_671 : vector<16xi32>
    %broadcast_in_dim3A_673 = arith.constant 5008 : i32
    %broadcast_in_dim3A_674 = vector.broadcast %broadcast_in_dim3A_673 : i32 to vector<16xi32>
    tpu.vector_store_idx %arg10[%shift_right_arithmetic3A_669, %and3A_672], %broadcast_in_dim3A_674 masked %lt3A_666 : memref<158x128xi32, #tpu.memory_space<vmem>>[vector<16xi32>, vector<16xi32>], vector<16xi32>, vector<16xi1>
    %shift_right_arithmetic3A_675 = arith.constant 7 : i32
    %shift_right_arithmetic3A_676 = vector.broadcast %shift_right_arithmetic3A_675 : i32 to vector<16xi32>
    %shift_right_arithmetic3A_677 = arith.shrsi %add3A_664, %shift_right_arithmetic3A_676 : vector<16xi32>
    %and3A_678 = arith.constant 127 : i32
    %and3A_679 = vector.broadcast %and3A_678 : i32 to vector<16xi32>
    %and3A_680 = arith.andi %add3A_664, %and3A_679 : vector<16xi32>
    %broadcast_in_dim3A_681 = arith.constant 0 : i32
    %broadcast_in_dim3A_682 = vector.broadcast %broadcast_in_dim3A_681 : i32 to vector<16xi32>
    tpu.vector_store_idx %arg9[%shift_right_arithmetic3A_677, %and3A_680], %broadcast_in_dim3A_682 masked %lt3A_666 : memref<158x128xi32, #tpu.memory_space<vmem>>[vector<16xi32>, vector<16xi32>], vector<16xi32>, vector<16xi1>
    %add3A_683 = arith.constant 192 : i32
    %add3A_684 = arith.addi %scan3A_387, %add3A_683 : i32
    %add3A_685 = vector.broadcast %add3A_684 : i32 to vector<16xi32>
    %add3A_686 = arith.addi %add3A_685, %iota3A : vector<16xi32>
    %lt3A_687 = vector.broadcast %mul3A_418 : i32 to vector<16xi32>
    %lt3A_688 = arith.cmpi slt, %add3A_686, %lt3A_687 : vector<16xi32>
    %shift_right_arithmetic3A_689 = arith.constant 7 : i32
    %shift_right_arithmetic3A_690 = vector.broadcast %shift_right_arithmetic3A_689 : i32 to vector<16xi32>
    %shift_right_arithmetic3A_691 = arith.shrsi %add3A_686, %shift_right_arithmetic3A_690 : vector<16xi32>
    %and3A_692 = arith.constant 127 : i32
    %and3A_693 = vector.broadcast %and3A_692 : i32 to vector<16xi32>
    %and3A_694 = arith.andi %add3A_686, %and3A_693 : vector<16xi32>
    %broadcast_in_dim3A_695 = arith.constant 5008 : i32
    %broadcast_in_dim3A_696 = vector.broadcast %broadcast_in_dim3A_695 : i32 to vector<16xi32>
    tpu.vector_store_idx %arg10[%shift_right_arithmetic3A_691, %and3A_694], %broadcast_in_dim3A_696 masked %lt3A_688 : memref<158x128xi32, #tpu.memory_space<vmem>>[vector<16xi32>, vector<16xi32>], vector<16xi32>, vector<16xi1>
    %shift_right_arithmetic3A_697 = arith.constant 7 : i32
    %shift_right_arithmetic3A_698 = vector.broadcast %shift_right_arithmetic3A_697 : i32 to vector<16xi32>
    %shift_right_arithmetic3A_699 = arith.shrsi %add3A_686, %shift_right_arithmetic3A_698 : vector<16xi32>
    %and3A_700 = arith.constant 127 : i32
    %and3A_701 = vector.broadcast %and3A_700 : i32 to vector<16xi32>
    %and3A_702 = arith.andi %add3A_686, %and3A_701 : vector<16xi32>
    %broadcast_in_dim3A_703 = arith.constant 0 : i32
    %broadcast_in_dim3A_704 = vector.broadcast %broadcast_in_dim3A_703 : i32 to vector<16xi32>
    tpu.vector_store_idx %arg9[%shift_right_arithmetic3A_699, %and3A_702], %broadcast_in_dim3A_704 masked %lt3A_688 : memref<158x128xi32, #tpu.memory_space<vmem>>[vector<16xi32>, vector<16xi32>], vector<16xi32>, vector<16xi1>
    %add3A_705 = arith.constant 208 : i32
    %add3A_706 = arith.addi %scan3A_387, %add3A_705 : i32
    %add3A_707 = vector.broadcast %add3A_706 : i32 to vector<16xi32>
    %add3A_708 = arith.addi %add3A_707, %iota3A : vector<16xi32>
    %lt3A_709 = vector.broadcast %mul3A_418 : i32 to vector<16xi32>
    %lt3A_710 = arith.cmpi slt, %add3A_708, %lt3A_709 : vector<16xi32>
    %shift_right_arithmetic3A_711 = arith.constant 7 : i32
    %shift_right_arithmetic3A_712 = vector.broadcast %shift_right_arithmetic3A_711 : i32 to vector<16xi32>
    %shift_right_arithmetic3A_713 = arith.shrsi %add3A_708, %shift_right_arithmetic3A_712 : vector<16xi32>
    %and3A_714 = arith.constant 127 : i32
    %and3A_715 = vector.broadcast %and3A_714 : i32 to vector<16xi32>
    %and3A_716 = arith.andi %add3A_708, %and3A_715 : vector<16xi32>
    %broadcast_in_dim3A_717 = arith.constant 5008 : i32
    %broadcast_in_dim3A_718 = vector.broadcast %broadcast_in_dim3A_717 : i32 to vector<16xi32>
    tpu.vector_store_idx %arg10[%shift_right_arithmetic3A_713, %and3A_716], %broadcast_in_dim3A_718 masked %lt3A_710 : memref<158x128xi32, #tpu.memory_space<vmem>>[vector<16xi32>, vector<16xi32>], vector<16xi32>, vector<16xi1>
    %shift_right_arithmetic3A_719 = arith.constant 7 : i32
    %shift_right_arithmetic3A_720 = vector.broadcast %shift_right_arithmetic3A_719 : i32 to vector<16xi32>
    %shift_right_arithmetic3A_721 = arith.shrsi %add3A_708, %shift_right_arithmetic3A_720 : vector<16xi32>
    %and3A_722 = arith.constant 127 : i32
    %and3A_723 = vector.broadcast %and3A_722 : i32 to vector<16xi32>
    %and3A_724 = arith.andi %add3A_708, %and3A_723 : vector<16xi32>
    %broadcast_in_dim3A_725 = arith.constant 0 : i32
    %broadcast_in_dim3A_726 = vector.broadcast %broadcast_in_dim3A_725 : i32 to vector<16xi32>
    tpu.vector_store_idx %arg9[%shift_right_arithmetic3A_721, %and3A_724], %broadcast_in_dim3A_726 masked %lt3A_710 : memref<158x128xi32, #tpu.memory_space<vmem>>[vector<16xi32>, vector<16xi32>], vector<16xi32>, vector<16xi1>
    %add3A_727 = arith.constant 224 : i32
    %add3A_728 = arith.addi %scan3A_387, %add3A_727 : i32
    %add3A_729 = vector.broadcast %add3A_728 : i32 to vector<16xi32>
    %add3A_730 = arith.addi %add3A_729, %iota3A : vector<16xi32>
    %lt3A_731 = vector.broadcast %mul3A_418 : i32 to vector<16xi32>
    %lt3A_732 = arith.cmpi slt, %add3A_730, %lt3A_731 : vector<16xi32>
    %shift_right_arithmetic3A_733 = arith.constant 7 : i32
    %shift_right_arithmetic3A_734 = vector.broadcast %shift_right_arithmetic3A_733 : i32 to vector<16xi32>
    %shift_right_arithmetic3A_735 = arith.shrsi %add3A_730, %shift_right_arithmetic3A_734 : vector<16xi32>
    %and3A_736 = arith.constant 127 : i32
    %and3A_737 = vector.broadcast %and3A_736 : i32 to vector<16xi32>
    %and3A_738 = arith.andi %add3A_730, %and3A_737 : vector<16xi32>
    %broadcast_in_dim3A_739 = arith.constant 5008 : i32
    %broadcast_in_dim3A_740 = vector.broadcast %broadcast_in_dim3A_739 : i32 to vector<16xi32>
    tpu.vector_store_idx %arg10[%shift_right_arithmetic3A_735, %and3A_738], %broadcast_in_dim3A_740 masked %lt3A_732 : memref<158x128xi32, #tpu.memory_space<vmem>>[vector<16xi32>, vector<16xi32>], vector<16xi32>, vector<16xi1>
    %shift_right_arithmetic3A_741 = arith.constant 7 : i32
    %shift_right_arithmetic3A_742 = vector.broadcast %shift_right_arithmetic3A_741 : i32 to vector<16xi32>
    %shift_right_arithmetic3A_743 = arith.shrsi %add3A_730, %shift_right_arithmetic3A_742 : vector<16xi32>
    %and3A_744 = arith.constant 127 : i32
    %and3A_745 = vector.broadcast %and3A_744 : i32 to vector<16xi32>
    %and3A_746 = arith.andi %add3A_730, %and3A_745 : vector<16xi32>
    %broadcast_in_dim3A_747 = arith.constant 0 : i32
    %broadcast_in_dim3A_748 = vector.broadcast %broadcast_in_dim3A_747 : i32 to vector<16xi32>
    tpu.vector_store_idx %arg9[%shift_right_arithmetic3A_743, %and3A_746], %broadcast_in_dim3A_748 masked %lt3A_732 : memref<158x128xi32, #tpu.memory_space<vmem>>[vector<16xi32>, vector<16xi32>], vector<16xi32>, vector<16xi1>
    %add3A_749 = arith.constant 240 : i32
    %add3A_750 = arith.addi %scan3A_387, %add3A_749 : i32
    %add3A_751 = vector.broadcast %add3A_750 : i32 to vector<16xi32>
    %add3A_752 = arith.addi %add3A_751, %iota3A : vector<16xi32>
    %lt3A_753 = vector.broadcast %mul3A_418 : i32 to vector<16xi32>
    %lt3A_754 = arith.cmpi slt, %add3A_752, %lt3A_753 : vector<16xi32>
    %shift_right_arithmetic3A_755 = arith.constant 7 : i32
    %shift_right_arithmetic3A_756 = vector.broadcast %shift_right_arithmetic3A_755 : i32 to vector<16xi32>
    %shift_right_arithmetic3A_757 = arith.shrsi %add3A_752, %shift_right_arithmetic3A_756 : vector<16xi32>
    %and3A_758 = arith.constant 127 : i32
    %and3A_759 = vector.broadcast %and3A_758 : i32 to vector<16xi32>
    %and3A_760 = arith.andi %add3A_752, %and3A_759 : vector<16xi32>
    %broadcast_in_dim3A_761 = arith.constant 5008 : i32
    %broadcast_in_dim3A_762 = vector.broadcast %broadcast_in_dim3A_761 : i32 to vector<16xi32>
    tpu.vector_store_idx %arg10[%shift_right_arithmetic3A_757, %and3A_760], %broadcast_in_dim3A_762 masked %lt3A_754 : memref<158x128xi32, #tpu.memory_space<vmem>>[vector<16xi32>, vector<16xi32>], vector<16xi32>, vector<16xi1>
    %shift_right_arithmetic3A_763 = arith.constant 7 : i32
    %shift_right_arithmetic3A_764 = vector.broadcast %shift_right_arithmetic3A_763 : i32 to vector<16xi32>
    %shift_right_arithmetic3A_765 = arith.shrsi %add3A_752, %shift_right_arithmetic3A_764 : vector<16xi32>
    %and3A_766 = arith.constant 127 : i32
    %and3A_767 = vector.broadcast %and3A_766 : i32 to vector<16xi32>
    %and3A_768 = arith.andi %add3A_752, %and3A_767 : vector<16xi32>
    %broadcast_in_dim3A_769 = arith.constant 0 : i32
    %broadcast_in_dim3A_770 = vector.broadcast %broadcast_in_dim3A_769 : i32 to vector<16xi32>
    tpu.vector_store_idx %arg9[%shift_right_arithmetic3A_765, %and3A_768], %broadcast_in_dim3A_770 masked %lt3A_754 : memref<158x128xi32, #tpu.memory_space<vmem>>[vector<16xi32>, vector<16xi32>], vector<16xi32>, vector<16xi1>
    %eq3A_771 = arith.constant 1 : i32
    %eq3A_772 = vector.broadcast %eq3A_771 : i32 to vector<16xi32>
    %eq3A_773 = arith.cmpi eq, %iota3A, %eq3A_772 : vector<16xi32>
    %broadcast_in_dim3A_774 = vector.broadcast %mul3A_418 : i32 to vector<16xi32>
    %select_n3A_775 = arith.select %eq3A_773, %broadcast_in_dim3A_774, %select_n3A_380 : vector<16xi1>, vector<16xi32>
    %run_scoped3A_776 = arith.constant 1 : i32
    "tpu.region"() ({
      %run_scoped3A_779 = tpu.sem_alloc : memref<!tpu.dma_semaphore, #tpu.memory_space<semaphore_mem>>
      %dma_start3A = arith.constant 0 : i32
      %dma_start3A_780 = arith.constant 0 : i32
      %dma_start3A_781 = tpu.memref_slice %arg4[%arg1, %run_scoped3A_776, %dma_start3A, %dma_start3A_780] : memref<16x2x158x128xi32, #tpu.memory_space<hbm>> -> memref<1x1x158x128xi32, #tpu.memory_space<hbm>>
      %dma_start3A_782 = tpu.memref_squeeze %dma_start3A_781 : memref<1x1x158x128xi32, #tpu.memory_space<hbm>> -> memref<158x128xi32, #tpu.memory_space<hbm>>
      %dma_start3A_783 = arith.constant 0 : i32
      %dma_start3A_784 = arith.constant 0 : i32
      %dma_start3A_785 = tpu.memref_slice %arg4[%arg1, %run_scoped3A_776, %dma_start3A_783, %dma_start3A_784] : memref<16x2x158x128xi32, #tpu.memory_space<hbm>> -> memref<1x1x158x128xi32, #tpu.memory_space<hbm>>
      %dma_start3A_786 = tpu.memref_squeeze %dma_start3A_785 : memref<1x1x158x128xi32, #tpu.memory_space<hbm>> -> memref<158x128xi32, #tpu.memory_space<hbm>>
      tpu.enqueue_dma source(%arg9 : memref<158x128xi32, #tpu.memory_space<vmem>>) target(%dma_start3A_786 : memref<158x128xi32, #tpu.memory_space<hbm>>) target_semaphore(%run_scoped3A_779 : memref<!tpu.dma_semaphore, #tpu.memory_space<semaphore_mem>>)
      %dma_wait3A = arith.constant 0 : i32
      %dma_wait3A_787 = arith.constant 0 : i32
      %dma_wait3A_788 = tpu.memref_slice %arg4[%arg1, %run_scoped3A_776, %dma_wait3A, %dma_wait3A_787] : memref<16x2x158x128xi32, #tpu.memory_space<hbm>> -> memref<1x1x158x128xi32, #tpu.memory_space<hbm>>
      %dma_wait3A_789 = tpu.memref_squeeze %dma_wait3A_788 : memref<1x1x158x128xi32, #tpu.memory_space<hbm>> -> memref<158x128xi32, #tpu.memory_space<hbm>>
      %dma_wait3A_790 = arith.constant 0 : i32
      %dma_wait3A_791 = arith.constant 0 : i32
      %dma_wait3A_792 = tpu.memref_slice %arg4[%arg1, %run_scoped3A_776, %dma_wait3A_790, %dma_wait3A_791] : memref<16x2x158x128xi32, #tpu.memory_space<hbm>> -> memref<1x1x158x128xi32, #tpu.memory_space<hbm>>
      %dma_wait3A_793 = tpu.memref_squeeze %dma_wait3A_792 : memref<1x1x158x128xi32, #tpu.memory_space<hbm>> -> memref<158x128xi32, #tpu.memory_space<hbm>>
      tpu.wait_dma2 semaphore(%run_scoped3A_779 : memref<!tpu.dma_semaphore, #tpu.memory_space<semaphore_mem>>) src(%arg9 : memref<158x128xi32, #tpu.memory_space<vmem>>) dst(%dma_wait3A_793 : memref<158x128xi32, #tpu.memory_space<hbm>>)
      tpu.yield
    }) : () -> ()
    %run_scoped3A_777 = arith.constant 1 : i32
    "tpu.region"() ({
      %run_scoped3A_779 = tpu.sem_alloc : memref<!tpu.dma_semaphore, #tpu.memory_space<semaphore_mem>>
      %dma_start3A = arith.constant 0 : i32
      %dma_start3A_780 = arith.constant 0 : i32
      %dma_start3A_781 = tpu.memref_slice %arg5[%arg1, %run_scoped3A_777, %dma_start3A, %dma_start3A_780] : memref<16x2x158x128xi32, #tpu.memory_space<hbm>> -> memref<1x1x158x128xi32, #tpu.memory_space<hbm>>
      %dma_start3A_782 = tpu.memref_squeeze %dma_start3A_781 : memref<1x1x158x128xi32, #tpu.memory_space<hbm>> -> memref<158x128xi32, #tpu.memory_space<hbm>>
      %dma_start3A_783 = arith.constant 0 : i32
      %dma_start3A_784 = arith.constant 0 : i32
      %dma_start3A_785 = tpu.memref_slice %arg5[%arg1, %run_scoped3A_777, %dma_start3A_783, %dma_start3A_784] : memref<16x2x158x128xi32, #tpu.memory_space<hbm>> -> memref<1x1x158x128xi32, #tpu.memory_space<hbm>>
      %dma_start3A_786 = tpu.memref_squeeze %dma_start3A_785 : memref<1x1x158x128xi32, #tpu.memory_space<hbm>> -> memref<158x128xi32, #tpu.memory_space<hbm>>
      tpu.enqueue_dma source(%arg10 : memref<158x128xi32, #tpu.memory_space<vmem>>) target(%dma_start3A_786 : memref<158x128xi32, #tpu.memory_space<hbm>>) target_semaphore(%run_scoped3A_779 : memref<!tpu.dma_semaphore, #tpu.memory_space<semaphore_mem>>)
      %dma_wait3A = arith.constant 0 : i32
      %dma_wait3A_787 = arith.constant 0 : i32
      %dma_wait3A_788 = tpu.memref_slice %arg5[%arg1, %run_scoped3A_777, %dma_wait3A, %dma_wait3A_787] : memref<16x2x158x128xi32, #tpu.memory_space<hbm>> -> memref<1x1x158x128xi32, #tpu.memory_space<hbm>>
      %dma_wait3A_789 = tpu.memref_squeeze %dma_wait3A_788 : memref<1x1x158x128xi32, #tpu.memory_space<hbm>> -> memref<158x128xi32, #tpu.memory_space<hbm>>
      %dma_wait3A_790 = arith.constant 0 : i32
      %dma_wait3A_791 = arith.constant 0 : i32
      %dma_wait3A_792 = tpu.memref_slice %arg5[%arg1, %run_scoped3A_777, %dma_wait3A_790, %dma_wait3A_791] : memref<16x2x158x128xi32, #tpu.memory_space<hbm>> -> memref<1x1x158x128xi32, #tpu.memory_space<hbm>>
      %dma_wait3A_793 = tpu.memref_squeeze %dma_wait3A_792 : memref<1x1x158x128xi32, #tpu.memory_space<hbm>> -> memref<158x128xi32, #tpu.memory_space<hbm>>
      tpu.wait_dma2 semaphore(%run_scoped3A_779 : memref<!tpu.dma_semaphore, #tpu.memory_space<semaphore_mem>>) src(%arg10 : memref<158x128xi32, #tpu.memory_space<vmem>>) dst(%dma_wait3A_793 : memref<158x128xi32, #tpu.memory_space<hbm>>)
      tpu.yield
    }) : () -> ()
    %swap3A = arith.constant 0 : index
    %swap3A_778 = tpu.vector_load %arg11[%swap3A] {strides = array<i32>} : memref<16xi32, #tpu.memory_space<vmem>>, vector<16xi32>,
    tpu.vector_store %arg11[%swap3A], %select_n3A_775 {strides = array<i32>} : memref<16xi32, #tpu.memory_space<vmem>>, vector<16xi32>,
    "tpu.region"() ({
      %run_scoped3A_779 = tpu.sem_alloc : memref<!tpu.dma_semaphore, #tpu.memory_space<semaphore_mem>>
      %dma_start3A = arith.constant 0 : i32
      %dma_start3A_780 = tpu.memref_slice %arg6[%arg1, %dma_start3A] : memref<16x16xi32, #tpu.memory_space<hbm>> -> memref<1x16xi32, #tpu.memory_space<hbm>>
      %dma_start3A_781 = tpu.memref_squeeze %dma_start3A_780 : memref<1x16xi32, #tpu.memory_space<hbm>> -> memref<16xi32, #tpu.memory_space<hbm>>
      %dma_start3A_782 = arith.constant 0 : i32
      %dma_start3A_783 = tpu.memref_slice %arg6[%arg1, %dma_start3A_782] : memref<16x16xi32, #tpu.memory_space<hbm>> -> memref<1x16xi32, #tpu.memory_space<hbm>>
      %dma_start3A_784 = tpu.memref_squeeze %dma_start3A_783 : memref<1x16xi32, #tpu.memory_space<hbm>> -> memref<16xi32, #tpu.memory_space<hbm>>
      tpu.enqueue_dma source(%arg11 : memref<16xi32, #tpu.memory_space<vmem>>) target(%dma_start3A_784 : memref<16xi32, #tpu.memory_space<hbm>>) target_semaphore(%run_scoped3A_779 : memref<!tpu.dma_semaphore, #tpu.memory_space<semaphore_mem>>)
      %dma_wait3A = arith.constant 0 : i32
      %dma_wait3A_785 = tpu.memref_slice %arg6[%arg1, %dma_wait3A] : memref<16x16xi32, #tpu.memory_space<hbm>> -> memref<1x16xi32, #tpu.memory_space<hbm>>
      %dma_wait3A_786 = tpu.memref_squeeze %dma_wait3A_785 : memref<1x16xi32, #tpu.memory_space<hbm>> -> memref<16xi32, #tpu.memory_space<hbm>>
      %dma_wait3A_787 = arith.constant 0 : i32
      %dma_wait3A_788 = tpu.memref_slice %arg6[%arg1, %dma_wait3A_787] : memref<16x16xi32, #tpu.memory_space<hbm>> -> memref<1x16xi32, #tpu.memory_space<hbm>>
      %dma_wait3A_789 = tpu.memref_squeeze %dma_wait3A_788 : memref<1x16xi32, #tpu.memory_space<hbm>> -> memref<16xi32, #tpu.memory_space<hbm>>
      tpu.wait_dma2 semaphore(%run_scoped3A_779 : memref<!tpu.dma_semaphore, #tpu.memory_space<semaphore_mem>>) src(%arg11 : memref<16xi32, #tpu.memory_space<vmem>>) dst(%dma_wait3A_789 : memref<16xi32, #tpu.memory_space<hbm>>)
      tpu.yield
    }) : () -> ()
    return
  }
}

#map = affine_map<(d0, d1) -> (0, 0)>
module attributes {stable_mosaic.version = 14 : i64} {
  func.func @count(%arg0: i32, %arg1: i32, %arg2: memref<16x20224xi32, #tpu.memory_space<hbm>>, %arg3: memref<16x10240xf32, #tpu.memory_space<hbm>>, %arg4: memref<20224xi32, #tpu.memory_space<vmem>>, %arg5: memref<10240xf32, #tpu.memory_space<vmem>>) attributes {dimension_semantics = [#tpu.dimension_semantics<core_parallel>, #tpu.dimension_semantics<subcore_parallel>], iteration_bounds = array<i64: 1, 16>, scalar_prefetch = 0 : i64, scratch_operands = 2 : i64, tpu.core_type = #tpu.core_type<sc_vector_subcore>, window_params = [{transform_indices = #map}, {transform_indices = #map}]} {
    "tpu.region"() ({
      %run_scoped3A = tpu.sem_alloc : memref<!tpu.dma_semaphore, #tpu.memory_space<semaphore_mem>>
      %dma_start3A = arith.constant 0 : i32
      %dma_start3A_9 = tpu.memref_slice %arg2[%arg1, %dma_start3A] : memref<16x20224xi32, #tpu.memory_space<hbm>> -> memref<1x20224xi32, #tpu.memory_space<hbm>>
      %dma_start3A_10 = tpu.memref_squeeze %dma_start3A_9 : memref<1x20224xi32, #tpu.memory_space<hbm>> -> memref<20224xi32, #tpu.memory_space<hbm>>
      %dma_start3A_11 = arith.constant 0 : i32
      %dma_start3A_12 = tpu.memref_slice %arg2[%arg1, %dma_start3A_11] : memref<16x20224xi32, #tpu.memory_space<hbm>> -> memref<1x20224xi32, #tpu.memory_space<hbm>>
      %dma_start3A_13 = tpu.memref_squeeze %dma_start3A_12 : memref<1x20224xi32, #tpu.memory_space<hbm>> -> memref<20224xi32, #tpu.memory_space<hbm>>
      tpu.enqueue_dma source(%dma_start3A_13 : memref<20224xi32, #tpu.memory_space<hbm>>) target(%arg4 : memref<20224xi32, #tpu.memory_space<vmem>>) target_semaphore(%run_scoped3A : memref<!tpu.dma_semaphore, #tpu.memory_space<semaphore_mem>>)
      %dma_wait3A = arith.constant 0 : i32
      %dma_wait3A_14 = tpu.memref_slice %arg2[%arg1, %dma_wait3A] : memref<16x20224xi32, #tpu.memory_space<hbm>> -> memref<1x20224xi32, #tpu.memory_space<hbm>>
      %dma_wait3A_15 = tpu.memref_squeeze %dma_wait3A_14 : memref<1x20224xi32, #tpu.memory_space<hbm>> -> memref<20224xi32, #tpu.memory_space<hbm>>
      %dma_wait3A_16 = arith.constant 0 : i32
      %dma_wait3A_17 = tpu.memref_slice %arg2[%arg1, %dma_wait3A_16] : memref<16x20224xi32, #tpu.memory_space<hbm>> -> memref<1x20224xi32, #tpu.memory_space<hbm>>
      %dma_wait3A_18 = tpu.memref_squeeze %dma_wait3A_17 : memref<1x20224xi32, #tpu.memory_space<hbm>> -> memref<20224xi32, #tpu.memory_space<hbm>>
      tpu.wait_dma2 semaphore(%run_scoped3A : memref<!tpu.dma_semaphore, #tpu.memory_space<semaphore_mem>>) src(%dma_wait3A_18 : memref<20224xi32, #tpu.memory_space<hbm>>) dst(%arg4 : memref<20224xi32, #tpu.memory_space<vmem>>)
      tpu.yield
    }) : () -> ()
    %scan3A = arith.constant 0 : i32
    %scan3A_0 = arith.constant 640 : i32
    %scan3A_1 = arith.addi %scan3A, %scan3A_0 : i32
    %scan3A_2 = arith.constant 1 : i32
    scf.for %scan3A_9 = %scan3A to %scan3A_1 step %scan3A_2  : i32 {
      %mul3A = arith.constant 16 : i32
      %mul3A_10 = arith.muli %scan3A_9, %mul3A : i32
      %add3A = arith.constant 0 : i32
      %add3A_11 = arith.addi %add3A, %mul3A_10 : i32
      %broadcast_in_dim3A = arith.constant 0.000000e+00 : f32
      %broadcast_in_dim3A_12 = vector.broadcast %broadcast_in_dim3A : f32 to vector<16xf32>
      %swap3A = arith.index_cast %add3A_11 : i32 to index
      %swap3A_13 = tpu.vector_load %arg5[%swap3A] {strides = array<i32>} : memref<10240xf32, #tpu.memory_space<vmem>>, vector<16xf32>,
      tpu.vector_store %arg5[%swap3A], %broadcast_in_dim3A_12 {strides = array<i32>} : memref<10240xf32, #tpu.memory_space<vmem>>, vector<16xf32>,
    }
    %scan3A_3 = arith.constant 640 : i32
    %scan3A_4 = arith.constant 0 : i32
    %scan3A_5 = arith.constant 1264 : i32
    %scan3A_6 = arith.addi %scan3A_4, %scan3A_5 : i32
    %scan3A_7 = arith.constant 1 : i32
    scf.for %scan3A_9 = %scan3A_4 to %scan3A_6 step %scan3A_7  : i32 {
      %mul3A = arith.constant 16 : i32
      %mul3A_10 = arith.muli %scan3A_9, %mul3A : i32
      %add3A = arith.constant 0 : i32
      %add3A_11 = arith.addi %add3A, %mul3A_10 : i32
      %get3A = arith.index_cast %add3A_11 : i32 to index
      %get3A_12 = tpu.vector_load %arg4[%get3A] {strides = array<i32>} : memref<20224xi32, #tpu.memory_space<vmem>>, vector<16xi32>,
      %broadcast_in_dim3A = arith.constant 1.000000e+00 : f32
      %broadcast_in_dim3A_13 = vector.broadcast %broadcast_in_dim3A : f32 to vector<16xf32>
      tpu.vector_store_idx %arg5[%get3A_12], %broadcast_in_dim3A_13 {add = true} : memref<10240xf32, #tpu.memory_space<vmem>>[vector<16xi32>], vector<16xf32>,
    }
    %scan3A_8 = arith.constant 1264 : i32
    "tpu.region"() ({
      %run_scoped3A = tpu.sem_alloc : memref<!tpu.dma_semaphore, #tpu.memory_space<semaphore_mem>>
      %dma_start3A = arith.constant 0 : i32
      %dma_start3A_9 = tpu.memref_slice %arg3[%arg1, %dma_start3A] : memref<16x10240xf32, #tpu.memory_space<hbm>> -> memref<1x10240xf32, #tpu.memory_space<hbm>>
      %dma_start3A_10 = tpu.memref_squeeze %dma_start3A_9 : memref<1x10240xf32, #tpu.memory_space<hbm>> -> memref<10240xf32, #tpu.memory_space<hbm>>
      %dma_start3A_11 = arith.constant 0 : i32
      %dma_start3A_12 = tpu.memref_slice %arg3[%arg1, %dma_start3A_11] : memref<16x10240xf32, #tpu.memory_space<hbm>> -> memref<1x10240xf32, #tpu.memory_space<hbm>>
      %dma_start3A_13 = tpu.memref_squeeze %dma_start3A_12 : memref<1x10240xf32, #tpu.memory_space<hbm>> -> memref<10240xf32, #tpu.memory_space<hbm>>
      tpu.enqueue_dma source(%arg5 : memref<10240xf32, #tpu.memory_space<vmem>>) target(%dma_start3A_13 : memref<10240xf32, #tpu.memory_space<hbm>>) target_semaphore(%run_scoped3A : memref<!tpu.dma_semaphore, #tpu.memory_space<semaphore_mem>>)
      %dma_wait3A = arith.constant 0 : i32
      %dma_wait3A_14 = tpu.memref_slice %arg3[%arg1, %dma_wait3A] : memref<16x10240xf32, #tpu.memory_space<hbm>> -> memref<1x10240xf32, #tpu.memory_space<hbm>>
      %dma_wait3A_15 = tpu.memref_squeeze %dma_wait3A_14 : memref<1x10240xf32, #tpu.memory_space<hbm>> -> memref<10240xf32, #tpu.memory_space<hbm>>
      %dma_wait3A_16 = arith.constant 0 : i32
      %dma_wait3A_17 = tpu.memref_slice %arg3[%arg1, %dma_wait3A_16] : memref<16x10240xf32, #tpu.memory_space<hbm>> -> memref<1x10240xf32, #tpu.memory_space<hbm>>
      %dma_wait3A_18 = tpu.memref_squeeze %dma_wait3A_17 : memref<1x10240xf32, #tpu.memory_space<hbm>> -> memref<10240xf32, #tpu.memory_space<hbm>>
      tpu.wait_dma2 semaphore(%run_scoped3A : memref<!tpu.dma_semaphore, #tpu.memory_space<semaphore_mem>>) src(%arg5 : memref<10240xf32, #tpu.memory_space<vmem>>) dst(%dma_wait3A_18 : memref<10240xf32, #tpu.memory_space<hbm>>)
      tpu.yield
    }) : () -> ()
    return
  }
}

#map = affine_map<(d0, d1) -> (0, 0)>
#map1 = affine_map<(d0, d1) -> (0, 0, 0, 0)>
module attributes {stable_mosaic.version = 14 : i64} {
  func.func @agg(%arg0: i32, %arg1: i32, %arg2: memref<10000x128xf32, #tpu.memory_space<hbm>>, %arg3: memref<16x2x158x128xi32, #tpu.memory_space<hbm>>, %arg4: memref<16x2x158x128xi32, #tpu.memory_space<hbm>>, %arg5: memref<16x16xi32, #tpu.memory_space<hbm>>, %arg6: memref<12288x128xf32, #tpu.memory_space<hbm>>, %arg7: memref<158x128xi32, #tpu.memory_space<vmem>>, %arg8: memref<158x128xi32, #tpu.memory_space<vmem>>, %arg9: memref<16xi32, #tpu.memory_space<vmem>>, %arg10: memref<128x128xf32, #tpu.memory_space<vmem>>, %arg11: memref<128x128xf32, #tpu.memory_space<vmem>>, %arg12: memref<6144x128xf32, #tpu.memory_space<vmem_shared>>, %arg13: memref<!tpu.dma_semaphore, #tpu.memory_space<semaphore_mem>>, %arg14: memref<!tpu.dma_semaphore, #tpu.memory_space<semaphore_mem>>) attributes {dimension_semantics = [#tpu.dimension_semantics<core_parallel>, #tpu.dimension_semantics<subcore_parallel>], iteration_bounds = array<i64: 1, 16>, scalar_prefetch = 0 : i64, scratch_operands = 8 : i64, tpu.core_type = #tpu.core_type<sc_vector_subcore>, window_params = [{transform_indices = #map}, {transform_indices = #map1}, {transform_indices = #map1}, {transform_indices = #map}, {transform_indices = #map}]} {
    %mul3A = arith.constant 384 : i32
    %mul3A_0 = arith.muli %arg1, %mul3A : i32
    "tpu.region"() ({
      %run_scoped3A_122 = tpu.sem_alloc : memref<!tpu.dma_semaphore, #tpu.memory_space<semaphore_mem>>
      %dma_start3A = arith.constant 0 : i32
      %dma_start3A_123 = tpu.memref_slice %arg5[%arg1, %dma_start3A] : memref<16x16xi32, #tpu.memory_space<hbm>> -> memref<1x16xi32, #tpu.memory_space<hbm>>
      %dma_start3A_124 = tpu.memref_squeeze %dma_start3A_123 : memref<1x16xi32, #tpu.memory_space<hbm>> -> memref<16xi32, #tpu.memory_space<hbm>>
      %dma_start3A_125 = arith.constant 0 : i32
      %dma_start3A_126 = tpu.memref_slice %arg5[%arg1, %dma_start3A_125] : memref<16x16xi32, #tpu.memory_space<hbm>> -> memref<1x16xi32, #tpu.memory_space<hbm>>
      %dma_start3A_127 = tpu.memref_squeeze %dma_start3A_126 : memref<1x16xi32, #tpu.memory_space<hbm>> -> memref<16xi32, #tpu.memory_space<hbm>>
      tpu.enqueue_dma source(%dma_start3A_127 : memref<16xi32, #tpu.memory_space<hbm>>) target(%arg9 : memref<16xi32, #tpu.memory_space<vmem>>) target_semaphore(%run_scoped3A_122 : memref<!tpu.dma_semaphore, #tpu.memory_space<semaphore_mem>>)
      %dma_wait3A = arith.constant 0 : i32
      %dma_wait3A_128 = tpu.memref_slice %arg5[%arg1, %dma_wait3A] : memref<16x16xi32, #tpu.memory_space<hbm>> -> memref<1x16xi32, #tpu.memory_space<hbm>>
      %dma_wait3A_129 = tpu.memref_squeeze %dma_wait3A_128 : memref<1x16xi32, #tpu.memory_space<hbm>> -> memref<16xi32, #tpu.memory_space<hbm>>
      %dma_wait3A_130 = arith.constant 0 : i32
      %dma_wait3A_131 = tpu.memref_slice %arg5[%arg1, %dma_wait3A_130] : memref<16x16xi32, #tpu.memory_space<hbm>> -> memref<1x16xi32, #tpu.memory_space<hbm>>
      %dma_wait3A_132 = tpu.memref_squeeze %dma_wait3A_131 : memref<1x16xi32, #tpu.memory_space<hbm>> -> memref<16xi32, #tpu.memory_space<hbm>>
      tpu.wait_dma2 semaphore(%run_scoped3A_122 : memref<!tpu.dma_semaphore, #tpu.memory_space<semaphore_mem>>) src(%dma_wait3A_132 : memref<16xi32, #tpu.memory_space<hbm>>) dst(%arg9 : memref<16xi32, #tpu.memory_space<vmem>>)
      tpu.yield
    }) : () -> ()
    %run_scoped3A = arith.constant 0 : i32
    "tpu.region"() ({
      %run_scoped3A_122 = tpu.sem_alloc : memref<!tpu.dma_semaphore, #tpu.memory_space<semaphore_mem>>
      %dma_start3A = arith.constant 0 : i32
      %dma_start3A_123 = arith.constant 0 : i32
      %dma_start3A_124 = tpu.memref_slice %arg3[%arg1, %run_scoped3A, %dma_start3A, %dma_start3A_123] : memref<16x2x158x128xi32, #tpu.memory_space<hbm>> -> memref<1x1x158x128xi32, #tpu.memory_space<hbm>>
      %dma_start3A_125 = tpu.memref_squeeze %dma_start3A_124 : memref<1x1x158x128xi32, #tpu.memory_space<hbm>> -> memref<158x128xi32, #tpu.memory_space<hbm>>
      %dma_start3A_126 = arith.constant 0 : i32
      %dma_start3A_127 = arith.constant 0 : i32
      %dma_start3A_128 = tpu.memref_slice %arg3[%arg1, %run_scoped3A, %dma_start3A_126, %dma_start3A_127] : memref<16x2x158x128xi32, #tpu.memory_space<hbm>> -> memref<1x1x158x128xi32, #tpu.memory_space<hbm>>
      %dma_start3A_129 = tpu.memref_squeeze %dma_start3A_128 : memref<1x1x158x128xi32, #tpu.memory_space<hbm>> -> memref<158x128xi32, #tpu.memory_space<hbm>>
      tpu.enqueue_dma source(%dma_start3A_129 : memref<158x128xi32, #tpu.memory_space<hbm>>) target(%arg7 : memref<158x128xi32, #tpu.memory_space<vmem>>) target_semaphore(%run_scoped3A_122 : memref<!tpu.dma_semaphore, #tpu.memory_space<semaphore_mem>>)
      %dma_wait3A = arith.constant 0 : i32
      %dma_wait3A_130 = arith.constant 0 : i32
      %dma_wait3A_131 = tpu.memref_slice %arg3[%arg1, %run_scoped3A, %dma_wait3A, %dma_wait3A_130] : memref<16x2x158x128xi32, #tpu.memory_space<hbm>> -> memref<1x1x158x128xi32, #tpu.memory_space<hbm>>
      %dma_wait3A_132 = tpu.memref_squeeze %dma_wait3A_131 : memref<1x1x158x128xi32, #tpu.memory_space<hbm>> -> memref<158x128xi32, #tpu.memory_space<hbm>>
      %dma_wait3A_133 = arith.constant 0 : i32
      %dma_wait3A_134 = arith.constant 0 : i32
      %dma_wait3A_135 = tpu.memref_slice %arg3[%arg1, %run_scoped3A, %dma_wait3A_133, %dma_wait3A_134] : memref<16x2x158x128xi32, #tpu.memory_space<hbm>> -> memref<1x1x158x128xi32, #tpu.memory_space<hbm>>
      %dma_wait3A_136 = tpu.memref_squeeze %dma_wait3A_135 : memref<1x1x158x128xi32, #tpu.memory_space<hbm>> -> memref<158x128xi32, #tpu.memory_space<hbm>>
      tpu.wait_dma2 semaphore(%run_scoped3A_122 : memref<!tpu.dma_semaphore, #tpu.memory_space<semaphore_mem>>) src(%dma_wait3A_136 : memref<158x128xi32, #tpu.memory_space<hbm>>) dst(%arg7 : memref<158x128xi32, #tpu.memory_space<vmem>>)
      tpu.yield
    }) : () -> ()
    %run_scoped3A_1 = arith.constant 0 : i32
    "tpu.region"() ({
      %run_scoped3A_122 = tpu.sem_alloc : memref<!tpu.dma_semaphore, #tpu.memory_space<semaphore_mem>>
      %dma_start3A = arith.constant 0 : i32
      %dma_start3A_123 = arith.constant 0 : i32
      %dma_start3A_124 = tpu.memref_slice %arg4[%arg1, %run_scoped3A_1, %dma_start3A, %dma_start3A_123] : memref<16x2x158x128xi32, #tpu.memory_space<hbm>> -> memref<1x1x158x128xi32, #tpu.memory_space<hbm>>
      %dma_start3A_125 = tpu.memref_squeeze %dma_start3A_124 : memref<1x1x158x128xi32, #tpu.memory_space<hbm>> -> memref<158x128xi32, #tpu.memory_space<hbm>>
      %dma_start3A_126 = arith.constant 0 : i32
      %dma_start3A_127 = arith.constant 0 : i32
      %dma_start3A_128 = tpu.memref_slice %arg4[%arg1, %run_scoped3A_1, %dma_start3A_126, %dma_start3A_127] : memref<16x2x158x128xi32, #tpu.memory_space<hbm>> -> memref<1x1x158x128xi32, #tpu.memory_space<hbm>>
      %dma_start3A_129 = tpu.memref_squeeze %dma_start3A_128 : memref<1x1x158x128xi32, #tpu.memory_space<hbm>> -> memref<158x128xi32, #tpu.memory_space<hbm>>
      tpu.enqueue_dma source(%dma_start3A_129 : memref<158x128xi32, #tpu.memory_space<hbm>>) target(%arg8 : memref<158x128xi32, #tpu.memory_space<vmem>>) target_semaphore(%run_scoped3A_122 : memref<!tpu.dma_semaphore, #tpu.memory_space<semaphore_mem>>)
      %dma_wait3A = arith.constant 0 : i32
      %dma_wait3A_130 = arith.constant 0 : i32
      %dma_wait3A_131 = tpu.memref_slice %arg4[%arg1, %run_scoped3A_1, %dma_wait3A, %dma_wait3A_130] : memref<16x2x158x128xi32, #tpu.memory_space<hbm>> -> memref<1x1x158x128xi32, #tpu.memory_space<hbm>>
      %dma_wait3A_132 = tpu.memref_squeeze %dma_wait3A_131 : memref<1x1x158x128xi32, #tpu.memory_space<hbm>> -> memref<158x128xi32, #tpu.memory_space<hbm>>
      %dma_wait3A_133 = arith.constant 0 : i32
      %dma_wait3A_134 = arith.constant 0 : i32
      %dma_wait3A_135 = tpu.memref_slice %arg4[%arg1, %run_scoped3A_1, %dma_wait3A_133, %dma_wait3A_134] : memref<16x2x158x128xi32, #tpu.memory_space<hbm>> -> memref<1x1x158x128xi32, #tpu.memory_space<hbm>>
      %dma_wait3A_136 = tpu.memref_squeeze %dma_wait3A_135 : memref<1x1x158x128xi32, #tpu.memory_space<hbm>> -> memref<158x128xi32, #tpu.memory_space<hbm>>
      tpu.wait_dma2 semaphore(%run_scoped3A_122 : memref<!tpu.dma_semaphore, #tpu.memory_space<semaphore_mem>>) src(%dma_wait3A_136 : memref<158x128xi32, #tpu.memory_space<hbm>>) dst(%arg8 : memref<158x128xi32, #tpu.memory_space<vmem>>)
      tpu.yield
    }) : () -> ()
    %get3A = arith.constant 0 : index
    %get3A_2 = tpu.vector_load %arg9[%get3A] {strides = array<i32>} : memref<16xi32, #tpu.memory_space<vmem>>, vector<16xi32>,
    %get3A_3 = vector.shape_cast %get3A_2 : vector<16xi32> to vector<16xi32>
    %slice3A = vector.extract_strided_slice %get3A_3 {offsets = [0], sizes = [1], strides = [1]} : vector<16xi32> to vector<1xi32>
    %squeeze3A = vector.extract %slice3A[0] : i32 from vector<1xi32>
    %jit3A = arith.constant 128 : i32
    %div3A = arith.divsi %squeeze3A, %jit3A : i32
    %sign3A = arith.constant 0 : i32
    %sign3A_4 = arith.cmpi sgt, %squeeze3A, %sign3A : i32
    %sign3A_5 = arith.extui %sign3A_4 : i1 to i32
    %sign3A_6 = arith.constant 0 : i32
    %sign3A_7 = arith.cmpi slt, %squeeze3A, %sign3A_6 : i32
    %sign3A_8 = arith.extui %sign3A_7 : i1 to i32
    %sign3A_9 = arith.subi %sign3A_5, %sign3A_8 : i32
    %sign3A_10 = arith.constant 0 : i32
    %sign3A_11 = arith.cmpi sgt, %jit3A, %sign3A_10 : i32
    %sign3A_12 = arith.extui %sign3A_11 : i1 to i32
    %sign3A_13 = arith.constant 0 : i32
    %sign3A_14 = arith.cmpi slt, %jit3A, %sign3A_13 : i32
    %sign3A_15 = arith.extui %sign3A_14 : i1 to i32
    %sign3A_16 = arith.subi %sign3A_12, %sign3A_15 : i32
    %ne3A = arith.cmpi ne, %sign3A_9, %sign3A_16 : i32
    %rem3A = arith.remsi %squeeze3A, %jit3A : i32
    %ne3A_17 = arith.constant 0 : i32
    %ne3A_18 = arith.cmpi ne, %rem3A, %ne3A_17 : i32
    %and3A = arith.andi %ne3A, %ne3A_18 : i1
    %sub3A = arith.constant 1 : i32
    %sub3A_19 = arith.subi %div3A, %sub3A : i32
    %select_n3A = arith.select %and3A, %sub3A_19, %div3A : i32
    %scan3A = arith.constant 0 : i32
    %scan3A_20 = arith.constant 128 : i32
    %scan3A_21 = arith.addi %scan3A, %scan3A_20 : i32
    %scan3A_22 = arith.constant 1 : i32
    scf.for %scan3A_122 = %scan3A to %scan3A_21 step %scan3A_22  : i32 {
      %mul3A_123 = arith.constant 1 : i32
      %mul3A_124 = arith.muli %scan3A_122, %mul3A_123 : i32
      %add3A_125 = arith.constant 0 : i32
      %add3A_126 = arith.addi %add3A_125, %mul3A_124 : i32
      %scan3A_127 = arith.constant 0 : i32
      %scan3A_128 = arith.constant 8 : i32
      %scan3A_129 = arith.addi %scan3A_127, %scan3A_128 : i32
      %scan3A_130 = arith.constant 1 : i32
      scf.for %scan3A_132 = %scan3A_127 to %scan3A_129 step %scan3A_130  : i32 {
        %mul3A_133 = arith.constant 16 : i32
        %mul3A_134 = arith.muli %scan3A_132, %mul3A_133 : i32
        %add3A_135 = arith.constant 0 : i32
        %add3A_136 = arith.addi %add3A_135, %mul3A_134 : i32
        %broadcast_in_dim3A = arith.constant 0.000000e+00 : f32
        %broadcast_in_dim3A_137 = vector.broadcast %broadcast_in_dim3A : f32 to vector<16xf32>
        %swap3A = arith.index_cast %add3A_126 : i32 to index
        %swap3A_138 = arith.index_cast %add3A_136 : i32 to index
        %swap3A_139 = tpu.vector_load %arg10[%swap3A, %swap3A_138] {strides = array<i32>} : memref<128x128xf32, #tpu.memory_space<vmem>>, vector<1x16xf32>,
        %swap3A_140 = vector.shape_cast %swap3A_139 : vector<1x16xf32> to vector<16xf32>
        %swap3A_141 = vector.shape_cast %broadcast_in_dim3A_137 : vector<16xf32> to vector<1x16xf32>
        tpu.vector_store %arg10[%swap3A, %swap3A_138], %swap3A_141 {strides = array<i32>} : memref<128x128xf32, #tpu.memory_space<vmem>>, vector<1x16xf32>,
      }
      %scan3A_131 = arith.constant 8 : i32
    }
    %scan3A_23 = arith.constant 128 : i32
    %scan3A_24 = arith.constant 0 : i32
    %scan3A_25 = arith.constant 3 : i32
    %scan3A_26 = arith.addi %scan3A_24, %scan3A_25 : i32
    %scan3A_27 = arith.constant 1 : i32
    scf.for %scan3A_122 = %scan3A_24 to %scan3A_26 step %scan3A_27  : i32 {
      %mul3A_123 = arith.constant 1 : i32
      %mul3A_124 = arith.muli %scan3A_122, %mul3A_123 : i32
      %add3A_125 = arith.constant 0 : i32
      %add3A_126 = arith.addi %add3A_125, %mul3A_124 : i32
      %mul3A_127 = arith.constant 128 : i32
      %mul3A_128 = arith.muli %add3A_126, %mul3A_127 : i32
      %add3A_129 = arith.addi %mul3A_0, %mul3A_128 : i32
      "tpu.region"() ({
        %run_scoped3A_130 = tpu.sem_alloc : memref<!tpu.dma_semaphore, #tpu.memory_space<semaphore_mem>>
        %dma_start3A = arith.constant 0 : i32
        %dma_start3A_131 = tpu.memref_slice %arg12[%add3A_129, %dma_start3A] : memref<6144x128xf32, #tpu.memory_space<vmem_shared>> -> memref<128x128xf32, #tpu.memory_space<vmem_shared>>
        %dma_start3A_132 = arith.constant 0 : i32
        %dma_start3A_133 = tpu.memref_slice %arg12[%add3A_129, %dma_start3A_132] : memref<6144x128xf32, #tpu.memory_space<vmem_shared>> -> memref<128x128xf32, #tpu.memory_space<vmem_shared>>
        tpu.enqueue_dma source(%arg10 : memref<128x128xf32, #tpu.memory_space<vmem>>) target(%dma_start3A_133 : memref<128x128xf32, #tpu.memory_space<vmem_shared>>) target_semaphore(%run_scoped3A_130 : memref<!tpu.dma_semaphore, #tpu.memory_space<semaphore_mem>>)
        %dma_wait3A = arith.constant 0 : i32
        %dma_wait3A_134 = tpu.memref_slice %arg12[%add3A_129, %dma_wait3A] : memref<6144x128xf32, #tpu.memory_space<vmem_shared>> -> memref<128x128xf32, #tpu.memory_space<vmem_shared>>
        %dma_wait3A_135 = arith.constant 0 : i32
        %dma_wait3A_136 = tpu.memref_slice %arg12[%add3A_129, %dma_wait3A_135] : memref<6144x128xf32, #tpu.memory_space<vmem_shared>> -> memref<128x128xf32, #tpu.memory_space<vmem_shared>>
        tpu.wait_dma2 semaphore(%run_scoped3A_130 : memref<!tpu.dma_semaphore, #tpu.memory_space<semaphore_mem>>) src(%arg10 : memref<128x128xf32, #tpu.memory_space<vmem>>) dst(%dma_wait3A_136 : memref<128x128xf32, #tpu.memory_space<vmem_shared>>)
        tpu.yield
      }) : () -> ()
    }
    %scan3A_28 = arith.constant 3 : i32
    %barrier3A = arith.constant 0 : index
    tpu.barrier barrier_id(%barrier3A)
    %gt3A = arith.constant 0 : i32
    %gt3A_29 = arith.cmpi sgt, %select_n3A, %gt3A : i32
    %convert_element_type3A = arith.extui %gt3A_29 : i1 to i32
    %cond3A = arith.constant 0 : i32
    %cond3A_30 = arith.cmpi ne, %convert_element_type3A, %cond3A : i32
    scf.if %cond3A_30 {
      %dma_start3A = arith.constant 0 : i32
      %dma_start3A_122 = arith.constant 0 : i32
      %dma_start3A_123 = tpu.memref_slice %arg7[%dma_start3A, %dma_start3A_122] : memref<158x128xi32, #tpu.memory_space<vmem>> -> memref<1x128xi32, #tpu.memory_space<vmem>>
      %dma_start3A_124 = tpu.memref_squeeze %dma_start3A_123 : memref<1x128xi32, #tpu.memory_space<vmem>> -> memref<128xi32, #tpu.memory_space<vmem>>
      %dma_start3A_125 = arith.constant 0 : i32
      %dma_start3A_126 = arith.constant 0 : i32
      %dma_start3A_127 = tpu.memref_slice %arg2[%dma_start3A_125, %dma_start3A_126] : memref<10000x128xf32, #tpu.memory_space<hbm>> -> memref<10000x128xf32, #tpu.memory_space<hbm>>
      tpu.enqueue_indirect_dma source(%dma_start3A_127 : memref<10000x128xf32, #tpu.memory_space<hbm>>) target(%arg10 : memref<128x128xf32, #tpu.memory_space<vmem>>) offsets(%dma_start3A_124 : memref<128xi32, #tpu.memory_space<vmem>>) semaphore(%arg13 : memref<!tpu.dma_semaphore, #tpu.memory_space<semaphore_mem>>)
    } else {
    }
    %sub3A_31 = arith.constant 0 : i32
    %sub3A_32 = arith.subi %select_n3A, %sub3A_31 : i32
    %sub3A_33 = arith.constant 2 : i32
    %sub3A_34 = arith.constant 1 : i32
    %sub3A_35 = arith.subi %sub3A_33, %sub3A_34 : i32
    %add3A = arith.addi %sub3A_32, %sub3A_35 : i32
    %div3A_36 = arith.constant 2 : i32
    %div3A_37 = arith.divsi %add3A, %div3A_36 : i32
    %while3A = arith.constant 2 : i32
    %while3A_38 = arith.constant 0 : i32
    %while3A_39 = arith.constant 0 : i32
    %while3A_40 = arith.subi %div3A_37, %while3A_39 : i32
    %while3A_41 = arith.addi %while3A_39, %while3A_40 : i32
    %while3A_42 = arith.constant 1 : i32
    %while3A_43 = arith.divsi %while3A_40, %while3A_42 : i32
    %while3A_44 = arith.muli %while3A_43, %while3A_42 : i32
    %while3A_45 = arith.addi %while3A_39, %while3A_44 : i32
    %while3A_46 = arith.constant 1 : i32
    scf.for %while3A_122 = %while3A_39 to %while3A_45 step %while3A_46  : i32 {
      %mul3A_123 = arith.muli %while3A_122, %while3A : i32
      %add3A_124 = arith.addi %while3A_38, %mul3A_123 : i32
      %add3A_125 = arith.constant 1 : i32
      %add3A_126 = arith.addi %add3A_124, %add3A_125 : i32
      %dma_start3A = arith.constant 0 : i32
      %dma_start3A_127 = tpu.memref_slice %arg7[%add3A_126, %dma_start3A] : memref<158x128xi32, #tpu.memory_space<vmem>> -> memref<1x128xi32, #tpu.memory_space<vmem>>
      %dma_start3A_128 = tpu.memref_squeeze %dma_start3A_127 : memref<1x128xi32, #tpu.memory_space<vmem>> -> memref<128xi32, #tpu.memory_space<vmem>>
      %dma_start3A_129 = arith.constant 0 : i32
      %dma_start3A_130 = arith.constant 0 : i32
      %dma_start3A_131 = tpu.memref_slice %arg2[%dma_start3A_129, %dma_start3A_130] : memref<10000x128xf32, #tpu.memory_space<hbm>> -> memref<10000x128xf32, #tpu.memory_space<hbm>>
      tpu.enqueue_indirect_dma source(%dma_start3A_131 : memref<10000x128xf32, #tpu.memory_space<hbm>>) target(%arg11 : memref<128x128xf32, #tpu.memory_space<vmem>>) offsets(%dma_start3A_128 : memref<128xi32, #tpu.memory_space<vmem>>) semaphore(%arg14 : memref<!tpu.dma_semaphore, #tpu.memory_space<semaphore_mem>>)
      %dma_wait3A = arith.constant 0 : i32
      %dma_wait3A_132 = tpu.memref_slice %arg7[%add3A_124, %dma_wait3A] : memref<158x128xi32, #tpu.memory_space<vmem>> -> memref<1x128xi32, #tpu.memory_space<vmem>>
      %dma_wait3A_133 = tpu.memref_squeeze %dma_wait3A_132 : memref<1x128xi32, #tpu.memory_space<vmem>> -> memref<128xi32, #tpu.memory_space<vmem>>
      %dma_wait3A_134 = arith.constant 0 : i32
      %dma_wait3A_135 = arith.constant 0 : i32
      %dma_wait3A_136 = tpu.memref_slice %arg2[%dma_wait3A_134, %dma_wait3A_135] : memref<10000x128xf32, #tpu.memory_space<hbm>> -> memref<10000x128xf32, #tpu.memory_space<hbm>>
      tpu.wait_indirect_dma semaphore(%arg13 : memref<!tpu.dma_semaphore, #tpu.memory_space<semaphore_mem>>) src(%dma_wait3A_136 : memref<10000x128xf32, #tpu.memory_space<hbm>>) dst(%arg10 : memref<128x128xf32, #tpu.memory_space<vmem>>)
      "tpu.region"() ({
        %run_scoped3A_152 = tpu.sem_alloc : memref<!tpu.dma_semaphore, #tpu.memory_space<semaphore_mem>>
        %dma_start3A_153 = arith.constant 0 : i32
        %dma_start3A_154 = tpu.memref_slice %arg8[%add3A_124, %dma_start3A_153] : memref<158x128xi32, #tpu.memory_space<vmem>> -> memref<1x128xi32, #tpu.memory_space<vmem>>
        %dma_start3A_155 = tpu.memref_squeeze %dma_start3A_154 : memref<1x128xi32, #tpu.memory_space<vmem>> -> memref<128xi32, #tpu.memory_space<vmem>>
        %dma_start3A_156 = arith.constant 0 : i32
        %dma_start3A_157 = arith.constant 0 : i32
        %dma_start3A_158 = tpu.memref_slice %arg12[%dma_start3A_156, %dma_start3A_157] : memref<6144x128xf32, #tpu.memory_space<vmem_shared>> -> memref<6144x128xf32, #tpu.memory_space<vmem_shared>>
        tpu.enqueue_indirect_dma source(%arg10 : memref<128x128xf32, #tpu.memory_space<vmem>>) target(%dma_start3A_158 : memref<6144x128xf32, #tpu.memory_space<vmem_shared>>) offsets(%dma_start3A_155 : memref<128xi32, #tpu.memory_space<vmem>>) semaphore(%run_scoped3A_152 : memref<!tpu.dma_semaphore, #tpu.memory_space<semaphore_mem>>) {add = true}
        %dma_wait3A_159 = arith.constant 0 : i32
        %dma_wait3A_160 = tpu.memref_slice %arg8[%add3A_124, %dma_wait3A_159] : memref<158x128xi32, #tpu.memory_space<vmem>> -> memref<1x128xi32, #tpu.memory_space<vmem>>
        %dma_wait3A_161 = tpu.memref_squeeze %dma_wait3A_160 : memref<1x128xi32, #tpu.memory_space<vmem>> -> memref<128xi32, #tpu.memory_space<vmem>>
        %dma_wait3A_162 = arith.constant 0 : i32
        %dma_wait3A_163 = arith.constant 0 : i32
        %dma_wait3A_164 = tpu.memref_slice %arg12[%dma_wait3A_162, %dma_wait3A_163] : memref<6144x128xf32, #tpu.memory_space<vmem_shared>> -> memref<6144x128xf32, #tpu.memory_space<vmem_shared>>
        tpu.wait_indirect_dma semaphore(%run_scoped3A_152 : memref<!tpu.dma_semaphore, #tpu.memory_space<semaphore_mem>>) src(%arg10 : memref<128x128xf32, #tpu.memory_space<vmem>>) dst(%dma_wait3A_164 : memref<6144x128xf32, #tpu.memory_space<vmem_shared>>)
        tpu.yield
      }) : () -> ()
      %add3A_137 = arith.constant 2 : i32
      %add3A_138 = arith.addi %add3A_124, %add3A_137 : i32
      %lt3A = arith.cmpi slt, %add3A_138, %select_n3A : i32
      %convert_element_type3A_139 = arith.extui %lt3A : i1 to i32
      %cond3A_140 = arith.constant 0 : i32
      %cond3A_141 = arith.cmpi ne, %convert_element_type3A_139, %cond3A_140 : i32
      scf.if %cond3A_141 {
        %add3A_152 = arith.constant 2 : i32
        %add3A_153 = arith.addi %add3A_124, %add3A_152 : i32
        %dma_start3A_154 = arith.constant 0 : i32
        %dma_start3A_155 = tpu.memref_slice %arg7[%add3A_153, %dma_start3A_154] : memref<158x128xi32, #tpu.memory_space<vmem>> -> memref<1x128xi32, #tpu.memory_space<vmem>>
        %dma_start3A_156 = tpu.memref_squeeze %dma_start3A_155 : memref<1x128xi32, #tpu.memory_space<vmem>> -> memref<128xi32, #tpu.memory_space<vmem>>
        %dma_start3A_157 = arith.constant 0 : i32
        %dma_start3A_158 = arith.constant 0 : i32
        %dma_start3A_159 = tpu.memref_slice %arg2[%dma_start3A_157, %dma_start3A_158] : memref<10000x128xf32, #tpu.memory_space<hbm>> -> memref<10000x128xf32, #tpu.memory_space<hbm>>
        tpu.enqueue_indirect_dma source(%dma_start3A_159 : memref<10000x128xf32, #tpu.memory_space<hbm>>) target(%arg10 : memref<128x128xf32, #tpu.memory_space<vmem>>) offsets(%dma_start3A_156 : memref<128xi32, #tpu.memory_space<vmem>>) semaphore(%arg13 : memref<!tpu.dma_semaphore, #tpu.memory_space<semaphore_mem>>)
      } else {
      }
      %add3A_142 = arith.constant 1 : i32
      %add3A_143 = arith.addi %add3A_124, %add3A_142 : i32
      %dma_wait3A_144 = arith.constant 0 : i32
      %dma_wait3A_145 = tpu.memref_slice %arg7[%add3A_143, %dma_wait3A_144] : memref<158x128xi32, #tpu.memory_space<vmem>> -> memref<1x128xi32, #tpu.memory_space<vmem>>
      %dma_wait3A_146 = tpu.memref_squeeze %dma_wait3A_145 : memref<1x128xi32, #tpu.memory_space<vmem>> -> memref<128xi32, #tpu.memory_space<vmem>>
      %dma_wait3A_147 = arith.constant 0 : i32
      %dma_wait3A_148 = arith.constant 0 : i32
      %dma_wait3A_149 = tpu.memref_slice %arg2[%dma_wait3A_147, %dma_wait3A_148] : memref<10000x128xf32, #tpu.memory_space<hbm>> -> memref<10000x128xf32, #tpu.memory_space<hbm>>
      tpu.wait_indirect_dma semaphore(%arg14 : memref<!tpu.dma_semaphore, #tpu.memory_space<semaphore_mem>>) src(%dma_wait3A_149 : memref<10000x128xf32, #tpu.memory_space<hbm>>) dst(%arg11 : memref<128x128xf32, #tpu.memory_space<vmem>>)
      %add3A_150 = arith.constant 1 : i32
      %add3A_151 = arith.addi %add3A_124, %add3A_150 : i32
      "tpu.region"() ({
        %run_scoped3A_152 = tpu.sem_alloc : memref<!tpu.dma_semaphore, #tpu.memory_space<semaphore_mem>>
        %dma_start3A_153 = arith.constant 0 : i32
        %dma_start3A_154 = tpu.memref_slice %arg8[%add3A_151, %dma_start3A_153] : memref<158x128xi32, #tpu.memory_space<vmem>> -> memref<1x128xi32, #tpu.memory_space<vmem>>
        %dma_start3A_155 = tpu.memref_squeeze %dma_start3A_154 : memref<1x128xi32, #tpu.memory_space<vmem>> -> memref<128xi32, #tpu.memory_space<vmem>>
        %dma_start3A_156 = arith.constant 0 : i32
        %dma_start3A_157 = arith.constant 0 : i32
        %dma_start3A_158 = tpu.memref_slice %arg12[%dma_start3A_156, %dma_start3A_157] : memref<6144x128xf32, #tpu.memory_space<vmem_shared>> -> memref<6144x128xf32, #tpu.memory_space<vmem_shared>>
        tpu.enqueue_indirect_dma source(%arg11 : memref<128x128xf32, #tpu.memory_space<vmem>>) target(%dma_start3A_158 : memref<6144x128xf32, #tpu.memory_space<vmem_shared>>) offsets(%dma_start3A_155 : memref<128xi32, #tpu.memory_space<vmem>>) semaphore(%run_scoped3A_152 : memref<!tpu.dma_semaphore, #tpu.memory_space<semaphore_mem>>) {add = true}
        %dma_wait3A_159 = arith.constant 0 : i32
        %dma_wait3A_160 = tpu.memref_slice %arg8[%add3A_151, %dma_wait3A_159] : memref<158x128xi32, #tpu.memory_space<vmem>> -> memref<1x128xi32, #tpu.memory_space<vmem>>
        %dma_wait3A_161 = tpu.memref_squeeze %dma_wait3A_160 : memref<1x128xi32, #tpu.memory_space<vmem>> -> memref<128xi32, #tpu.memory_space<vmem>>
        %dma_wait3A_162 = arith.constant 0 : i32
        %dma_wait3A_163 = arith.constant 0 : i32
        %dma_wait3A_164 = tpu.memref_slice %arg12[%dma_wait3A_162, %dma_wait3A_163] : memref<6144x128xf32, #tpu.memory_space<vmem_shared>> -> memref<6144x128xf32, #tpu.memory_space<vmem_shared>>
        tpu.wait_indirect_dma semaphore(%run_scoped3A_152 : memref<!tpu.dma_semaphore, #tpu.memory_space<semaphore_mem>>) src(%arg11 : memref<128x128xf32, #tpu.memory_space<vmem>>) dst(%dma_wait3A_164 : memref<6144x128xf32, #tpu.memory_space<vmem_shared>>)
        tpu.yield
      }) : () -> ()
    }
    %while3A_47 = arith.constant 1 : i32
    scf.for %while3A_122 = %while3A_45 to %while3A_41 step %while3A_47  : i32 {
      %mul3A_123 = arith.muli %while3A_122, %while3A : i32
      %add3A_124 = arith.addi %while3A_38, %mul3A_123 : i32
      %add3A_125 = arith.constant 1 : i32
      %add3A_126 = arith.addi %add3A_124, %add3A_125 : i32
      %dma_start3A = arith.constant 0 : i32
      %dma_start3A_127 = tpu.memref_slice %arg7[%add3A_126, %dma_start3A] : memref<158x128xi32, #tpu.memory_space<vmem>> -> memref<1x128xi32, #tpu.memory_space<vmem>>
      %dma_start3A_128 = tpu.memref_squeeze %dma_start3A_127 : memref<1x128xi32, #tpu.memory_space<vmem>> -> memref<128xi32, #tpu.memory_space<vmem>>
      %dma_start3A_129 = arith.constant 0 : i32
      %dma_start3A_130 = arith.constant 0 : i32
      %dma_start3A_131 = tpu.memref_slice %arg2[%dma_start3A_129, %dma_start3A_130] : memref<10000x128xf32, #tpu.memory_space<hbm>> -> memref<10000x128xf32, #tpu.memory_space<hbm>>
      tpu.enqueue_indirect_dma source(%dma_start3A_131 : memref<10000x128xf32, #tpu.memory_space<hbm>>) target(%arg11 : memref<128x128xf32, #tpu.memory_space<vmem>>) offsets(%dma_start3A_128 : memref<128xi32, #tpu.memory_space<vmem>>) semaphore(%arg14 : memref<!tpu.dma_semaphore, #tpu.memory_space<semaphore_mem>>)
      %dma_wait3A = arith.constant 0 : i32
      %dma_wait3A_132 = tpu.memref_slice %arg7[%add3A_124, %dma_wait3A] : memref<158x128xi32, #tpu.memory_space<vmem>> -> memref<1x128xi32, #tpu.memory_space<vmem>>
      %dma_wait3A_133 = tpu.memref_squeeze %dma_wait3A_132 : memref<1x128xi32, #tpu.memory_space<vmem>> -> memref<128xi32, #tpu.memory_space<vmem>>
      %dma_wait3A_134 = arith.constant 0 : i32
      %dma_wait3A_135 = arith.constant 0 : i32
      %dma_wait3A_136 = tpu.memref_slice %arg2[%dma_wait3A_134, %dma_wait3A_135] : memref<10000x128xf32, #tpu.memory_space<hbm>> -> memref<10000x128xf32, #tpu.memory_space<hbm>>
      tpu.wait_indirect_dma semaphore(%arg13 : memref<!tpu.dma_semaphore, #tpu.memory_space<semaphore_mem>>) src(%dma_wait3A_136 : memref<10000x128xf32, #tpu.memory_space<hbm>>) dst(%arg10 : memref<128x128xf32, #tpu.memory_space<vmem>>)
      "tpu.region"() ({
        %run_scoped3A_152 = tpu.sem_alloc : memref<!tpu.dma_semaphore, #tpu.memory_space<semaphore_mem>>
        %dma_start3A_153 = arith.constant 0 : i32
        %dma_start3A_154 = tpu.memref_slice %arg8[%add3A_124, %dma_start3A_153] : memref<158x128xi32, #tpu.memory_space<vmem>> -> memref<1x128xi32, #tpu.memory_space<vmem>>
        %dma_start3A_155 = tpu.memref_squeeze %dma_start3A_154 : memref<1x128xi32, #tpu.memory_space<vmem>> -> memref<128xi32, #tpu.memory_space<vmem>>
        %dma_start3A_156 = arith.constant 0 : i32
        %dma_start3A_157 = arith.constant 0 : i32
        %dma_start3A_158 = tpu.memref_slice %arg12[%dma_start3A_156, %dma_start3A_157] : memref<6144x128xf32, #tpu.memory_space<vmem_shared>> -> memref<6144x128xf32, #tpu.memory_space<vmem_shared>>
        tpu.enqueue_indirect_dma source(%arg10 : memref<128x128xf32, #tpu.memory_space<vmem>>) target(%dma_start3A_158 : memref<6144x128xf32, #tpu.memory_space<vmem_shared>>) offsets(%dma_start3A_155 : memref<128xi32, #tpu.memory_space<vmem>>) semaphore(%run_scoped3A_152 : memref<!tpu.dma_semaphore, #tpu.memory_space<semaphore_mem>>) {add = true}
        %dma_wait3A_159 = arith.constant 0 : i32
        %dma_wait3A_160 = tpu.memref_slice %arg8[%add3A_124, %dma_wait3A_159] : memref<158x128xi32, #tpu.memory_space<vmem>> -> memref<1x128xi32, #tpu.memory_space<vmem>>
        %dma_wait3A_161 = tpu.memref_squeeze %dma_wait3A_160 : memref<1x128xi32, #tpu.memory_space<vmem>> -> memref<128xi32, #tpu.memory_space<vmem>>
        %dma_wait3A_162 = arith.constant 0 : i32
        %dma_wait3A_163 = arith.constant 0 : i32
        %dma_wait3A_164 = tpu.memref_slice %arg12[%dma_wait3A_162, %dma_wait3A_163] : memref<6144x128xf32, #tpu.memory_space<vmem_shared>> -> memref<6144x128xf32, #tpu.memory_space<vmem_shared>>
        tpu.wait_indirect_dma semaphore(%run_scoped3A_152 : memref<!tpu.dma_semaphore, #tpu.memory_space<semaphore_mem>>) src(%arg10 : memref<128x128xf32, #tpu.memory_space<vmem>>) dst(%dma_wait3A_164 : memref<6144x128xf32, #tpu.memory_space<vmem_shared>>)
        tpu.yield
      }) : () -> ()
      %add3A_137 = arith.constant 2 : i32
      %add3A_138 = arith.addi %add3A_124, %add3A_137 : i32
      %lt3A = arith.cmpi slt, %add3A_138, %select_n3A : i32
      %convert_element_type3A_139 = arith.extui %lt3A : i1 to i32
      %cond3A_140 = arith.constant 0 : i32
      %cond3A_141 = arith.cmpi ne, %convert_element_type3A_139, %cond3A_140 : i32
      scf.if %cond3A_141 {
        %add3A_152 = arith.constant 2 : i32
        %add3A_153 = arith.addi %add3A_124, %add3A_152 : i32
        %dma_start3A_154 = arith.constant 0 : i32
        %dma_start3A_155 = tpu.memref_slice %arg7[%add3A_153, %dma_start3A_154] : memref<158x128xi32, #tpu.memory_space<vmem>> -> memref<1x128xi32, #tpu.memory_space<vmem>>
        %dma_start3A_156 = tpu.memref_squeeze %dma_start3A_155 : memref<1x128xi32, #tpu.memory_space<vmem>> -> memref<128xi32, #tpu.memory_space<vmem>>
        %dma_start3A_157 = arith.constant 0 : i32
        %dma_start3A_158 = arith.constant 0 : i32
        %dma_start3A_159 = tpu.memref_slice %arg2[%dma_start3A_157, %dma_start3A_158] : memref<10000x128xf32, #tpu.memory_space<hbm>> -> memref<10000x128xf32, #tpu.memory_space<hbm>>
        tpu.enqueue_indirect_dma source(%dma_start3A_159 : memref<10000x128xf32, #tpu.memory_space<hbm>>) target(%arg10 : memref<128x128xf32, #tpu.memory_space<vmem>>) offsets(%dma_start3A_156 : memref<128xi32, #tpu.memory_space<vmem>>) semaphore(%arg13 : memref<!tpu.dma_semaphore, #tpu.memory_space<semaphore_mem>>)
      } else {
      }
      %add3A_142 = arith.constant 1 : i32
      %add3A_143 = arith.addi %add3A_124, %add3A_142 : i32
      %dma_wait3A_144 = arith.constant 0 : i32
      %dma_wait3A_145 = tpu.memref_slice %arg7[%add3A_143, %dma_wait3A_144] : memref<158x128xi32, #tpu.memory_space<vmem>> -> memref<1x128xi32, #tpu.memory_space<vmem>>
      %dma_wait3A_146 = tpu.memref_squeeze %dma_wait3A_145 : memref<1x128xi32, #tpu.memory_space<vmem>> -> memref<128xi32, #tpu.memory_space<vmem>>
      %dma_wait3A_147 = arith.constant 0 : i32
      %dma_wait3A_148 = arith.constant 0 : i32
      %dma_wait3A_149 = tpu.memref_slice %arg2[%dma_wait3A_147, %dma_wait3A_148] : memref<10000x128xf32, #tpu.memory_space<hbm>> -> memref<10000x128xf32, #tpu.memory_space<hbm>>
      tpu.wait_indirect_dma semaphore(%arg14 : memref<!tpu.dma_semaphore, #tpu.memory_space<semaphore_mem>>) src(%dma_wait3A_149 : memref<10000x128xf32, #tpu.memory_space<hbm>>) dst(%arg11 : memref<128x128xf32, #tpu.memory_space<vmem>>)
      %add3A_150 = arith.constant 1 : i32
      %add3A_151 = arith.addi %add3A_124, %add3A_150 : i32
      "tpu.region"() ({
        %run_scoped3A_152 = tpu.sem_alloc : memref<!tpu.dma_semaphore, #tpu.memory_space<semaphore_mem>>
        %dma_start3A_153 = arith.constant 0 : i32
        %dma_start3A_154 = tpu.memref_slice %arg8[%add3A_151, %dma_start3A_153] : memref<158x128xi32, #tpu.memory_space<vmem>> -> memref<1x128xi32, #tpu.memory_space<vmem>>
        %dma_start3A_155 = tpu.memref_squeeze %dma_start3A_154 : memref<1x128xi32, #tpu.memory_space<vmem>> -> memref<128xi32, #tpu.memory_space<vmem>>
        %dma_start3A_156 = arith.constant 0 : i32
        %dma_start3A_157 = arith.constant 0 : i32
        %dma_start3A_158 = tpu.memref_slice %arg12[%dma_start3A_156, %dma_start3A_157] : memref<6144x128xf32, #tpu.memory_space<vmem_shared>> -> memref<6144x128xf32, #tpu.memory_space<vmem_shared>>
        tpu.enqueue_indirect_dma source(%arg11 : memref<128x128xf32, #tpu.memory_space<vmem>>) target(%dma_start3A_158 : memref<6144x128xf32, #tpu.memory_space<vmem_shared>>) offsets(%dma_start3A_155 : memref<128xi32, #tpu.memory_space<vmem>>) semaphore(%run_scoped3A_152 : memref<!tpu.dma_semaphore, #tpu.memory_space<semaphore_mem>>) {add = true}
        %dma_wait3A_159 = arith.constant 0 : i32
        %dma_wait3A_160 = tpu.memref_slice %arg8[%add3A_151, %dma_wait3A_159] : memref<158x128xi32, #tpu.memory_space<vmem>> -> memref<1x128xi32, #tpu.memory_space<vmem>>
        %dma_wait3A_161 = tpu.memref_squeeze %dma_wait3A_160 : memref<1x128xi32, #tpu.memory_space<vmem>> -> memref<128xi32, #tpu.memory_space<vmem>>
        %dma_wait3A_162 = arith.constant 0 : i32
        %dma_wait3A_163 = arith.constant 0 : i32
        %dma_wait3A_164 = tpu.memref_slice %arg12[%dma_wait3A_162, %dma_wait3A_163] : memref<6144x128xf32, #tpu.memory_space<vmem_shared>> -> memref<6144x128xf32, #tpu.memory_space<vmem_shared>>
        tpu.wait_indirect_dma semaphore(%run_scoped3A_152 : memref<!tpu.dma_semaphore, #tpu.memory_space<semaphore_mem>>) src(%arg11 : memref<128x128xf32, #tpu.memory_space<vmem>>) dst(%dma_wait3A_164 : memref<6144x128xf32, #tpu.memory_space<vmem_shared>>)
        tpu.yield
      }) : () -> ()
    }
    %barrier3A_48 = arith.constant 0 : index
    tpu.barrier barrier_id(%barrier3A_48)
    %add3A_49 = arith.constant 0 : i32
    %add3A_50 = arith.addi %add3A_49, %mul3A_0 : i32
    "tpu.region"() ({
      %run_scoped3A_122 = tpu.sem_alloc : memref<!tpu.dma_semaphore, #tpu.memory_space<semaphore_mem>>
      %dma_start3A = arith.constant 0 : i32
      %dma_start3A_123 = tpu.memref_slice %arg6[%add3A_50, %dma_start3A] : memref<12288x128xf32, #tpu.memory_space<hbm>> -> memref<384x128xf32, #tpu.memory_space<hbm>>
      %dma_start3A_124 = arith.constant 0 : i32
      %dma_start3A_125 = tpu.memref_slice %arg12[%mul3A_0, %dma_start3A_124] : memref<6144x128xf32, #tpu.memory_space<vmem_shared>> -> memref<384x128xf32, #tpu.memory_space<vmem_shared>>
      tpu.enqueue_dma source(%dma_start3A_125 : memref<384x128xf32, #tpu.memory_space<vmem_shared>>) target(%dma_start3A_123 : memref<384x128xf32, #tpu.memory_space<hbm>>) target_semaphore(%run_scoped3A_122 : memref<!tpu.dma_semaphore, #tpu.memory_space<semaphore_mem>>)
      %dma_wait3A = arith.constant 0 : i32
      %dma_wait3A_126 = tpu.memref_slice %arg6[%add3A_50, %dma_wait3A] : memref<12288x128xf32, #tpu.memory_space<hbm>> -> memref<384x128xf32, #tpu.memory_space<hbm>>
      %dma_wait3A_127 = arith.constant 0 : i32
      %dma_wait3A_128 = tpu.memref_slice %arg12[%mul3A_0, %dma_wait3A_127] : memref<6144x128xf32, #tpu.memory_space<vmem_shared>> -> memref<384x128xf32, #tpu.memory_space<vmem_shared>>
      tpu.wait_dma2 semaphore(%run_scoped3A_122 : memref<!tpu.dma_semaphore, #tpu.memory_space<semaphore_mem>>) src(%dma_wait3A_128 : memref<384x128xf32, #tpu.memory_space<vmem_shared>>) dst(%dma_wait3A_126 : memref<384x128xf32, #tpu.memory_space<hbm>>)
      tpu.yield
    }) : () -> ()
    %barrier3A_51 = arith.constant 0 : index
    tpu.barrier barrier_id(%barrier3A_51)
    %run_scoped3A_52 = arith.constant 1 : i32
    "tpu.region"() ({
      %run_scoped3A_122 = tpu.sem_alloc : memref<!tpu.dma_semaphore, #tpu.memory_space<semaphore_mem>>
      %dma_start3A = arith.constant 0 : i32
      %dma_start3A_123 = arith.constant 0 : i32
      %dma_start3A_124 = tpu.memref_slice %arg3[%arg1, %run_scoped3A_52, %dma_start3A, %dma_start3A_123] : memref<16x2x158x128xi32, #tpu.memory_space<hbm>> -> memref<1x1x158x128xi32, #tpu.memory_space<hbm>>
      %dma_start3A_125 = tpu.memref_squeeze %dma_start3A_124 : memref<1x1x158x128xi32, #tpu.memory_space<hbm>> -> memref<158x128xi32, #tpu.memory_space<hbm>>
      %dma_start3A_126 = arith.constant 0 : i32
      %dma_start3A_127 = arith.constant 0 : i32
      %dma_start3A_128 = tpu.memref_slice %arg3[%arg1, %run_scoped3A_52, %dma_start3A_126, %dma_start3A_127] : memref<16x2x158x128xi32, #tpu.memory_space<hbm>> -> memref<1x1x158x128xi32, #tpu.memory_space<hbm>>
      %dma_start3A_129 = tpu.memref_squeeze %dma_start3A_128 : memref<1x1x158x128xi32, #tpu.memory_space<hbm>> -> memref<158x128xi32, #tpu.memory_space<hbm>>
      tpu.enqueue_dma source(%dma_start3A_129 : memref<158x128xi32, #tpu.memory_space<hbm>>) target(%arg7 : memref<158x128xi32, #tpu.memory_space<vmem>>) target_semaphore(%run_scoped3A_122 : memref<!tpu.dma_semaphore, #tpu.memory_space<semaphore_mem>>)
      %dma_wait3A = arith.constant 0 : i32
      %dma_wait3A_130 = arith.constant 0 : i32
      %dma_wait3A_131 = tpu.memref_slice %arg3[%arg1, %run_scoped3A_52, %dma_wait3A, %dma_wait3A_130] : memref<16x2x158x128xi32, #tpu.memory_space<hbm>> -> memref<1x1x158x128xi32, #tpu.memory_space<hbm>>
      %dma_wait3A_132 = tpu.memref_squeeze %dma_wait3A_131 : memref<1x1x158x128xi32, #tpu.memory_space<hbm>> -> memref<158x128xi32, #tpu.memory_space<hbm>>
      %dma_wait3A_133 = arith.constant 0 : i32
      %dma_wait3A_134 = arith.constant 0 : i32
      %dma_wait3A_135 = tpu.memref_slice %arg3[%arg1, %run_scoped3A_52, %dma_wait3A_133, %dma_wait3A_134] : memref<16x2x158x128xi32, #tpu.memory_space<hbm>> -> memref<1x1x158x128xi32, #tpu.memory_space<hbm>>
      %dma_wait3A_136 = tpu.memref_squeeze %dma_wait3A_135 : memref<1x1x158x128xi32, #tpu.memory_space<hbm>> -> memref<158x128xi32, #tpu.memory_space<hbm>>
      tpu.wait_dma2 semaphore(%run_scoped3A_122 : memref<!tpu.dma_semaphore, #tpu.memory_space<semaphore_mem>>) src(%dma_wait3A_136 : memref<158x128xi32, #tpu.memory_space<hbm>>) dst(%arg7 : memref<158x128xi32, #tpu.memory_space<vmem>>)
      tpu.yield
    }) : () -> ()
    %run_scoped3A_53 = arith.constant 1 : i32
    "tpu.region"() ({
      %run_scoped3A_122 = tpu.sem_alloc : memref<!tpu.dma_semaphore, #tpu.memory_space<semaphore_mem>>
      %dma_start3A = arith.constant 0 : i32
      %dma_start3A_123 = arith.constant 0 : i32
      %dma_start3A_124 = tpu.memref_slice %arg4[%arg1, %run_scoped3A_53, %dma_start3A, %dma_start3A_123] : memref<16x2x158x128xi32, #tpu.memory_space<hbm>> -> memref<1x1x158x128xi32, #tpu.memory_space<hbm>>
      %dma_start3A_125 = tpu.memref_squeeze %dma_start3A_124 : memref<1x1x158x128xi32, #tpu.memory_space<hbm>> -> memref<158x128xi32, #tpu.memory_space<hbm>>
      %dma_start3A_126 = arith.constant 0 : i32
      %dma_start3A_127 = arith.constant 0 : i32
      %dma_start3A_128 = tpu.memref_slice %arg4[%arg1, %run_scoped3A_53, %dma_start3A_126, %dma_start3A_127] : memref<16x2x158x128xi32, #tpu.memory_space<hbm>> -> memref<1x1x158x128xi32, #tpu.memory_space<hbm>>
      %dma_start3A_129 = tpu.memref_squeeze %dma_start3A_128 : memref<1x1x158x128xi32, #tpu.memory_space<hbm>> -> memref<158x128xi32, #tpu.memory_space<hbm>>
      tpu.enqueue_dma source(%dma_start3A_129 : memref<158x128xi32, #tpu.memory_space<hbm>>) target(%arg8 : memref<158x128xi32, #tpu.memory_space<vmem>>) target_semaphore(%run_scoped3A_122 : memref<!tpu.dma_semaphore, #tpu.memory_space<semaphore_mem>>)
      %dma_wait3A = arith.constant 0 : i32
      %dma_wait3A_130 = arith.constant 0 : i32
      %dma_wait3A_131 = tpu.memref_slice %arg4[%arg1, %run_scoped3A_53, %dma_wait3A, %dma_wait3A_130] : memref<16x2x158x128xi32, #tpu.memory_space<hbm>> -> memref<1x1x158x128xi32, #tpu.memory_space<hbm>>
      %dma_wait3A_132 = tpu.memref_squeeze %dma_wait3A_131 : memref<1x1x158x128xi32, #tpu.memory_space<hbm>> -> memref<158x128xi32, #tpu.memory_space<hbm>>
      %dma_wait3A_133 = arith.constant 0 : i32
      %dma_wait3A_134 = arith.constant 0 : i32
      %dma_wait3A_135 = tpu.memref_slice %arg4[%arg1, %run_scoped3A_53, %dma_wait3A_133, %dma_wait3A_134] : memref<16x2x158x128xi32, #tpu.memory_space<hbm>> -> memref<1x1x158x128xi32, #tpu.memory_space<hbm>>
      %dma_wait3A_136 = tpu.memref_squeeze %dma_wait3A_135 : memref<1x1x158x128xi32, #tpu.memory_space<hbm>> -> memref<158x128xi32, #tpu.memory_space<hbm>>
      tpu.wait_dma2 semaphore(%run_scoped3A_122 : memref<!tpu.dma_semaphore, #tpu.memory_space<semaphore_mem>>) src(%dma_wait3A_136 : memref<158x128xi32, #tpu.memory_space<hbm>>) dst(%arg8 : memref<158x128xi32, #tpu.memory_space<vmem>>)
      tpu.yield
    }) : () -> ()
    %get3A_54 = arith.constant 0 : index
    %get3A_55 = tpu.vector_load %arg9[%get3A_54] {strides = array<i32>} : memref<16xi32, #tpu.memory_space<vmem>>, vector<16xi32>,
    %get3A_56 = vector.shape_cast %get3A_55 : vector<16xi32> to vector<16xi32>
    %slice3A_57 = vector.extract_strided_slice %get3A_56 {offsets = [1], sizes = [1], strides = [1]} : vector<16xi32> to vector<1xi32>
    %squeeze3A_58 = vector.extract %slice3A_57[0] : i32 from vector<1xi32>
    %jit3A_59 = arith.constant 128 : i32
    %div3A_60 = arith.divsi %squeeze3A_58, %jit3A_59 : i32
    %sign3A_61 = arith.constant 0 : i32
    %sign3A_62 = arith.cmpi sgt, %squeeze3A_58, %sign3A_61 : i32
    %sign3A_63 = arith.extui %sign3A_62 : i1 to i32
    %sign3A_64 = arith.constant 0 : i32
    %sign3A_65 = arith.cmpi slt, %squeeze3A_58, %sign3A_64 : i32
    %sign3A_66 = arith.extui %sign3A_65 : i1 to i32
    %sign3A_67 = arith.subi %sign3A_63, %sign3A_66 : i32
    %sign3A_68 = arith.constant 0 : i32
    %sign3A_69 = arith.cmpi sgt, %jit3A_59, %sign3A_68 : i32
    %sign3A_70 = arith.extui %sign3A_69 : i1 to i32
    %sign3A_71 = arith.constant 0 : i32
    %sign3A_72 = arith.cmpi slt, %jit3A_59, %sign3A_71 : i32
    %sign3A_73 = arith.extui %sign3A_72 : i1 to i32
    %sign3A_74 = arith.subi %sign3A_70, %sign3A_73 : i32
    %ne3A_75 = arith.cmpi ne, %sign3A_67, %sign3A_74 : i32
    %rem3A_76 = arith.remsi %squeeze3A_58, %jit3A_59 : i32
    %ne3A_77 = arith.constant 0 : i32
    %ne3A_78 = arith.cmpi ne, %rem3A_76, %ne3A_77 : i32
    %and3A_79 = arith.andi %ne3A_75, %ne3A_78 : i1
    %sub3A_80 = arith.constant 1 : i32
    %sub3A_81 = arith.subi %div3A_60, %sub3A_80 : i32
    %select_n3A_82 = arith.select %and3A_79, %sub3A_81, %div3A_60 : i32
    %scan3A_83 = arith.constant 0 : i32
    %scan3A_84 = arith.constant 128 : i32
    %scan3A_85 = arith.addi %scan3A_83, %scan3A_84 : i32
    %scan3A_86 = arith.constant 1 : i32
    scf.for %scan3A_122 = %scan3A_83 to %scan3A_85 step %scan3A_86  : i32 {
      %mul3A_123 = arith.constant 1 : i32
      %mul3A_124 = arith.muli %scan3A_122, %mul3A_123 : i32
      %add3A_125 = arith.constant 0 : i32
      %add3A_126 = arith.addi %add3A_125, %mul3A_124 : i32
      %scan3A_127 = arith.constant 0 : i32
      %scan3A_128 = arith.constant 8 : i32
      %scan3A_129 = arith.addi %scan3A_127, %scan3A_128 : i32
      %scan3A_130 = arith.constant 1 : i32
      scf.for %scan3A_132 = %scan3A_127 to %scan3A_129 step %scan3A_130  : i32 {
        %mul3A_133 = arith.constant 16 : i32
        %mul3A_134 = arith.muli %scan3A_132, %mul3A_133 : i32
        %add3A_135 = arith.constant 0 : i32
        %add3A_136 = arith.addi %add3A_135, %mul3A_134 : i32
        %broadcast_in_dim3A = arith.constant 0.000000e+00 : f32
        %broadcast_in_dim3A_137 = vector.broadcast %broadcast_in_dim3A : f32 to vector<16xf32>
        %swap3A = arith.index_cast %add3A_126 : i32 to index
        %swap3A_138 = arith.index_cast %add3A_136 : i32 to index
        %swap3A_139 = tpu.vector_load %arg10[%swap3A, %swap3A_138] {strides = array<i32>} : memref<128x128xf32, #tpu.memory_space<vmem>>, vector<1x16xf32>,
        %swap3A_140 = vector.shape_cast %swap3A_139 : vector<1x16xf32> to vector<16xf32>
        %swap3A_141 = vector.shape_cast %broadcast_in_dim3A_137 : vector<16xf32> to vector<1x16xf32>
        tpu.vector_store %arg10[%swap3A, %swap3A_138], %swap3A_141 {strides = array<i32>} : memref<128x128xf32, #tpu.memory_space<vmem>>, vector<1x16xf32>,
      }
      %scan3A_131 = arith.constant 8 : i32
    }
    %scan3A_87 = arith.constant 128 : i32
    %scan3A_88 = arith.constant 0 : i32
    %scan3A_89 = arith.constant 3 : i32
    %scan3A_90 = arith.addi %scan3A_88, %scan3A_89 : i32
    %scan3A_91 = arith.constant 1 : i32
    scf.for %scan3A_122 = %scan3A_88 to %scan3A_90 step %scan3A_91  : i32 {
      %mul3A_123 = arith.constant 1 : i32
      %mul3A_124 = arith.muli %scan3A_122, %mul3A_123 : i32
      %add3A_125 = arith.constant 0 : i32
      %add3A_126 = arith.addi %add3A_125, %mul3A_124 : i32
      %mul3A_127 = arith.constant 128 : i32
      %mul3A_128 = arith.muli %add3A_126, %mul3A_127 : i32
      %add3A_129 = arith.addi %mul3A_0, %mul3A_128 : i32
      "tpu.region"() ({
        %run_scoped3A_130 = tpu.sem_alloc : memref<!tpu.dma_semaphore, #tpu.memory_space<semaphore_mem>>
        %dma_start3A = arith.constant 0 : i32
        %dma_start3A_131 = tpu.memref_slice %arg12[%add3A_129, %dma_start3A] : memref<6144x128xf32, #tpu.memory_space<vmem_shared>> -> memref<128x128xf32, #tpu.memory_space<vmem_shared>>
        %dma_start3A_132 = arith.constant 0 : i32
        %dma_start3A_133 = tpu.memref_slice %arg12[%add3A_129, %dma_start3A_132] : memref<6144x128xf32, #tpu.memory_space<vmem_shared>> -> memref<128x128xf32, #tpu.memory_space<vmem_shared>>
        tpu.enqueue_dma source(%arg10 : memref<128x128xf32, #tpu.memory_space<vmem>>) target(%dma_start3A_133 : memref<128x128xf32, #tpu.memory_space<vmem_shared>>) target_semaphore(%run_scoped3A_130 : memref<!tpu.dma_semaphore, #tpu.memory_space<semaphore_mem>>)
        %dma_wait3A = arith.constant 0 : i32
        %dma_wait3A_134 = tpu.memref_slice %arg12[%add3A_129, %dma_wait3A] : memref<6144x128xf32, #tpu.memory_space<vmem_shared>> -> memref<128x128xf32, #tpu.memory_space<vmem_shared>>
        %dma_wait3A_135 = arith.constant 0 : i32
        %dma_wait3A_136 = tpu.memref_slice %arg12[%add3A_129, %dma_wait3A_135] : memref<6144x128xf32, #tpu.memory_space<vmem_shared>> -> memref<128x128xf32, #tpu.memory_space<vmem_shared>>
        tpu.wait_dma2 semaphore(%run_scoped3A_130 : memref<!tpu.dma_semaphore, #tpu.memory_space<semaphore_mem>>) src(%arg10 : memref<128x128xf32, #tpu.memory_space<vmem>>) dst(%dma_wait3A_136 : memref<128x128xf32, #tpu.memory_space<vmem_shared>>)
        tpu.yield
      }) : () -> ()
    }
    %scan3A_92 = arith.constant 3 : i32
    %barrier3A_93 = arith.constant 0 : index
    tpu.barrier barrier_id(%barrier3A_93)
    %gt3A_94 = arith.constant 0 : i32
    %gt3A_95 = arith.cmpi sgt, %select_n3A_82, %gt3A_94 : i32
    %convert_element_type3A_96 = arith.extui %gt3A_95 : i1 to i32
    %cond3A_97 = arith.constant 0 : i32
    %cond3A_98 = arith.cmpi ne, %convert_element_type3A_96, %cond3A_97 : i32
    scf.if %cond3A_98 {
      %dma_start3A = arith.constant 0 : i32
      %dma_start3A_122 = arith.constant 0 : i32
      %dma_start3A_123 = tpu.memref_slice %arg7[%dma_start3A, %dma_start3A_122] : memref<158x128xi32, #tpu.memory_space<vmem>> -> memref<1x128xi32, #tpu.memory_space<vmem>>
      %dma_start3A_124 = tpu.memref_squeeze %dma_start3A_123 : memref<1x128xi32, #tpu.memory_space<vmem>> -> memref<128xi32, #tpu.memory_space<vmem>>
      %dma_start3A_125 = arith.constant 0 : i32
      %dma_start3A_126 = arith.constant 0 : i32
      %dma_start3A_127 = tpu.memref_slice %arg2[%dma_start3A_125, %dma_start3A_126] : memref<10000x128xf32, #tpu.memory_space<hbm>> -> memref<10000x128xf32, #tpu.memory_space<hbm>>
      tpu.enqueue_indirect_dma source(%dma_start3A_127 : memref<10000x128xf32, #tpu.memory_space<hbm>>) target(%arg10 : memref<128x128xf32, #tpu.memory_space<vmem>>) offsets(%dma_start3A_124 : memref<128xi32, #tpu.memory_space<vmem>>) semaphore(%arg13 : memref<!tpu.dma_semaphore, #tpu.memory_space<semaphore_mem>>)
    } else {
    }
    %sub3A_99 = arith.constant 0 : i32
    %sub3A_100 = arith.subi %select_n3A_82, %sub3A_99 : i32
    %sub3A_101 = arith.constant 2 : i32
    %sub3A_102 = arith.constant 1 : i32
    %sub3A_103 = arith.subi %sub3A_101, %sub3A_102 : i32
    %add3A_104 = arith.addi %sub3A_100, %sub3A_103 : i32
    %div3A_105 = arith.constant 2 : i32
    %div3A_106 = arith.divsi %add3A_104, %div3A_105 : i32
    %while3A_107 = arith.constant 2 : i32
    %while3A_108 = arith.constant 0 : i32
    %while3A_109 = arith.constant 0 : i32
    %while3A_110 = arith.subi %div3A_106, %while3A_109 : i32
    %while3A_111 = arith.addi %while3A_109, %while3A_110 : i32
    %while3A_112 = arith.constant 1 : i32
    %while3A_113 = arith.divsi %while3A_110, %while3A_112 : i32
    %while3A_114 = arith.muli %while3A_113, %while3A_112 : i32
    %while3A_115 = arith.addi %while3A_109, %while3A_114 : i32
    %while3A_116 = arith.constant 1 : i32
    scf.for %while3A_122 = %while3A_109 to %while3A_115 step %while3A_116  : i32 {
      %mul3A_123 = arith.muli %while3A_122, %while3A_107 : i32
      %add3A_124 = arith.addi %while3A_108, %mul3A_123 : i32
      %add3A_125 = arith.constant 1 : i32
      %add3A_126 = arith.addi %add3A_124, %add3A_125 : i32
      %dma_start3A = arith.constant 0 : i32
      %dma_start3A_127 = tpu.memref_slice %arg7[%add3A_126, %dma_start3A] : memref<158x128xi32, #tpu.memory_space<vmem>> -> memref<1x128xi32, #tpu.memory_space<vmem>>
      %dma_start3A_128 = tpu.memref_squeeze %dma_start3A_127 : memref<1x128xi32, #tpu.memory_space<vmem>> -> memref<128xi32, #tpu.memory_space<vmem>>
      %dma_start3A_129 = arith.constant 0 : i32
      %dma_start3A_130 = arith.constant 0 : i32
      %dma_start3A_131 = tpu.memref_slice %arg2[%dma_start3A_129, %dma_start3A_130] : memref<10000x128xf32, #tpu.memory_space<hbm>> -> memref<10000x128xf32, #tpu.memory_space<hbm>>
      tpu.enqueue_indirect_dma source(%dma_start3A_131 : memref<10000x128xf32, #tpu.memory_space<hbm>>) target(%arg11 : memref<128x128xf32, #tpu.memory_space<vmem>>) offsets(%dma_start3A_128 : memref<128xi32, #tpu.memory_space<vmem>>) semaphore(%arg14 : memref<!tpu.dma_semaphore, #tpu.memory_space<semaphore_mem>>)
      %dma_wait3A = arith.constant 0 : i32
      %dma_wait3A_132 = tpu.memref_slice %arg7[%add3A_124, %dma_wait3A] : memref<158x128xi32, #tpu.memory_space<vmem>> -> memref<1x128xi32, #tpu.memory_space<vmem>>
      %dma_wait3A_133 = tpu.memref_squeeze %dma_wait3A_132 : memref<1x128xi32, #tpu.memory_space<vmem>> -> memref<128xi32, #tpu.memory_space<vmem>>
      %dma_wait3A_134 = arith.constant 0 : i32
      %dma_wait3A_135 = arith.constant 0 : i32
      %dma_wait3A_136 = tpu.memref_slice %arg2[%dma_wait3A_134, %dma_wait3A_135] : memref<10000x128xf32, #tpu.memory_space<hbm>> -> memref<10000x128xf32, #tpu.memory_space<hbm>>
      tpu.wait_indirect_dma semaphore(%arg13 : memref<!tpu.dma_semaphore, #tpu.memory_space<semaphore_mem>>) src(%dma_wait3A_136 : memref<10000x128xf32, #tpu.memory_space<hbm>>) dst(%arg10 : memref<128x128xf32, #tpu.memory_space<vmem>>)
      "tpu.region"() ({
        %run_scoped3A_152 = tpu.sem_alloc : memref<!tpu.dma_semaphore, #tpu.memory_space<semaphore_mem>>
        %dma_start3A_153 = arith.constant 0 : i32
        %dma_start3A_154 = tpu.memref_slice %arg8[%add3A_124, %dma_start3A_153] : memref<158x128xi32, #tpu.memory_space<vmem>> -> memref<1x128xi32, #tpu.memory_space<vmem>>
        %dma_start3A_155 = tpu.memref_squeeze %dma_start3A_154 : memref<1x128xi32, #tpu.memory_space<vmem>> -> memref<128xi32, #tpu.memory_space<vmem>>
        %dma_start3A_156 = arith.constant 0 : i32
        %dma_start3A_157 = arith.constant 0 : i32
        %dma_start3A_158 = tpu.memref_slice %arg12[%dma_start3A_156, %dma_start3A_157] : memref<6144x128xf32, #tpu.memory_space<vmem_shared>> -> memref<6144x128xf32, #tpu.memory_space<vmem_shared>>
        tpu.enqueue_indirect_dma source(%arg10 : memref<128x128xf32, #tpu.memory_space<vmem>>) target(%dma_start3A_158 : memref<6144x128xf32, #tpu.memory_space<vmem_shared>>) offsets(%dma_start3A_155 : memref<128xi32, #tpu.memory_space<vmem>>) semaphore(%run_scoped3A_152 : memref<!tpu.dma_semaphore, #tpu.memory_space<semaphore_mem>>) {add = true}
        %dma_wait3A_159 = arith.constant 0 : i32
        %dma_wait3A_160 = tpu.memref_slice %arg8[%add3A_124, %dma_wait3A_159] : memref<158x128xi32, #tpu.memory_space<vmem>> -> memref<1x128xi32, #tpu.memory_space<vmem>>
        %dma_wait3A_161 = tpu.memref_squeeze %dma_wait3A_160 : memref<1x128xi32, #tpu.memory_space<vmem>> -> memref<128xi32, #tpu.memory_space<vmem>>
        %dma_wait3A_162 = arith.constant 0 : i32
        %dma_wait3A_163 = arith.constant 0 : i32
        %dma_wait3A_164 = tpu.memref_slice %arg12[%dma_wait3A_162, %dma_wait3A_163] : memref<6144x128xf32, #tpu.memory_space<vmem_shared>> -> memref<6144x128xf32, #tpu.memory_space<vmem_shared>>
        tpu.wait_indirect_dma semaphore(%run_scoped3A_152 : memref<!tpu.dma_semaphore, #tpu.memory_space<semaphore_mem>>) src(%arg10 : memref<128x128xf32, #tpu.memory_space<vmem>>) dst(%dma_wait3A_164 : memref<6144x128xf32, #tpu.memory_space<vmem_shared>>)
        tpu.yield
      }) : () -> ()
      %add3A_137 = arith.constant 2 : i32
      %add3A_138 = arith.addi %add3A_124, %add3A_137 : i32
      %lt3A = arith.cmpi slt, %add3A_138, %select_n3A_82 : i32
      %convert_element_type3A_139 = arith.extui %lt3A : i1 to i32
      %cond3A_140 = arith.constant 0 : i32
      %cond3A_141 = arith.cmpi ne, %convert_element_type3A_139, %cond3A_140 : i32
      scf.if %cond3A_141 {
        %add3A_152 = arith.constant 2 : i32
        %add3A_153 = arith.addi %add3A_124, %add3A_152 : i32
        %dma_start3A_154 = arith.constant 0 : i32
        %dma_start3A_155 = tpu.memref_slice %arg7[%add3A_153, %dma_start3A_154] : memref<158x128xi32, #tpu.memory_space<vmem>> -> memref<1x128xi32, #tpu.memory_space<vmem>>
        %dma_start3A_156 = tpu.memref_squeeze %dma_start3A_155 : memref<1x128xi32, #tpu.memory_space<vmem>> -> memref<128xi32, #tpu.memory_space<vmem>>
        %dma_start3A_157 = arith.constant 0 : i32
        %dma_start3A_158 = arith.constant 0 : i32
        %dma_start3A_159 = tpu.memref_slice %arg2[%dma_start3A_157, %dma_start3A_158] : memref<10000x128xf32, #tpu.memory_space<hbm>> -> memref<10000x128xf32, #tpu.memory_space<hbm>>
        tpu.enqueue_indirect_dma source(%dma_start3A_159 : memref<10000x128xf32, #tpu.memory_space<hbm>>) target(%arg10 : memref<128x128xf32, #tpu.memory_space<vmem>>) offsets(%dma_start3A_156 : memref<128xi32, #tpu.memory_space<vmem>>) semaphore(%arg13 : memref<!tpu.dma_semaphore, #tpu.memory_space<semaphore_mem>>)
      } else {
      }
      %add3A_142 = arith.constant 1 : i32
      %add3A_143 = arith.addi %add3A_124, %add3A_142 : i32
      %dma_wait3A_144 = arith.constant 0 : i32
      %dma_wait3A_145 = tpu.memref_slice %arg7[%add3A_143, %dma_wait3A_144] : memref<158x128xi32, #tpu.memory_space<vmem>> -> memref<1x128xi32, #tpu.memory_space<vmem>>
      %dma_wait3A_146 = tpu.memref_squeeze %dma_wait3A_145 : memref<1x128xi32, #tpu.memory_space<vmem>> -> memref<128xi32, #tpu.memory_space<vmem>>
      %dma_wait3A_147 = arith.constant 0 : i32
      %dma_wait3A_148 = arith.constant 0 : i32
      %dma_wait3A_149 = tpu.memref_slice %arg2[%dma_wait3A_147, %dma_wait3A_148] : memref<10000x128xf32, #tpu.memory_space<hbm>> -> memref<10000x128xf32, #tpu.memory_space<hbm>>
      tpu.wait_indirect_dma semaphore(%arg14 : memref<!tpu.dma_semaphore, #tpu.memory_space<semaphore_mem>>) src(%dma_wait3A_149 : memref<10000x128xf32, #tpu.memory_space<hbm>>) dst(%arg11 : memref<128x128xf32, #tpu.memory_space<vmem>>)
      %add3A_150 = arith.constant 1 : i32
      %add3A_151 = arith.addi %add3A_124, %add3A_150 : i32
      "tpu.region"() ({
        %run_scoped3A_152 = tpu.sem_alloc : memref<!tpu.dma_semaphore, #tpu.memory_space<semaphore_mem>>
        %dma_start3A_153 = arith.constant 0 : i32
        %dma_start3A_154 = tpu.memref_slice %arg8[%add3A_151, %dma_start3A_153] : memref<158x128xi32, #tpu.memory_space<vmem>> -> memref<1x128xi32, #tpu.memory_space<vmem>>
        %dma_start3A_155 = tpu.memref_squeeze %dma_start3A_154 : memref<1x128xi32, #tpu.memory_space<vmem>> -> memref<128xi32, #tpu.memory_space<vmem>>
        %dma_start3A_156 = arith.constant 0 : i32
        %dma_start3A_157 = arith.constant 0 : i32
        %dma_start3A_158 = tpu.memref_slice %arg12[%dma_start3A_156, %dma_start3A_157] : memref<6144x128xf32, #tpu.memory_space<vmem_shared>> -> memref<6144x128xf32, #tpu.memory_space<vmem_shared>>
        tpu.enqueue_indirect_dma source(%arg11 : memref<128x128xf32, #tpu.memory_space<vmem>>) target(%dma_start3A_158 : memref<6144x128xf32, #tpu.memory_space<vmem_shared>>) offsets(%dma_start3A_155 : memref<128xi32, #tpu.memory_space<vmem>>) semaphore(%run_scoped3A_152 : memref<!tpu.dma_semaphore, #tpu.memory_space<semaphore_mem>>) {add = true}
        %dma_wait3A_159 = arith.constant 0 : i32
        %dma_wait3A_160 = tpu.memref_slice %arg8[%add3A_151, %dma_wait3A_159] : memref<158x128xi32, #tpu.memory_space<vmem>> -> memref<1x128xi32, #tpu.memory_space<vmem>>
        %dma_wait3A_161 = tpu.memref_squeeze %dma_wait3A_160 : memref<1x128xi32, #tpu.memory_space<vmem>> -> memref<128xi32, #tpu.memory_space<vmem>>
        %dma_wait3A_162 = arith.constant 0 : i32
        %dma_wait3A_163 = arith.constant 0 : i32
        %dma_wait3A_164 = tpu.memref_slice %arg12[%dma_wait3A_162, %dma_wait3A_163] : memref<6144x128xf32, #tpu.memory_space<vmem_shared>> -> memref<6144x128xf32, #tpu.memory_space<vmem_shared>>
        tpu.wait_indirect_dma semaphore(%run_scoped3A_152 : memref<!tpu.dma_semaphore, #tpu.memory_space<semaphore_mem>>) src(%arg11 : memref<128x128xf32, #tpu.memory_space<vmem>>) dst(%dma_wait3A_164 : memref<6144x128xf32, #tpu.memory_space<vmem_shared>>)
        tpu.yield
      }) : () -> ()
    }
    %while3A_117 = arith.constant 1 : i32
    scf.for %while3A_122 = %while3A_115 to %while3A_111 step %while3A_117  : i32 {
      %mul3A_123 = arith.muli %while3A_122, %while3A_107 : i32
      %add3A_124 = arith.addi %while3A_108, %mul3A_123 : i32
      %add3A_125 = arith.constant 1 : i32
      %add3A_126 = arith.addi %add3A_124, %add3A_125 : i32
      %dma_start3A = arith.constant 0 : i32
      %dma_start3A_127 = tpu.memref_slice %arg7[%add3A_126, %dma_start3A] : memref<158x128xi32, #tpu.memory_space<vmem>> -> memref<1x128xi32, #tpu.memory_space<vmem>>
      %dma_start3A_128 = tpu.memref_squeeze %dma_start3A_127 : memref<1x128xi32, #tpu.memory_space<vmem>> -> memref<128xi32, #tpu.memory_space<vmem>>
      %dma_start3A_129 = arith.constant 0 : i32
      %dma_start3A_130 = arith.constant 0 : i32
      %dma_start3A_131 = tpu.memref_slice %arg2[%dma_start3A_129, %dma_start3A_130] : memref<10000x128xf32, #tpu.memory_space<hbm>> -> memref<10000x128xf32, #tpu.memory_space<hbm>>
      tpu.enqueue_indirect_dma source(%dma_start3A_131 : memref<10000x128xf32, #tpu.memory_space<hbm>>) target(%arg11 : memref<128x128xf32, #tpu.memory_space<vmem>>) offsets(%dma_start3A_128 : memref<128xi32, #tpu.memory_space<vmem>>) semaphore(%arg14 : memref<!tpu.dma_semaphore, #tpu.memory_space<semaphore_mem>>)
      %dma_wait3A = arith.constant 0 : i32
      %dma_wait3A_132 = tpu.memref_slice %arg7[%add3A_124, %dma_wait3A] : memref<158x128xi32, #tpu.memory_space<vmem>> -> memref<1x128xi32, #tpu.memory_space<vmem>>
      %dma_wait3A_133 = tpu.memref_squeeze %dma_wait3A_132 : memref<1x128xi32, #tpu.memory_space<vmem>> -> memref<128xi32, #tpu.memory_space<vmem>>
      %dma_wait3A_134 = arith.constant 0 : i32
      %dma_wait3A_135 = arith.constant 0 : i32
      %dma_wait3A_136 = tpu.memref_slice %arg2[%dma_wait3A_134, %dma_wait3A_135] : memref<10000x128xf32, #tpu.memory_space<hbm>> -> memref<10000x128xf32, #tpu.memory_space<hbm>>
      tpu.wait_indirect_dma semaphore(%arg13 : memref<!tpu.dma_semaphore, #tpu.memory_space<semaphore_mem>>) src(%dma_wait3A_136 : memref<10000x128xf32, #tpu.memory_space<hbm>>) dst(%arg10 : memref<128x128xf32, #tpu.memory_space<vmem>>)
      "tpu.region"() ({
        %run_scoped3A_152 = tpu.sem_alloc : memref<!tpu.dma_semaphore, #tpu.memory_space<semaphore_mem>>
        %dma_start3A_153 = arith.constant 0 : i32
        %dma_start3A_154 = tpu.memref_slice %arg8[%add3A_124, %dma_start3A_153] : memref<158x128xi32, #tpu.memory_space<vmem>> -> memref<1x128xi32, #tpu.memory_space<vmem>>
        %dma_start3A_155 = tpu.memref_squeeze %dma_start3A_154 : memref<1x128xi32, #tpu.memory_space<vmem>> -> memref<128xi32, #tpu.memory_space<vmem>>
        %dma_start3A_156 = arith.constant 0 : i32
        %dma_start3A_157 = arith.constant 0 : i32
        %dma_start3A_158 = tpu.memref_slice %arg12[%dma_start3A_156, %dma_start3A_157] : memref<6144x128xf32, #tpu.memory_space<vmem_shared>> -> memref<6144x128xf32, #tpu.memory_space<vmem_shared>>
        tpu.enqueue_indirect_dma source(%arg10 : memref<128x128xf32, #tpu.memory_space<vmem>>) target(%dma_start3A_158 : memref<6144x128xf32, #tpu.memory_space<vmem_shared>>) offsets(%dma_start3A_155 : memref<128xi32, #tpu.memory_space<vmem>>) semaphore(%run_scoped3A_152 : memref<!tpu.dma_semaphore, #tpu.memory_space<semaphore_mem>>) {add = true}
        %dma_wait3A_159 = arith.constant 0 : i32
        %dma_wait3A_160 = tpu.memref_slice %arg8[%add3A_124, %dma_wait3A_159] : memref<158x128xi32, #tpu.memory_space<vmem>> -> memref<1x128xi32, #tpu.memory_space<vmem>>
        %dma_wait3A_161 = tpu.memref_squeeze %dma_wait3A_160 : memref<1x128xi32, #tpu.memory_space<vmem>> -> memref<128xi32, #tpu.memory_space<vmem>>
        %dma_wait3A_162 = arith.constant 0 : i32
        %dma_wait3A_163 = arith.constant 0 : i32
        %dma_wait3A_164 = tpu.memref_slice %arg12[%dma_wait3A_162, %dma_wait3A_163] : memref<6144x128xf32, #tpu.memory_space<vmem_shared>> -> memref<6144x128xf32, #tpu.memory_space<vmem_shared>>
        tpu.wait_indirect_dma semaphore(%run_scoped3A_152 : memref<!tpu.dma_semaphore, #tpu.memory_space<semaphore_mem>>) src(%arg10 : memref<128x128xf32, #tpu.memory_space<vmem>>) dst(%dma_wait3A_164 : memref<6144x128xf32, #tpu.memory_space<vmem_shared>>)
        tpu.yield
      }) : () -> ()
      %add3A_137 = arith.constant 2 : i32
      %add3A_138 = arith.addi %add3A_124, %add3A_137 : i32
      %lt3A = arith.cmpi slt, %add3A_138, %select_n3A_82 : i32
      %convert_element_type3A_139 = arith.extui %lt3A : i1 to i32
      %cond3A_140 = arith.constant 0 : i32
      %cond3A_141 = arith.cmpi ne, %convert_element_type3A_139, %cond3A_140 : i32
      scf.if %cond3A_141 {
        %add3A_152 = arith.constant 2 : i32
        %add3A_153 = arith.addi %add3A_124, %add3A_152 : i32
        %dma_start3A_154 = arith.constant 0 : i32
        %dma_start3A_155 = tpu.memref_slice %arg7[%add3A_153, %dma_start3A_154] : memref<158x128xi32, #tpu.memory_space<vmem>> -> memref<1x128xi32, #tpu.memory_space<vmem>>
        %dma_start3A_156 = tpu.memref_squeeze %dma_start3A_155 : memref<1x128xi32, #tpu.memory_space<vmem>> -> memref<128xi32, #tpu.memory_space<vmem>>
        %dma_start3A_157 = arith.constant 0 : i32
        %dma_start3A_158 = arith.constant 0 : i32
        %dma_start3A_159 = tpu.memref_slice %arg2[%dma_start3A_157, %dma_start3A_158] : memref<10000x128xf32, #tpu.memory_space<hbm>> -> memref<10000x128xf32, #tpu.memory_space<hbm>>
        tpu.enqueue_indirect_dma source(%dma_start3A_159 : memref<10000x128xf32, #tpu.memory_space<hbm>>) target(%arg10 : memref<128x128xf32, #tpu.memory_space<vmem>>) offsets(%dma_start3A_156 : memref<128xi32, #tpu.memory_space<vmem>>) semaphore(%arg13 : memref<!tpu.dma_semaphore, #tpu.memory_space<semaphore_mem>>)
      } else {
      }
      %add3A_142 = arith.constant 1 : i32
      %add3A_143 = arith.addi %add3A_124, %add3A_142 : i32
      %dma_wait3A_144 = arith.constant 0 : i32
      %dma_wait3A_145 = tpu.memref_slice %arg7[%add3A_143, %dma_wait3A_144] : memref<158x128xi32, #tpu.memory_space<vmem>> -> memref<1x128xi32, #tpu.memory_space<vmem>>
      %dma_wait3A_146 = tpu.memref_squeeze %dma_wait3A_145 : memref<1x128xi32, #tpu.memory_space<vmem>> -> memref<128xi32, #tpu.memory_space<vmem>>
      %dma_wait3A_147 = arith.constant 0 : i32
      %dma_wait3A_148 = arith.constant 0 : i32
      %dma_wait3A_149 = tpu.memref_slice %arg2[%dma_wait3A_147, %dma_wait3A_148] : memref<10000x128xf32, #tpu.memory_space<hbm>> -> memref<10000x128xf32, #tpu.memory_space<hbm>>
      tpu.wait_indirect_dma semaphore(%arg14 : memref<!tpu.dma_semaphore, #tpu.memory_space<semaphore_mem>>) src(%dma_wait3A_149 : memref<10000x128xf32, #tpu.memory_space<hbm>>) dst(%arg11 : memref<128x128xf32, #tpu.memory_space<vmem>>)
      %add3A_150 = arith.constant 1 : i32
      %add3A_151 = arith.addi %add3A_124, %add3A_150 : i32
      "tpu.region"() ({
        %run_scoped3A_152 = tpu.sem_alloc : memref<!tpu.dma_semaphore, #tpu.memory_space<semaphore_mem>>
        %dma_start3A_153 = arith.constant 0 : i32
        %dma_start3A_154 = tpu.memref_slice %arg8[%add3A_151, %dma_start3A_153] : memref<158x128xi32, #tpu.memory_space<vmem>> -> memref<1x128xi32, #tpu.memory_space<vmem>>
        %dma_start3A_155 = tpu.memref_squeeze %dma_start3A_154 : memref<1x128xi32, #tpu.memory_space<vmem>> -> memref<128xi32, #tpu.memory_space<vmem>>
        %dma_start3A_156 = arith.constant 0 : i32
        %dma_start3A_157 = arith.constant 0 : i32
        %dma_start3A_158 = tpu.memref_slice %arg12[%dma_start3A_156, %dma_start3A_157] : memref<6144x128xf32, #tpu.memory_space<vmem_shared>> -> memref<6144x128xf32, #tpu.memory_space<vmem_shared>>
        tpu.enqueue_indirect_dma source(%arg11 : memref<128x128xf32, #tpu.memory_space<vmem>>) target(%dma_start3A_158 : memref<6144x128xf32, #tpu.memory_space<vmem_shared>>) offsets(%dma_start3A_155 : memref<128xi32, #tpu.memory_space<vmem>>) semaphore(%run_scoped3A_152 : memref<!tpu.dma_semaphore, #tpu.memory_space<semaphore_mem>>) {add = true}
        %dma_wait3A_159 = arith.constant 0 : i32
        %dma_wait3A_160 = tpu.memref_slice %arg8[%add3A_151, %dma_wait3A_159] : memref<158x128xi32, #tpu.memory_space<vmem>> -> memref<1x128xi32, #tpu.memory_space<vmem>>
        %dma_wait3A_161 = tpu.memref_squeeze %dma_wait3A_160 : memref<1x128xi32, #tpu.memory_space<vmem>> -> memref<128xi32, #tpu.memory_space<vmem>>
        %dma_wait3A_162 = arith.constant 0 : i32
        %dma_wait3A_163 = arith.constant 0 : i32
        %dma_wait3A_164 = tpu.memref_slice %arg12[%dma_wait3A_162, %dma_wait3A_163] : memref<6144x128xf32, #tpu.memory_space<vmem_shared>> -> memref<6144x128xf32, #tpu.memory_space<vmem_shared>>
        tpu.wait_indirect_dma semaphore(%run_scoped3A_152 : memref<!tpu.dma_semaphore, #tpu.memory_space<semaphore_mem>>) src(%arg11 : memref<128x128xf32, #tpu.memory_space<vmem>>) dst(%dma_wait3A_164 : memref<6144x128xf32, #tpu.memory_space<vmem_shared>>)
        tpu.yield
      }) : () -> ()
    }
    %barrier3A_118 = arith.constant 0 : index
    tpu.barrier barrier_id(%barrier3A_118)
    %add3A_119 = arith.constant 6144 : i32
    %add3A_120 = arith.addi %add3A_119, %mul3A_0 : i32
    "tpu.region"() ({
      %run_scoped3A_122 = tpu.sem_alloc : memref<!tpu.dma_semaphore, #tpu.memory_space<semaphore_mem>>
      %dma_start3A = arith.constant 0 : i32
      %dma_start3A_123 = tpu.memref_slice %arg6[%add3A_120, %dma_start3A] : memref<12288x128xf32, #tpu.memory_space<hbm>> -> memref<384x128xf32, #tpu.memory_space<hbm>>
      %dma_start3A_124 = arith.constant 0 : i32
      %dma_start3A_125 = tpu.memref_slice %arg12[%mul3A_0, %dma_start3A_124] : memref<6144x128xf32, #tpu.memory_space<vmem_shared>> -> memref<384x128xf32, #tpu.memory_space<vmem_shared>>
      tpu.enqueue_dma source(%dma_start3A_125 : memref<384x128xf32, #tpu.memory_space<vmem_shared>>) target(%dma_start3A_123 : memref<384x128xf32, #tpu.memory_space<hbm>>) target_semaphore(%run_scoped3A_122 : memref<!tpu.dma_semaphore, #tpu.memory_space<semaphore_mem>>)
      %dma_wait3A = arith.constant 0 : i32
      %dma_wait3A_126 = tpu.memref_slice %arg6[%add3A_120, %dma_wait3A] : memref<12288x128xf32, #tpu.memory_space<hbm>> -> memref<384x128xf32, #tpu.memory_space<hbm>>
      %dma_wait3A_127 = arith.constant 0 : i32
      %dma_wait3A_128 = tpu.memref_slice %arg12[%mul3A_0, %dma_wait3A_127] : memref<6144x128xf32, #tpu.memory_space<vmem_shared>> -> memref<384x128xf32, #tpu.memory_space<vmem_shared>>
      tpu.wait_dma2 semaphore(%run_scoped3A_122 : memref<!tpu.dma_semaphore, #tpu.memory_space<semaphore_mem>>) src(%dma_wait3A_128 : memref<384x128xf32, #tpu.memory_space<vmem_shared>>) dst(%dma_wait3A_126 : memref<384x128xf32, #tpu.memory_space<hbm>>)
      tpu.yield
    }) : () -> ()
    %barrier3A_121 = arith.constant 0 : index
    tpu.barrier barrier_id(%barrier3A_121)
    return
  }
}

module attributes {stable_mosaic.version = 14 : i64} {
  func.func @body(%arg0: i32, %arg1: memref<2000x128xf32, #tpu.memory_space<vmem>>, %arg2: memref<128x128xf32, #tpu.memory_space<vmem>>, %arg3: memref<1x128xf32, #tpu.memory_space<vmem>>, %arg4: memref<128x128xf32, #tpu.memory_space<vmem>>, %arg5: memref<2000x128xf32, #tpu.memory_space<vmem>>, %arg6: memref<2000x128xf32, #tpu.memory_space<vmem>>) attributes {dimension_semantics = [#tpu.dimension_semantics<arbitrary>], iteration_bounds = array<i64: 5>, scalar_prefetch = 0 : i64, scratch_operands = 0 : i64, tpu.core_type = #tpu.core_type<tc>, window_params = [{transform_indices = @transform_0, window_bounds = array<i64: 2000, 128>}, {pipeline_mode = #tpu.pipeline_mode<synchronous>, transform_indices = @transform_1, window_bounds = array<i64: 128, 128>}, {pipeline_mode = #tpu.pipeline_mode<synchronous>, transform_indices = @transform_2, window_bounds = array<i64: 1, 128>}, {pipeline_mode = #tpu.pipeline_mode<synchronous>, transform_indices = @transform_3, window_bounds = array<i64: 128, 128>}, {transform_indices = @transform_4, window_bounds = array<i64: 2000, 128>}, {transform_indices = @transform_5, window_bounds = array<i64: 2000, 128>}]} {
    %get3A = arith.constant 0 : index
    %get3A_0 = arith.constant 0 : index
    %get3A_1 = vector.load %arg1[%get3A, %get3A_0] : memref<2000x128xf32, #tpu.memory_space<vmem>>, vector<2000x128xf32>
    %get3A_2 = arith.constant 0 : index
    %get3A_3 = arith.constant 0 : index
    %get3A_4 = vector.load %arg2[%get3A_2, %get3A_3] : memref<128x128xf32, #tpu.memory_space<vmem>>, vector<128x128xf32>
    %dot_general3A = arith.constant dense<0.000000e+00> : vector<2000x128xf32>
    %dot_general3A_5 = tpu.matmul %get3A_1, %get3A_4, %dot_general3A {dimension_numbers = #tpu.dot_dimension_numbers<[1], [0], [0], [1], [0, 0, 1, 1], [], []>, precision = #tpu.contract_precision<fp32>, transpose_lhs_hint = false} : vector<2000x128xf32>, vector<128x128xf32>, vector<2000x128xf32> -> vector<2000x128xf32>
    %get3A_6 = arith.constant 0 : index
    %get3A_7 = arith.constant 0 : index
    %get3A_8 = vector.load %arg3[%get3A_6, %get3A_7] : memref<1x128xf32, #tpu.memory_space<vmem>>, vector<1x128xf32>
    %add3A = vector.broadcast %get3A_8 : vector<1x128xf32> to vector<2000x128xf32>
    %add3A_9 = arith.addf %dot_general3A_5, %add3A : vector<2000x128xf32>
    %swap3A = arith.constant 0 : index
    %swap3A_10 = arith.constant 0 : index
    %swap3A_11 = vector.load %arg5[%swap3A, %swap3A_10] : memref<2000x128xf32, #tpu.memory_space<vmem>>, vector<2000x128xf32>
    tpu.vector_store %arg5[%swap3A, %swap3A_10], %add3A_9 {strides = array<i32>} : memref<2000x128xf32, #tpu.memory_space<vmem>>, vector<2000x128xf32>,
    %get3A_12 = arith.constant 0 : index
    %get3A_13 = arith.constant 0 : index
    %get3A_14 = vector.load %arg4[%get3A_12, %get3A_13] : memref<128x128xf32, #tpu.memory_space<vmem>>, vector<128x128xf32>
    %dot_general3A_15 = arith.constant dense<0.000000e+00> : vector<2000x128xf32>
    %dot_general3A_16 = tpu.matmul %add3A_9, %get3A_14, %dot_general3A_15 {dimension_numbers = #tpu.dot_dimension_numbers<[1], [0], [0], [1], [0, 0, 1, 1], [], []>, precision = #tpu.contract_precision<fp32>, transpose_lhs_hint = false} : vector<2000x128xf32>, vector<128x128xf32>, vector<2000x128xf32> -> vector<2000x128xf32>
    %swap3A_17 = arith.constant 0 : index
    %swap3A_18 = arith.constant 0 : index
    %swap3A_19 = vector.load %arg6[%swap3A_17, %swap3A_18] : memref<2000x128xf32, #tpu.memory_space<vmem>>, vector<2000x128xf32>
    tpu.vector_store %arg6[%swap3A_17, %swap3A_18], %dot_general3A_16 {strides = array<i32>} : memref<2000x128xf32, #tpu.memory_space<vmem>>, vector<2000x128xf32>,
    return
  }
  func.func @transform_0(%arg0: i32) -> (i32, i32) {
    %c0_i32 = arith.constant 0 : i32
    %c0_i32_0 = arith.constant 0 : i32
    return %arg0, %c0_i32 : i32, i32
  }
  func.func @transform_1(%arg0: i32) -> (i32, i32) {
    %c0_i32 = arith.constant 0 : i32
    %c0_i32_0 = arith.constant 0 : i32
    %c0_i32_1 = arith.constant 0 : i32
    return %c0_i32, %c0_i32_0 : i32, i32
  }
  func.func @transform_2(%arg0: i32) -> (i32, i32) {
    %c0_i32 = arith.constant 0 : i32
    %c0_i32_0 = arith.constant 0 : i32
    %c0_i32_1 = arith.constant 0 : i32
    return %c0_i32, %c0_i32_0 : i32, i32
  }
  func.func @transform_3(%arg0: i32) -> (i32, i32) {
    %c0_i32 = arith.constant 0 : i32
    %c0_i32_0 = arith.constant 0 : i32
    %c0_i32_1 = arith.constant 0 : i32
    return %c0_i32, %c0_i32_0 : i32, i32
  }
  func.func @transform_4(%arg0: i32) -> (i32, i32) {
    %c0_i32 = arith.constant 0 : i32
    %c0_i32_0 = arith.constant 0 : i32
    return %arg0, %c0_i32 : i32, i32
  }
  func.func @transform_5(%arg0: i32) -> (i32, i32) {
    %c0_i32 = arith.constant 0 : i32
    %c0_i32_0 = arith.constant 0 : i32
    return %arg0, %c0_i32 : i32, i32
  }
}

module attributes {stable_mosaic.version = 14 : i64} {
  func.func @body(%arg0: i32, %arg1: memref<2000x128xf32, #tpu.memory_space<vmem>>, %arg2: memref<2000x16xf32, #tpu.memory_space<vmem>>, %arg3: memref<2000x128xf32, #tpu.memory_space<vmem>>, %arg4: memref<128x128xf32, #tpu.memory_space<vmem>>, %arg5: memref<1x128xf32, #tpu.memory_space<vmem>>, %arg6: memref<128x128xf32, #tpu.memory_space<vmem>>, %arg7: memref<1x128xf32, #tpu.memory_space<vmem>>, %arg8: memref<2000x128xf32, #tpu.memory_space<vmem>>, %arg9: memref<2000x128xf32, #tpu.memory_space<vmem>>) attributes {dimension_semantics = [#tpu.dimension_semantics<arbitrary>], iteration_bounds = array<i64: 5>, scalar_prefetch = 0 : i64, scratch_operands = 0 : i64, tpu.core_type = #tpu.core_type<tc>, window_params = [{transform_indices = @transform_0, window_bounds = array<i64: 2000, 128>}, {transform_indices = @transform_1, window_bounds = array<i64: 2000, 16>}, {transform_indices = @transform_2, window_bounds = array<i64: 2000, 128>}, {pipeline_mode = #tpu.pipeline_mode<synchronous>, transform_indices = @transform_3, window_bounds = array<i64: 128, 128>}, {pipeline_mode = #tpu.pipeline_mode<synchronous>, transform_indices = @transform_4, window_bounds = array<i64: 1, 128>}, {pipeline_mode = #tpu.pipeline_mode<synchronous>, transform_indices = @transform_5, window_bounds = array<i64: 128, 128>}, {pipeline_mode = #tpu.pipeline_mode<synchronous>, transform_indices = @transform_6, window_bounds = array<i64: 1, 128>}, {transform_indices = @transform_7, window_bounds = array<i64: 2000, 128>}, {transform_indices = @transform_8, window_bounds = array<i64: 2000, 128>}]} {
    %get3A = arith.constant 0 : index
    %get3A_0 = arith.constant 0 : index
    %get3A_1 = vector.load %arg2[%get3A, %get3A_0] : memref<2000x16xf32, #tpu.memory_space<vmem>>, vector<2000x16xf32>
    %reduce_sum3A = arith.constant dense<0.000000e+00> : vector<2000xf32>
    %reduce_sum3A_2 = vector.multi_reduction <add>, %get3A_1, %reduce_sum3A [1] : vector<2000x16xf32> to vector<2000xf32>
    %broadcast_in_dim3A = vector.shape_cast %reduce_sum3A_2 : vector<2000xf32> to vector<2000x1xf32>
    %max3A = arith.constant 1.000000e+00 : f32
    %max3A_3 = vector.broadcast %max3A : f32 to vector<2000x1xf32>
    %max3A_4 = arith.maximumf %broadcast_in_dim3A, %max3A_3 : vector<2000x1xf32>
    %div3A = arith.constant 1.000000e+00 : f32
    %div3A_5 = vector.broadcast %div3A : f32 to vector<2000x1xf32>
    %div3A_6 = arith.divf %div3A_5, %max3A_4 : vector<2000x1xf32>
    %get3A_7 = arith.constant 0 : index
    %get3A_8 = arith.constant 0 : index
    %get3A_9 = vector.load %arg1[%get3A_7, %get3A_8] : memref<2000x128xf32, #tpu.memory_space<vmem>>, vector<2000x128xf32>
    %mul3A = vector.broadcast %div3A_6 : vector<2000x1xf32> to vector<2000x128xf32>
    %mul3A_10 = arith.mulf %get3A_9, %mul3A : vector<2000x128xf32>
    %get3A_11 = arith.constant 0 : index
    %get3A_12 = arith.constant 0 : index
    %get3A_13 = vector.load %arg3[%get3A_11, %get3A_12] : memref<2000x128xf32, #tpu.memory_space<vmem>>, vector<2000x128xf32>
    %get3A_14 = arith.constant 0 : index
    %get3A_15 = arith.constant 0 : index
    %get3A_16 = vector.load %arg4[%get3A_14, %get3A_15] : memref<128x128xf32, #tpu.memory_space<vmem>>, vector<128x128xf32>
    %dot_general3A = arith.constant dense<0.000000e+00> : vector<2000x128xf32>
    %dot_general3A_17 = tpu.matmul %get3A_13, %get3A_16, %dot_general3A {dimension_numbers = #tpu.dot_dimension_numbers<[1], [0], [0], [1], [0, 0, 1, 1], [], []>, precision = #tpu.contract_precision<fp32>, transpose_lhs_hint = false} : vector<2000x128xf32>, vector<128x128xf32>, vector<2000x128xf32> -> vector<2000x128xf32>
    %add3A = arith.addf %mul3A_10, %dot_general3A_17 : vector<2000x128xf32>
    %get3A_18 = arith.constant 0 : index
    %get3A_19 = arith.constant 0 : index
    %get3A_20 = vector.load %arg5[%get3A_18, %get3A_19] : memref<1x128xf32, #tpu.memory_space<vmem>>, vector<1x128xf32>
    %add3A_21 = vector.broadcast %get3A_20 : vector<1x128xf32> to vector<2000x128xf32>
    %add3A_22 = arith.addf %add3A, %add3A_21 : vector<2000x128xf32>
    %max3A_23 = arith.constant 0.000000e+00 : f32
    %max3A_24 = vector.broadcast %max3A_23 : f32 to vector<2000x128xf32>
    %max3A_25 = arith.maximumf %add3A_22, %max3A_24 : vector<2000x128xf32>
    %swap3A = arith.constant 0 : index
    %swap3A_26 = arith.constant 0 : index
    %swap3A_27 = vector.load %arg8[%swap3A, %swap3A_26] : memref<2000x128xf32, #tpu.memory_space<vmem>>, vector<2000x128xf32>
    tpu.vector_store %arg8[%swap3A, %swap3A_26], %max3A_25 {strides = array<i32>} : memref<2000x128xf32, #tpu.memory_space<vmem>>, vector<2000x128xf32>,
    %get3A_28 = arith.constant 0 : index
    %get3A_29 = arith.constant 0 : index
    %get3A_30 = vector.load %arg6[%get3A_28, %get3A_29] : memref<128x128xf32, #tpu.memory_space<vmem>>, vector<128x128xf32>
    %dot_general3A_31 = arith.constant dense<0.000000e+00> : vector<2000x128xf32>
    %dot_general3A_32 = tpu.matmul %max3A_25, %get3A_30, %dot_general3A_31 {dimension_numbers = #tpu.dot_dimension_numbers<[1], [0], [0], [1], [0, 0, 1, 1], [], []>, precision = #tpu.contract_precision<fp32>, transpose_lhs_hint = false} : vector<2000x128xf32>, vector<128x128xf32>, vector<2000x128xf32> -> vector<2000x128xf32>
    %swap3A_33 = arith.constant 0 : index
    %swap3A_34 = arith.constant 0 : index
    %swap3A_35 = vector.load %arg9[%swap3A_33, %swap3A_34] : memref<2000x128xf32, #tpu.memory_space<vmem>>, vector<2000x128xf32>
    tpu.vector_store %arg9[%swap3A_33, %swap3A_34], %dot_general3A_32 {strides = array<i32>} : memref<2000x128xf32, #tpu.memory_space<vmem>>, vector<2000x128xf32>,
    return
  }
  func.func @transform_0(%arg0: i32) -> (i32, i32) {
    %c0_i32 = arith.constant 0 : i32
    %c0_i32_0 = arith.constant 0 : i32
    return %arg0, %c0_i32 : i32, i32
  }
  func.func @transform_1(%arg0: i32) -> (i32, i32) {
    %c0_i32 = arith.constant 0 : i32
    %c0_i32_0 = arith.constant 0 : i32
    return %arg0, %c0_i32 : i32, i32
  }
  func.func @transform_2(%arg0: i32) -> (i32, i32) {
    %c0_i32 = arith.constant 0 : i32
    %c0_i32_0 = arith.constant 0 : i32
    return %arg0, %c0_i32 : i32, i32
  }
  func.func @transform_3(%arg0: i32) -> (i32, i32) {
    %c0_i32 = arith.constant 0 : i32
    %c0_i32_0 = arith.constant 0 : i32
    %c0_i32_1 = arith.constant 0 : i32
    return %c0_i32, %c0_i32_0 : i32, i32
  }
  func.func @transform_4(%arg0: i32) -> (i32, i32) {
    %c0_i32 = arith.constant 0 : i32
    %c0_i32_0 = arith.constant 0 : i32
    %c0_i32_1 = arith.constant 0 : i32
    return %c0_i32, %c0_i32_0 : i32, i32
  }
  func.func @transform_5(%arg0: i32) -> (i32, i32) {
    %c0_i32 = arith.constant 0 : i32
    %c0_i32_0 = arith.constant 0 : i32
    %c0_i32_1 = arith.constant 0 : i32
    return %c0_i32, %c0_i32_0 : i32, i32
  }
  func.func @transform_6(%arg0: i32) -> (i32, i32) {
    %c0_i32 = arith.constant 0 : i32
    %c0_i32_0 = arith.constant 0 : i32
    %c0_i32_1 = arith.constant 0 : i32
    return %c0_i32, %c0_i32_0 : i32, i32
  }
  func.func @transform_7(%arg0: i32) -> (i32, i32) {
    %c0_i32 = arith.constant 0 : i32
    %c0_i32_0 = arith.constant 0 : i32
    return %arg0, %c0_i32 : i32, i32
  }
  func.func @transform_8(%arg0: i32) -> (i32, i32) {
    %c0_i32 = arith.constant 0 : i32
    %c0_i32_0 = arith.constant 0 : i32
    return %arg0, %c0_i32 : i32, i32
  }
}

module attributes {stable_mosaic.version = 14 : i64} {
  func.func @body(%arg0: i32, %arg1: memref<2000x128xf32, #tpu.memory_space<vmem>>, %arg2: memref<2000x16xf32, #tpu.memory_space<vmem>>, %arg3: memref<2000x128xf32, #tpu.memory_space<vmem>>, %arg4: memref<128x128xf32, #tpu.memory_space<vmem>>, %arg5: memref<1x128xf32, #tpu.memory_space<vmem>>, %arg6: memref<128x128xf32, #tpu.memory_space<vmem>>, %arg7: memref<1x128xf32, #tpu.memory_space<vmem>>, %arg8: memref<2000x128xf32, #tpu.memory_space<vmem>>) attributes {dimension_semantics = [#tpu.dimension_semantics<arbitrary>], iteration_bounds = array<i64: 5>, scalar_prefetch = 0 : i64, scratch_operands = 0 : i64, tpu.core_type = #tpu.core_type<tc>, window_params = [{transform_indices = @transform_0, window_bounds = array<i64: 2000, 128>}, {transform_indices = @transform_1, window_bounds = array<i64: 2000, 16>}, {transform_indices = @transform_2, window_bounds = array<i64: 2000, 128>}, {pipeline_mode = #tpu.pipeline_mode<synchronous>, transform_indices = @transform_3, window_bounds = array<i64: 128, 128>}, {pipeline_mode = #tpu.pipeline_mode<synchronous>, transform_indices = @transform_4, window_bounds = array<i64: 1, 128>}, {pipeline_mode = #tpu.pipeline_mode<synchronous>, transform_indices = @transform_5, window_bounds = array<i64: 128, 128>}, {pipeline_mode = #tpu.pipeline_mode<synchronous>, transform_indices = @transform_6, window_bounds = array<i64: 1, 128>}, {transform_indices = @transform_7, window_bounds = array<i64: 2000, 128>}]} {
    %get3A = arith.constant 0 : index
    %get3A_0 = arith.constant 0 : index
    %get3A_1 = vector.load %arg2[%get3A, %get3A_0] : memref<2000x16xf32, #tpu.memory_space<vmem>>, vector<2000x16xf32>
    %reduce_sum3A = arith.constant dense<0.000000e+00> : vector<2000xf32>
    %reduce_sum3A_2 = vector.multi_reduction <add>, %get3A_1, %reduce_sum3A [1] : vector<2000x16xf32> to vector<2000xf32>
    %broadcast_in_dim3A = vector.shape_cast %reduce_sum3A_2 : vector<2000xf32> to vector<2000x1xf32>
    %max3A = arith.constant 1.000000e+00 : f32
    %max3A_3 = vector.broadcast %max3A : f32 to vector<2000x1xf32>
    %max3A_4 = arith.maximumf %broadcast_in_dim3A, %max3A_3 : vector<2000x1xf32>
    %div3A = arith.constant 1.000000e+00 : f32
    %div3A_5 = vector.broadcast %div3A : f32 to vector<2000x1xf32>
    %div3A_6 = arith.divf %div3A_5, %max3A_4 : vector<2000x1xf32>
    %get3A_7 = arith.constant 0 : index
    %get3A_8 = arith.constant 0 : index
    %get3A_9 = vector.load %arg1[%get3A_7, %get3A_8] : memref<2000x128xf32, #tpu.memory_space<vmem>>, vector<2000x128xf32>
    %mul3A = vector.broadcast %div3A_6 : vector<2000x1xf32> to vector<2000x128xf32>
    %mul3A_10 = arith.mulf %get3A_9, %mul3A : vector<2000x128xf32>
    %get3A_11 = arith.constant 0 : index
    %get3A_12 = arith.constant 0 : index
    %get3A_13 = vector.load %arg3[%get3A_11, %get3A_12] : memref<2000x128xf32, #tpu.memory_space<vmem>>, vector<2000x128xf32>
    %get3A_14 = arith.constant 0 : index
    %get3A_15 = arith.constant 0 : index
    %get3A_16 = vector.load %arg4[%get3A_14, %get3A_15] : memref<128x128xf32, #tpu.memory_space<vmem>>, vector<128x128xf32>
    %dot_general3A = arith.constant dense<0.000000e+00> : vector<2000x128xf32>
    %dot_general3A_17 = tpu.matmul %get3A_13, %get3A_16, %dot_general3A {dimension_numbers = #tpu.dot_dimension_numbers<[1], [0], [0], [1], [0, 0, 1, 1], [], []>, precision = #tpu.contract_precision<fp32>, transpose_lhs_hint = false} : vector<2000x128xf32>, vector<128x128xf32>, vector<2000x128xf32> -> vector<2000x128xf32>
    %add3A = arith.addf %mul3A_10, %dot_general3A_17 : vector<2000x128xf32>
    %get3A_18 = arith.constant 0 : index
    %get3A_19 = arith.constant 0 : index
    %get3A_20 = vector.load %arg5[%get3A_18, %get3A_19] : memref<1x128xf32, #tpu.memory_space<vmem>>, vector<1x128xf32>
    %add3A_21 = vector.broadcast %get3A_20 : vector<1x128xf32> to vector<2000x128xf32>
    %add3A_22 = arith.addf %add3A, %add3A_21 : vector<2000x128xf32>
    %max3A_23 = arith.constant 0.000000e+00 : f32
    %max3A_24 = vector.broadcast %max3A_23 : f32 to vector<2000x128xf32>
    %max3A_25 = arith.maximumf %add3A_22, %max3A_24 : vector<2000x128xf32>
    %get3A_26 = arith.constant 0 : index
    %get3A_27 = arith.constant 0 : index
    %get3A_28 = vector.load %arg6[%get3A_26, %get3A_27] : memref<128x128xf32, #tpu.memory_space<vmem>>, vector<128x128xf32>
    %dot_general3A_29 = arith.constant dense<0.000000e+00> : vector<2000x128xf32>
    %dot_general3A_30 = tpu.matmul %max3A_25, %get3A_28, %dot_general3A_29 {dimension_numbers = #tpu.dot_dimension_numbers<[1], [0], [0], [1], [0, 0, 1, 1], [], []>, precision = #tpu.contract_precision<fp32>, transpose_lhs_hint = false} : vector<2000x128xf32>, vector<128x128xf32>, vector<2000x128xf32> -> vector<2000x128xf32>
    %get3A_31 = arith.constant 0 : index
    %get3A_32 = arith.constant 0 : index
    %get3A_33 = vector.load %arg7[%get3A_31, %get3A_32] : memref<1x128xf32, #tpu.memory_space<vmem>>, vector<1x128xf32>
    %add3A_34 = vector.broadcast %get3A_33 : vector<1x128xf32> to vector<2000x128xf32>
    %add3A_35 = arith.addf %dot_general3A_30, %add3A_34 : vector<2000x128xf32>
    %swap3A = arith.constant 0 : index
    %swap3A_36 = arith.constant 0 : index
    %swap3A_37 = vector.load %arg8[%swap3A, %swap3A_36] : memref<2000x128xf32, #tpu.memory_space<vmem>>, vector<2000x128xf32>
    tpu.vector_store %arg8[%swap3A, %swap3A_36], %add3A_35 {strides = array<i32>} : memref<2000x128xf32, #tpu.memory_space<vmem>>, vector<2000x128xf32>,
    return
  }
  func.func @transform_0(%arg0: i32) -> (i32, i32) {
    %c0_i32 = arith.constant 0 : i32
    %c0_i32_0 = arith.constant 0 : i32
    return %arg0, %c0_i32 : i32, i32
  }
  func.func @transform_1(%arg0: i32) -> (i32, i32) {
    %c0_i32 = arith.constant 0 : i32
    %c0_i32_0 = arith.constant 0 : i32
    return %arg0, %c0_i32 : i32, i32
  }
  func.func @transform_2(%arg0: i32) -> (i32, i32) {
    %c0_i32 = arith.constant 0 : i32
    %c0_i32_0 = arith.constant 0 : i32
    return %arg0, %c0_i32 : i32, i32
  }
  func.func @transform_3(%arg0: i32) -> (i32, i32) {
    %c0_i32 = arith.constant 0 : i32
    %c0_i32_0 = arith.constant 0 : i32
    %c0_i32_1 = arith.constant 0 : i32
    return %c0_i32, %c0_i32_0 : i32, i32
  }
  func.func @transform_4(%arg0: i32) -> (i32, i32) {
    %c0_i32 = arith.constant 0 : i32
    %c0_i32_0 = arith.constant 0 : i32
    %c0_i32_1 = arith.constant 0 : i32
    return %c0_i32, %c0_i32_0 : i32, i32
  }
  func.func @transform_5(%arg0: i32) -> (i32, i32) {
    %c0_i32 = arith.constant 0 : i32
    %c0_i32_0 = arith.constant 0 : i32
    %c0_i32_1 = arith.constant 0 : i32
    return %c0_i32, %c0_i32_0 : i32, i32
  }
  func.func @transform_6(%arg0: i32) -> (i32, i32) {
    %c0_i32 = arith.constant 0 : i32
    %c0_i32_0 = arith.constant 0 : i32
    %c0_i32_1 = arith.constant 0 : i32
    return %c0_i32, %c0_i32_0 : i32, i32
  }
  func.func @transform_7(%arg0: i32) -> (i32, i32) {
    %c0_i32 = arith.constant 0 : i32
    %c0_i32_0 = arith.constant 0 : i32
    return %arg0, %c0_i32 : i32, i32
  }
}

</mosaic_0001>

<sc_bundles>
// kernel: kernel.12.cloned.1.call-start
scs
__scs_entry_jumppad:
0x0: {  	(pc) =	sbr.rel $0x88, $3  }
0x1: {  	(tag) =	ssettag $0x0;
	lr =	simm.s32 $0x1  }
0x2: {  	[smem:$0x3F95] =	sst lr;
	_ =	strace $0xD0000000  }
0x3: {  	_ = 	snop  }
0x4: {  	_ = 	snop  }
0x5: {  	_ = 	snop  }
0x6: {  	_ = 	snop  }
0x7: {  	_ = 	snop  }
__scs_overlays_trampoline_lowered:
0x8: {  	[smem:$0x3FA4] =	sst s0  }
0x9: {  	[smem:$0x3FA5] =	sst s1  }
0xa: {  	[smem:$0x3FA6] =	sst s2  }
0xb: {  	[smem:$0x3FA7] =	sst s3  }
0xc: {  	[smem:$0x3FA8] =	sst s4  }
0xd: {  	[smem:$0x3FA9] =	sst s5  }
0xe: {  	[smem:$0x3FAA] =	sst s6  }
0xf: {  	[smem:$0x3FAB] =	sst s7  }
0x10: {  	[smem:$0x3FAC] =	sst s8  }
0x11: {  	[smem:$0x3FAD] =	sst s9;
	s0 =	simm.s32 @!p0 $0x0  }
0x12: {  	s1 =	sld [smem:$0x3F93];
	s0 =	simm.s32 @p0 $0x1  }
0x13: {  	[smem:$0x3FAE] =	sst s0;
	s0 =	simm.s32 @!p1 $0x0  }
0x14: {  	s2 =	sld [smem:$0x3F92];
	s0 =	simm.s32 @p1 $0x1  }
0x15: {  	[smem:$0x3FAF] =	sst s0;
	s0 =	simm.s32 @!p2 $0x0  }
0x16: {  	s3 =	sld [smem:$0x3FDB];
	s0 =	simm.s32 @p2 $0x1  }
0x17: {  	s4 =	simm.s32 $0x1BF5;
	[smem:$0x3FB1] =	sst s0  }
0x18: {  	s0 =	sld [smem:$0x3F94];
	_ =	swait.ge [sflag:s4], $0x0  }
0x19: {  	s7 =	sld [smem:$0x3F95]  }
0x1a: {  	s8 =	sadd.s32 $0xFFFFE003, lr  }
0x1b: {  	s9 =	sadd.s32 $0xFFFFFEF7, lr;
	s5 =	simm.s32 $0xFFFFFFFF;
	p2 =	slt.u32 s8, $0xFFFFF086  }
0x1c: {  	p1 =	slt.u32 s9, $0xF7A;
	s5 =	simm.s32 @!p2 $0x0  }
0x1d: {  	s5 =	simm.s32 @p1 $0x1;
	p0 =	seq.s32 s7, s2  }
0x1e: {  	s7 =	smul.u32 @!p0 $0xF7A, s2;
	p2 =	seq.s32 @!p0 s5, $0x0  }
0x1f: {  	s9 =	smul.u32 $0xF7A, s1;
	s8 =	simm.s32 @!p0 $0x1BF5;
	p2 =	por !p2, p0  }
0x20: {  	[sflag:s8] =	ssyncset.s32 @!p0 $0xFFFFF086;
	s6 =	sadd.s32 @!p0 s3, s7;
	s7 =	simm.s32 @!p0 $0x108  }
0x21: {  	s3 =	sadd.s32 s3, s9;
	s6 =	sadd.s32 @!p0 $0x88, s6;
	s7 =	simm.s32 @p2 $0x1082  }
0x22: {  	[simem:s7], [sflag:s8] =	dma.local @!p0 [hbm:s6], $0xF7A  }
0x23: {  	s9 =	sor.u32 $0xD0000000, s2;
	s6 =	simm.s32 $0x108;
	_ =	swait.ge @!p0 [sflag:s8], $0x0  }
0x24: {  	s3 =	sadd.s32 $0x88, s3;
	s6 =	simm.s32 @!p1 $0x1082;
	[sflag:s4] =	ssyncset.s32 $0xFFFFF086  }
0x25: {  	[simem:s6], [sflag:s4] =	dma.local [hbm:s3], $0xF7A  }
0x26: {  	[smem:$0x3F95] =	sst s1;
	(tag) =	ssettag s2;
	_ =	strace s9  }
0x27: {  	s1 =	sld [smem:$0x3FA5]  }
0x28: {  	s2 =	sld [smem:$0x3FA6]  }
0x29: {  	s4 =	sld [smem:$0x3FA8]  }
0x2a: {  	p0 =	seq.s32 s5, $0x0;
	s5 =	sld [smem:$0x3FA9]  }
0x2b: {  	s6 =	sld [smem:$0x3FAA]  }
0x2c: {  	s7 =	sld [smem:$0x3FAB]  }
0x2d: {  	s3 =	simm.s32 $0x108;
	s8 =	sld [smem:$0x3FAC]  }
0x2e: {  	s3 =	simm.s32 @!p0 $0x1082;
	s9 =	sld [smem:$0x3FAD]  }
0x2f: {  	lr =	sadd.s32 s0, s3;
	s0 =	sld [smem:$0x3FA4]  }
0x30: {  	s3 =	sld [smem:$0x3FA7]  }
0x31: {  	[smem:$0x3FB0] =	sst s10  }
0x32: {  	s10 =	sld [smem:$0x3FAE];
	_ =	sdelay $0x3  }
0x33: {  	p0 =	seq.s32 s10, $0x1;
	s10 =	sld [smem:$0x3FB0];
	_ =	sdelay $0x3  }
0x34: {  	[smem:$0x3FB0] =	sst s10  }
0x35: {  	s10 =	sld [smem:$0x3FAF];
	_ =	sdelay $0x3  }
0x36: {  	p1 =	seq.s32 s10, $0x1;
	s10 =	sld [smem:$0x3FB0];
	_ =	sdelay $0x3  }
0x37: {  	[smem:$0x3FB0] =	sst s10  }
0x38: {  	s10 =	sld [smem:$0x3FB1]  }
0x39: {  	_ = 	snop;
	(pc) =	sbr.ind lr, $3  }
0x3a: {  	_ = 	snop  }
0x3b: {  	_ = 	snop  }
0x3c: {  	p2 =	seq.s32 s10, $0x1;
	s10 =	sld [smem:$0x3FB0]  }
0x3d: {  	_ =	shalt  }
0x3e: {  	_ =	shalt  }
0x3f: {  	_ =	shalt  }
0x40: {  	_ =	shalt  }
0x41: {  	_ =	shalt  }
0x42: {  	_ =	shalt  }
0x43: {  	_ =	shalt  }
0x44: {  	_ =	shalt  }
0x45: {  	_ =	shalt  }
0x46: {  	_ =	shalt  }
0x47: {  	_ =	shalt  }
0x48: {  	_ =	shalt  }
0x49: {  	_ =	shalt  }
0x4a: {  	_ =	shalt  }
0x4b: {  	_ =	shalt  }
0x4c: {  	_ =	shalt  }
0x4d: {  	_ =	shalt  }
0x4e: {  	_ =	shalt  }
0x4f: {  	_ =	shalt  }
0x50: {  	_ =	shalt  }
0x51: {  	_ =	shalt  }
0x52: {  	_ =	shalt  }
0x53: {  	_ =	shalt  }
0x54: {  	_ =	shalt  }
0x55: {  	_ =	shalt  }
0x56: {  	_ =	shalt  }
0x57: {  	_ =	shalt  }
0x58: {  	_ =	shalt  }
0x59: {  	_ =	shalt  }
0x5a: {  	_ =	shalt  }
0x5b: {  	_ =	shalt  }
0x5c: {  	_ =	shalt  }
0x5d: {  	_ =	shalt  }
0x5e: {  	_ =	shalt  }
0x5f: {  	_ =	shalt  }
0x60: {  	_ =	shalt  }
0x61: {  	_ =	shalt  }
0x62: {  	_ =	shalt  }
0x63: {  	_ =	shalt  }
0x64: {  	_ =	shalt  }
0x65: {  	_ =	shalt  }
0x66: {  	_ =	shalt  }
0x67: {  	_ =	shalt  }
0x68: {  	_ =	shalt  }
0x69: {  	_ =	shalt  }
0x6a: {  	_ =	shalt  }
0x6b: {  	_ =	shalt  }
0x6c: {  	_ =	shalt  }
0x6d: {  	_ =	shalt  }
0x6e: {  	_ =	shalt  }
0x6f: {  	_ =	shalt  }
0x70: {  	_ =	shalt  }
0x71: {  	_ =	shalt  }
0x72: {  	_ =	shalt  }
0x73: {  	_ =	shalt  }
0x74: {  	_ =	shalt  }
0x75: {  	_ =	shalt  }
0x76: {  	_ =	shalt  }
0x77: {  	_ =	shalt  }
0x78: {  	_ =	shalt  }
0x79: {  	_ =	shalt  }
0x7a: {  	_ =	shalt  }
0x7b: {  	_ =	shalt  }
0x7c: {  	_ =	shalt  }
0x7d: {  	_ =	shalt  }
0x7e: {  	_ =	shalt  }
0x7f: {  	_ =	shalt  }
0x80: {  	_ =	shalt  }
0x81: {  	_ =	shalt  }
0x82: {  	_ =	shalt  }
0x83: {  	_ =	shalt  }
0x84: {  	_ =	shalt  }
0x85: {  	_ =	shalt  }
0x86: {  	_ =	shalt  }
0x87: {  	_ =	shalt  }
.Lfunc_end0:
.L_simem_size_0:
called_computation.1_lowered:
.L_overlay_start_0:
0x88: {  	s0 =	sld [smem:$0x3FD9]  }
0x89: {  	s1 =	sld [smem:$0x3FFE];
	_ =	sdelay $0x3  }
0x8a: {  	s0 =	sadd.s32 s1, s0  }
0x8b: {  	[smem:$0x3FBC] =	sst s0  }
0x8c: {  	_ = 	snop  }
0x8d: {  	(tm) =	ssettm $0x1  }
0x8e: {  	s15 =	sld [smem:$0x3FFB];
	_ =	sdelay $0x3  }
0x8f: {  	_ =	strace s15  }
0x90: {  	s0 =	sld [smem:$0x3FFC];
	_ =	sdelay $0x3  }
0x91: {  	_ =	strace s0  }
0x92: {  	s0 =	sld [smem:$0x3FFD];
	_ =	sdelay $0x3  }
0x93: {  	_ =	strace s0  }
0x94: {  	_ =	strace $0x8FFFFFFF  }
0x95: {  	s16 =	sld [smem:$0x3FDB];
	_ =	sdelay $0x1  }
0x96: {  	s17 =	simm.s32 $_scs_section_size  }
0x97: {  	s2 =	simm.s32 $_size__tile_overlayer_lowered;
	s3 =	simm.s32 $_tile_overlayer_lowered  }
0x98: {  	s20 =	simm.s32 $0x1BFF;
	s19 =	sshll.u32 s3, $0x1;
	s0 =	sadd.s32 s17, s16  }
0x99: {  	s4 =	simm.s32 $0x0;
	s18 =	sshll.u32 s2, $0x1;
	s2 =	sadd.s32 s19, s0  }
0x9a: {  	[timem:s4], [sflag:s20] =	dma.local [hbm:s2], s18  }
0x9b: {  	_ =	swait.ge [sflag:s20], s18  }
0x9c: {  	s1 =	ssub.s32 $0x0, s18;
	[sflag:s20] =	ssyncset.done $0x0  }
0x9d: {  	[sflag:s20] =	ssyncadd.s32 s1;
	_ =	sdelay $0x1  }
0x9e: {  	s21 =	simm.s32 $0x1B8B  }
0x9f: {  	_ =	swait.ge [sflag:s21], $0x1  }
0xa0: {  	[sflag:s21] =	ssyncset.done $0x0  }
0xa1: {  	s23 =	simm.s32 $0x1B8E;
	s22 =	sld [smem:$0x3FFE];
	[sflag:s21] =	ssyncadd.s32 $0xFFFFFFFF  }
0xa2: {  	s24 =	simm.s32 $execute0_lowered;
	[smem:$0x3FD2] =	sst s23  }
0xa3: {  	s2 =	sshll.u32 s24, $0x1;
	_ =	strace $0x80000049;
	[dreg:$0x1] =	wrdreg $0xFFFFFFFF  }
0xa4: {  	s25 =	simm.s32 $_size_execute0_lowered;
	s0 =	sadd.s32 s0, s2;
	[dreg:$0x0] =	wrdreg $0x0  }
0xa5: {  	s2 =	sshll.u32 s25, $0x1;
	[dreg:$0x2] =	wrdreg s0  }
0xa6: {  	[dreg:$0x3] =	wrdreg s2  }
0xa7: {  	[dreg:$0x4] =	wrdreg $0xC0  }
0xa8: {  	_ =	task [dreg:s4], $0x5FFFF  }
0xa9: {  	[dreg:$0x1] =	wrdreg $0xFFFFFFFF  }
0xaa: {  	[dreg:$0x0] =	wrdreg $0x60  }
0xab: {  	[dreg:$0x2] =	wrdreg s22  }
0xac: {  	[dreg:$0x3] =	wrdreg $0x9  }
0xad: {  	_ =	task.clear_ibuf [dreg:s4], $0x4FFFF;
	_ =	strace $0x90000049  }
0xae: {  	s26 =	simm.s32 $0x9;
	_ =	strace $0x8000004B  }
0xaf: {  	_ =	swait.ge [sflag:s26], $0x1  }
0xb0: {  	[sflag:s26] =	ssyncadd.s32 $0xFFFFFFFF  }
0xb1: {  	_ =	strace $0x9000004B  }
0xb2: {  	_ =	sfence  }
0xb3: {  	s28 =	sld [smem:$0x0];
	_ =	sdelay $0x1  }
0xb4: {  	s29 =	srdreg.scid  }
0xb5: {  	s30 =	sshll.u32 s29, $0xD;
	s31 =	sshrl.u32 s29, $0x2  }
0xb6: {  	s1 =	sand.u32 $0x1, s29;
	s2 =	sand.u32 $0x4000, s30;
	s0 =	sadd.s32 s31, s28  }
0xb7: {  	s1 =	sor.u32 s2, s1;
	s0 =	sshll.u32 s0, $0x11  }
0xb8: {  	s0 =	sor.u32 s0, s1  }
0xb9: {  	s0 =	sadd.s32 $0x8F2B, s0  }
0xba: {  	[sflag:s0] =	ssyncadd.remote.s32 $0x1  }
0xbb: {  	_ =	sfence.sel $0xFFFF  }
0xbc: {  	[dreg:$0x0] =	wrdreg $0xFFFFFFFF;
	(pc) =	sbr.abs _section_cstart, $3  }
0xbd: {  	[dreg:$0x1] =	wrdreg $0xFFFFFFFF  }
0xbe: {  	_ =	task.clear_ibuf [dreg:s4], $0x2FFFF;
	_ =	strace $0x9FFFFFFF  }
0xbf: {  	(tm) =	ssettm $0x7FFFFFFF  }
tec
execute0_lowered:
.L_overlay_start_1:
0x0: {  	(tag) =	ssettag $0x1  }
0x1: {  	s0 =	stileid.u32  }
0x2: {  	s2 =	sshrl.u32 s0, $0x3  }
0x3: {  	s1 =	sshll.u32 s0, $0x7;
	s4 =	smul.u32 $0x27800, s2  }
0x4: {  	s3 =	sand.u32 $0x380, s1  }
0x5: {  	s6 =	rddreg [dreg:$0x0];
	s5 =	simm.s32 $0x0;
	s4 =	sor.u32 s3, s4  }
0x6: {  	s7 =	simm.s32 $0x80;
	s8 =	simm.s32 $0x400;
	s4 =	sshrl.u32 s4, $0x3  }
0x7: {  	s31 =	simm.s32 $0x1;
	[smem:$0x7FF] =	sst s5;
	s4 =	sadd.s32 s4, s6  }
0x8: {  	s1 =	rddreg [dreg:$0x1];
	_ =	strace $0x8000004A;
	s4 =	sadd.s32 $0x4200, s4  }
0x9: {  	[tilespmem:s5], [sflag:$0x1] =	stream.strided.gather [hbm4b:s4+s7], $0x4F00, s8, s7, $0x38;
	[tilespmem:$0x7700] =	vst v63  }
0xa: {  	_ =	swait.ge [sflag:s31], $0x4F00  }
0xb: {  	[sflag:s31] =	ssyncset.done $0x0  }
0xc: {  	v0 =	vimm.f32 $0.0e+00;
	s4 =	sadd.s32 $0x40000, s6;
	[sflag:s31] =	ssyncadd.s32 $0xFFFFB100  }
.LBB2_1:
0xd: {  	p0 =	sne.s32 s5, $0x9FC0  }
.Ltmp0:
0xe: {  	_ = 	snop;
	(pc) =	sbr.rel @p0 .LBB2_1-.Ltmp0, $3  }
0xf: {  	_ =	sdelay $0x1  }
0x10: {  	s6 =	sshra.s32 s5, $0x2  }
0x11: {  	s5 =	sadd.s32 $0x40, s5;
	[tilespmem:s6+$0x4F00] =	vst v0  }
0x12: {  	v0 =	vimm.f32 $1.000000000e+00;
	s5 =	simm.s32 $0x4F00;
	s7 =	simm.s32 $0x0;
	s6 =	simm.s32 $0x40  }
.LBB2_3:
0x13: {  	p0 =	sne.s32 s6, $0x13BC0;
	v1 =	vld [tilespmem:s7+$0x0];
	_ =	sdelay $0x3  }
.Ltmp1:
0x14: {  	(pc) =	sbr.rel @p0 .LBB2_3-.Ltmp1, $2  }
0x15: {  	_ =	sdelay $0x2  }
0x16: {  	s7 =	sshra.s32 s6, $0x2;
	s6 =	sadd.s32 $0x40, s6;
	[tilespmem:v1+s5+$0x0] =	vst.idx.add.f32.msk $0xffff, v0  }
0x17: {  	v1 =	vld [tilespmem:s7+$0x0];
	_ =	sdelay $0x3  }
0x18: {  	s2 =	smul.u32 $0x14000, s2;
	_ =	sdelay $0x1  }
0x19: {  	s2 =	sor.u32 s3, s2  }
0x1a: {  	s28 =	simm.s32 $0x80;
	s29 =	simm.s32 $0x400;
	s2 =	sshrl.u32 s2, $0x3  }
0x1b: {  	s30 =	simm.s32 $0x4F00;
	s31 =	simm.s32 $0x1;
	s2 =	sadd.s32 s4, s2;
	[tilespmem:v1+s5+$0x0] =	vst.idx.add.f32.msk $0xffff, v0  }
0x1c: {  	[hbm4b:s2+s28] =	stream.strided.scatter [tilespmem:s30], [sflag:$0x1], $0x2800, s29, s28, $0x38;
	[tilespmem:$0x7700] =	vst v63  }
0x1d: {  	_ =	swait.ge [sflag:s31], $0x2800  }
0x1e: {  	[sflag:s31] =	ssyncset.done $0x0  }
0x1f: {  	[sflag:s31] =	ssyncadd.s32 $0xFFFFD800  }
0x20: {  	_ =	sfence.sel $0x180000  }
0x21: {  	[bflag:$0x0] =	sbarrier.arrive $0xFFFF  }
0x22: {  	p0 =	sne.s32 s0, $0x0;
	_ =	strace $0x9000004A  }
0x23: {  	s0 =	sadd.s32 @!p0 $0x100000, s1;
	[bflag:$0x2] =	sbarrier.arrive $0xFFFF  }
0x24: {  	[sflag:s0] =	ssyncadd.tile.s32 @!p0 $0x1;
	_ =	shalt  }
.Lfunc_end2:
_tile_overlayer_lowered:
.L_overlay_start_2:
0x25: {  	(tag) =	ssettag $0x2  }
0x26: {  	s0 =	rddreg [dreg:$0x0];
	s2 =	stileid.u32  }
0x27: {  	s1 =	rddreg [dreg:$0x1];
	p0 =	sne.s32 s2, $0x0  }
0x28: {  	s3 =	rddreg [dreg:$0x2];
	[bflag:$0x3] =	sbarrier.arrive $0xFFFF;
	s2 =	simm.s32 @!p0 $0x1C01  }
0x29: {  	[timem:s3], [sflag:s2] =	dma.local @!p0 [hbm:s0], s1  }
0x2a: {  	s0 =	simm.s32 @!p0 $0x1  }
0x2b: {  	_ =	swait.ge @!p0 [sflag:s0], s1  }
0x2c: {  	s1 =	ssub.s32 @!p0 $0x0, s1;
	[sflag:s0] =	ssyncset.done @!p0 $0x0  }
0x2d: {  	[sflag:s0] =	ssyncadd.s32 @!p0 s1  }
0x2e: {  	[bflag:$0x3] =	sbarrier.arrive $0xFFFF  }
0x2f: {  	_ =	shalt  }

// kernel: kernel.15.cloned.1.call-start
scs
__scs_entry_jumppad:
0x0: {  	(pc) =	sbr.rel $0x88, $3  }
0x1: {  	(tag) =	ssettag $0x0;
	lr =	simm.s32 $0x1  }
0x2: {  	[smem:$0x3F95] =	sst lr;
	_ =	strace $0xD0000000  }
0x3: {  	_ = 	snop  }
0x4: {  	_ = 	snop  }
0x5: {  	_ = 	snop  }
0x6: {  	_ = 	snop  }
0x7: {  	_ = 	snop  }
__scs_overlays_trampoline_lowered:
0x8: {  	[smem:$0x3FA4] =	sst s0  }
0x9: {  	[smem:$0x3FA5] =	sst s1  }
0xa: {  	[smem:$0x3FA6] =	sst s2  }
0xb: {  	[smem:$0x3FA7] =	sst s3  }
0xc: {  	[smem:$0x3FA8] =	sst s4  }
0xd: {  	[smem:$0x3FA9] =	sst s5  }
0xe: {  	[smem:$0x3FAA] =	sst s6  }
0xf: {  	[smem:$0x3FAB] =	sst s7  }
0x10: {  	[smem:$0x3FAC] =	sst s8  }
0x11: {  	[smem:$0x3FAD] =	sst s9;
	s0 =	simm.s32 @!p0 $0x0  }
0x12: {  	s1 =	sld [smem:$0x3F93];
	s0 =	simm.s32 @p0 $0x1  }
0x13: {  	[smem:$0x3FAE] =	sst s0;
	s0 =	simm.s32 @!p1 $0x0  }
0x14: {  	s2 =	sld [smem:$0x3F92];
	s0 =	simm.s32 @p1 $0x1  }
0x15: {  	[smem:$0x3FAF] =	sst s0;
	s0 =	simm.s32 @!p2 $0x0  }
0x16: {  	s3 =	sld [smem:$0x3FDB];
	s0 =	simm.s32 @p2 $0x1  }
0x17: {  	s4 =	simm.s32 $0x1BF5;
	[smem:$0x3FB1] =	sst s0  }
0x18: {  	s0 =	sld [smem:$0x3F94];
	_ =	swait.ge [sflag:s4], $0x0  }
0x19: {  	s7 =	sld [smem:$0x3F95]  }
0x1a: {  	s8 =	sadd.s32 $0xFFFFE003, lr  }
0x1b: {  	s9 =	sadd.s32 $0xFFFFFEF7, lr;
	s5 =	simm.s32 $0xFFFFFFFF;
	p2 =	slt.u32 s8, $0xFFFFF086  }
0x1c: {  	p1 =	slt.u32 s9, $0xF7A;
	s5 =	simm.s32 @!p2 $0x0  }
0x1d: {  	s5 =	simm.s32 @p1 $0x1;
	p0 =	seq.s32 s7, s2  }
0x1e: {  	s7 =	smul.u32 @!p0 $0xF7A, s2;
	p2 =	seq.s32 @!p0 s5, $0x0  }
0x1f: {  	s9 =	smul.u32 $0xF7A, s1;
	s8 =	simm.s32 @!p0 $0x1BF5;
	p2 =	por !p2, p0  }
0x20: {  	[sflag:s8] =	ssyncset.s32 @!p0 $0xFFFFF086;
	s6 =	sadd.s32 @!p0 s3, s7;
	s7 =	simm.s32 @!p0 $0x108  }
0x21: {  	s3 =	sadd.s32 s3, s9;
	s6 =	sadd.s32 @!p0 $0x88, s6;
	s7 =	simm.s32 @p2 $0x1082  }
0x22: {  	[simem:s7], [sflag:s8] =	dma.local @!p0 [hbm:s6], $0xF7A  }
0x23: {  	s9 =	sor.u32 $0xD0000000, s2;
	s6 =	simm.s32 $0x108;
	_ =	swait.ge @!p0 [sflag:s8], $0x0  }
0x24: {  	s3 =	sadd.s32 $0x88, s3;
	s6 =	simm.s32 @!p1 $0x1082;
	[sflag:s4] =	ssyncset.s32 $0xFFFFF086  }
0x25: {  	[simem:s6], [sflag:s4] =	dma.local [hbm:s3], $0xF7A  }
0x26: {  	[smem:$0x3F95] =	sst s1;
	(tag) =	ssettag s2;
	_ =	strace s9  }
0x27: {  	s1 =	sld [smem:$0x3FA5]  }
0x28: {  	s2 =	sld [smem:$0x3FA6]  }
0x29: {  	s4 =	sld [smem:$0x3FA8]  }
0x2a: {  	p0 =	seq.s32 s5, $0x0;
	s5 =	sld [smem:$0x3FA9]  }
0x2b: {  	s6 =	sld [smem:$0x3FAA]  }
0x2c: {  	s7 =	sld [smem:$0x3FAB]  }
0x2d: {  	s3 =	simm.s32 $0x108;
	s8 =	sld [smem:$0x3FAC]  }
0x2e: {  	s3 =	simm.s32 @!p0 $0x1082;
	s9 =	sld [smem:$0x3FAD]  }
0x2f: {  	lr =	sadd.s32 s0, s3;
	s0 =	sld [smem:$0x3FA4]  }
0x30: {  	s3 =	sld [smem:$0x3FA7]  }
0x31: {  	[smem:$0x3FB0] =	sst s10  }
0x32: {  	s10 =	sld [smem:$0x3FAE];
	_ =	sdelay $0x3  }
0x33: {  	p0 =	seq.s32 s10, $0x1;
	s10 =	sld [smem:$0x3FB0];
	_ =	sdelay $0x3  }
0x34: {  	[smem:$0x3FB0] =	sst s10  }
0x35: {  	s10 =	sld [smem:$0x3FAF];
	_ =	sdelay $0x3  }
0x36: {  	p1 =	seq.s32 s10, $0x1;
	s10 =	sld [smem:$0x3FB0];
	_ =	sdelay $0x3  }
0x37: {  	[smem:$0x3FB0] =	sst s10  }
0x38: {  	s10 =	sld [smem:$0x3FB1]  }
0x39: {  	_ = 	snop;
	(pc) =	sbr.ind lr, $3  }
0x3a: {  	_ = 	snop  }
0x3b: {  	_ = 	snop  }
0x3c: {  	p2 =	seq.s32 s10, $0x1;
	s10 =	sld [smem:$0x3FB0]  }
0x3d: {  	_ =	shalt  }
0x3e: {  	_ =	shalt  }
0x3f: {  	_ =	shalt  }
0x40: {  	_ =	shalt  }
0x41: {  	_ =	shalt  }
0x42: {  	_ =	shalt  }
0x43: {  	_ =	shalt  }
0x44: {  	_ =	shalt  }
0x45: {  	_ =	shalt  }
0x46: {  	_ =	shalt  }
0x47: {  	_ =	shalt  }
0x48: {  	_ =	shalt  }
0x49: {  	_ =	shalt  }
0x4a: {  	_ =	shalt  }
0x4b: {  	_ =	shalt  }
0x4c: {  	_ =	shalt  }
0x4d: {  	_ =	shalt  }
0x4e: {  	_ =	shalt  }
0x4f: {  	_ =	shalt  }
0x50: {  	_ =	shalt  }
0x51: {  	_ =	shalt  }
0x52: {  	_ =	shalt  }
0x53: {  	_ =	shalt  }
0x54: {  	_ =	shalt  }
0x55: {  	_ =	shalt  }
0x56: {  	_ =	shalt  }
0x57: {  	_ =	shalt  }
0x58: {  	_ =	shalt  }
0x59: {  	_ =	shalt  }
0x5a: {  	_ =	shalt  }
0x5b: {  	_ =	shalt  }
0x5c: {  	_ =	shalt  }
0x5d: {  	_ =	shalt  }
0x5e: {  	_ =	shalt  }
0x5f: {  	_ =	shalt  }
0x60: {  	_ =	shalt  }
0x61: {  	_ =	shalt  }
0x62: {  	_ =	shalt  }
0x63: {  	_ =	shalt  }
0x64: {  	_ =	shalt  }
0x65: {  	_ =	shalt  }
0x66: {  	_ =	shalt  }
0x67: {  	_ =	shalt  }
0x68: {  	_ =	shalt  }
0x69: {  	_ =	shalt  }
0x6a: {  	_ =	shalt  }
0x6b: {  	_ =	shalt  }
0x6c: {  	_ =	shalt  }
0x6d: {  	_ =	shalt  }
0x6e: {  	_ =	shalt  }
0x6f: {  	_ =	shalt  }
0x70: {  	_ =	shalt  }
0x71: {  	_ =	shalt  }
0x72: {  	_ =	shalt  }
0x73: {  	_ =	shalt  }
0x74: {  	_ =	shalt  }
0x75: {  	_ =	shalt  }
0x76: {  	_ =	shalt  }
0x77: {  	_ =	shalt  }
0x78: {  	_ =	shalt  }
0x79: {  	_ =	shalt  }
0x7a: {  	_ =	shalt  }
0x7b: {  	_ =	shalt  }
0x7c: {  	_ =	shalt  }
0x7d: {  	_ =	shalt  }
0x7e: {  	_ =	shalt  }
0x7f: {  	_ =	shalt  }
0x80: {  	_ =	shalt  }
0x81: {  	_ =	shalt  }
0x82: {  	_ =	shalt  }
0x83: {  	_ =	shalt  }
0x84: {  	_ =	shalt  }
0x85: {  	_ =	shalt  }
0x86: {  	_ =	shalt  }
0x87: {  	_ =	shalt  }
.Lfunc_end0:
.L_simem_size_0:
called_computation.2_lowered:
.L_overlay_start_0:
0x88: {  	s0 =	sld [smem:$0x3FD9]  }
0x89: {  	s1 =	sld [smem:$0x3FFE];
	_ =	sdelay $0x3  }
0x8a: {  	s0 =	sadd.s32 s1, s0  }
0x8b: {  	[smem:$0x3FBC] =	sst s0  }
0x8c: {  	_ = 	snop  }
0x8d: {  	s0 =	sld [smem:$0x3FD0];
	(tm) =	ssettm $0x1  }
0x8e: {  	s16 =	sld [smem:$0x3FFB];
	_ =	sdelay $0x3  }
0x8f: {  	_ =	strace s16  }
0x90: {  	s1 =	sld [smem:$0x3FFC];
	_ =	sdelay $0x3  }
0x91: {  	_ =	strace s1  }
0x92: {  	s1 =	sld [smem:$0x3FFD];
	_ =	sdelay $0x3  }
0x93: {  	_ =	strace s1  }
0x94: {  	_ =	strace $0x8FFFFFFF  }
0x95: {  	s17 =	sld [smem:$0x3FDB];
	_ =	sdelay $0x1  }
0x96: {  	s2 =	simm.s32 $_scs_section_size  }
0x97: {  	s3 =	simm.s32 $_size__tile_overlayer_lowered;
	s4 =	simm.s32 $_tile_overlayer_lowered  }
0x98: {  	s20 =	simm.s32 $0x1BFF;
	s19 =	sshll.u32 s4, $0x1;
	s1 =	sadd.s32 s2, s17  }
0x99: {  	s5 =	simm.s32 $0x0;
	s18 =	sshll.u32 s3, $0x1;
	s3 =	sadd.s32 s19, s1  }
0x9a: {  	[timem:s5], [sflag:s20] =	dma.local [hbm:s3], s18  }
0x9b: {  	_ =	swait.ge [sflag:s20], s18  }
0x9c: {  	s2 =	ssub.s32 $0x0, s18;
	[sflag:s20] =	ssyncset.done $0x0  }
0x9d: {  	[sflag:s20] =	ssyncadd.s32 s2;
	_ =	sdelay $0x1  }
0x9e: {  	s21 =	simm.s32 $0x1B8B  }
0x9f: {  	_ =	swait.ge [sflag:s21], $0x1  }
0xa0: {  	[sflag:s21] =	ssyncset.done $0x0  }
0xa1: {  	s23 =	simm.s32 $0x1B8E;
	s22 =	sld [smem:$0x3FFE];
	[sflag:s21] =	ssyncadd.s32 $0xFFFFFFFF  }
0xa2: {  	s24 =	simm.s32 $execute0_lowered;
	[smem:$0x3FD2] =	sst s23  }
0xa3: {  	s3 =	sshll.u32 s24, $0x1;
	_ =	strace $0x8000004C;
	[dreg:$0x1] =	wrdreg $0xFFFFFFFF  }
0xa4: {  	s25 =	simm.s32 $_size_execute0_lowered;
	s1 =	sadd.s32 s1, s3;
	[dreg:$0x0] =	wrdreg $0x0  }
0xa5: {  	s3 =	sshll.u32 s25, $0x1;
	[dreg:$0x2] =	wrdreg s1  }
0xa6: {  	[dreg:$0x3] =	wrdreg s3  }
0xa7: {  	[dreg:$0x4] =	wrdreg $0xC0  }
0xa8: {  	_ =	task [dreg:s5], $0x5FFFF  }
0xa9: {  	[dreg:$0x1] =	wrdreg $0xFFFFFFFF  }
0xaa: {  	[dreg:$0x0] =	wrdreg $0x60  }
0xab: {  	[dreg:$0x2] =	wrdreg s0  }
0xac: {  	[dreg:$0x3] =	wrdreg s22  }
0xad: {  	[dreg:$0x4] =	wrdreg $0x120800  }
0xae: {  	[dreg:$0x5] =	wrdreg $0xA  }
0xaf: {  	_ =	task.clear_ibuf [dreg:s5], $0x6FFFF;
	_ =	strace $0x9000004C  }
0xb0: {  	s26 =	simm.s32 $0xA;
	_ =	strace $0x8000004E  }
0xb1: {  	_ =	swait.ge [sflag:s26], $0x1  }
0xb2: {  	[sflag:s26] =	ssyncadd.s32 $0xFFFFFFFF  }
0xb3: {  	_ =	strace $0x9000004E  }
0xb4: {  	_ =	sfence  }
0xb5: {  	s28 =	sld [smem:$0x0];
	_ =	sdelay $0x1  }
0xb6: {  	s29 =	srdreg.scid  }
0xb7: {  	s30 =	sshll.u32 s29, $0xD;
	s31 =	sshrl.u32 s29, $0x2  }
0xb8: {  	s2 =	sand.u32 $0x4000, s30;
	s1 =	sand.u32 $0x1, s29;
	s0 =	sadd.s32 s31, s28  }
0xb9: {  	s1 =	sor.u32 s2, s1;
	s0 =	sshll.u32 s0, $0x11  }
0xba: {  	s0 =	sor.u32 s0, s1  }
0xbb: {  	s0 =	sadd.s32 $0x8F2B, s0  }
0xbc: {  	[sflag:s0] =	ssyncadd.remote.s32 $0x1  }
0xbd: {  	_ =	sfence.sel $0xFFFF  }
0xbe: {  	[dreg:$0x0] =	wrdreg $0xFFFFFFFF;
	(pc) =	sbr.abs _section_cstart, $3  }
0xbf: {  	[dreg:$0x1] =	wrdreg $0xFFFFFFFF  }
0xc0: {  	_ =	task.clear_ibuf [dreg:s5], $0x2FFFF;
	_ =	strace $0x9FFFFFFF  }
0xc1: {  	(tm) =	ssettm $0x7FFFFFFF  }
tec
execute0_lowered:
.L_overlay_start_1:
0x0: {  	(tag) =	ssettag $0x1  }
0x1: {  	s2 =	rddreg [dreg:$0x0]  }
0x2: {  	s4 =	rddreg [dreg:$0x1]  }
0x3: {  	s3 =	rddreg [dreg:$0x2]  }
0x4: {  	s1 =	stileid.u32;
	s0 =	rddreg [dreg:$0x3]  }
0x5: {  	s5 =	simm.s32 $0x0;
	s7 =	simm.s32 $0xA000;
	s6 =	sshll.u32 s1, $0x4  }
0x6: {  	s30 =	simm.s32 $0x3;
	[smem:$0x7FF] =	sst s5;
	s6 =	sadd.s32 s6, s4  }
0x7: {  	s29 =	smul.u32 $0xA000, s1;
	_ =	strace $0x8000004D;
	s6 =	sadd.s32 $0x3FE00, s6  }
0x8: {  	[tilespmem:s7], [sflag:$0x3] =	stream.linear.gather [hbm4b:s6+s5], $0x80, $0x38;
	[tilespmem:$0x1E080] =	vst v63  }
0x9: {  	_ =	swait.ge [sflag:s30], $0x80  }
0xa: {  	s10 =	sadd.s32 $0x17E00, s4;
	s8 =	sshrl.u32 s29, $0x3;
	[sflag:s30] =	ssyncset.done $0x0  }
0xb: {  	s6 =	sadd.s32 s10, s8;
	[sflag:s30] =	ssyncadd.s32 $0xFFFFFF80  }
0xc: {  	[tilespmem:s5], [sflag:$0x3] =	stream.linear.gather [hbm4b:s6+s5], $0x4F00, $0x38;
	[tilespmem:$0x1E080] =	vst v63  }
0xd: {  	_ =	swait.ge [sflag:s30], $0x4F00  }
0xe: {  	s11 =	sadd.s32 $0x2BE00, s4;
	[sflag:s30] =	ssyncset.done $0x0  }
0xf: {  	s9 =	simm.s32 $0x5000;
	s31 =	sadd.s32 s11, s8;
	[sflag:s30] =	ssyncadd.s32 $0xFFFFB100  }
0x10: {  	[tilespmem:s9], [sflag:$0x3] =	stream.linear.gather [hbm4b:s31+s5], $0x4F00, $0x38;
	[tilespmem:$0x1E080] =	vst v63  }
0x11: {  	_ =	swait.ge [sflag:s30], $0x4F00  }
0x12: {  	[sflag:s30] =	ssyncset.done $0x0  }
0x13: {  	[sflag:s30] =	ssyncadd.s32 $0xFFFFB100  }
0x14: {  	v1 =	vimm.f32 $0.0e+00;
	s14 =	sadd.s32 $0x6C200, s4;
	s4 =	simm.s32 $0x0;
	s5 =	simm.s32 $0x200;
	v0 =	vld [tilespmem:$0xA000]  }
.LBB2_1:
0x15: {  	p0 =	sne.s32 s5, $0xFE00;
	[tilespmem:s4+$0xA0F0] =	vst v1  }
0x16: {  	[tilespmem:s4+$0xA080] =	vst v1  }
0x17: {  	[tilespmem:s4+$0xA090] =	vst v1  }
.Ltmp0:
0x18: {  	[tilespmem:s4+$0xA0A0] =	vst v1;
	(pc) =	sbr.rel @p0 .LBB2_1-.Ltmp0, $4  }
0x19: {  	[tilespmem:s4+$0xA0B0] =	vst v1  }
0x1a: {  	[tilespmem:s4+$0xA0C0] =	vst v1  }
0x1b: {  	[tilespmem:s4+$0xA0D0] =	vst v1  }
0x1c: {  	[tilespmem:s4+$0xA0E0] =	vst v1;
	s4 =	sshra.s32 s5, $0x2;
	s5 =	sadd.s32 $0x200, s5  }
0x1d: {  	[tilespmem:s4+$0xA0F0] =	vst v1  }
0x1e: {  	[tilespmem:s4+$0xA080] =	vst v1  }
0x1f: {  	[tilespmem:s4+$0xA090] =	vst v1  }
0x20: {  	[tilespmem:s4+$0xA0A0] =	vst v1  }
0x21: {  	[tilespmem:s4+$0xA0B0] =	vst v1;
	s5 =	smul.u32 $0x30000, s1  }
0x22: {  	[tilespmem:s4+$0xA0C0] =	vst v1  }
0x23: {  	[tilespmem:s4+$0xA0D0] =	vst v1;
	s5 =	sshrl.u32 s5, $0x2  }
0x24: {  	[tilespmem:s4+$0xA0E0] =	vst v1;
	s7 =	simm.s32 $0xA080;
	s9 =	simm.s32 $0x3;
	s4 =	sadd.s32 s5, s3  }
0x25: {  	[spmem:s4] =	stream.linear.scatter [tilespmem:s7], [sflag:$0x3], $0x4000, $0x38;
	[tilespmem:$0x1E080] =	vst v63  }
0x26: {  	_ =	swait.ge [sflag:s9], $0x4000  }
0x27: {  	[sflag:s9] =	ssyncset.done $0x0  }
0x28: {  	s5 =	sadd.s32 $0x4000, s4;
	[sflag:s9] =	ssyncadd.s32 $0xFFFFC000  }
0x29: {  	[spmem:s5] =	stream.linear.scatter [tilespmem:s7], [sflag:$0x3], $0x4000, $0x38;
	[tilespmem:$0x1E080] =	vst v63  }
0x2a: {  	_ =	swait.ge [sflag:s9], $0x4000  }
0x2b: {  	[sflag:s9] =	ssyncset.done $0x0  }
0x2c: {  	s6 =	sadd.s32 $0x8000, s4;
	[sflag:s9] =	ssyncadd.s32 $0xFFFFC000  }
0x2d: {  	[spmem:s6] =	stream.linear.scatter [tilespmem:s7], [sflag:$0x3], $0x4000, $0x38;
	[tilespmem:$0x1E080] =	vst v63  }
0x2e: {  	_ =	swait.ge [sflag:s9], $0x4000  }
0x2f: {  	(v2sf) =	vpush v0, $0x0;
	_ =	sdelay $0xe  }
0x30: {  	s12 =	spop (v2sf)  }
0x31: {  	s13 =	sand.u32 $0x7F, s12  }
0x32: {  	s15 =	sshra.s32 s12, $0x1F;
	p0 =	slt.s32 s12, $0x1;
	p1 =	sne.s32 s13, $0x0  }
0x33: {  	s29 =	sshrl.u32 s15, $0x19;
	p0 =	por !p0, !p1  }
0x34: {  	s13 =	simm.s32 $0x1;
	s12 =	sadd.s32 s29, s12;
	p0 =	por !p0, !p0  }
0x35: {  	s12 =	sshra.s32 s12, $0x7;
	s13 =	simm.s32 @!p0 $0x0  }
0x36: {  	s16 =	sadd.s32 $0xA00, s8;
	s8 =	ssub.s32 s12, s13  }
0x37: {  	s30 =	smul.u32 $0x1800, s1;
	p0 =	slt.s32 s8, $0x1  }
.Ltmp1:
0x38: {  	_ = 	snop;
	(pc) =	sbr.rel @p0 .LBB2_6-.Ltmp1, $4  }
0x39: {  	s17 =	smul.u32 $0xC000, s1;
	[sflag:s9] =	ssyncset.done $0x0  }
0x3a: {  	s11 =	sadd.s32 s11, s16;
	[sflag:s9] =	ssyncadd.s32 $0xFFFFC000  }
0x3b: {  	s31 =	sshrl.u32 s17, $0x3;
	[bflag:$0x0] =	sbarrier.arrive $0xFFFF;
	s13 =	sadd.s32 s14, s30  }
0x3c: {  	s12 =	sadd.s32 s10, s16;
	s10 =	sadd.s32 s14, s31;
	s14 =	simm.s32 $0x1  }
0x3d: {  	s15 =	simm.s32 $0x80;
	s16 =	simm.s32 $0x0  }
0x3e: {  	[tilespmem:s7], [sflag:$0x1] =	stream.indirect.gather [hbm4b:s2+s15], $0x80, s16, s15, $0xb8;
	[tilespmem:$0x1E080] =	vst v63  }
0x3f: {  	s16 =	simm.s32 $0xE080  }
0x40: {  	[tilespmem:s16], [sflag:$0x2] =	stream.indirect.gather [hbm4b:s2+s15], $0x80, s15, s15, $0xb8;
	[tilespmem:$0x1E080] =	vst v63  }
0x41: {  	_ =	swait.ge [sflag:s14], $0x4000  }
0x42: {  	[sflag:s14] =	ssyncset.done $0x0  }
0x43: {  	s17 =	simm.s32 $0x5000;
	[sflag:s14] =	ssyncadd.s32 $0xFFFFC000  }
0x44: {  	[spmem:s3] =	stream.indirect.scatter.add.f32 [tilespmem:s7], [sflag:$0x3], $0x80, s17, s15, $0xb8;
	[tilespmem:$0x1E080] =	vst v63  }
0x45: {  	p0 =	sle.s32 s8, $0x2;
	_ =	swait.ge [sflag:s9], $0x4000  }
0x46: {  	s30 =	sadd.s32 $0x1, s8;
	s19 =	simm.s32 @!p0 $0x100;
	[sflag:s9] =	ssyncset.done $0x0  }
0x47: {  	s20 =	simm.s32 @!p0 $0x80;
	s21 =	simm.s32 @!p0 $0xA080;
	[sflag:s9] =	ssyncadd.s32 $0xFFFFC000  }
0x48: {  	[tilespmem:s21], [sflag:$0x1] =	stream.indirect.gather @!p0 [hbm4b:s2+s20], $0x80, s19, s20, $0xb8;
	[tilespmem:$0x1E080] =	vst v63  }
0x49: {  	s19 =	sshrl.u32 s30, $0x1  }
0x4a: {  	s19 =	sadd.s32 $0xFFFFFFFF, s19  }
0x4b: {  	s18 =	simm.s32 $0x2;
	p0 =	sne.s32 s19, $0x0  }
.Ltmp2:
0x4c: {  	_ =	swait.ge [sflag:s18], $0x4000;
	(pc) =	sbr.rel @!p0 .LBB2_5-.Ltmp2, $4  }
0x4d: {  	[sflag:s18] =	ssyncset.done $0x0  }
0x4e: {  	s31 =	simm.s32 $0x5080;
	[sflag:s18] =	ssyncadd.s32 $0xFFFFC000  }
0x4f: {  	[spmem:s3] =	stream.indirect.scatter.add.f32 [tilespmem:s16], [sflag:$0x3], $0x80, s31, s15, $0xb8;
	[tilespmem:$0x1E080] =	vst v63  }
0x50: {  	s20 =	simm.s32 $0x180;
	s21 =	simm.s32 $0x4;
	_ =	swait.ge [sflag:s9], $0x4000  }
.LBB2_4:
0x51: {  	s19 =	sadd.s32 $0xFFFFFFFF, s19;
	[sflag:s9] =	ssyncset.done $0x0;
	s17 =	sadd.s32 $0x100, s17  }
0x52: {  	p0 =	sne.s32 s19, $0x0;
	[sflag:s9] =	ssyncadd.s32 $0xFFFFC000  }
0x53: {  	[tilespmem:s16], [sflag:$0x2] =	stream.indirect.gather [hbm4b:s2+s15], $0x80, s20, s15, $0xb8;
	[tilespmem:$0x1E080] =	vst v63  }
0x54: {  	_ =	swait.ge [sflag:s14], $0x4000  }
0x55: {  	[sflag:s14] =	ssyncset.done $0x0  }
0x56: {  	[sflag:s14] =	ssyncadd.s32 $0xFFFFC000  }
0x57: {  	[spmem:s3] =	stream.indirect.scatter.add.f32 [tilespmem:s7], [sflag:$0x3], $0x80, s17, s15, $0xb8;
	[tilespmem:$0x1E080] =	vst v63  }
0x58: {  	p1 =	sge.s32 s21, s8;
	_ =	swait.ge [sflag:s9], $0x4000  }
0x59: {  	s22 =	sadd.s32 @!p1 $0x80, s20;
	s23 =	simm.s32 @!p1 $0x80;
	[sflag:s9] =	ssyncset.done $0x0  }
0x5a: {  	s24 =	simm.s32 @!p1 $0xA080;
	[sflag:s9] =	ssyncadd.s32 $0xFFFFC000  }
0x5b: {  	[tilespmem:s24], [sflag:$0x1] =	stream.indirect.gather @!p1 [hbm4b:s2+s23], $0x80, s22, s23, $0xb8;
	[tilespmem:$0x1E080] =	vst v63  }
.Ltmp3:
0x5c: {  	_ =	swait.ge [sflag:s18], $0x4000;
	(pc) =	sbr.rel @p0 .LBB2_4-.Ltmp3, $4  }
0x5d: {  	s22 =	sadd.s32 $0x80, s17;
	[sflag:s18] =	ssyncset.done $0x0  }
0x5e: {  	[sflag:s18] =	ssyncadd.s32 $0xFFFFC000  }
0x5f: {  	[spmem:s3] =	stream.indirect.scatter.add.f32 [tilespmem:s16], [sflag:$0x3], $0x80, s22, s15, $0xb8;
	[tilespmem:$0x1E080] =	vst v63  }
0x60: {  	s21 =	sadd.s32 $0x2, s21;
	s20 =	sadd.s32 $0x100, s20;
	_ =	swait.ge [sflag:s9], $0x4000  }
.LBB2_5:
0x61: {  	[sflag:s9] =	ssyncset.done $0x0  }
0x62: {  	[sflag:s9] =	ssyncadd.s32 $0xFFFFC000  }
.LBB2_6:
0x63: {  	s7 =	sshll.u32 s1, $0x6  }
0x64: {  	[bflag:$0x0] =	sbarrier.arrive $0xFFFF;
	s8 =	sshrl.u32 s4, $0x3;
	s7 =	sor.u32 $0x1C03, s7  }
0x65: {  	[hbm:s13], [sflag:s7] =	dma.local [spmem:s8], $0x1800  }
0x66: {  	_ =	swait.ge [sflag:s9], $0x1800  }
0x67: {  	[sflag:s9] =	ssyncset.done $0x0  }
0x68: {  	[sflag:s9] =	ssyncadd.s32 $0xFFFFE800  }
0x69: {  	s30 =	simm.s32 $0x0;
	[bflag:$0x0] =	sbarrier.arrive $0xFFFF  }
0x6a: {  	[tilespmem:s30], [sflag:$0x3] =	stream.linear.gather [hbm4b:s12+s30], $0x4F00, $0x38;
	[tilespmem:$0x1E080] =	vst v63  }
0x6b: {  	_ =	swait.ge [sflag:s9], $0x4F00  }
0x6c: {  	[sflag:s9] =	ssyncset.done $0x0  }
0x6d: {  	s31 =	simm.s32 $0x5000;
	[sflag:s9] =	ssyncadd.s32 $0xFFFFB100  }
0x6e: {  	[tilespmem:s31], [sflag:$0x3] =	stream.linear.gather [hbm4b:s11+s30], $0x4F00, $0x38;
	[tilespmem:$0x1E080] =	vst v63  }
0x6f: {  	_ =	swait.ge [sflag:s9], $0x4F00  }
0x70: {  	[sflag:s9] =	ssyncset.done $0x0  }
0x71: {  	[sflag:s9] =	ssyncadd.s32 $0xFFFFB100  }
0x72: {  	v1 =	vimm.f32 $0.0e+00;
	s11 =	simm.s32 $0x200;
	s9 =	sadd.s32 $0x18000, s10;
	s10 =	simm.s32 $0x0;
	v0 =	vld [tilespmem:$0xA000]  }
.LBB2_7:
0x73: {  	p0 =	sne.s32 s11, $0xFE00;
	[tilespmem:s10+$0xA0F0] =	vst v1  }
0x74: {  	[tilespmem:s10+$0xA080] =	vst v1  }
0x75: {  	[tilespmem:s10+$0xA090] =	vst v1  }
.Ltmp4:
0x76: {  	[tilespmem:s10+$0xA0A0] =	vst v1;
	(pc) =	sbr.rel @p0 .LBB2_7-.Ltmp4, $4  }
0x77: {  	[tilespmem:s10+$0xA0B0] =	vst v1  }
0x78: {  	[tilespmem:s10+$0xA0C0] =	vst v1  }
0x79: {  	[tilespmem:s10+$0xA0D0] =	vst v1  }
0x7a: {  	[tilespmem:s10+$0xA0E0] =	vst v1;
	s10 =	sshra.s32 s11, $0x2;
	s11 =	sadd.s32 $0x200, s11  }
0x7b: {  	[tilespmem:s10+$0xA0F0] =	vst v1  }
0x7c: {  	[tilespmem:s10+$0xA080] =	vst v1  }
0x7d: {  	[tilespmem:s10+$0xA090] =	vst v1  }
0x7e: {  	[tilespmem:s10+$0xA0A0] =	vst v1  }
0x7f: {  	[tilespmem:s10+$0xA0B0] =	vst v1  }
0x80: {  	[tilespmem:s10+$0xA0C0] =	vst v1  }
0x81: {  	[tilespmem:s10+$0xA0D0] =	vst v1  }
0x82: {  	[tilespmem:s10+$0xA0E0] =	vst v1;
	s10 =	simm.s32 $0xA080  }
0x83: {  	[spmem:s4] =	stream.linear.scatter [tilespmem:s10], [sflag:$0x3], $0x4000, $0x38;
	[tilespmem:$0x1E080] =	vst v63  }
0x84: {  	s4 =	simm.s32 $0x3  }
0x85: {  	_ =	swait.ge [sflag:s4], $0x4000  }
0x86: {  	[sflag:s4] =	ssyncset.done $0x0  }
0x87: {  	[sflag:s4] =	ssyncadd.s32 $0xFFFFC000  }
0x88: {  	[spmem:s5] =	stream.linear.scatter [tilespmem:s10], [sflag:$0x3], $0x4000, $0x38;
	[tilespmem:$0x1E080] =	vst v63  }
0x89: {  	_ =	swait.ge [sflag:s4], $0x4000  }
0x8a: {  	[sflag:s4] =	ssyncset.done $0x0  }
0x8b: {  	[sflag:s4] =	ssyncadd.s32 $0xFFFFC000  }
0x8c: {  	[spmem:s6] =	stream.linear.scatter [tilespmem:s10], [sflag:$0x3], $0x4000, $0x38;
	[tilespmem:$0x1E080] =	vst v63  }
0x8d: {  	_ =	swait.ge [sflag:s4], $0x4000  }
0x8e: {  	(v2sf) =	vpush v0, $0x1;
	_ =	sdelay $0xe  }
0x8f: {  	s29 =	spop (v2sf)  }
0x90: {  	s30 =	sand.u32 $0x7F, s29  }
0x91: {  	s11 =	sshra.s32 s29, $0x1F;
	p0 =	slt.s32 s29, $0x1;
	p1 =	sne.s32 s30, $0x0  }
0x92: {  	s31 =	sshrl.u32 s11, $0x19;
	p0 =	por !p0, !p1  }
0x93: {  	s6 =	simm.s32 $0x1;
	s5 =	sadd.s32 s31, s29;
	p0 =	por !p0, !p0  }
0x94: {  	s5 =	sshra.s32 s5, $0x7;
	s6 =	simm.s32 @!p0 $0x0  }
0x95: {  	s5 =	ssub.s32 s5, s6  }
0x96: {  	p0 =	slt.s32 s5, $0x1  }
.Ltmp5:
0x97: {  	_ = 	snop;
	(pc) =	sbr.rel @p0 .LBB2_12-.Ltmp5, $4  }
0x98: {  	[sflag:s4] =	ssyncset.done $0x0  }
0x99: {  	[sflag:s4] =	ssyncadd.s32 $0xFFFFC000  }
0x9a: {  	[bflag:$0x0] =	sbarrier.arrive $0xFFFF  }
0x9b: {  	s6 =	simm.s32 $0x1  }
0x9c: {  	s11 =	simm.s32 $0x80;
	s12 =	simm.s32 $0x0  }
0x9d: {  	[tilespmem:s10], [sflag:$0x1] =	stream.indirect.gather [hbm4b:s2+s11], $0x80, s12, s11, $0xb8;
	[tilespmem:$0x1E080] =	vst v63  }
0x9e: {  	s12 =	simm.s32 $0xE080  }
0x9f: {  	[tilespmem:s12], [sflag:$0x2] =	stream.indirect.gather [hbm4b:s2+s11], $0x80, s11, s11, $0xb8;
	[tilespmem:$0x1E080] =	vst v63  }
0xa0: {  	_ =	swait.ge [sflag:s6], $0x4000  }
0xa1: {  	[sflag:s6] =	ssyncset.done $0x0  }
0xa2: {  	s13 =	simm.s32 $0x5000;
	[sflag:s6] =	ssyncadd.s32 $0xFFFFC000  }
0xa3: {  	[spmem:s3] =	stream.indirect.scatter.add.f32 [tilespmem:s10], [sflag:$0x3], $0x80, s13, s11, $0xb8;
	[tilespmem:$0x1E080] =	vst v63  }
0xa4: {  	p0 =	sle.s32 s5, $0x2;
	_ =	swait.ge [sflag:s4], $0x4000  }
0xa5: {  	s30 =	sadd.s32 $0x1, s5;
	s15 =	simm.s32 @!p0 $0x100;
	[sflag:s4] =	ssyncset.done $0x0  }
0xa6: {  	s16 =	simm.s32 @!p0 $0x80;
	s17 =	simm.s32 @!p0 $0xA080;
	[sflag:s4] =	ssyncadd.s32 $0xFFFFC000  }
0xa7: {  	[tilespmem:s17], [sflag:$0x1] =	stream.indirect.gather @!p0 [hbm4b:s2+s16], $0x80, s15, s16, $0xb8;
	[tilespmem:$0x1E080] =	vst v63  }
0xa8: {  	s15 =	sshrl.u32 s30, $0x1  }
0xa9: {  	s15 =	sadd.s32 $0xFFFFFFFF, s15  }
0xaa: {  	s14 =	simm.s32 $0x2;
	p0 =	sne.s32 s15, $0x0  }
.Ltmp6:
0xab: {  	_ =	swait.ge [sflag:s14], $0x4000;
	(pc) =	sbr.rel @!p0 .LBB2_11-.Ltmp6, $4  }
0xac: {  	[sflag:s14] =	ssyncset.done $0x0  }
0xad: {  	s31 =	simm.s32 $0x5080;
	[sflag:s14] =	ssyncadd.s32 $0xFFFFC000  }
0xae: {  	[spmem:s3] =	stream.indirect.scatter.add.f32 [tilespmem:s12], [sflag:$0x3], $0x80, s31, s11, $0xb8;
	[tilespmem:$0x1E080] =	vst v63  }
0xaf: {  	s16 =	simm.s32 $0x180;
	s17 =	simm.s32 $0x4;
	_ =	swait.ge [sflag:s4], $0x4000  }
.LBB2_10:
0xb0: {  	s15 =	sadd.s32 $0xFFFFFFFF, s15;
	[sflag:s4] =	ssyncset.done $0x0;
	s13 =	sadd.s32 $0x100, s13  }
0xb1: {  	p0 =	sne.s32 s15, $0x0;
	[sflag:s4] =	ssyncadd.s32 $0xFFFFC000  }
0xb2: {  	[tilespmem:s12], [sflag:$0x2] =	stream.indirect.gather [hbm4b:s2+s11], $0x80, s16, s11, $0xb8;
	[tilespmem:$0x1E080] =	vst v63  }
0xb3: {  	_ =	swait.ge [sflag:s6], $0x4000  }
0xb4: {  	[sflag:s6] =	ssyncset.done $0x0  }
0xb5: {  	[sflag:s6] =	ssyncadd.s32 $0xFFFFC000  }
0xb6: {  	[spmem:s3] =	stream.indirect.scatter.add.f32 [tilespmem:s10], [sflag:$0x3], $0x80, s13, s11, $0xb8;
	[tilespmem:$0x1E080] =	vst v63  }
0xb7: {  	p1 =	sge.s32 s17, s5;
	_ =	swait.ge [sflag:s4], $0x4000  }
0xb8: {  	s18 =	sadd.s32 @!p1 $0x80, s16;
	s19 =	simm.s32 @!p1 $0x80;
	[sflag:s4] =	ssyncset.done $0x0  }
0xb9: {  	s20 =	simm.s32 @!p1 $0xA080;
	[sflag:s4] =	ssyncadd.s32 $0xFFFFC000  }
0xba: {  	[tilespmem:s20], [sflag:$0x1] =	stream.indirect.gather @!p1 [hbm4b:s2+s19], $0x80, s18, s19, $0xb8;
	[tilespmem:$0x1E080] =	vst v63  }
.Ltmp7:
0xbb: {  	_ =	swait.ge [sflag:s14], $0x4000;
	(pc) =	sbr.rel @p0 .LBB2_10-.Ltmp7, $4  }
0xbc: {  	s18 =	sadd.s32 $0x80, s13;
	[sflag:s14] =	ssyncset.done $0x0  }
0xbd: {  	[sflag:s14] =	ssyncadd.s32 $0xFFFFC000  }
0xbe: {  	[spmem:s3] =	stream.indirect.scatter.add.f32 [tilespmem:s12], [sflag:$0x3], $0x80, s18, s11, $0xb8;
	[tilespmem:$0x1E080] =	vst v63  }
0xbf: {  	s17 =	sadd.s32 $0x2, s17;
	s16 =	sadd.s32 $0x100, s16;
	_ =	swait.ge [sflag:s4], $0x4000  }
.LBB2_11:
0xc0: {  	[sflag:s4] =	ssyncset.done $0x0  }
0xc1: {  	[sflag:s4] =	ssyncadd.s32 $0xFFFFC000  }
.LBB2_12:
0xc2: {  	[bflag:$0x0] =	sbarrier.arrive $0xFFFF  }
0xc3: {  	[hbm:s9], [sflag:s7] =	dma.local [spmem:s8], $0x1800  }
0xc4: {  	_ =	swait.ge [sflag:s4], $0x1800  }
0xc5: {  	[sflag:s4] =	ssyncset.done $0x0  }
0xc6: {  	[sflag:s4] =	ssyncadd.s32 $0xFFFFE800  }
0xc7: {  	[bflag:$0x0] =	sbarrier.arrive $0xFFFF  }
0xc8: {  	_ =	sfence.sel $0x180000  }
0xc9: {  	[bflag:$0x0] =	sbarrier.arrive $0xFFFF  }
0xca: {  	p0 =	sne.s32 s1, $0x0;
	_ =	strace $0x9000004D  }
0xcb: {  	s0 =	sadd.s32 @!p0 $0x100000, s0;
	[bflag:$0x2] =	sbarrier.arrive $0xFFFF  }
0xcc: {  	[sflag:s0] =	ssyncadd.tile.s32 @!p0 $0x1;
	_ =	shalt  }
.Lfunc_end2:
_tile_overlayer_lowered:
.L_overlay_start_2:
0xcd: {  	(tag) =	ssettag $0x2  }
0xce: {  	s0 =	rddreg [dreg:$0x0];
	s2 =	stileid.u32  }
0xcf: {  	s1 =	rddreg [dreg:$0x1];
	p0 =	sne.s32 s2, $0x0  }
0xd0: {  	s3 =	rddreg [dreg:$0x2];
	[bflag:$0x3] =	sbarrier.arrive $0xFFFF;
	s2 =	simm.s32 @!p0 $0x1C03  }
0xd1: {  	[timem:s3], [sflag:s2] =	dma.local @!p0 [hbm:s0], s1  }
0xd2: {  	s0 =	simm.s32 @!p0 $0x3  }
0xd3: {  	_ =	swait.ge @!p0 [sflag:s0], s1  }
0xd4: {  	s1 =	ssub.s32 @!p0 $0x0, s1;
	[sflag:s0] =	ssyncset.done @!p0 $0x0  }
0xd5: {  	[sflag:s0] =	ssyncadd.s32 @!p0 s1  }
0xd6: {  	[bflag:$0x3] =	sbarrier.arrive $0xFFFF  }
0xd7: {  	_ =	shalt  }

// kernel: kernel.18.cloned.1.call-start
scs
__scs_entry_jumppad:
0x0: {  	(pc) =	sbr.rel $0x88, $3  }
0x1: {  	(tag) =	ssettag $0x0;
	lr =	simm.s32 $0x1  }
0x2: {  	[smem:$0x3F95] =	sst lr;
	_ =	strace $0xD0000000  }
0x3: {  	_ = 	snop  }
0x4: {  	_ = 	snop  }
0x5: {  	_ = 	snop  }
0x6: {  	_ = 	snop  }
0x7: {  	_ = 	snop  }
__scs_overlays_trampoline_lowered:
0x8: {  	[smem:$0x3FA4] =	sst s0  }
0x9: {  	[smem:$0x3FA5] =	sst s1  }
0xa: {  	[smem:$0x3FA6] =	sst s2  }
0xb: {  	[smem:$0x3FA7] =	sst s3  }
0xc: {  	[smem:$0x3FA8] =	sst s4  }
0xd: {  	[smem:$0x3FA9] =	sst s5  }
0xe: {  	[smem:$0x3FAA] =	sst s6  }
0xf: {  	[smem:$0x3FAB] =	sst s7  }
0x10: {  	[smem:$0x3FAC] =	sst s8  }
0x11: {  	[smem:$0x3FAD] =	sst s9;
	s0 =	simm.s32 @!p0 $0x0  }
0x12: {  	s1 =	sld [smem:$0x3F93];
	s0 =	simm.s32 @p0 $0x1  }
0x13: {  	[smem:$0x3FAE] =	sst s0;
	s0 =	simm.s32 @!p1 $0x0  }
0x14: {  	s2 =	sld [smem:$0x3F92];
	s0 =	simm.s32 @p1 $0x1  }
0x15: {  	[smem:$0x3FAF] =	sst s0;
	s0 =	simm.s32 @!p2 $0x0  }
0x16: {  	s3 =	sld [smem:$0x3FDB];
	s0 =	simm.s32 @p2 $0x1  }
0x17: {  	s4 =	simm.s32 $0x1BF5;
	[smem:$0x3FB1] =	sst s0  }
0x18: {  	s0 =	sld [smem:$0x3F94];
	_ =	swait.ge [sflag:s4], $0x0  }
0x19: {  	s7 =	sld [smem:$0x3F95]  }
0x1a: {  	s8 =	sadd.s32 $0xFFFFE003, lr  }
0x1b: {  	s9 =	sadd.s32 $0xFFFFFEF7, lr;
	s5 =	simm.s32 $0xFFFFFFFF;
	p2 =	slt.u32 s8, $0xFFFFF086  }
0x1c: {  	p1 =	slt.u32 s9, $0xF7A;
	s5 =	simm.s32 @!p2 $0x0  }
0x1d: {  	s5 =	simm.s32 @p1 $0x1;
	p0 =	seq.s32 s7, s2  }
0x1e: {  	s7 =	smul.u32 @!p0 $0xF7A, s2;
	p2 =	seq.s32 @!p0 s5, $0x0  }
0x1f: {  	s9 =	smul.u32 $0xF7A, s1;
	s8 =	simm.s32 @!p0 $0x1BF5;
	p2 =	por !p2, p0  }
0x20: {  	[sflag:s8] =	ssyncset.s32 @!p0 $0xFFFFF086;
	s6 =	sadd.s32 @!p0 s3, s7;
	s7 =	simm.s32 @!p0 $0x108  }
0x21: {  	s3 =	sadd.s32 s3, s9;
	s6 =	sadd.s32 @!p0 $0x88, s6;
	s7 =	simm.s32 @p2 $0x1082  }
0x22: {  	[simem:s7], [sflag:s8] =	dma.local @!p0 [hbm:s6], $0xF7A  }
0x23: {  	s9 =	sor.u32 $0xD0000000, s2;
	s6 =	simm.s32 $0x108;
	_ =	swait.ge @!p0 [sflag:s8], $0x0  }
0x24: {  	s3 =	sadd.s32 $0x88, s3;
	s6 =	simm.s32 @!p1 $0x1082;
	[sflag:s4] =	ssyncset.s32 $0xFFFFF086  }
0x25: {  	[simem:s6], [sflag:s4] =	dma.local [hbm:s3], $0xF7A  }
0x26: {  	[smem:$0x3F95] =	sst s1;
	(tag) =	ssettag s2;
	_ =	strace s9  }
0x27: {  	s1 =	sld [smem:$0x3FA5]  }
0x28: {  	s2 =	sld [smem:$0x3FA6]  }
0x29: {  	s4 =	sld [smem:$0x3FA8]  }
0x2a: {  	p0 =	seq.s32 s5, $0x0;
	s5 =	sld [smem:$0x3FA9]  }
0x2b: {  	s6 =	sld [smem:$0x3FAA]  }
0x2c: {  	s7 =	sld [smem:$0x3FAB]  }
0x2d: {  	s3 =	simm.s32 $0x108;
	s8 =	sld [smem:$0x3FAC]  }
0x2e: {  	s3 =	simm.s32 @!p0 $0x1082;
	s9 =	sld [smem:$0x3FAD]  }
0x2f: {  	lr =	sadd.s32 s0, s3;
	s0 =	sld [smem:$0x3FA4]  }
0x30: {  	s3 =	sld [smem:$0x3FA7]  }
0x31: {  	[smem:$0x3FB0] =	sst s10  }
0x32: {  	s10 =	sld [smem:$0x3FAE];
	_ =	sdelay $0x3  }
0x33: {  	p0 =	seq.s32 s10, $0x1;
	s10 =	sld [smem:$0x3FB0];
	_ =	sdelay $0x3  }
0x34: {  	[smem:$0x3FB0] =	sst s10  }
0x35: {  	s10 =	sld [smem:$0x3FAF];
	_ =	sdelay $0x3  }
0x36: {  	p1 =	seq.s32 s10, $0x1;
	s10 =	sld [smem:$0x3FB0];
	_ =	sdelay $0x3  }
0x37: {  	[smem:$0x3FB0] =	sst s10  }
0x38: {  	s10 =	sld [smem:$0x3FB1]  }
0x39: {  	_ = 	snop;
	(pc) =	sbr.ind lr, $3  }
0x3a: {  	_ = 	snop  }
0x3b: {  	_ = 	snop  }
0x3c: {  	p2 =	seq.s32 s10, $0x1;
	s10 =	sld [smem:$0x3FB0]  }
0x3d: {  	_ =	shalt  }
0x3e: {  	_ =	shalt  }
0x3f: {  	_ =	shalt  }
0x40: {  	_ =	shalt  }
0x41: {  	_ =	shalt  }
0x42: {  	_ =	shalt  }
0x43: {  	_ =	shalt  }
0x44: {  	_ =	shalt  }
0x45: {  	_ =	shalt  }
0x46: {  	_ =	shalt  }
0x47: {  	_ =	shalt  }
0x48: {  	_ =	shalt  }
0x49: {  	_ =	shalt  }
0x4a: {  	_ =	shalt  }
0x4b: {  	_ =	shalt  }
0x4c: {  	_ =	shalt  }
0x4d: {  	_ =	shalt  }
0x4e: {  	_ =	shalt  }
0x4f: {  	_ =	shalt  }
0x50: {  	_ =	shalt  }
0x51: {  	_ =	shalt  }
0x52: {  	_ =	shalt  }
0x53: {  	_ =	shalt  }
0x54: {  	_ =	shalt  }
0x55: {  	_ =	shalt  }
0x56: {  	_ =	shalt  }
0x57: {  	_ =	shalt  }
0x58: {  	_ =	shalt  }
0x59: {  	_ =	shalt  }
0x5a: {  	_ =	shalt  }
0x5b: {  	_ =	shalt  }
0x5c: {  	_ =	shalt  }
0x5d: {  	_ =	shalt  }
0x5e: {  	_ =	shalt  }
0x5f: {  	_ =	shalt  }
0x60: {  	_ =	shalt  }
0x61: {  	_ =	shalt  }
0x62: {  	_ =	shalt  }
0x63: {  	_ =	shalt  }
0x64: {  	_ =	shalt  }
0x65: {  	_ =	shalt  }
0x66: {  	_ =	shalt  }
0x67: {  	_ =	shalt  }
0x68: {  	_ =	shalt  }
0x69: {  	_ =	shalt  }
0x6a: {  	_ =	shalt  }
0x6b: {  	_ =	shalt  }
0x6c: {  	_ =	shalt  }
0x6d: {  	_ =	shalt  }
0x6e: {  	_ =	shalt  }
0x6f: {  	_ =	shalt  }
0x70: {  	_ =	shalt  }
0x71: {  	_ =	shalt  }
0x72: {  	_ =	shalt  }
0x73: {  	_ =	shalt  }
0x74: {  	_ =	shalt  }
0x75: {  	_ =	shalt  }
0x76: {  	_ =	shalt  }
0x77: {  	_ =	shalt  }
0x78: {  	_ =	shalt  }
0x79: {  	_ =	shalt  }
0x7a: {  	_ =	shalt  }
0x7b: {  	_ =	shalt  }
0x7c: {  	_ =	shalt  }
0x7d: {  	_ =	shalt  }
0x7e: {  	_ =	shalt  }
0x7f: {  	_ =	shalt  }
0x80: {  	_ =	shalt  }
0x81: {  	_ =	shalt  }
0x82: {  	_ =	shalt  }
0x83: {  	_ =	shalt  }
0x84: {  	_ =	shalt  }
0x85: {  	_ =	shalt  }
0x86: {  	_ =	shalt  }
0x87: {  	_ =	shalt  }
.Lfunc_end0:
.L_simem_size_0:
called_computation.3_lowered:
.L_overlay_start_0:
0x88: {  	s0 =	sld [smem:$0x3FD9]  }
0x89: {  	s1 =	sld [smem:$0x3FFE];
	_ =	sdelay $0x3  }
0x8a: {  	s0 =	sadd.s32 s1, s0  }
0x8b: {  	[smem:$0x3FBC] =	sst s0  }
0x8c: {  	_ = 	snop  }
0x8d: {  	s0 =	sld [smem:$0x3FD0];
	(tm) =	ssettm $0x1  }
0x8e: {  	s16 =	sld [smem:$0x3FFB];
	_ =	sdelay $0x3  }
0x8f: {  	_ =	strace s16  }
0x90: {  	s1 =	sld [smem:$0x3FFC];
	_ =	sdelay $0x3  }
0x91: {  	_ =	strace s1  }
0x92: {  	s1 =	sld [smem:$0x3FFD];
	_ =	sdelay $0x3  }
0x93: {  	_ =	strace s1  }
0x94: {  	_ =	strace $0x8FFFFFFF  }
0x95: {  	s17 =	sld [smem:$0x3FDB];
	_ =	sdelay $0x1  }
0x96: {  	s2 =	simm.s32 $_scs_section_size  }
0x97: {  	s3 =	simm.s32 $_size__tile_overlayer_lowered;
	s4 =	simm.s32 $_tile_overlayer_lowered  }
0x98: {  	s20 =	simm.s32 $0x1BFF;
	s19 =	sshll.u32 s4, $0x1;
	s1 =	sadd.s32 s2, s17  }
0x99: {  	s5 =	simm.s32 $0x0;
	s18 =	sshll.u32 s3, $0x1;
	s3 =	sadd.s32 s19, s1  }
0x9a: {  	[timem:s5], [sflag:s20] =	dma.local [hbm:s3], s18  }
0x9b: {  	_ =	swait.ge [sflag:s20], s18  }
0x9c: {  	s2 =	ssub.s32 $0x0, s18;
	[sflag:s20] =	ssyncset.done $0x0  }
0x9d: {  	[sflag:s20] =	ssyncadd.s32 s2;
	_ =	sdelay $0x1  }
0x9e: {  	s21 =	simm.s32 $0x1B8B  }
0x9f: {  	_ =	swait.ge [sflag:s21], $0x1  }
0xa0: {  	[sflag:s21] =	ssyncset.done $0x0  }
0xa1: {  	s23 =	simm.s32 $0x1B8E;
	s22 =	sld [smem:$0x3FFE];
	[sflag:s21] =	ssyncadd.s32 $0xFFFFFFFF  }
0xa2: {  	s24 =	simm.s32 $execute0_lowered;
	[smem:$0x3FD2] =	sst s23  }
0xa3: {  	s3 =	sshll.u32 s24, $0x1;
	_ =	strace $0x8000004F;
	[dreg:$0x1] =	wrdreg $0xFFFFFFFF  }
0xa4: {  	s25 =	simm.s32 $_size_execute0_lowered;
	s1 =	sadd.s32 s1, s3;
	[dreg:$0x0] =	wrdreg $0x0  }
0xa5: {  	s3 =	sshll.u32 s25, $0x1;
	[dreg:$0x2] =	wrdreg s1  }
0xa6: {  	[dreg:$0x3] =	wrdreg s3  }
0xa7: {  	[dreg:$0x4] =	wrdreg $0xC0  }
0xa8: {  	_ =	task [dreg:s5], $0x5FFFF  }
0xa9: {  	[dreg:$0x1] =	wrdreg $0xFFFFFFFF  }
0xaa: {  	[dreg:$0x0] =	wrdreg $0x60  }
0xab: {  	[dreg:$0x2] =	wrdreg s0  }
0xac: {  	[dreg:$0x3] =	wrdreg s22  }
0xad: {  	[dreg:$0x4] =	wrdreg $0x120800  }
0xae: {  	[dreg:$0x5] =	wrdreg $0x9  }
0xaf: {  	_ =	task.clear_ibuf [dreg:s5], $0x6FFFF;
	_ =	strace $0x9000004F  }
0xb0: {  	s26 =	simm.s32 $0x9;
	_ =	strace $0x80000051  }
0xb1: {  	_ =	swait.ge [sflag:s26], $0x1  }
0xb2: {  	[sflag:s26] =	ssyncadd.s32 $0xFFFFFFFF  }
0xb3: {  	_ =	strace $0x90000051  }
0xb4: {  	_ =	sfence  }
0xb5: {  	s28 =	sld [smem:$0x0];
	_ =	sdelay $0x1  }
0xb6: {  	s29 =	srdreg.scid  }
0xb7: {  	s30 =	sshll.u32 s29, $0xD;
	s31 =	sshrl.u32 s29, $0x2  }
0xb8: {  	s2 =	sand.u32 $0x4000, s30;
	s1 =	sand.u32 $0x1, s29;
	s0 =	sadd.s32 s31, s28  }
0xb9: {  	s1 =	sor.u32 s2, s1;
	s0 =	sshll.u32 s0, $0x11  }
0xba: {  	s0 =	sor.u32 s0, s1  }
0xbb: {  	s0 =	sadd.s32 $0x8F2B, s0  }
0xbc: {  	[sflag:s0] =	ssyncadd.remote.s32 $0x1  }
0xbd: {  	_ =	sfence.sel $0xFFFF  }
0xbe: {  	[dreg:$0x0] =	wrdreg $0xFFFFFFFF;
	(pc) =	sbr.abs _section_cstart, $3  }
0xbf: {  	[dreg:$0x1] =	wrdreg $0xFFFFFFFF  }
0xc0: {  	_ =	task.clear_ibuf [dreg:s5], $0x2FFFF;
	_ =	strace $0x9FFFFFFF  }
0xc1: {  	(tm) =	ssettm $0x7FFFFFFF  }
tec
execute0_lowered:
.L_overlay_start_1:
0x0: {  	(tag) =	ssettag $0x1  }
0x1: {  	s2 =	rddreg [dreg:$0x0]  }
0x2: {  	s4 =	rddreg [dreg:$0x1]  }
0x3: {  	s3 =	rddreg [dreg:$0x2]  }
0x4: {  	s1 =	stileid.u32;
	s0 =	rddreg [dreg:$0x3]  }
0x5: {  	s5 =	simm.s32 $0x0;
	s7 =	simm.s32 $0xA000;
	s6 =	sshll.u32 s1, $0x4  }
0x6: {  	s30 =	simm.s32 $0x3;
	[smem:$0x7FF] =	sst s5;
	s6 =	sadd.s32 s6, s4  }
0x7: {  	s29 =	smul.u32 $0xA000, s1;
	_ =	strace $0x80000050;
	s6 =	sadd.s32 $0x3FE00, s6  }
0x8: {  	[tilespmem:s7], [sflag:$0x3] =	stream.linear.gather [hbm4b:s6+s5], $0x80, $0x38;
	[tilespmem:$0x1E080] =	vst v63  }
0x9: {  	_ =	swait.ge [sflag:s30], $0x80  }
0xa: {  	s10 =	sadd.s32 $0x17E00, s4;
	s8 =	sshrl.u32 s29, $0x3;
	[sflag:s30] =	ssyncset.done $0x0  }
0xb: {  	s6 =	sadd.s32 s10, s8;
	[sflag:s30] =	ssyncadd.s32 $0xFFFFFF80  }
0xc: {  	[tilespmem:s5], [sflag:$0x3] =	stream.linear.gather [hbm4b:s6+s5], $0x4F00, $0x38;
	[tilespmem:$0x1E080] =	vst v63  }
0xd: {  	_ =	swait.ge [sflag:s30], $0x4F00  }
0xe: {  	s11 =	sadd.s32 $0x2BE00, s4;
	[sflag:s30] =	ssyncset.done $0x0  }
0xf: {  	s9 =	simm.s32 $0x5000;
	s31 =	sadd.s32 s11, s8;
	[sflag:s30] =	ssyncadd.s32 $0xFFFFB100  }
0x10: {  	[tilespmem:s9], [sflag:$0x3] =	stream.linear.gather [hbm4b:s31+s5], $0x4F00, $0x38;
	[tilespmem:$0x1E080] =	vst v63  }
0x11: {  	_ =	swait.ge [sflag:s30], $0x4F00  }
0x12: {  	[sflag:s30] =	ssyncset.done $0x0  }
0x13: {  	[sflag:s30] =	ssyncadd.s32 $0xFFFFB100  }
0x14: {  	v1 =	vimm.f32 $0.0e+00;
	s14 =	sadd.s32 $0x40000, s4;
	s4 =	simm.s32 $0x0;
	s5 =	simm.s32 $0x200;
	v0 =	vld [tilespmem:$0xA000]  }
.LBB2_1:
0x15: {  	p0 =	sne.s32 s5, $0xFE00;
	[tilespmem:s4+$0xA0F0] =	vst v1  }
0x16: {  	[tilespmem:s4+$0xA080] =	vst v1  }
0x17: {  	[tilespmem:s4+$0xA090] =	vst v1  }
.Ltmp0:
0x18: {  	[tilespmem:s4+$0xA0A0] =	vst v1;
	(pc) =	sbr.rel @p0 .LBB2_1-.Ltmp0, $4  }
0x19: {  	[tilespmem:s4+$0xA0B0] =	vst v1  }
0x1a: {  	[tilespmem:s4+$0xA0C0] =	vst v1  }
0x1b: {  	[tilespmem:s4+$0xA0D0] =	vst v1  }
0x1c: {  	[tilespmem:s4+$0xA0E0] =	vst v1;
	s4 =	sshra.s32 s5, $0x2;
	s5 =	sadd.s32 $0x200, s5  }
0x1d: {  	[tilespmem:s4+$0xA0F0] =	vst v1  }
0x1e: {  	[tilespmem:s4+$0xA080] =	vst v1  }
0x1f: {  	[tilespmem:s4+$0xA090] =	vst v1  }
0x20: {  	[tilespmem:s4+$0xA0A0] =	vst v1  }
0x21: {  	[tilespmem:s4+$0xA0B0] =	vst v1;
	s5 =	smul.u32 $0x30000, s1  }
0x22: {  	[tilespmem:s4+$0xA0C0] =	vst v1  }
0x23: {  	[tilespmem:s4+$0xA0D0] =	vst v1;
	s5 =	sshrl.u32 s5, $0x2  }
0x24: {  	[tilespmem:s4+$0xA0E0] =	vst v1;
	s7 =	simm.s32 $0xA080;
	s9 =	simm.s32 $0x3;
	s4 =	sadd.s32 s5, s3  }
0x25: {  	[spmem:s4] =	stream.linear.scatter [tilespmem:s7], [sflag:$0x3], $0x4000, $0x38;
	[tilespmem:$0x1E080] =	vst v63  }
0x26: {  	_ =	swait.ge [sflag:s9], $0x4000  }
0x27: {  	[sflag:s9] =	ssyncset.done $0x0  }
0x28: {  	s5 =	sadd.s32 $0x4000, s4;
	[sflag:s9] =	ssyncadd.s32 $0xFFFFC000  }
0x29: {  	[spmem:s5] =	stream.linear.scatter [tilespmem:s7], [sflag:$0x3], $0x4000, $0x38;
	[tilespmem:$0x1E080] =	vst v63  }
0x2a: {  	_ =	swait.ge [sflag:s9], $0x4000  }
0x2b: {  	[sflag:s9] =	ssyncset.done $0x0  }
0x2c: {  	s6 =	sadd.s32 $0x8000, s4;
	[sflag:s9] =	ssyncadd.s32 $0xFFFFC000  }
0x2d: {  	[spmem:s6] =	stream.linear.scatter [tilespmem:s7], [sflag:$0x3], $0x4000, $0x38;
	[tilespmem:$0x1E080] =	vst v63  }
0x2e: {  	_ =	swait.ge [sflag:s9], $0x4000  }
0x2f: {  	(v2sf) =	vpush v0, $0x0;
	_ =	sdelay $0xe  }
0x30: {  	s12 =	spop (v2sf)  }
0x31: {  	s13 =	sand.u32 $0x7F, s12  }
0x32: {  	s15 =	sshra.s32 s12, $0x1F;
	p0 =	slt.s32 s12, $0x1;
	p1 =	sne.s32 s13, $0x0  }
0x33: {  	s29 =	sshrl.u32 s15, $0x19;
	p0 =	por !p0, !p1  }
0x34: {  	s13 =	simm.s32 $0x1;
	s12 =	sadd.s32 s29, s12;
	p0 =	por !p0, !p0  }
0x35: {  	s12 =	sshra.s32 s12, $0x7;
	s13 =	simm.s32 @!p0 $0x0  }
0x36: {  	s16 =	sadd.s32 $0xA00, s8;
	s8 =	ssub.s32 s12, s13  }
0x37: {  	s30 =	smul.u32 $0x1800, s1;
	p0 =	slt.s32 s8, $0x1  }
.Ltmp1:
0x38: {  	_ = 	snop;
	(pc) =	sbr.rel @p0 .LBB2_6-.Ltmp1, $4  }
0x39: {  	s17 =	smul.u32 $0xC000, s1;
	[sflag:s9] =	ssyncset.done $0x0  }
0x3a: {  	s11 =	sadd.s32 s11, s16;
	[sflag:s9] =	ssyncadd.s32 $0xFFFFC000  }
0x3b: {  	s31 =	sshrl.u32 s17, $0x3;
	[bflag:$0x0] =	sbarrier.arrive $0xFFFF;
	s13 =	sadd.s32 s14, s30  }
0x3c: {  	s12 =	sadd.s32 s10, s16;
	s10 =	sadd.s32 s14, s31;
	s14 =	simm.s32 $0x1  }
0x3d: {  	s15 =	simm.s32 $0x80;
	s16 =	simm.s32 $0x0  }
0x3e: {  	[tilespmem:s7], [sflag:$0x1] =	stream.indirect.gather [hbm4b:s2+s15], $0x80, s16, s15, $0xb8;
	[tilespmem:$0x1E080] =	vst v63  }
0x3f: {  	s16 =	simm.s32 $0xE080  }
0x40: {  	[tilespmem:s16], [sflag:$0x2] =	stream.indirect.gather [hbm4b:s2+s15], $0x80, s15, s15, $0xb8;
	[tilespmem:$0x1E080] =	vst v63  }
0x41: {  	_ =	swait.ge [sflag:s14], $0x4000  }
0x42: {  	[sflag:s14] =	ssyncset.done $0x0  }
0x43: {  	s17 =	simm.s32 $0x5000;
	[sflag:s14] =	ssyncadd.s32 $0xFFFFC000  }
0x44: {  	[spmem:s3] =	stream.indirect.scatter.add.f32 [tilespmem:s7], [sflag:$0x3], $0x80, s17, s15, $0xb8;
	[tilespmem:$0x1E080] =	vst v63  }
0x45: {  	p0 =	sle.s32 s8, $0x2;
	_ =	swait.ge [sflag:s9], $0x4000  }
0x46: {  	s30 =	sadd.s32 $0x1, s8;
	s19 =	simm.s32 @!p0 $0x100;
	[sflag:s9] =	ssyncset.done $0x0  }
0x47: {  	s20 =	simm.s32 @!p0 $0x80;
	s21 =	simm.s32 @!p0 $0xA080;
	[sflag:s9] =	ssyncadd.s32 $0xFFFFC000  }
0x48: {  	[tilespmem:s21], [sflag:$0x1] =	stream.indirect.gather @!p0 [hbm4b:s2+s20], $0x80, s19, s20, $0xb8;
	[tilespmem:$0x1E080] =	vst v63  }
0x49: {  	s19 =	sshrl.u32 s30, $0x1  }
0x4a: {  	s19 =	sadd.s32 $0xFFFFFFFF, s19  }
0x4b: {  	s18 =	simm.s32 $0x2;
	p0 =	sne.s32 s19, $0x0  }
.Ltmp2:
0x4c: {  	_ =	swait.ge [sflag:s18], $0x4000;
	(pc) =	sbr.rel @!p0 .LBB2_5-.Ltmp2, $4  }
0x4d: {  	[sflag:s18] =	ssyncset.done $0x0  }
0x4e: {  	s31 =	simm.s32 $0x5080;
	[sflag:s18] =	ssyncadd.s32 $0xFFFFC000  }
0x4f: {  	[spmem:s3] =	stream.indirect.scatter.add.f32 [tilespmem:s16], [sflag:$0x3], $0x80, s31, s15, $0xb8;
	[tilespmem:$0x1E080] =	vst v63  }
0x50: {  	s20 =	simm.s32 $0x180;
	s21 =	simm.s32 $0x4;
	_ =	swait.ge [sflag:s9], $0x4000  }
.LBB2_4:
0x51: {  	s19 =	sadd.s32 $0xFFFFFFFF, s19;
	[sflag:s9] =	ssyncset.done $0x0;
	s17 =	sadd.s32 $0x100, s17  }
0x52: {  	p0 =	sne.s32 s19, $0x0;
	[sflag:s9] =	ssyncadd.s32 $0xFFFFC000  }
0x53: {  	[tilespmem:s16], [sflag:$0x2] =	stream.indirect.gather [hbm4b:s2+s15], $0x80, s20, s15, $0xb8;
	[tilespmem:$0x1E080] =	vst v63  }
0x54: {  	_ =	swait.ge [sflag:s14], $0x4000  }
0x55: {  	[sflag:s14] =	ssyncset.done $0x0  }
0x56: {  	[sflag:s14] =	ssyncadd.s32 $0xFFFFC000  }
0x57: {  	[spmem:s3] =	stream.indirect.scatter.add.f32 [tilespmem:s7], [sflag:$0x3], $0x80, s17, s15, $0xb8;
	[tilespmem:$0x1E080] =	vst v63  }
0x58: {  	p1 =	sge.s32 s21, s8;
	_ =	swait.ge [sflag:s9], $0x4000  }
0x59: {  	s22 =	sadd.s32 @!p1 $0x80, s20;
	s23 =	simm.s32 @!p1 $0x80;
	[sflag:s9] =	ssyncset.done $0x0  }
0x5a: {  	s24 =	simm.s32 @!p1 $0xA080;
	[sflag:s9] =	ssyncadd.s32 $0xFFFFC000  }
0x5b: {  	[tilespmem:s24], [sflag:$0x1] =	stream.indirect.gather @!p1 [hbm4b:s2+s23], $0x80, s22, s23, $0xb8;
	[tilespmem:$0x1E080] =	vst v63  }
.Ltmp3:
0x5c: {  	_ =	swait.ge [sflag:s18], $0x4000;
	(pc) =	sbr.rel @p0 .LBB2_4-.Ltmp3, $4  }
0x5d: {  	s22 =	sadd.s32 $0x80, s17;
	[sflag:s18] =	ssyncset.done $0x0  }
0x5e: {  	[sflag:s18] =	ssyncadd.s32 $0xFFFFC000  }
0x5f: {  	[spmem:s3] =	stream.indirect.scatter.add.f32 [tilespmem:s16], [sflag:$0x3], $0x80, s22, s15, $0xb8;
	[tilespmem:$0x1E080] =	vst v63  }
0x60: {  	s21 =	sadd.s32 $0x2, s21;
	s20 =	sadd.s32 $0x100, s20;
	_ =	swait.ge [sflag:s9], $0x4000  }
.LBB2_5:
0x61: {  	[sflag:s9] =	ssyncset.done $0x0  }
0x62: {  	[sflag:s9] =	ssyncadd.s32 $0xFFFFC000  }
.LBB2_6:
0x63: {  	s7 =	sshll.u32 s1, $0x6  }
0x64: {  	[bflag:$0x0] =	sbarrier.arrive $0xFFFF;
	s8 =	sshrl.u32 s4, $0x3;
	s7 =	sor.u32 $0x1C03, s7  }
0x65: {  	[hbm:s13], [sflag:s7] =	dma.local [spmem:s8], $0x1800  }
0x66: {  	_ =	swait.ge [sflag:s9], $0x1800  }
0x67: {  	[sflag:s9] =	ssyncset.done $0x0  }
0x68: {  	[sflag:s9] =	ssyncadd.s32 $0xFFFFE800  }
0x69: {  	s30 =	simm.s32 $0x0;
	[bflag:$0x0] =	sbarrier.arrive $0xFFFF  }
0x6a: {  	[tilespmem:s30], [sflag:$0x3] =	stream.linear.gather [hbm4b:s12+s30], $0x4F00, $0x38;
	[tilespmem:$0x1E080] =	vst v63  }
0x6b: {  	_ =	swait.ge [sflag:s9], $0x4F00  }
0x6c: {  	[sflag:s9] =	ssyncset.done $0x0  }
0x6d: {  	s31 =	simm.s32 $0x5000;
	[sflag:s9] =	ssyncadd.s32 $0xFFFFB100  }
0x6e: {  	[tilespmem:s31], [sflag:$0x3] =	stream.linear.gather [hbm4b:s11+s30], $0x4F00, $0x38;
	[tilespmem:$0x1E080] =	vst v63  }
0x6f: {  	_ =	swait.ge [sflag:s9], $0x4F00  }
0x70: {  	[sflag:s9] =	ssyncset.done $0x0  }
0x71: {  	[sflag:s9] =	ssyncadd.s32 $0xFFFFB100  }
0x72: {  	v1 =	vimm.f32 $0.0e+00;
	s11 =	simm.s32 $0x200;
	s9 =	sadd.s32 $0x18000, s10;
	s10 =	simm.s32 $0x0;
	v0 =	vld [tilespmem:$0xA000]  }
.LBB2_7:
0x73: {  	p0 =	sne.s32 s11, $0xFE00;
	[tilespmem:s10+$0xA0F0] =	vst v1  }
0x74: {  	[tilespmem:s10+$0xA080] =	vst v1  }
0x75: {  	[tilespmem:s10+$0xA090] =	vst v1  }
.Ltmp4:
0x76: {  	[tilespmem:s10+$0xA0A0] =	vst v1;
	(pc) =	sbr.rel @p0 .LBB2_7-.Ltmp4, $4  }
0x77: {  	[tilespmem:s10+$0xA0B0] =	vst v1  }
0x78: {  	[tilespmem:s10+$0xA0C0] =	vst v1  }
0x79: {  	[tilespmem:s10+$0xA0D0] =	vst v1  }
0x7a: {  	[tilespmem:s10+$0xA0E0] =	vst v1;
	s10 =	sshra.s32 s11, $0x2;
	s11 =	sadd.s32 $0x200, s11  }
0x7b: {  	[tilespmem:s10+$0xA0F0] =	vst v1  }
0x7c: {  	[tilespmem:s10+$0xA080] =	vst v1  }
0x7d: {  	[tilespmem:s10+$0xA090] =	vst v1  }
0x7e: {  	[tilespmem:s10+$0xA0A0] =	vst v1  }
0x7f: {  	[tilespmem:s10+$0xA0B0] =	vst v1  }
0x80: {  	[tilespmem:s10+$0xA0C0] =	vst v1  }
0x81: {  	[tilespmem:s10+$0xA0D0] =	vst v1  }
0x82: {  	[tilespmem:s10+$0xA0E0] =	vst v1;
	s10 =	simm.s32 $0xA080  }
0x83: {  	[spmem:s4] =	stream.linear.scatter [tilespmem:s10], [sflag:$0x3], $0x4000, $0x38;
	[tilespmem:$0x1E080] =	vst v63  }
0x84: {  	s4 =	simm.s32 $0x3  }
0x85: {  	_ =	swait.ge [sflag:s4], $0x4000  }
0x86: {  	[sflag:s4] =	ssyncset.done $0x0  }
0x87: {  	[sflag:s4] =	ssyncadd.s32 $0xFFFFC000  }
0x88: {  	[spmem:s5] =	stream.linear.scatter [tilespmem:s10], [sflag:$0x3], $0x4000, $0x38;
	[tilespmem:$0x1E080] =	vst v63  }
0x89: {  	_ =	swait.ge [sflag:s4], $0x4000  }
0x8a: {  	[sflag:s4] =	ssyncset.done $0x0  }
0x8b: {  	[sflag:s4] =	ssyncadd.s32 $0xFFFFC000  }
0x8c: {  	[spmem:s6] =	stream.linear.scatter [tilespmem:s10], [sflag:$0x3], $0x4000, $0x38;
	[tilespmem:$0x1E080] =	vst v63  }
0x8d: {  	_ =	swait.ge [sflag:s4], $0x4000  }
0x8e: {  	(v2sf) =	vpush v0, $0x1;
	_ =	sdelay $0xe  }
0x8f: {  	s29 =	spop (v2sf)  }
0x90: {  	s30 =	sand.u32 $0x7F, s29  }
0x91: {  	s11 =	sshra.s32 s29, $0x1F;
	p0 =	slt.s32 s29, $0x1;
	p1 =	sne.s32 s30, $0x0  }
0x92: {  	s31 =	sshrl.u32 s11, $0x19;
	p0 =	por !p0, !p1  }
0x93: {  	s6 =	simm.s32 $0x1;
	s5 =	sadd.s32 s31, s29;
	p0 =	por !p0, !p0  }
0x94: {  	s5 =	sshra.s32 s5, $0x7;
	s6 =	simm.s32 @!p0 $0x0  }
0x95: {  	s5 =	ssub.s32 s5, s6  }
0x96: {  	p0 =	slt.s32 s5, $0x1  }
.Ltmp5:
0x97: {  	_ = 	snop;
	(pc) =	sbr.rel @p0 .LBB2_12-.Ltmp5, $4  }
0x98: {  	[sflag:s4] =	ssyncset.done $0x0  }
0x99: {  	[sflag:s4] =	ssyncadd.s32 $0xFFFFC000  }
0x9a: {  	[bflag:$0x0] =	sbarrier.arrive $0xFFFF  }
0x9b: {  	s6 =	simm.s32 $0x1  }
0x9c: {  	s11 =	simm.s32 $0x80;
	s12 =	simm.s32 $0x0  }
0x9d: {  	[tilespmem:s10], [sflag:$0x1] =	stream.indirect.gather [hbm4b:s2+s11], $0x80, s12, s11, $0xb8;
	[tilespmem:$0x1E080] =	vst v63  }
0x9e: {  	s12 =	simm.s32 $0xE080  }
0x9f: {  	[tilespmem:s12], [sflag:$0x2] =	stream.indirect.gather [hbm4b:s2+s11], $0x80, s11, s11, $0xb8;
	[tilespmem:$0x1E080] =	vst v63  }
0xa0: {  	_ =	swait.ge [sflag:s6], $0x4000  }
0xa1: {  	[sflag:s6] =	ssyncset.done $0x0  }
0xa2: {  	s13 =	simm.s32 $0x5000;
	[sflag:s6] =	ssyncadd.s32 $0xFFFFC000  }
0xa3: {  	[spmem:s3] =	stream.indirect.scatter.add.f32 [tilespmem:s10], [sflag:$0x3], $0x80, s13, s11, $0xb8;
	[tilespmem:$0x1E080] =	vst v63  }
0xa4: {  	p0 =	sle.s32 s5, $0x2;
	_ =	swait.ge [sflag:s4], $0x4000  }
0xa5: {  	s30 =	sadd.s32 $0x1, s5;
	s15 =	simm.s32 @!p0 $0x100;
	[sflag:s4] =	ssyncset.done $0x0  }
0xa6: {  	s16 =	simm.s32 @!p0 $0x80;
	s17 =	simm.s32 @!p0 $0xA080;
	[sflag:s4] =	ssyncadd.s32 $0xFFFFC000  }
0xa7: {  	[tilespmem:s17], [sflag:$0x1] =	stream.indirect.gather @!p0 [hbm4b:s2+s16], $0x80, s15, s16, $0xb8;
	[tilespmem:$0x1E080] =	vst v63  }
0xa8: {  	s15 =	sshrl.u32 s30, $0x1  }
0xa9: {  	s15 =	sadd.s32 $0xFFFFFFFF, s15  }
0xaa: {  	s14 =	simm.s32 $0x2;
	p0 =	sne.s32 s15, $0x0  }
.Ltmp6:
0xab: {  	_ =	swait.ge [sflag:s14], $0x4000;
	(pc) =	sbr.rel @!p0 .LBB2_11-.Ltmp6, $4  }
0xac: {  	[sflag:s14] =	ssyncset.done $0x0  }
0xad: {  	s31 =	simm.s32 $0x5080;
	[sflag:s14] =	ssyncadd.s32 $0xFFFFC000  }
0xae: {  	[spmem:s3] =	stream.indirect.scatter.add.f32 [tilespmem:s12], [sflag:$0x3], $0x80, s31, s11, $0xb8;
	[tilespmem:$0x1E080] =	vst v63  }
0xaf: {  	s16 =	simm.s32 $0x180;
	s17 =	simm.s32 $0x4;
	_ =	swait.ge [sflag:s4], $0x4000  }
.LBB2_10:
0xb0: {  	s15 =	sadd.s32 $0xFFFFFFFF, s15;
	[sflag:s4] =	ssyncset.done $0x0;
	s13 =	sadd.s32 $0x100, s13  }
0xb1: {  	p0 =	sne.s32 s15, $0x0;
	[sflag:s4] =	ssyncadd.s32 $0xFFFFC000  }
0xb2: {  	[tilespmem:s12], [sflag:$0x2] =	stream.indirect.gather [hbm4b:s2+s11], $0x80, s16, s11, $0xb8;
	[tilespmem:$0x1E080] =	vst v63  }
0xb3: {  	_ =	swait.ge [sflag:s6], $0x4000  }
0xb4: {  	[sflag:s6] =	ssyncset.done $0x0  }
0xb5: {  	[sflag:s6] =	ssyncadd.s32 $0xFFFFC000  }
0xb6: {  	[spmem:s3] =	stream.indirect.scatter.add.f32 [tilespmem:s10], [sflag:$0x3], $0x80, s13, s11, $0xb8;
	[tilespmem:$0x1E080] =	vst v63  }
0xb7: {  	p1 =	sge.s32 s17, s5;
	_ =	swait.ge [sflag:s4], $0x4000  }
0xb8: {  	s18 =	sadd.s32 @!p1 $0x80, s16;
	s19 =	simm.s32 @!p1 $0x80;
	[sflag:s4] =	ssyncset.done $0x0  }
0xb9: {  	s20 =	simm.s32 @!p1 $0xA080;
	[sflag:s4] =	ssyncadd.s32 $0xFFFFC000  }
0xba: {  	[tilespmem:s20], [sflag:$0x1] =	stream.indirect.gather @!p1 [hbm4b:s2+s19], $0x80, s18, s19, $0xb8;
	[tilespmem:$0x1E080] =	vst v63  }
.Ltmp7:
0xbb: {  	_ =	swait.ge [sflag:s14], $0x4000;
	(pc) =	sbr.rel @p0 .LBB2_10-.Ltmp7, $4  }
0xbc: {  	s18 =	sadd.s32 $0x80, s13;
	[sflag:s14] =	ssyncset.done $0x0  }
0xbd: {  	[sflag:s14] =	ssyncadd.s32 $0xFFFFC000  }
0xbe: {  	[spmem:s3] =	stream.indirect.scatter.add.f32 [tilespmem:s12], [sflag:$0x3], $0x80, s18, s11, $0xb8;
	[tilespmem:$0x1E080] =	vst v63  }
0xbf: {  	s17 =	sadd.s32 $0x2, s17;
	s16 =	sadd.s32 $0x100, s16;
	_ =	swait.ge [sflag:s4], $0x4000  }
.LBB2_11:
0xc0: {  	[sflag:s4] =	ssyncset.done $0x0  }
0xc1: {  	[sflag:s4] =	ssyncadd.s32 $0xFFFFC000  }
.LBB2_12:
0xc2: {  	[bflag:$0x0] =	sbarrier.arrive $0xFFFF  }
0xc3: {  	[hbm:s9], [sflag:s7] =	dma.local [spmem:s8], $0x1800  }
0xc4: {  	_ =	swait.ge [sflag:s4], $0x1800  }
0xc5: {  	[sflag:s4] =	ssyncset.done $0x0  }
0xc6: {  	[sflag:s4] =	ssyncadd.s32 $0xFFFFE800  }
0xc7: {  	[bflag:$0x0] =	sbarrier.arrive $0xFFFF  }
0xc8: {  	_ =	sfence.sel $0x180000  }
0xc9: {  	[bflag:$0x0] =	sbarrier.arrive $0xFFFF  }
0xca: {  	p0 =	sne.s32 s1, $0x0;
	_ =	strace $0x90000050  }
0xcb: {  	s0 =	sadd.s32 @!p0 $0x100000, s0;
	[bflag:$0x2] =	sbarrier.arrive $0xFFFF  }
0xcc: {  	[sflag:s0] =	ssyncadd.tile.s32 @!p0 $0x1;
	_ =	shalt  }
.Lfunc_end2:
_tile_overlayer_lowered:
.L_overlay_start_2:
0xcd: {  	(tag) =	ssettag $0x2  }
0xce: {  	s0 =	rddreg [dreg:$0x0];
	s2 =	stileid.u32  }
0xcf: {  	s1 =	rddreg [dreg:$0x1];
	p0 =	sne.s32 s2, $0x0  }
0xd0: {  	s3 =	rddreg [dreg:$0x2];
	[bflag:$0x3] =	sbarrier.arrive $0xFFFF;
	s2 =	simm.s32 @!p0 $0x1C03  }
0xd1: {  	[timem:s3], [sflag:s2] =	dma.local @!p0 [hbm:s0], s1  }
0xd2: {  	s0 =	simm.s32 @!p0 $0x3  }
0xd3: {  	_ =	swait.ge @!p0 [sflag:s0], s1  }
0xd4: {  	s1 =	ssub.s32 @!p0 $0x0, s1;
	[sflag:s0] =	ssyncset.done @!p0 $0x0  }
0xd5: {  	[sflag:s0] =	ssyncadd.s32 @!p0 s1  }
0xd6: {  	[bflag:$0x3] =	sbarrier.arrive $0xFFFF  }
0xd7: {  	_ =	shalt  }

// kernel: kernel.9.cloned.1.call-start
scs
__scs_entry_jumppad:
0x0: {  	(pc) =	sbr.rel $0x88, $3  }
0x1: {  	(tag) =	ssettag $0x0;
	lr =	simm.s32 $0x1  }
0x2: {  	[smem:$0x3F95] =	sst lr;
	_ =	strace $0xD0000000  }
0x3: {  	_ = 	snop  }
0x4: {  	_ = 	snop  }
0x5: {  	_ = 	snop  }
0x6: {  	_ = 	snop  }
0x7: {  	_ = 	snop  }
__scs_overlays_trampoline_lowered:
0x8: {  	[smem:$0x3FA4] =	sst s0  }
0x9: {  	[smem:$0x3FA5] =	sst s1  }
0xa: {  	[smem:$0x3FA6] =	sst s2  }
0xb: {  	[smem:$0x3FA7] =	sst s3  }
0xc: {  	[smem:$0x3FA8] =	sst s4  }
0xd: {  	[smem:$0x3FA9] =	sst s5  }
0xe: {  	[smem:$0x3FAA] =	sst s6  }
0xf: {  	[smem:$0x3FAB] =	sst s7  }
0x10: {  	[smem:$0x3FAC] =	sst s8  }
0x11: {  	[smem:$0x3FAD] =	sst s9;
	s0 =	simm.s32 @!p0 $0x0  }
0x12: {  	s1 =	sld [smem:$0x3F93];
	s0 =	simm.s32 @p0 $0x1  }
0x13: {  	[smem:$0x3FAE] =	sst s0;
	s0 =	simm.s32 @!p1 $0x0  }
0x14: {  	s2 =	sld [smem:$0x3F92];
	s0 =	simm.s32 @p1 $0x1  }
0x15: {  	[smem:$0x3FAF] =	sst s0;
	s0 =	simm.s32 @!p2 $0x0  }
0x16: {  	s3 =	sld [smem:$0x3FDB];
	s0 =	simm.s32 @p2 $0x1  }
0x17: {  	s4 =	simm.s32 $0x1BF5;
	[smem:$0x3FB1] =	sst s0  }
0x18: {  	s0 =	sld [smem:$0x3F94];
	_ =	swait.ge [sflag:s4], $0x0  }
0x19: {  	s7 =	sld [smem:$0x3F95]  }
0x1a: {  	s8 =	sadd.s32 $0xFFFFE003, lr  }
0x1b: {  	s9 =	sadd.s32 $0xFFFFFEF7, lr;
	s5 =	simm.s32 $0xFFFFFFFF;
	p2 =	slt.u32 s8, $0xFFFFF086  }
0x1c: {  	p1 =	slt.u32 s9, $0xF7A;
	s5 =	simm.s32 @!p2 $0x0  }
0x1d: {  	s5 =	simm.s32 @p1 $0x1;
	p0 =	seq.s32 s7, s2  }
0x1e: {  	s7 =	smul.u32 @!p0 $0xF7A, s2;
	p2 =	seq.s32 @!p0 s5, $0x0  }
0x1f: {  	s9 =	smul.u32 $0xF7A, s1;
	s8 =	simm.s32 @!p0 $0x1BF5;
	p2 =	por !p2, p0  }
0x20: {  	[sflag:s8] =	ssyncset.s32 @!p0 $0xFFFFF086;
	s6 =	sadd.s32 @!p0 s3, s7;
	s7 =	simm.s32 @!p0 $0x108  }
0x21: {  	s3 =	sadd.s32 s3, s9;
	s6 =	sadd.s32 @!p0 $0x88, s6;
	s7 =	simm.s32 @p2 $0x1082  }
0x22: {  	[simem:s7], [sflag:s8] =	dma.local @!p0 [hbm:s6], $0xF7A  }
0x23: {  	s9 =	sor.u32 $0xD0000000, s2;
	s6 =	simm.s32 $0x108;
	_ =	swait.ge @!p0 [sflag:s8], $0x0  }
0x24: {  	s3 =	sadd.s32 $0x88, s3;
	s6 =	simm.s32 @!p1 $0x1082;
	[sflag:s4] =	ssyncset.s32 $0xFFFFF086  }
0x25: {  	[simem:s6], [sflag:s4] =	dma.local [hbm:s3], $0xF7A  }
0x26: {  	[smem:$0x3F95] =	sst s1;
	(tag) =	ssettag s2;
	_ =	strace s9  }
0x27: {  	s1 =	sld [smem:$0x3FA5]  }
0x28: {  	s2 =	sld [smem:$0x3FA6]  }
0x29: {  	s4 =	sld [smem:$0x3FA8]  }
0x2a: {  	p0 =	seq.s32 s5, $0x0;
	s5 =	sld [smem:$0x3FA9]  }
0x2b: {  	s6 =	sld [smem:$0x3FAA]  }
0x2c: {  	s7 =	sld [smem:$0x3FAB]  }
0x2d: {  	s3 =	simm.s32 $0x108;
	s8 =	sld [smem:$0x3FAC]  }
0x2e: {  	s3 =	simm.s32 @!p0 $0x1082;
	s9 =	sld [smem:$0x3FAD]  }
0x2f: {  	lr =	sadd.s32 s0, s3;
	s0 =	sld [smem:$0x3FA4]  }
0x30: {  	s3 =	sld [smem:$0x3FA7]  }
0x31: {  	[smem:$0x3FB0] =	sst s10  }
0x32: {  	s10 =	sld [smem:$0x3FAE];
	_ =	sdelay $0x3  }
0x33: {  	p0 =	seq.s32 s10, $0x1;
	s10 =	sld [smem:$0x3FB0];
	_ =	sdelay $0x3  }
0x34: {  	[smem:$0x3FB0] =	sst s10  }
0x35: {  	s10 =	sld [smem:$0x3FAF];
	_ =	sdelay $0x3  }
0x36: {  	p1 =	seq.s32 s10, $0x1;
	s10 =	sld [smem:$0x3FB0];
	_ =	sdelay $0x3  }
0x37: {  	[smem:$0x3FB0] =	sst s10  }
0x38: {  	s10 =	sld [smem:$0x3FB1]  }
0x39: {  	_ = 	snop;
	(pc) =	sbr.ind lr, $3  }
0x3a: {  	_ = 	snop  }
0x3b: {  	_ = 	snop  }
0x3c: {  	p2 =	seq.s32 s10, $0x1;
	s10 =	sld [smem:$0x3FB0]  }
0x3d: {  	_ =	shalt  }
0x3e: {  	_ =	shalt  }
0x3f: {  	_ =	shalt  }
0x40: {  	_ =	shalt  }
0x41: {  	_ =	shalt  }
0x42: {  	_ =	shalt  }
0x43: {  	_ =	shalt  }
0x44: {  	_ =	shalt  }
0x45: {  	_ =	shalt  }
0x46: {  	_ =	shalt  }
0x47: {  	_ =	shalt  }
0x48: {  	_ =	shalt  }
0x49: {  	_ =	shalt  }
0x4a: {  	_ =	shalt  }
0x4b: {  	_ =	shalt  }
0x4c: {  	_ =	shalt  }
0x4d: {  	_ =	shalt  }
0x4e: {  	_ =	shalt  }
0x4f: {  	_ =	shalt  }
0x50: {  	_ =	shalt  }
0x51: {  	_ =	shalt  }
0x52: {  	_ =	shalt  }
0x53: {  	_ =	shalt  }
0x54: {  	_ =	shalt  }
0x55: {  	_ =	shalt  }
0x56: {  	_ =	shalt  }
0x57: {  	_ =	shalt  }
0x58: {  	_ =	shalt  }
0x59: {  	_ =	shalt  }
0x5a: {  	_ =	shalt  }
0x5b: {  	_ =	shalt  }
0x5c: {  	_ =	shalt  }
0x5d: {  	_ =	shalt  }
0x5e: {  	_ =	shalt  }
0x5f: {  	_ =	shalt  }
0x60: {  	_ =	shalt  }
0x61: {  	_ =	shalt  }
0x62: {  	_ =	shalt  }
0x63: {  	_ =	shalt  }
0x64: {  	_ =	shalt  }
0x65: {  	_ =	shalt  }
0x66: {  	_ =	shalt  }
0x67: {  	_ =	shalt  }
0x68: {  	_ =	shalt  }
0x69: {  	_ =	shalt  }
0x6a: {  	_ =	shalt  }
0x6b: {  	_ =	shalt  }
0x6c: {  	_ =	shalt  }
0x6d: {  	_ =	shalt  }
0x6e: {  	_ =	shalt  }
0x6f: {  	_ =	shalt  }
0x70: {  	_ =	shalt  }
0x71: {  	_ =	shalt  }
0x72: {  	_ =	shalt  }
0x73: {  	_ =	shalt  }
0x74: {  	_ =	shalt  }
0x75: {  	_ =	shalt  }
0x76: {  	_ =	shalt  }
0x77: {  	_ =	shalt  }
0x78: {  	_ =	shalt  }
0x79: {  	_ =	shalt  }
0x7a: {  	_ =	shalt  }
0x7b: {  	_ =	shalt  }
0x7c: {  	_ =	shalt  }
0x7d: {  	_ =	shalt  }
0x7e: {  	_ =	shalt  }
0x7f: {  	_ =	shalt  }
0x80: {  	_ =	shalt  }
0x81: {  	_ =	shalt  }
0x82: {  	_ =	shalt  }
0x83: {  	_ =	shalt  }
0x84: {  	_ =	shalt  }
0x85: {  	_ =	shalt  }
0x86: {  	_ =	shalt  }
0x87: {  	_ =	shalt  }
.Lfunc_end0:
.L_simem_size_0:
called_computation_lowered:
.L_overlay_start_0:
0x88: {  	s0 =	sld [smem:$0x3FD9]  }
0x89: {  	s1 =	sld [smem:$0x3FFE];
	_ =	sdelay $0x3  }
0x8a: {  	s0 =	sadd.s32 s1, s0  }
0x8b: {  	[smem:$0x3FBC] =	sst s0  }
0x8c: {  	_ = 	snop  }
0x8d: {  	(tm) =	ssettm $0x1  }
0x8e: {  	s15 =	sld [smem:$0x3FFB];
	_ =	sdelay $0x3  }
0x8f: {  	_ =	strace s15  }
0x90: {  	s0 =	sld [smem:$0x3FFC];
	_ =	sdelay $0x3  }
0x91: {  	_ =	strace s0  }
0x92: {  	s0 =	sld [smem:$0x3FFD];
	_ =	sdelay $0x3  }
0x93: {  	_ =	strace s0  }
0x94: {  	_ =	strace $0x8FFFFFFF  }
0x95: {  	s16 =	sld [smem:$0x3FDB];
	_ =	sdelay $0x1  }
0x96: {  	s17 =	simm.s32 $_scs_section_size  }
0x97: {  	s2 =	simm.s32 $_size__tile_overlayer_lowered;
	s3 =	simm.s32 $_tile_overlayer_lowered  }
0x98: {  	s20 =	simm.s32 $0x1BFF;
	s19 =	sshll.u32 s3, $0x1;
	s0 =	sadd.s32 s17, s16  }
0x99: {  	s4 =	simm.s32 $0x0;
	s18 =	sshll.u32 s2, $0x1;
	s2 =	sadd.s32 s19, s0  }
0x9a: {  	[timem:s4], [sflag:s20] =	dma.local [hbm:s2], s18  }
0x9b: {  	_ =	swait.ge [sflag:s20], s18  }
0x9c: {  	s1 =	ssub.s32 $0x0, s18;
	[sflag:s20] =	ssyncset.done $0x0  }
0x9d: {  	[sflag:s20] =	ssyncadd.s32 s1;
	_ =	sdelay $0x1  }
0x9e: {  	s21 =	simm.s32 $0x1B8B  }
0x9f: {  	_ =	swait.ge [sflag:s21], $0x1  }
0xa0: {  	[sflag:s21] =	ssyncset.done $0x0  }
0xa1: {  	s23 =	simm.s32 $0x1B8E;
	s22 =	sld [smem:$0x3FFE];
	[sflag:s21] =	ssyncadd.s32 $0xFFFFFFFF  }
0xa2: {  	s24 =	simm.s32 $execute0_lowered;
	[smem:$0x3FD2] =	sst s23  }
0xa3: {  	s2 =	sshll.u32 s24, $0x1;
	_ =	strace $0x80000046;
	[dreg:$0x1] =	wrdreg $0xFFFFFFFF  }
0xa4: {  	s25 =	simm.s32 $_size_execute0_lowered;
	s0 =	sadd.s32 s0, s2;
	[dreg:$0x0] =	wrdreg $0x0  }
0xa5: {  	s2 =	sshll.u32 s25, $0x1;
	[dreg:$0x2] =	wrdreg s0  }
0xa6: {  	[dreg:$0x3] =	wrdreg s2  }
0xa7: {  	[dreg:$0x4] =	wrdreg $0xC0  }
0xa8: {  	_ =	task [dreg:s4], $0x5FFFF  }
0xa9: {  	[dreg:$0x1] =	wrdreg $0xFFFFFFFF  }
0xaa: {  	[dreg:$0x0] =	wrdreg $0x60  }
0xab: {  	[dreg:$0x2] =	wrdreg s22  }
0xac: {  	[dreg:$0x3] =	wrdreg $0xA  }
0xad: {  	_ =	task.clear_ibuf [dreg:s4], $0x4FFFF;
	_ =	strace $0x90000046  }
0xae: {  	s26 =	simm.s32 $0xA;
	_ =	strace $0x80000048  }
0xaf: {  	_ =	swait.ge [sflag:s26], $0x1  }
0xb0: {  	[sflag:s26] =	ssyncadd.s32 $0xFFFFFFFF  }
0xb1: {  	_ =	strace $0x90000048  }
0xb2: {  	_ =	sfence  }
0xb3: {  	s28 =	sld [smem:$0x0];
	_ =	sdelay $0x1  }
0xb4: {  	s29 =	srdreg.scid  }
0xb5: {  	s30 =	sshll.u32 s29, $0xD;
	s31 =	sshrl.u32 s29, $0x2  }
0xb6: {  	s1 =	sand.u32 $0x1, s29;
	s2 =	sand.u32 $0x4000, s30;
	s0 =	sadd.s32 s31, s28  }
0xb7: {  	s1 =	sor.u32 s2, s1;
	s0 =	sshll.u32 s0, $0x11  }
0xb8: {  	s0 =	sor.u32 s0, s1  }
0xb9: {  	s0 =	sadd.s32 $0x8F2B, s0  }
0xba: {  	[sflag:s0] =	ssyncadd.remote.s32 $0x1  }
0xbb: {  	_ =	sfence.sel $0xFFFF  }
0xbc: {  	[dreg:$0x0] =	wrdreg $0xFFFFFFFF;
	(pc) =	sbr.abs _section_cstart, $3  }
0xbd: {  	[dreg:$0x1] =	wrdreg $0xFFFFFFFF  }
0xbe: {  	_ =	task.clear_ibuf [dreg:s4], $0x2FFFF;
	_ =	strace $0x9FFFFFFF  }
0xbf: {  	(tm) =	ssettm $0x7FFFFFFF  }
tec
execute0_lowered:
.L_overlay_start_1:
0x0: {  	(tag) =	ssettag $0x1  }
0x1: {  	s0 =	stileid.u32  }
0x2: {  	s2 =	sshrl.u32 s0, $0x3  }
0x3: {  	s1 =	sshll.u32 s0, $0x7;
	s4 =	smul.u32 $0x27800, s2  }
0x4: {  	s3 =	sand.u32 $0x380, s1  }
0x5: {  	s8 =	rddreg [dreg:$0x0];
	s7 =	simm.s32 $0x0;
	s4 =	sor.u32 s3, s4  }
0x6: {  	s6 =	simm.s32 $0x80;
	s9 =	simm.s32 $0x400;
	s4 =	sshrl.u32 s4, $0x3  }
0x7: {  	s30 =	simm.s32 $0x1;
	[smem:$0x7FF] =	sst s7;
	s4 =	sadd.s32 s4, s8  }
0x8: {  	s1 =	rddreg [dreg:$0x1];
	_ =	strace $0x80000047;
	s5 =	sadd.s32 $0xE000, s4  }
0x9: {  	[tilespmem:s7], [sflag:$0x1] =	stream.strided.gather [hbm4b:s5+s6], $0x4F00, s9, s6, $0x38;
	[tilespmem:$0x13E80] =	vst v63  }
0xa: {  	_ =	swait.ge [sflag:s30], $0x4F00  }
0xb: {  	[sflag:s30] =	ssyncset.done $0x0  }
0xc: {  	s10 =	simm.s32 $0x4F00;
	s4 =	sadd.s32 $0x4200, s4;
	[sflag:s30] =	ssyncadd.s32 $0xFFFFB100  }
0xd: {  	[tilespmem:s10], [sflag:$0x1] =	stream.strided.gather [hbm4b:s4+s6], $0x4F00, s9, s6, $0x38;
	[tilespmem:$0x13E80] =	vst v63  }
0xe: {  	_ =	swait.ge [sflag:s30], $0x4F00  }
0xf: {  	[sflag:s30] =	ssyncset.done $0x0  }
0x10: {  	s31 =	simm.s32 $0x0;
	[sflag:s30] =	ssyncadd.s32 $0xFFFFB100  }
0x11: {  	v1 =	vld [tilespmem:s31+$0x4F00];
	_ =	sdelay $0x4  }
0x12: {  	v0 =	vimm.s32 $0x0;
	vm0 =	vlt.u32 v1, $0x1380  }
0x13: {  	v2 =	vsel vm0, $0x1, v0  }
0x14: {  	(xrf0) =	vadd.scan.msk.s32 $0xffff, v2;
	_ =	sdelay $0x2  }
0x15: {  	v2 =	vmov s7  }
0x16: {  	v2 =	vadd.s32 $0xFFFFFFFF, v2  }
0x17: {  	v2 =	vbroadcast v2, $0x0  }
0x18: {  	v3, _, _ =	vpop (xrf0)  }
0x19: {  	v2 =	vadd.s32 v2, v3;
	(v2sf) =	vpush v3, $0xF  }
0x1a: {  	v4 =	vld [tilespmem:s31+$0x0];
	_ =	sdelay $0x2  }
0x1b: {  	s9 =	simm.s32 $0xEE00  }
0x1c: {  	s11 =	simm.s32 $0x10;
	s5 =	sadd.s32 $0x2BE00, s8;
	s10 =	simm.s32 $0x9E00;
	[tilespmem:v2+s9+$0x0] =	vst.idx.msk vm0, v1  }
0x1d: {  	s6 =	sadd.s32 $0x17E00, s8;
	s4 =	sadd.s32 $0x3FE00, s8;
	s8 =	simm.s32 $0x80;
	[tilespmem:v2+s10+$0x0] =	vst.idx.msk vm0, v4  }
.LBB2_1:
0x1e: {  	p0 =	sne.s32 s8, $0x13BC0;
	v1 =	vld [tilespmem:s11+$0x4F00];
	_ =	sdelay $0x4  }
0x1f: {  	vm0 =	vlt.u32 v1, $0x1380  }
0x20: {  	v2 =	vsel vm0, $0x1, v0  }
0x21: {  	(xrf0) =	vadd.scan.msk.s32 $0xffff, v2  }
0x22: {  	s12 =	spop (v2sf)  }
0x23: {  	s7 =	sadd.s32 s7, s12  }
0x24: {  	v2 =	vmov s7  }
0x25: {  	v2 =	vadd.s32 $0xFFFFFFFF, v2  }
0x26: {  	v2 =	vbroadcast v2, $0x0  }
0x27: {  	v3, _, _ =	vpop (xrf0)  }
0x28: {  	v2 =	vadd.s32 v2, v3;
	(v2sf) =	vpush v3, $0xF  }
0x29: {  	v3 =	vld [tilespmem:s11+$0x0]  }
.Ltmp0:
0x2a: {  	(pc) =	sbr.rel @p0 .LBB2_1-.Ltmp0, $3  }
0x2b: {  	_ =	sdelay $0x1  }
0x2c: {  	[tilespmem:v2+s9+$0x0] =	vst.idx.msk vm0, v1  }
0x2d: {  	s11 =	sshra.s32 s8, $0x2;
	s8 =	sadd.s32 $0x40, s8;
	[tilespmem:v2+s10+$0x0] =	vst.idx.msk vm0, v3  }
0x2e: {  	v1 =	vld [tilespmem:s11+$0x4F00];
	_ =	sdelay $0x4  }
0x2f: {  	vm0 =	vlt.u32 v1, $0x1380  }
0x30: {  	v0 =	vsel vm0, $0x1, v0  }
0x31: {  	(xrf0) =	vadd.scan.msk.s32 $0xffff, v0;
	_ =	sdelay $0x5  }
0x32: {  	v0, _, _ =	vpop (xrf0)  }
0x33: {  	(v2sf) =	vpush v0, $0xF;
	_ =	sdelay $0xd  }
0x34: {  	s8 =	spop (v2sf)  }
0x35: {  	s7 =	sadd.s32 s7, s8;
	s30 =	spop (v2sf)  }
0x36: {  	s8 =	sadd.s32 s7, s30  }
0x37: {  	s12 =	sadd.s32 $0xFF, s8  }
0x38: {  	s13 =	sand.u32 $0xFF, s12  }
0x39: {  	s14 =	sshra.s32 s12, $0x1F;
	p0 =	slt.s32 s12, $0x1;
	p1 =	sne.s32 s13, $0x0  }
0x3a: {  	v2 =	vmov s7;
	s31 =	sshrl.u32 s14, $0x18;
	p0 =	por !p0, !p1  }
0x3b: {  	v2 =	vadd.s32 $0xFFFFFFFF, v2;
	s7 =	sadd.s32 s31, s12;
	s12 =	simm.s32 $0x1;
	p0 =	por !p0, !p0  }
0x3c: {  	v2 =	vbroadcast v2, $0x0;
	s7 =	sshrl.u32 s7, $0x8;
	s12 =	simm.s32 @!p0 $0x0  }
0x3d: {  	v3 =	vlaneseq.u32;
	s7 =	ssub.s32 s7, s12  }
0x3e: {  	v0 =	vadd.s32 v2, v0;
	v2 =	vadd.s32 s8, v3;
	s7 =	sshll.u32 s7, $0x8  }
0x3f: {  	v4 =	vld [tilespmem:s11+$0x0];
	s12 =	sadd.s32 $0x10, s8;
	vm1 =	vlt.s32 v2, s7  }
0x40: {  	v5 =	vadd.s32 s12, v3  }
0x41: {  	s13 =	sadd.s32 $0x20, s8;
	vm2 =	vlt.s32 v5, s7  }
0x42: {  	v6 =	vadd.s32 s13, v3  }
0x43: {  	[tilespmem:v0+s9+$0x0] =	vst.idx.msk vm0, v1;
	s14 =	sadd.s32 $0x30, s8;
	vm3 =	vlt.s32 v6, s7  }
0x44: {  	v1 =	vimm.s32 $0x1390;
	s9 =	simm.s32 $0xEE00;
	[tilespmem:v0+s10+$0x0] =	vst.idx.msk vm0, v4;
	v54 =	vadd.s32 s14, v3  }
0x45: {  	v0 =	vimm.s32 $0x0;
	s10 =	simm.s32 $0x9E00;
	s15 =	sadd.s32 $0x40, s8;
	vm12 =	vlt.s32 v54, s7;
	[tilespmem:v2+s9+$0x0] =	vst.idx.msk vm1, v1  }
0x46: {  	[tilespmem:v2+s10+$0x0] =	vst.idx.msk vm1, v0;
	v2 =	vadd.s32 s15, v3  }
0x47: {  	s16 =	sadd.s32 $0x50, s8;
	[tilespmem:v5+s9+$0x0] =	vst.idx.msk vm2, v1;
	vm13 =	vlt.s32 v2, s7  }
0x48: {  	v55 =	vadd.s32 s16, v3;
	[tilespmem:v5+s10+$0x0] =	vst.idx.msk vm2, v0  }
0x49: {  	s17 =	sadd.s32 $0x60, s8;
	vm14 =	vlt.s32 v55, s7;
	[tilespmem:v6+s9+$0x0] =	vst.idx.msk vm3, v1  }
0x4a: {  	v56 =	vadd.s32 s17, v3;
	[tilespmem:v6+s10+$0x0] =	vst.idx.msk vm3, v0  }
0x4b: {  	s18 =	sadd.s32 $0x70, s8;
	vm15 =	vlt.s32 v56, s7;
	[tilespmem:v54+s9+$0x0] =	vst.idx.msk vm12, v1  }
0x4c: {  	v57 =	vadd.s32 s18, v3;
	[tilespmem:v54+s10+$0x0] =	vst.idx.msk vm12, v0  }
0x4d: {  	s19 =	sadd.s32 $0x80, s8;
	vm6 =	vlt.s32 v57, s7;
	[tilespmem:v2+s9+$0x0] =	vst.idx.msk vm13, v1  }
0x4e: {  	[tilespmem:v2+s10+$0x0] =	vst.idx.msk vm13, v0;
	v2 =	vadd.s32 s19, v3  }
0x4f: {  	s20 =	sadd.s32 $0x90, s8;
	[tilespmem:v55+s9+$0x0] =	vst.idx.msk vm14, v1;
	vm7 =	vlt.s32 v2, s7  }
0x50: {  	v58 =	vadd.s32 s20, v3;
	[tilespmem:v55+s10+$0x0] =	vst.idx.msk vm14, v0  }
0x51: {  	s21 =	sadd.s32 $0xA0, s8;
	vm8 =	vlt.s32 v58, s7;
	[tilespmem:v56+s9+$0x0] =	vst.idx.msk vm15, v1  }
0x52: {  	v59 =	vadd.s32 s21, v3;
	[tilespmem:v56+s10+$0x0] =	vst.idx.msk vm15, v0  }
0x53: {  	s22 =	sadd.s32 $0xB0, s8;
	vm9 =	vlt.s32 v59, s7;
	[tilespmem:v57+s9+$0x0] =	vst.idx.msk vm6, v1  }
0x54: {  	v60 =	vadd.s32 s22, v3;
	[tilespmem:v57+s10+$0x0] =	vst.idx.msk vm6, v0  }
0x55: {  	s23 =	sadd.s32 $0xC0, s8;
	vm10 =	vlt.s32 v60, s7;
	[tilespmem:v2+s9+$0x0] =	vst.idx.msk vm7, v1  }
0x56: {  	[tilespmem:v2+s10+$0x0] =	vst.idx.msk vm7, v0;
	v2 =	vadd.s32 s23, v3  }
0x57: {  	s24 =	sadd.s32 $0xD0, s8;
	[tilespmem:v58+s9+$0x0] =	vst.idx.msk vm8, v1;
	vm11 =	vlt.s32 v2, s7  }
0x58: {  	v61 =	vadd.s32 s24, v3;
	[tilespmem:v58+s10+$0x0] =	vst.idx.msk vm8, v0  }
0x59: {  	s25 =	sadd.s32 $0xE0, s8;
	vm12 =	vlt.s32 v61, s7;
	[tilespmem:v59+s9+$0x0] =	vst.idx.msk vm9, v1  }
0x5a: {  	v62 =	vadd.s32 s25, v3;
	[tilespmem:v59+s10+$0x0] =	vst.idx.msk vm9, v0  }
0x5b: {  	s8 =	sadd.s32 $0xF0, s8;
	vm13 =	vlt.s32 v62, s7;
	[tilespmem:v60+s9+$0x0] =	vst.idx.msk vm10, v1  }
0x5c: {  	v3 =	vadd.s32 s8, v3;
	[tilespmem:v60+s10+$0x0] =	vst.idx.msk vm10, v0  }
0x5d: {  	vm14 =	vlt.s32 v3, s7;
	[tilespmem:v2+s9+$0x0] =	vst.idx.msk vm11, v1  }
0x5e: {  	[tilespmem:v2+s10+$0x0] =	vst.idx.msk vm11, v0  }
0x5f: {  	[tilespmem:v61+s9+$0x0] =	vst.idx.msk vm12, v1  }
0x60: {  	[tilespmem:v61+s10+$0x0] =	vst.idx.msk vm12, v0  }
0x61: {  	s26 =	smul.u32 $0xA000, s0;
	[tilespmem:v62+s9+$0x0] =	vst.idx.msk vm13, v1  }
0x62: {  	[tilespmem:v62+s10+$0x0] =	vst.idx.msk vm13, v0  }
0x63: {  	s8 =	sshrl.u32 s26, $0x3;
	[tilespmem:v3+s9+$0x0] =	vst.idx.msk vm14, v1  }
0x64: {  	s29 =	simm.s32 $0x1;
	s11 =	simm.s32 $0x0;
	s28 =	sadd.s32 s6, s8;
	[tilespmem:v3+s10+$0x0] =	vst.idx.msk vm14, v0  }
0x65: {  	[hbm4b:s28+s11] =	stream.linear.scatter [tilespmem:s10], [sflag:$0x1], $0x4F00, $0x38;
	[tilespmem:$0x13E80] =	vst v63  }
0x66: {  	_ =	swait.ge [sflag:s29], $0x4F00  }
0x67: {  	[sflag:s29] =	ssyncset.done $0x0  }
0x68: {  	s30 =	sadd.s32 s5, s8;
	[sflag:s29] =	ssyncadd.s32 $0xFFFFB100  }
0x69: {  	[hbm4b:s30+s11] =	stream.linear.scatter [tilespmem:s9], [sflag:$0x1], $0x4F00, $0x38;
	[tilespmem:$0x13E80] =	vst v63  }
0x6a: {  	_ =	swait.ge [sflag:s29], $0x4F00  }
0x6b: {  	[sflag:s29] =	ssyncset.done $0x0  }
0x6c: {  	s31 =	simm.s32 $0x0;
	[sflag:s29] =	ssyncadd.s32 $0xFFFFB100  }
0x6d: {  	v1 =	vld [tilespmem:s31+$0x4F00];
	_ =	sdelay $0x4  }
0x6e: {  	v1 =	vadd.s32 $0xFFFFEC80, v1  }
0x6f: {  	vm15 =	vlt.u32 v1, $0x1390  }
0x70: {  	v2 =	vsel vm15, $0x1, v0  }
0x71: {  	(xrf0) =	vadd.scan.msk.s32 $0xffff, v2;
	_ =	sdelay $0x2  }
0x72: {  	v2 =	vmov s11  }
0x73: {  	v2 =	vadd.s32 $0xFFFFFFFF, v2  }
0x74: {  	v2 =	vbroadcast v2, $0x0  }
0x75: {  	v3, _, _ =	vpop (xrf0)  }
0x76: {  	v2 =	vadd.s32 v2, v3;
	(v2sf) =	vpush v3, $0xF  }
0x77: {  	v63 =	vld [tilespmem:s31+$0x0];
	_ =	sdelay $0x3  }
0x78: {  	[tilespmem:v2+s9+$0x0] =	vst.idx.msk vm15, v1  }
0x79: {  	s13 =	simm.s32 $0x10;
	s12 =	simm.s32 $0x80;
	[tilespmem:v2+s10+$0x0] =	vst.idx.msk vm15, v63  }
.LBB2_3:
0x7a: {  	p0 =	sne.s32 s12, $0x13BC0;
	v1 =	vld [tilespmem:s13+$0x4F00];
	_ =	sdelay $0x4  }
0x7b: {  	v1 =	vadd.s32 $0xFFFFEC80, v1  }
0x7c: {  	vm0 =	vlt.u32 v1, $0x1390  }
0x7d: {  	v2 =	vsel vm0, $0x1, v0  }
0x7e: {  	(xrf0) =	vadd.scan.msk.s32 $0xffff, v2;
	s14 =	spop (v2sf)  }
0x7f: {  	s11 =	sadd.s32 s11, s14  }
0x80: {  	v2 =	vmov s11  }
0x81: {  	v2 =	vadd.s32 $0xFFFFFFFF, v2  }
0x82: {  	v2 =	vbroadcast v2, $0x0;
	_ =	sdelay $0x1  }
0x83: {  	v3, _, _ =	vpop (xrf0)  }
0x84: {  	v2 =	vadd.s32 v2, v3;
	(v2sf) =	vpush v3, $0xF  }
0x85: {  	v3 =	vld [tilespmem:s13+$0x0]  }
.Ltmp1:
0x86: {  	(pc) =	sbr.rel @p0 .LBB2_3-.Ltmp1, $3  }
0x87: {  	_ =	sdelay $0x1  }
0x88: {  	[tilespmem:v2+s9+$0x0] =	vst.idx.msk vm0, v1  }
0x89: {  	s13 =	sshra.s32 s12, $0x2;
	s12 =	sadd.s32 $0x40, s12;
	[tilespmem:v2+s10+$0x0] =	vst.idx.msk vm0, v3  }
0x8a: {  	v1 =	vld [tilespmem:s13+$0x4F00];
	_ =	sdelay $0x4  }
0x8b: {  	v1 =	vadd.s32 $0xFFFFEC80, v1  }
0x8c: {  	vm0 =	vlt.u32 v1, $0x1390  }
0x8d: {  	v0 =	vsel vm0, $0x1, v0  }
0x8e: {  	(xrf0) =	vadd.scan.msk.s32 $0xffff, v0;
	_ =	sdelay $0x5  }
0x8f: {  	v0, _, _ =	vpop (xrf0)  }
0x90: {  	(v2sf) =	vpush v0, $0xF;
	_ =	sdelay $0xd  }
0x91: {  	s12 =	spop (v2sf)  }
0x92: {  	s11 =	sadd.s32 s11, s12;
	s26 =	spop (v2sf)  }
0x93: {  	s12 =	sadd.s32 s11, s26  }
0x94: {  	s14 =	sadd.s32 $0xFF, s12  }
0x95: {  	s15 =	sand.u32 $0xFF, s14  }
0x96: {  	s28 =	sshra.s32 s14, $0x1F;
	p1 =	slt.s32 s14, $0x1;
	p0 =	sne.s32 s15, $0x0  }
0x97: {  	v2 =	vmov s11;
	s29 =	sshrl.u32 s28, $0x18;
	p0 =	por !p1, !p0  }
0x98: {  	v2 =	vadd.s32 $0xFFFFFFFF, v2;
	s11 =	sadd.s32 s29, s14;
	s14 =	simm.s32 $0x1;
	p0 =	por !p0, !p0  }
0x99: {  	v2 =	vbroadcast v2, $0x0;
	s11 =	sshrl.u32 s11, $0x8;
	s14 =	simm.s32 @!p0 $0x0  }
0x9a: {  	v3 =	vlaneseq.u32;
	s11 =	ssub.s32 s11, s14  }
0x9b: {  	v0 =	vadd.s32 v2, v0;
	v47 =	vadd.s32 s12, v3;
	s11 =	sshll.u32 s11, $0x8  }
0x9c: {  	v4 =	vld [tilespmem:s13+$0x0];
	s30 =	sadd.s32 $0x10, s12;
	vm1 =	vlt.s32 v47, s11  }
0x9d: {  	v5 =	vadd.s32 s30, v3  }
0x9e: {  	s31 =	sadd.s32 $0x20, s12;
	vm2 =	vlt.s32 v5, s11  }
0x9f: {  	v6 =	vadd.s32 s31, v3  }
0xa0: {  	[tilespmem:v0+s9+$0x0] =	vst.idx.msk vm0, v1;
	s14 =	sadd.s32 $0x30, s12;
	vm3 =	vlt.s32 v6, s11  }
0xa1: {  	v48 =	vimm.s32 $0x1390;
	[tilespmem:v0+s10+$0x0] =	vst.idx.msk vm0, v4;
	s15 =	simm.s32 $0xEE00;
	v49 =	vadd.s32 s14, v3  }
0xa2: {  	v50 =	vimm.s32 $0x0;
	s16 =	simm.s32 $0x9E00;
	s17 =	sadd.s32 $0x40, s12;
	vm11 =	vlt.s32 v49, s11;
	[tilespmem:v47+s15+$0x0] =	vst.idx.msk vm1, v48  }
0xa3: {  	v51 =	vadd.s32 s17, v3;
	[tilespmem:v47+s16+$0x0] =	vst.idx.msk vm1, v50  }
0xa4: {  	s18 =	sadd.s32 $0x50, s12;
	vm12 =	vlt.s32 v51, s11;
	[tilespmem:v5+s15+$0x0] =	vst.idx.msk vm2, v48  }
0xa5: {  	v52 =	vadd.s32 s18, v3;
	[tilespmem:v5+s16+$0x0] =	vst.idx.msk vm2, v50  }
0xa6: {  	s19 =	sadd.s32 $0x60, s12;
	vm13 =	vlt.s32 v52, s11;
	[tilespmem:v6+s15+$0x0] =	vst.idx.msk vm3, v48  }
0xa7: {  	v53 =	vadd.s32 s19, v3;
	[tilespmem:v6+s16+$0x0] =	vst.idx.msk vm3, v50  }
0xa8: {  	s20 =	sadd.s32 $0x70, s12;
	vm14 =	vlt.s32 v53, s11;
	[tilespmem:v49+s15+$0x0] =	vst.idx.msk vm11, v48  }
0xa9: {  	v54 =	vadd.s32 s20, v3;
	[tilespmem:v49+s16+$0x0] =	vst.idx.msk vm11, v50  }
0xaa: {  	s21 =	sadd.s32 $0x80, s12;
	vm15 =	vlt.s32 v54, s11;
	[tilespmem:v51+s15+$0x0] =	vst.idx.msk vm12, v48  }
0xab: {  	v55 =	vadd.s32 s21, v3;
	[tilespmem:v51+s16+$0x0] =	vst.idx.msk vm12, v50  }
0xac: {  	s22 =	sadd.s32 $0x90, s12;
	vm6 =	vlt.s32 v55, s11;
	[tilespmem:v52+s15+$0x0] =	vst.idx.msk vm13, v48  }
0xad: {  	v56 =	vadd.s32 s22, v3;
	[tilespmem:v52+s16+$0x0] =	vst.idx.msk vm13, v50  }
0xae: {  	s23 =	sadd.s32 $0xA0, s12;
	vm7 =	vlt.s32 v56, s11;
	[tilespmem:v53+s15+$0x0] =	vst.idx.msk vm14, v48  }
0xaf: {  	v57 =	vadd.s32 s23, v3;
	[tilespmem:v53+s16+$0x0] =	vst.idx.msk vm14, v50  }
0xb0: {  	s24 =	sadd.s32 $0xB0, s12;
	vm8 =	vlt.s32 v57, s11;
	[tilespmem:v54+s15+$0x0] =	vst.idx.msk vm15, v48  }
0xb1: {  	v58 =	vadd.s32 s24, v3;
	[tilespmem:v54+s16+$0x0] =	vst.idx.msk vm15, v50  }
0xb2: {  	s25 =	sadd.s32 $0xC0, s12;
	vm9 =	vlt.s32 v58, s11;
	[tilespmem:v55+s15+$0x0] =	vst.idx.msk vm6, v48  }
0xb3: {  	v59 =	vadd.s32 s25, v3;
	[tilespmem:v55+s16+$0x0] =	vst.idx.msk vm6, v50  }
0xb4: {  	s26 =	sadd.s32 $0xD0, s12;
	vm10 =	vlt.s32 v59, s11;
	[tilespmem:v56+s15+$0x0] =	vst.idx.msk vm7, v48  }
0xb5: {  	v60 =	vadd.s32 s26, v3;
	[tilespmem:v56+s16+$0x0] =	vst.idx.msk vm7, v50  }
0xb6: {  	s28 =	sadd.s32 $0xE0, s12;
	vm11 =	vlt.s32 v60, s11;
	[tilespmem:v57+s15+$0x0] =	vst.idx.msk vm8, v48  }
0xb7: {  	v61 =	vadd.s32 s28, v3;
	[tilespmem:v57+s16+$0x0] =	vst.idx.msk vm8, v50  }
0xb8: {  	s12 =	sadd.s32 $0xF0, s12;
	vm12 =	vlt.s32 v61, s11;
	[tilespmem:v58+s15+$0x0] =	vst.idx.msk vm9, v48  }
0xb9: {  	v62 =	vadd.s32 s12, v3;
	[tilespmem:v58+s16+$0x0] =	vst.idx.msk vm9, v50  }
0xba: {  	vm13 =	vlt.s32 v62, s11;
	[tilespmem:v59+s15+$0x0] =	vst.idx.msk vm10, v48  }
0xbb: {  	[tilespmem:v59+s16+$0x0] =	vst.idx.msk vm10, v50  }
0xbc: {  	[tilespmem:v60+s15+$0x0] =	vst.idx.msk vm11, v48  }
0xbd: {  	[tilespmem:v60+s16+$0x0] =	vst.idx.msk vm11, v50  }
0xbe: {  	[tilespmem:v61+s15+$0x0] =	vst.idx.msk vm12, v48  }
0xbf: {  	[tilespmem:v61+s16+$0x0] =	vst.idx.msk vm12, v50  }
0xc0: {  	s8 =	sadd.s32 $0xA00, s8;
	[tilespmem:v62+s15+$0x0] =	vst.idx.msk vm13, v48  }
0xc1: {  	s6 =	sadd.s32 s6, s8;
	s30 =	simm.s32 $0x0;
	s29 =	simm.s32 $0x1;
	[tilespmem:v62+s16+$0x0] =	vst.idx.msk vm13, v50  }
0xc2: {  	[hbm4b:s6+s30] =	stream.linear.scatter [tilespmem:s16], [sflag:$0x1], $0x4F00, $0x38;
	[tilespmem:$0x13E80] =	vst v63  }
0xc3: {  	_ =	swait.ge [sflag:s29], $0x4F00  }
0xc4: {  	[sflag:s29] =	ssyncset.done $0x0  }
0xc5: {  	s5 =	sadd.s32 s5, s8;
	[sflag:s29] =	ssyncadd.s32 $0xFFFFB100  }
0xc6: {  	[hbm4b:s5+s30] =	stream.linear.scatter [tilespmem:s15], [sflag:$0x1], $0x4F00, $0x38;
	[tilespmem:$0x13E80] =	vst v63  }
0xc7: {  	s2 =	sshll.u32 s2, $0xA;
	v63 =	vmov s7;
	vm14 =	vcmask $0x300;
	_ =	swait.ge [sflag:s29], $0x4F00  }
0xc8: {  	s2 =	sor.u32 s3, s2;
	v0 =	vnsel vm14, $0x0, v63;
	vm15 =	vcmask $0x704;
	[sflag:s29] =	ssyncset.done $0x0  }
0xc9: {  	s2 =	sshrl.u32 s2, $0x3;
	v0 =	vsel vm15, s11, v0;
	[sflag:s29] =	ssyncadd.s32 $0xFFFFB100  }
0xca: {  	s2 =	sadd.s32 s4, s2;
	s31 =	simm.s32 $0x13E00;
	[tilespmem:$0x13E00] =	vst v0  }
0xcb: {  	[hbm4b:s2+s30] =	stream.linear.scatter [tilespmem:s31], [sflag:$0x1], $0x80, $0x38;
	[tilespmem:$0x13E80] =	vst v63  }
0xcc: {  	_ =	swait.ge [sflag:s29], $0x80  }
0xcd: {  	[sflag:s29] =	ssyncset.done $0x0  }
0xce: {  	[sflag:s29] =	ssyncadd.s32 $0xFFFFFF80  }
0xcf: {  	_ =	sfence.sel $0x180000  }
0xd0: {  	[bflag:$0x0] =	sbarrier.arrive $0xFFFF  }
0xd1: {  	p0 =	sne.s32 s0, $0x0;
	_ =	strace $0x90000047  }
0xd2: {  	s0 =	sadd.s32 @!p0 $0x100000, s1;
	[bflag:$0x2] =	sbarrier.arrive $0xFFFF  }
0xd3: {  	[sflag:s0] =	ssyncadd.tile.s32 @!p0 $0x1;
	_ =	shalt  }
.Lfunc_end2:
_tile_overlayer_lowered:
.L_overlay_start_2:
0xd4: {  	(tag) =	ssettag $0x2  }
0xd5: {  	s0 =	rddreg [dreg:$0x0];
	s2 =	stileid.u32  }
0xd6: {  	s1 =	rddreg [dreg:$0x1];
	p0 =	sne.s32 s2, $0x0  }
0xd7: {  	s3 =	rddreg [dreg:$0x2];
	[bflag:$0x3] =	sbarrier.arrive $0xFFFF;
	s2 =	simm.s32 @!p0 $0x1C01  }
0xd8: {  	[timem:s3], [sflag:s2] =	dma.local @!p0 [hbm:s0], s1  }
0xd9: {  	s0 =	simm.s32 @!p0 $0x1  }
0xda: {  	_ =	swait.ge @!p0 [sflag:s0], s1  }
0xdb: {  	s1 =	ssub.s32 @!p0 $0x0, s1;
	[sflag:s0] =	ssyncset.done @!p0 $0x0  }
0xdc: {  	[sflag:s0] =	ssyncadd.s32 @!p0 s1  }
0xdd: {  	[bflag:$0x3] =	sbarrier.arrive $0xFFFF  }
0xde: {  	_ =	shalt  }

</sc_bundles>
